<compile_context>
chip_gen: v7x
topology: tpu7x:2x2x1
jax: 0.10.2.dev20260603
libtpu: 0.0.44.dev20260713+nightly
codegen_flags: <defaults>
</compile_context>

<pallas_src>
import jax
import jax.numpy as jnp
from jax import lax
from jax.experimental import pallas as pl
from jax.experimental.pallas import tpu as pltpu
from jax.experimental.pallas import tpu_sc as plsc

T = 2048
K_TOP = 2
E = 8
INTER = 4096
HID = 1024
R = T * K_TOP

BLK = 256
NB = R // BLK
G = NB + E
KBLK = 4096
NK = INTER // KBLK
PCH = 512
NPC = R // PCH

NW = 32
RPW = R // NW
TPW = T // NW
GCH = 16



def _plan_body(logits_ref, perm_ref, idx0_ref, idx1_ref, wts_ref, tbl_ref):
    logits = logits_ref[...]
    col = lax.broadcasted_iota(jnp.int32, (T, 128), 1)
    m = jnp.max(logits, axis=-1, keepdims=True)
    ex = jnp.exp(logits - m)
    probs = ex / jnp.sum(ex, axis=-1, keepdims=True)

    m1 = jnp.max(probs, axis=-1, keepdims=True)
    i1 = jnp.min(jnp.where(probs == m1, col, 128), axis=-1, keepdims=True)
    probs2 = jnp.where(col == i1, -1.0, probs)
    m2 = jnp.max(probs2, axis=-1, keepdims=True)
    i2 = jnp.min(jnp.where(probs2 == m2, col, 128), axis=-1, keepdims=True)

    oh1 = (col == i1).astype(jnp.float32)
    oh2 = (col == i2).astype(jnp.float32)
    oh = oh1 + oh2

    nt = T // 128
    ohr = oh.reshape(nt, 128, 128)
    r1 = lax.broadcasted_iota(jnp.int32, (128, 128), 0)
    c1 = lax.broadcasted_iota(jnp.int32, (128, 128), 1)
    ltri1 = jnp.broadcast_to((r1 >= c1).astype(jnp.float32), (nt, 128, 128))
    ci = lax.dot_general(ltri1, ohr, (((2,), (1,)), ((0,), (0,))),
                         preferred_element_type=jnp.float32)
    tile_sum = jnp.sum(ohr, axis=1)
    r2 = lax.broadcasted_iota(jnp.int32, (nt, nt), 0)
    c2 = lax.broadcasted_iota(jnp.int32, (nt, nt), 1)
    sltri2 = (r2 > c2).astype(jnp.float32)
    tile_pre = lax.dot(sltri2, tile_sum,
                       preferred_element_type=jnp.float32)
    c_incl = (ci + tile_pre[:, None, :]).reshape(T, 128)
    c_excl = c_incl - oh

    counts = jnp.sum(oh, axis=0, keepdims=True)

    lr = lax.broadcasted_iota(jnp.int32, (128, 128), 0)
    lc = lax.broadcasted_iota(jnp.int32, (128, 128), 1)
    sl = (lr < lc).astype(jnp.float32)
    offs_e = lax.dot(counts, sl, precision=lax.Precision.HIGHEST,
                     preferred_element_type=jnp.float32)

    lane = lax.broadcasted_iota(jnp.int32, (1, 128), 1)
    lanef = lane.astype(jnp.float32)
    blk_f = jnp.float32(BLK)
    lo_f = offs_e
    hi_f = offs_e + counts
    blo = jnp.floor(lo_f / blk_f)
    bhi = jnp.floor((hi_f - 1.0) / blk_f)
    slots = jnp.where(counts > 0.0, bhi - blo + 1.0, 0.0)
    sstart = lax.dot(slots, sl, precision=lax.Precision.HIGHEST,
                     preferred_element_type=jnp.float32)
    total = jnp.sum(slots)
    eid = jnp.zeros((1, 128), jnp.float32)
    bid = jnp.zeros((1, 128), jnp.float32)
    for e in range(E):
        se = jnp.sum(jnp.where(lane == e, sstart, 0.0))
        sle = jnp.sum(jnp.where(lane == e, slots, 0.0))
        ble = jnp.sum(jnp.where(lane == e, blo, 0.0))
        ise = jnp.logical_and(lanef >= se, lanef < se + sle)
        eid = eid + jnp.where(ise, jnp.float32(e), 0.0)
        bid = bid + jnp.where(ise, ble + lanef - se, 0.0)
    laste = jnp.max(jnp.where(counts > 0.0, lanef, -1.0))
    lastb = jnp.max(jnp.where(counts > 0.0, bhi, -1.0))
    pad = lanef >= total
    eid = jnp.where(pad, laste, eid)
    bid = jnp.where(pad, lastb, bid)
    act = jnp.where(pad, 0.0, 1.0)
    tbl_ref[...] = jnp.concatenate(
        [eid, bid, act, offs_e], axis=0).astype(jnp.int32)

    full1 = offs_e + c_excl
    pos1 = jnp.sum(jnp.where(oh1 > 0.0, full1, 0.0), axis=-1, keepdims=True)
    pos2 = jnp.sum(jnp.where(oh2 > 0.0, full1 + oh1, 0.0), axis=-1,
                   keepdims=True)

    idx0_ref[...] = pos1.astype(jnp.int32)
    idx1_ref[...] = pos2.astype(jnp.int32)

    w1 = m1
    w2 = m2
    t2 = 2.0 * lax.broadcasted_iota(jnp.int32, (T, PCH), 0).astype(jnp.float32)
    for c in range(NPC):
        pvals = jnp.float32(c * PCH) + lax.broadcasted_iota(
            jnp.int32, (T, PCH), 1).astype(jnp.float32)
        eq0 = (pos1 == pvals).astype(jnp.float32)
        eq1 = (pos2 == pvals).astype(jnp.float32)
        perm_c = jnp.sum(eq0 * t2 + eq1 * (t2 + 1.0), axis=0)
        wts_c = jnp.sum(eq0 * w1 + eq1 * w2, axis=0)
        perm_ref[c, :] = perm_c.astype(jnp.int32)
        wts_ref[c, :] = wts_c


def _plan_call(router_logits):
    logits_pad = jnp.pad(router_logits, ((0, 0), (0, 128 - E)),
                         constant_values=-1e30)
    out_shapes = (
        jax.ShapeDtypeStruct((NPC, PCH), jnp.int32),
        jax.ShapeDtypeStruct((T, 1), jnp.int32),
        jax.ShapeDtypeStruct((T, 1), jnp.int32),
        jax.ShapeDtypeStruct((NPC, PCH), jnp.float32),
        jax.ShapeDtypeStruct((4, 128), jnp.int32),
    )
    return pl.pallas_call(
        _plan_body,
        out_shape=out_shapes,
        compiler_params=pltpu.CompilerParams(
            vmem_limit_bytes=120 * 1024 * 1024),
    )(logits_pad)



GCHP = 8


def _permute_body(x_hbm, perm_hbm, xs_hbm, idx_all, idx_ca, idx_cb,
                  bufa, bufb, sga, sgb, swa, swb):
    wid = lax.axis_index("s") * 2 + lax.axis_index("c")
    base = wid * RPW
    nch = RPW // GCHP
    pltpu.sync_copy(perm_hbm.at[pl.ds(base, RPW)], idx_all)

    idxs = (idx_ca, idx_cb)
    bufs = (bufa, bufb)
    gs = (sga, sgb)
    ws = (swa, swb)

    def _issue(j):
        s = j % 2
        idxs[s][...] = idx_all[pl.ds(j * GCHP, GCHP)]
        return pltpu.async_copy(x_hbm.at[idxs[s]], bufs[s], gs[s])

    pend = {0: _issue(0)}
    wr = [None, None]
    for j in range(nch):
        s = j % 2
        if j + 1 < nch:
            if wr[(j + 1) % 2] is not None:
                wr[(j + 1) % 2].wait()
            pend[j + 1] = _issue(j + 1)
        pend[j].wait()
        wr[s] = pltpu.async_copy(
            bufs[s], xs_hbm.at[pl.ds(base + j * GCHP, GCHP)], ws[s])
    for w in wr:
        if w is not None:
            w.wait()


def _permute_call(x, perm):
    return pl.kernel(
        _permute_body,
        out_type=jax.ShapeDtypeStruct((R, INTER), jnp.float32),
        mesh=plsc.VectorSubcoreMesh(core_axis_name="c", subcore_axis_name="s"),
        scratch_types=[
            pltpu.VMEM((RPW,), jnp.int32),
            pltpu.VMEM((GCHP,), jnp.int32),
            pltpu.VMEM((GCHP,), jnp.int32),
            pltpu.VMEM((GCHP, INTER), jnp.float32),
            pltpu.VMEM((GCHP, INTER), jnp.float32),
            pltpu.SemaphoreType.DMA,
            pltpu.SemaphoreType.DMA,
            pltpu.SemaphoreType.DMA,
            pltpu.SemaphoreType.DMA,
        ],
    )(x, perm)



def _gemm_body(tbl_ref, xs_ref, w_ref, wts_ref, out_ref):
    k = pl.program_id(0)
    g = pl.program_id(1)

    @pl.when(jnp.logical_and(k == 0, g == 0))
    def _init():
        out_ref[...] = jnp.zeros_like(out_ref)

    e = tbl_ref[0, g]
    b = tbl_ref[1, g]
    active = tbl_ref[2, g] > 0

    @pl.when(active)
    def _compute():
        lo = tbl_ref[3, e]
        hi = tbl_ref[3, e + 1]
        part = lax.dot_general(
            xs_ref[...], w_ref[0],
            (((1,), (0,)), ((), ())),
            preferred_element_type=jnp.float32,
        )
        rows = b * BLK + lax.broadcasted_iota(jnp.int32, (BLK, 1), 0)
        scale = jnp.where(
            jnp.logical_and(rows >= lo, rows < hi), wts_ref[...], 0.0)
        out_ref[pl.ds(b * BLK, BLK), :] += part * scale


def _gemm_call(tbl, xs, w, wts):
    grid_spec = pltpu.PrefetchScalarGridSpec(
        num_scalar_prefetch=1,
        grid=(NK, G),
        in_specs=[
            pl.BlockSpec((BLK, KBLK), lambda k, g, tbl: (tbl[1, g], k)),
            pl.BlockSpec((1, KBLK, HID), lambda k, g, tbl: (tbl[0, g], k, 0)),
            pl.BlockSpec((BLK, 1), lambda k, g, tbl: (tbl[1, g], 0)),
        ],
        out_specs=pl.BlockSpec((R, HID), lambda k, g, tbl: (0, 0)),
    )
    return pl.pallas_call(
        _gemm_body,
        grid_spec=grid_spec,
        out_shape=jax.ShapeDtypeStruct((R, HID), jnp.float32),
        compiler_params=pltpu.CompilerParams(
            dimension_semantics=("arbitrary", "arbitrary"),
            vmem_limit_bytes=100 * 1024 * 1024,
        ),
    )(tbl, xs, w, wts)



def _combine_body(y_hbm, idx0_hbm, idx1_hbm, out_hbm,
                  i0a, i1a, i0ca, i0cb, i1ca, i1cb,
                  b0a, b0b, b1a, b1b,
                  sg0a, sg0b, sg1a, sg1b, swa, swb):
    wid = lax.axis_index("s") * 2 + lax.axis_index("c")
    tb = wid * TPW
    nch = TPW // GCH
    pltpu.sync_copy(idx0_hbm.at[pl.ds(tb, TPW)], i0a)
    pltpu.sync_copy(idx1_hbm.at[pl.ds(tb, TPW)], i1a)

    idxs0 = (i0ca, i0cb)
    idxs1 = (i1ca, i1cb)
    bufs0 = (b0a, b0b)
    bufs1 = (b1a, b1b)
    gs0 = (sg0a, sg0b)
    gs1 = (sg1a, sg1b)
    ws = (swa, swb)

    def _issue(c):
        s = c % 2
        idxs0[s][...] = i0a[pl.ds(c * GCH, GCH)]
        idxs1[s][...] = i1a[pl.ds(c * GCH, GCH)]
        cp0 = pltpu.async_copy(y_hbm.at[idxs0[s]], bufs0[s], gs0[s])
        cp1 = pltpu.async_copy(y_hbm.at[idxs1[s]], bufs1[s], gs1[s])
        return cp0, cp1

    pend = {0: _issue(0)}
    wr = [None, None]
    for c in range(nch):
        s = c % 2
        if c + 1 < nch:
            if wr[(c + 1) % 2] is not None:
                wr[(c + 1) % 2].wait()
            pend[c + 1] = _issue(c + 1)
        cp0, cp1 = pend[c]
        cp0.wait()
        cp1.wait()

        @pl.loop(0, GCH)
        def _row(i):
            @pl.loop(0, HID // 16, unroll=8)
            def _vec(j):
                bufs0[s][i, pl.ds(j * 16, 16)] = (
                    bufs0[s][i, pl.ds(j * 16, 16)]
                    + bufs1[s][i, pl.ds(j * 16, 16)])

        wr[s] = pltpu.async_copy(
            bufs0[s], out_hbm.at[pl.ds(tb + c * GCH, GCH)], ws[s])
    for w in wr:
        if w is not None:
            w.wait()


def _combine_call(y, idx0, idx1):
    return pl.kernel(
        _combine_body,
        out_type=jax.ShapeDtypeStruct((T, HID), jnp.float32),
        mesh=plsc.VectorSubcoreMesh(core_axis_name="c", subcore_axis_name="s"),
        scratch_types=[
            pltpu.VMEM((TPW,), jnp.int32),
            pltpu.VMEM((TPW,), jnp.int32),
            pltpu.VMEM((GCH,), jnp.int32),
            pltpu.VMEM((GCH,), jnp.int32),
            pltpu.VMEM((GCH,), jnp.int32),
            pltpu.VMEM((GCH,), jnp.int32),
            pltpu.VMEM((GCH, HID), jnp.float32),
            pltpu.VMEM((GCH, HID), jnp.float32),
            pltpu.VMEM((GCH, HID), jnp.float32),
            pltpu.VMEM((GCH, HID), jnp.float32),
            pltpu.SemaphoreType.DMA,
            pltpu.SemaphoreType.DMA,
            pltpu.SemaphoreType.DMA,
            pltpu.SemaphoreType.DMA,
            pltpu.SemaphoreType.DMA,
            pltpu.SemaphoreType.DMA,
        ],
    )(y, idx0, idx1)



def kernel(intermediate_states, w, router_logits):
    perm2, idx0, idx1, wts2, tbl = _plan_call(router_logits)
    perm = perm2.reshape(R)
    wts = wts2.reshape(R, 1)
    xs = _permute_call(intermediate_states, perm)
    y = _gemm_call(tbl, xs, w, wts)
    return _combine_call(y, idx0.reshape(T), idx1.reshape(T))

# --- scband reference (transcript-rebuilt; emitter-appended) ---
"""Pipeline reference for scband-mo-ereduce-rstensor-parallel-61168924229674 (READ-ONLY COPY).

The authoritative reference and input builder live on the scoring server;
editing this copy changes nothing except your own understanding.
"""

import jax, jax.numpy as jnp
import numpy as np

NUM_TOKENS = 2048
TOPK = 2
NUM_EXPERTS = 8
INTERMEDIATE = 4096
HIDDEN = 1024


def setup_inputs(seed: int = 0) -> dict:
    key = jax.random.key(seed)
    k1, k2, k3 = jax.random.split(key, 3)
    intermediate_states = jax.random.normal(k1, (NUM_TOKENS * TOPK, INTERMEDIATE), dtype=jnp.float32) * 0.05
    w = jax.random.normal(k2, (NUM_EXPERTS, INTERMEDIATE, HIDDEN), dtype=jnp.float32) * 0.02
    router_logits = jax.random.normal(k3, (NUM_TOKENS, NUM_EXPERTS), dtype=jnp.float32)
    return {"intermediate_states": intermediate_states, "w": w, "router_logits": router_logits}


def reference(intermediate_states, w, router_logits):
    # Routing precompute (done in ctx in the original module):
    # softmax over experts, then top-k weights/ids per token.
    probs = jax.nn.softmax(router_logits, axis=-1)
    topk_weight, topk_ids = jax.lax.top_k(probs, TOPK)
    ids_flat = jnp.reshape(topk_ids, (-1,))                               # [num_tokens*topk]
    wts_flat = jnp.reshape(topk_weight, (-1,))                            # [num_tokens*topk]
    token_ids = np.repeat(np.arange(NUM_TOKENS), TOPK)                    # row t*topk+k -> token t

    # Grouped down-projection GEMM (second MoE matmul):
    # each row of intermediate_states is projected by its expert's w[e],
    # scaled by the topk routing weight, then accumulated per token.
    out = jnp.zeros((NUM_TOKENS, HIDDEN), dtype=jnp.float32)
    for e in range(NUM_EXPERTS):
        scale = jnp.where(ids_flat == e, wts_flat, jnp.float32(0.0))      # [num_tokens*topk]
        part = intermediate_states @ w[e]                                 # [num_tokens*topk, HIDDEN]
        part = part * scale[:, None]
        out = out.at[token_ids].add(part)
    # reduce-scatter across ranks: with world_size == 1 this is the identity,
    # so the per-rank output is the full [NUM_TOKENS, HIDDEN] tensor.
    return out

if __name__ == "__main__":
    import jax
    _d = setup_inputs()
    print(jax.jit(kernel)(*tuple(_d.values())))

</pallas_src>

<mosaic_0001>
#map = affine_map<(d0, d1) -> (0, 0)>
#map1 = affine_map<(d0, d1) -> (0)>
module attributes {stable_mosaic.version = 14 : i64} {
  func.func @_permute_body(%arg0: i32, %arg1: i32, %arg2: memref<4096x4096xf32, #tpu.memory_space<hbm>>, %arg3: memref<4096xi32, #tpu.memory_space<hbm>>, %arg4: memref<4096x4096xf32, #tpu.memory_space<hbm>>, %arg5: memref<128xi32, #tpu.memory_space<vmem>>, %arg6: memref<8xi32, #tpu.memory_space<vmem>>, %arg7: memref<8xi32, #tpu.memory_space<vmem>>, %arg8: memref<8x4096xf32, #tpu.memory_space<vmem>>, %arg9: memref<8x4096xf32, #tpu.memory_space<vmem>>, %arg10: memref<!tpu.dma_semaphore, #tpu.memory_space<semaphore_mem>>, %arg11: memref<!tpu.dma_semaphore, #tpu.memory_space<semaphore_mem>>, %arg12: memref<!tpu.dma_semaphore, #tpu.memory_space<semaphore_mem>>, %arg13: memref<!tpu.dma_semaphore, #tpu.memory_space<semaphore_mem>>) attributes {dimension_semantics = [#tpu.dimension_semantics<core_parallel>, #tpu.dimension_semantics<subcore_parallel>], iteration_bounds = array<i64: 2, 16>, scalar_prefetch = 0 : i64, scratch_operands = 9 : i64, tpu.core_type = #tpu.core_type<sc_vector_subcore>, window_params = [{transform_indices = #map}, {transform_indices = #map1}, {transform_indices = #map}]} {
    %mul3A = arith.constant 2 : i32
    %mul3A_0 = arith.muli %arg1, %mul3A : i32
    %add3A = arith.addi %mul3A_0, %arg0 : i32
    %mul3A_1 = arith.constant 128 : i32
    %mul3A_2 = arith.muli %add3A, %mul3A_1 : i32
    "tpu.region"() ({
      %run_scoped3A = tpu.sem_alloc : memref<!tpu.dma_semaphore, #tpu.memory_space<semaphore_mem>>
      %dma_start3A_367 = tpu.memref_slice %arg3[%mul3A_2] : memref<4096xi32, #tpu.memory_space<hbm>> -> memref<128xi32, #tpu.memory_space<hbm>>
      %dma_start3A_368 = tpu.memref_slice %arg3[%mul3A_2] : memref<4096xi32, #tpu.memory_space<hbm>> -> memref<128xi32, #tpu.memory_space<hbm>>
      tpu.enqueue_dma source(%dma_start3A_368 : memref<128xi32, #tpu.memory_space<hbm>>) target(%arg5 : memref<128xi32, #tpu.memory_space<vmem>>) target_semaphore(%run_scoped3A : memref<!tpu.dma_semaphore, #tpu.memory_space<semaphore_mem>>)
      %dma_wait3A_369 = tpu.memref_slice %arg3[%mul3A_2] : memref<4096xi32, #tpu.memory_space<hbm>> -> memref<128xi32, #tpu.memory_space<hbm>>
      %dma_wait3A_370 = tpu.memref_slice %arg3[%mul3A_2] : memref<4096xi32, #tpu.memory_space<hbm>> -> memref<128xi32, #tpu.memory_space<hbm>>
      tpu.wait_dma2 semaphore(%run_scoped3A : memref<!tpu.dma_semaphore, #tpu.memory_space<semaphore_mem>>) src(%dma_wait3A_370 : memref<128xi32, #tpu.memory_space<hbm>>) dst(%arg5 : memref<128xi32, #tpu.memory_space<vmem>>)
      tpu.yield
    }) : () -> ()
    %get3A = arith.constant 0 : index
    %get3A_3 = tpu.vector_load %arg5[%get3A] {strides = array<i32>} : memref<128xi32, #tpu.memory_space<vmem>>, vector<8xi32>,
    %get3A_4 = vector.shape_cast %get3A_3 : vector<8xi32> to vector<8xi32>
    %swap3A = arith.constant 0 : index
    %swap3A_5 = tpu.vector_load %arg6[%swap3A] {strides = array<i32>} : memref<8xi32, #tpu.memory_space<vmem>>, vector<8xi32>,
    %swap3A_6 = vector.shape_cast %swap3A_5 : vector<8xi32> to vector<8xi32>
    %swap3A_7 = vector.shape_cast %get3A_4 : vector<8xi32> to vector<8xi32>
    tpu.vector_store %arg6[%swap3A], %swap3A_7 {strides = array<i32>} : memref<8xi32, #tpu.memory_space<vmem>>, vector<8xi32>,
    %dma_start3A = arith.constant 0 : i32
    %dma_start3A_8 = arith.constant 0 : i32
    %dma_start3A_9 = tpu.memref_slice %arg2[%dma_start3A, %dma_start3A_8] : memref<4096x4096xf32, #tpu.memory_space<hbm>> -> memref<4096x4096xf32, #tpu.memory_space<hbm>>
    tpu.enqueue_indirect_dma source(%dma_start3A_9 : memref<4096x4096xf32, #tpu.memory_space<hbm>>) target(%arg8 : memref<8x4096xf32, #tpu.memory_space<vmem>>) offsets(%arg6 : memref<8xi32, #tpu.memory_space<vmem>>) semaphore(%arg10 : memref<!tpu.dma_semaphore, #tpu.memory_space<semaphore_mem>>)
    %get3A_10 = arith.constant 8 : index
    %get3A_11 = tpu.vector_load %arg5[%get3A_10] {strides = array<i32>} : memref<128xi32, #tpu.memory_space<vmem>>, vector<8xi32>,
    %get3A_12 = vector.shape_cast %get3A_11 : vector<8xi32> to vector<8xi32>
    %swap3A_13 = arith.constant 0 : index
    %swap3A_14 = tpu.vector_load %arg7[%swap3A_13] {strides = array<i32>} : memref<8xi32, #tpu.memory_space<vmem>>, vector<8xi32>,
    %swap3A_15 = vector.shape_cast %swap3A_14 : vector<8xi32> to vector<8xi32>
    %swap3A_16 = vector.shape_cast %get3A_12 : vector<8xi32> to vector<8xi32>
    tpu.vector_store %arg7[%swap3A_13], %swap3A_16 {strides = array<i32>} : memref<8xi32, #tpu.memory_space<vmem>>, vector<8xi32>,
    %dma_start3A_17 = arith.constant 0 : i32
    %dma_start3A_18 = arith.constant 0 : i32
    %dma_start3A_19 = tpu.memref_slice %arg2[%dma_start3A_17, %dma_start3A_18] : memref<4096x4096xf32, #tpu.memory_space<hbm>> -> memref<4096x4096xf32, #tpu.memory_space<hbm>>
    tpu.enqueue_indirect_dma source(%dma_start3A_19 : memref<4096x4096xf32, #tpu.memory_space<hbm>>) target(%arg9 : memref<8x4096xf32, #tpu.memory_space<vmem>>) offsets(%arg7 : memref<8xi32, #tpu.memory_space<vmem>>) semaphore(%arg11 : memref<!tpu.dma_semaphore, #tpu.memory_space<semaphore_mem>>)
    %dma_wait3A = arith.constant 0 : i32
    %dma_wait3A_20 = arith.constant 0 : i32
    %dma_wait3A_21 = tpu.memref_slice %arg2[%dma_wait3A, %dma_wait3A_20] : memref<4096x4096xf32, #tpu.memory_space<hbm>> -> memref<4096x4096xf32, #tpu.memory_space<hbm>>
    tpu.wait_indirect_dma semaphore(%arg10 : memref<!tpu.dma_semaphore, #tpu.memory_space<semaphore_mem>>) src(%dma_wait3A_21 : memref<4096x4096xf32, #tpu.memory_space<hbm>>) dst(%arg8 : memref<8x4096xf32, #tpu.memory_space<vmem>>)
    %add3A_22 = arith.constant 0 : i32
    %add3A_23 = arith.addi %mul3A_2, %add3A_22 : i32
    %dma_start3A_24 = arith.constant 0 : i32
    %dma_start3A_25 = tpu.memref_slice %arg4[%add3A_23, %dma_start3A_24] : memref<4096x4096xf32, #tpu.memory_space<hbm>> -> memref<8x4096xf32, #tpu.memory_space<hbm>>
    %dma_start3A_26 = arith.constant 0 : i32
    %dma_start3A_27 = tpu.memref_slice %arg4[%add3A_23, %dma_start3A_26] : memref<4096x4096xf32, #tpu.memory_space<hbm>> -> memref<8x4096xf32, #tpu.memory_space<hbm>>
    tpu.enqueue_dma source(%arg8 : memref<8x4096xf32, #tpu.memory_space<vmem>>) target(%dma_start3A_27 : memref<8x4096xf32, #tpu.memory_space<hbm>>) target_semaphore(%arg12 : memref<!tpu.dma_semaphore, #tpu.memory_space<semaphore_mem>>)
    %dma_wait3A_28 = arith.constant 0 : i32
    %dma_wait3A_29 = tpu.memref_slice %arg4[%add3A_23, %dma_wait3A_28] : memref<4096x4096xf32, #tpu.memory_space<hbm>> -> memref<8x4096xf32, #tpu.memory_space<hbm>>
    %dma_wait3A_30 = arith.constant 0 : i32
    %dma_wait3A_31 = tpu.memref_slice %arg4[%add3A_23, %dma_wait3A_30] : memref<4096x4096xf32, #tpu.memory_space<hbm>> -> memref<8x4096xf32, #tpu.memory_space<hbm>>
    tpu.wait_dma2 semaphore(%arg12 : memref<!tpu.dma_semaphore, #tpu.memory_space<semaphore_mem>>) src(%arg8 : memref<8x4096xf32, #tpu.memory_space<vmem>>) dst(%dma_wait3A_31 : memref<8x4096xf32, #tpu.memory_space<hbm>>)
    %get3A_32 = arith.constant 16 : index
    %get3A_33 = tpu.vector_load %arg5[%get3A_32] {strides = array<i32>} : memref<128xi32, #tpu.memory_space<vmem>>, vector<8xi32>,
    %get3A_34 = vector.shape_cast %get3A_33 : vector<8xi32> to vector<8xi32>
    %swap3A_35 = arith.constant 0 : index
    %swap3A_36 = tpu.vector_load %arg6[%swap3A_35] {strides = array<i32>} : memref<8xi32, #tpu.memory_space<vmem>>, vector<8xi32>,
    %swap3A_37 = vector.shape_cast %swap3A_36 : vector<8xi32> to vector<8xi32>
    %swap3A_38 = vector.shape_cast %get3A_34 : vector<8xi32> to vector<8xi32>
    tpu.vector_store %arg6[%swap3A_35], %swap3A_38 {strides = array<i32>} : memref<8xi32, #tpu.memory_space<vmem>>, vector<8xi32>,
    %dma_start3A_39 = arith.constant 0 : i32
    %dma_start3A_40 = arith.constant 0 : i32
    %dma_start3A_41 = tpu.memref_slice %arg2[%dma_start3A_39, %dma_start3A_40] : memref<4096x4096xf32, #tpu.memory_space<hbm>> -> memref<4096x4096xf32, #tpu.memory_space<hbm>>
    tpu.enqueue_indirect_dma source(%dma_start3A_41 : memref<4096x4096xf32, #tpu.memory_space<hbm>>) target(%arg8 : memref<8x4096xf32, #tpu.memory_space<vmem>>) offsets(%arg6 : memref<8xi32, #tpu.memory_space<vmem>>) semaphore(%arg10 : memref<!tpu.dma_semaphore, #tpu.memory_space<semaphore_mem>>)
    %dma_wait3A_42 = arith.constant 0 : i32
    %dma_wait3A_43 = arith.constant 0 : i32
    %dma_wait3A_44 = tpu.memref_slice %arg2[%dma_wait3A_42, %dma_wait3A_43] : memref<4096x4096xf32, #tpu.memory_space<hbm>> -> memref<4096x4096xf32, #tpu.memory_space<hbm>>
    tpu.wait_indirect_dma semaphore(%arg11 : memref<!tpu.dma_semaphore, #tpu.memory_space<semaphore_mem>>) src(%dma_wait3A_44 : memref<4096x4096xf32, #tpu.memory_space<hbm>>) dst(%arg9 : memref<8x4096xf32, #tpu.memory_space<vmem>>)
    %add3A_45 = arith.constant 8 : i32
    %add3A_46 = arith.addi %mul3A_2, %add3A_45 : i32
    %dma_start3A_47 = arith.constant 0 : i32
    %dma_start3A_48 = tpu.memref_slice %arg4[%add3A_46, %dma_start3A_47] : memref<4096x4096xf32, #tpu.memory_space<hbm>> -> memref<8x4096xf32, #tpu.memory_space<hbm>>
    %dma_start3A_49 = arith.constant 0 : i32
    %dma_start3A_50 = tpu.memref_slice %arg4[%add3A_46, %dma_start3A_49] : memref<4096x4096xf32, #tpu.memory_space<hbm>> -> memref<8x4096xf32, #tpu.memory_space<hbm>>
    tpu.enqueue_dma source(%arg9 : memref<8x4096xf32, #tpu.memory_space<vmem>>) target(%dma_start3A_50 : memref<8x4096xf32, #tpu.memory_space<hbm>>) target_semaphore(%arg13 : memref<!tpu.dma_semaphore, #tpu.memory_space<semaphore_mem>>)
    %dma_wait3A_51 = arith.constant 0 : i32
    %dma_wait3A_52 = tpu.memref_slice %arg4[%add3A_46, %dma_wait3A_51] : memref<4096x4096xf32, #tpu.memory_space<hbm>> -> memref<8x4096xf32, #tpu.memory_space<hbm>>
    %dma_wait3A_53 = arith.constant 0 : i32
    %dma_wait3A_54 = tpu.memref_slice %arg4[%add3A_46, %dma_wait3A_53] : memref<4096x4096xf32, #tpu.memory_space<hbm>> -> memref<8x4096xf32, #tpu.memory_space<hbm>>
    tpu.wait_dma2 semaphore(%arg13 : memref<!tpu.dma_semaphore, #tpu.memory_space<semaphore_mem>>) src(%arg9 : memref<8x4096xf32, #tpu.memory_space<vmem>>) dst(%dma_wait3A_54 : memref<8x4096xf32, #tpu.memory_space<hbm>>)
    %get3A_55 = arith.constant 24 : index
    %get3A_56 = tpu.vector_load %arg5[%get3A_55] {strides = array<i32>} : memref<128xi32, #tpu.memory_space<vmem>>, vector<8xi32>,
    %get3A_57 = vector.shape_cast %get3A_56 : vector<8xi32> to vector<8xi32>
    %swap3A_58 = arith.constant 0 : index
    %swap3A_59 = tpu.vector_load %arg7[%swap3A_58] {strides = array<i32>} : memref<8xi32, #tpu.memory_space<vmem>>, vector<8xi32>,
    %swap3A_60 = vector.shape_cast %swap3A_59 : vector<8xi32> to vector<8xi32>
    %swap3A_61 = vector.shape_cast %get3A_57 : vector<8xi32> to vector<8xi32>
    tpu.vector_store %arg7[%swap3A_58], %swap3A_61 {strides = array<i32>} : memref<8xi32, #tpu.memory_space<vmem>>, vector<8xi32>,
    %dma_start3A_62 = arith.constant 0 : i32
    %dma_start3A_63 = arith.constant 0 : i32
    %dma_start3A_64 = tpu.memref_slice %arg2[%dma_start3A_62, %dma_start3A_63] : memref<4096x4096xf32, #tpu.memory_space<hbm>> -> memref<4096x4096xf32, #tpu.memory_space<hbm>>
    tpu.enqueue_indirect_dma source(%dma_start3A_64 : memref<4096x4096xf32, #tpu.memory_space<hbm>>) target(%arg9 : memref<8x4096xf32, #tpu.memory_space<vmem>>) offsets(%arg7 : memref<8xi32, #tpu.memory_space<vmem>>) semaphore(%arg11 : memref<!tpu.dma_semaphore, #tpu.memory_space<semaphore_mem>>)
    %dma_wait3A_65 = arith.constant 0 : i32
    %dma_wait3A_66 = arith.constant 0 : i32
    %dma_wait3A_67 = tpu.memref_slice %arg2[%dma_wait3A_65, %dma_wait3A_66] : memref<4096x4096xf32, #tpu.memory_space<hbm>> -> memref<4096x4096xf32, #tpu.memory_space<hbm>>
    tpu.wait_indirect_dma semaphore(%arg10 : memref<!tpu.dma_semaphore, #tpu.memory_space<semaphore_mem>>) src(%dma_wait3A_67 : memref<4096x4096xf32, #tpu.memory_space<hbm>>) dst(%arg8 : memref<8x4096xf32, #tpu.memory_space<vmem>>)
    %add3A_68 = arith.constant 16 : i32
    %add3A_69 = arith.addi %mul3A_2, %add3A_68 : i32
    %dma_start3A_70 = arith.constant 0 : i32
    %dma_start3A_71 = tpu.memref_slice %arg4[%add3A_69, %dma_start3A_70] : memref<4096x4096xf32, #tpu.memory_space<hbm>> -> memref<8x4096xf32, #tpu.memory_space<hbm>>
    %dma_start3A_72 = arith.constant 0 : i32
    %dma_start3A_73 = tpu.memref_slice %arg4[%add3A_69, %dma_start3A_72] : memref<4096x4096xf32, #tpu.memory_space<hbm>> -> memref<8x4096xf32, #tpu.memory_space<hbm>>
    tpu.enqueue_dma source(%arg8 : memref<8x4096xf32, #tpu.memory_space<vmem>>) target(%dma_start3A_73 : memref<8x4096xf32, #tpu.memory_space<hbm>>) target_semaphore(%arg12 : memref<!tpu.dma_semaphore, #tpu.memory_space<semaphore_mem>>)
    %dma_wait3A_74 = arith.constant 0 : i32
    %dma_wait3A_75 = tpu.memref_slice %arg4[%add3A_69, %dma_wait3A_74] : memref<4096x4096xf32, #tpu.memory_space<hbm>> -> memref<8x4096xf32, #tpu.memory_space<hbm>>
    %dma_wait3A_76 = arith.constant 0 : i32
    %dma_wait3A_77 = tpu.memref_slice %arg4[%add3A_69, %dma_wait3A_76] : memref<4096x4096xf32, #tpu.memory_space<hbm>> -> memref<8x4096xf32, #tpu.memory_space<hbm>>
    tpu.wait_dma2 semaphore(%arg12 : memref<!tpu.dma_semaphore, #tpu.memory_space<semaphore_mem>>) src(%arg8 : memref<8x4096xf32, #tpu.memory_space<vmem>>) dst(%dma_wait3A_77 : memref<8x4096xf32, #tpu.memory_space<hbm>>)
    %get3A_78 = arith.constant 32 : index
    %get3A_79 = tpu.vector_load %arg5[%get3A_78] {strides = array<i32>} : memref<128xi32, #tpu.memory_space<vmem>>, vector<8xi32>,
    %get3A_80 = vector.shape_cast %get3A_79 : vector<8xi32> to vector<8xi32>
    %swap3A_81 = arith.constant 0 : index
    %swap3A_82 = tpu.vector_load %arg6[%swap3A_81] {strides = array<i32>} : memref<8xi32, #tpu.memory_space<vmem>>, vector<8xi32>,
    %swap3A_83 = vector.shape_cast %swap3A_82 : vector<8xi32> to vector<8xi32>
    %swap3A_84 = vector.shape_cast %get3A_80 : vector<8xi32> to vector<8xi32>
    tpu.vector_store %arg6[%swap3A_81], %swap3A_84 {strides = array<i32>} : memref<8xi32, #tpu.memory_space<vmem>>, vector<8xi32>,
    %dma_start3A_85 = arith.constant 0 : i32
    %dma_start3A_86 = arith.constant 0 : i32
    %dma_start3A_87 = tpu.memref_slice %arg2[%dma_start3A_85, %dma_start3A_86] : memref<4096x4096xf32, #tpu.memory_space<hbm>> -> memref<4096x4096xf32, #tpu.memory_space<hbm>>
    tpu.enqueue_indirect_dma source(%dma_start3A_87 : memref<4096x4096xf32, #tpu.memory_space<hbm>>) target(%arg8 : memref<8x4096xf32, #tpu.memory_space<vmem>>) offsets(%arg6 : memref<8xi32, #tpu.memory_space<vmem>>) semaphore(%arg10 : memref<!tpu.dma_semaphore, #tpu.memory_space<semaphore_mem>>)
    %dma_wait3A_88 = arith.constant 0 : i32
    %dma_wait3A_89 = arith.constant 0 : i32
    %dma_wait3A_90 = tpu.memref_slice %arg2[%dma_wait3A_88, %dma_wait3A_89] : memref<4096x4096xf32, #tpu.memory_space<hbm>> -> memref<4096x4096xf32, #tpu.memory_space<hbm>>
    tpu.wait_indirect_dma semaphore(%arg11 : memref<!tpu.dma_semaphore, #tpu.memory_space<semaphore_mem>>) src(%dma_wait3A_90 : memref<4096x4096xf32, #tpu.memory_space<hbm>>) dst(%arg9 : memref<8x4096xf32, #tpu.memory_space<vmem>>)
    %add3A_91 = arith.constant 24 : i32
    %add3A_92 = arith.addi %mul3A_2, %add3A_91 : i32
    %dma_start3A_93 = arith.constant 0 : i32
    %dma_start3A_94 = tpu.memref_slice %arg4[%add3A_92, %dma_start3A_93] : memref<4096x4096xf32, #tpu.memory_space<hbm>> -> memref<8x4096xf32, #tpu.memory_space<hbm>>
    %dma_start3A_95 = arith.constant 0 : i32
    %dma_start3A_96 = tpu.memref_slice %arg4[%add3A_92, %dma_start3A_95] : memref<4096x4096xf32, #tpu.memory_space<hbm>> -> memref<8x4096xf32, #tpu.memory_space<hbm>>
    tpu.enqueue_dma source(%arg9 : memref<8x4096xf32, #tpu.memory_space<vmem>>) target(%dma_start3A_96 : memref<8x4096xf32, #tpu.memory_space<hbm>>) target_semaphore(%arg13 : memref<!tpu.dma_semaphore, #tpu.memory_space<semaphore_mem>>)
    %dma_wait3A_97 = arith.constant 0 : i32
    %dma_wait3A_98 = tpu.memref_slice %arg4[%add3A_92, %dma_wait3A_97] : memref<4096x4096xf32, #tpu.memory_space<hbm>> -> memref<8x4096xf32, #tpu.memory_space<hbm>>
    %dma_wait3A_99 = arith.constant 0 : i32
    %dma_wait3A_100 = tpu.memref_slice %arg4[%add3A_92, %dma_wait3A_99] : memref<4096x4096xf32, #tpu.memory_space<hbm>> -> memref<8x4096xf32, #tpu.memory_space<hbm>>
    tpu.wait_dma2 semaphore(%arg13 : memref<!tpu.dma_semaphore, #tpu.memory_space<semaphore_mem>>) src(%arg9 : memref<8x4096xf32, #tpu.memory_space<vmem>>) dst(%dma_wait3A_100 : memref<8x4096xf32, #tpu.memory_space<hbm>>)
    %get3A_101 = arith.constant 40 : index
    %get3A_102 = tpu.vector_load %arg5[%get3A_101] {strides = array<i32>} : memref<128xi32, #tpu.memory_space<vmem>>, vector<8xi32>,
    %get3A_103 = vector.shape_cast %get3A_102 : vector<8xi32> to vector<8xi32>
    %swap3A_104 = arith.constant 0 : index
    %swap3A_105 = tpu.vector_load %arg7[%swap3A_104] {strides = array<i32>} : memref<8xi32, #tpu.memory_space<vmem>>, vector<8xi32>,
    %swap3A_106 = vector.shape_cast %swap3A_105 : vector<8xi32> to vector<8xi32>
    %swap3A_107 = vector.shape_cast %get3A_103 : vector<8xi32> to vector<8xi32>
    tpu.vector_store %arg7[%swap3A_104], %swap3A_107 {strides = array<i32>} : memref<8xi32, #tpu.memory_space<vmem>>, vector<8xi32>,
    %dma_start3A_108 = arith.constant 0 : i32
    %dma_start3A_109 = arith.constant 0 : i32
    %dma_start3A_110 = tpu.memref_slice %arg2[%dma_start3A_108, %dma_start3A_109] : memref<4096x4096xf32, #tpu.memory_space<hbm>> -> memref<4096x4096xf32, #tpu.memory_space<hbm>>
    tpu.enqueue_indirect_dma source(%dma_start3A_110 : memref<4096x4096xf32, #tpu.memory_space<hbm>>) target(%arg9 : memref<8x4096xf32, #tpu.memory_space<vmem>>) offsets(%arg7 : memref<8xi32, #tpu.memory_space<vmem>>) semaphore(%arg11 : memref<!tpu.dma_semaphore, #tpu.memory_space<semaphore_mem>>)
    %dma_wait3A_111 = arith.constant 0 : i32
    %dma_wait3A_112 = arith.constant 0 : i32
    %dma_wait3A_113 = tpu.memref_slice %arg2[%dma_wait3A_111, %dma_wait3A_112] : memref<4096x4096xf32, #tpu.memory_space<hbm>> -> memref<4096x4096xf32, #tpu.memory_space<hbm>>
    tpu.wait_indirect_dma semaphore(%arg10 : memref<!tpu.dma_semaphore, #tpu.memory_space<semaphore_mem>>) src(%dma_wait3A_113 : memref<4096x4096xf32, #tpu.memory_space<hbm>>) dst(%arg8 : memref<8x4096xf32, #tpu.memory_space<vmem>>)
    %add3A_114 = arith.constant 32 : i32
    %add3A_115 = arith.addi %mul3A_2, %add3A_114 : i32
    %dma_start3A_116 = arith.constant 0 : i32
    %dma_start3A_117 = tpu.memref_slice %arg4[%add3A_115, %dma_start3A_116] : memref<4096x4096xf32, #tpu.memory_space<hbm>> -> memref<8x4096xf32, #tpu.memory_space<hbm>>
    %dma_start3A_118 = arith.constant 0 : i32
    %dma_start3A_119 = tpu.memref_slice %arg4[%add3A_115, %dma_start3A_118] : memref<4096x4096xf32, #tpu.memory_space<hbm>> -> memref<8x4096xf32, #tpu.memory_space<hbm>>
    tpu.enqueue_dma source(%arg8 : memref<8x4096xf32, #tpu.memory_space<vmem>>) target(%dma_start3A_119 : memref<8x4096xf32, #tpu.memory_space<hbm>>) target_semaphore(%arg12 : memref<!tpu.dma_semaphore, #tpu.memory_space<semaphore_mem>>)
    %dma_wait3A_120 = arith.constant 0 : i32
    %dma_wait3A_121 = tpu.memref_slice %arg4[%add3A_115, %dma_wait3A_120] : memref<4096x4096xf32, #tpu.memory_space<hbm>> -> memref<8x4096xf32, #tpu.memory_space<hbm>>
    %dma_wait3A_122 = arith.constant 0 : i32
    %dma_wait3A_123 = tpu.memref_slice %arg4[%add3A_115, %dma_wait3A_122] : memref<4096x4096xf32, #tpu.memory_space<hbm>> -> memref<8x4096xf32, #tpu.memory_space<hbm>>
    tpu.wait_dma2 semaphore(%arg12 : memref<!tpu.dma_semaphore, #tpu.memory_space<semaphore_mem>>) src(%arg8 : memref<8x4096xf32, #tpu.memory_space<vmem>>) dst(%dma_wait3A_123 : memref<8x4096xf32, #tpu.memory_space<hbm>>)
    %get3A_124 = arith.constant 48 : index
    %get3A_125 = tpu.vector_load %arg5[%get3A_124] {strides = array<i32>} : memref<128xi32, #tpu.memory_space<vmem>>, vector<8xi32>,
    %get3A_126 = vector.shape_cast %get3A_125 : vector<8xi32> to vector<8xi32>
    %swap3A_127 = arith.constant 0 : index
    %swap3A_128 = tpu.vector_load %arg6[%swap3A_127] {strides = array<i32>} : memref<8xi32, #tpu.memory_space<vmem>>, vector<8xi32>,
    %swap3A_129 = vector.shape_cast %swap3A_128 : vector<8xi32> to vector<8xi32>
    %swap3A_130 = vector.shape_cast %get3A_126 : vector<8xi32> to vector<8xi32>
    tpu.vector_store %arg6[%swap3A_127], %swap3A_130 {strides = array<i32>} : memref<8xi32, #tpu.memory_space<vmem>>, vector<8xi32>,
    %dma_start3A_131 = arith.constant 0 : i32
    %dma_start3A_132 = arith.constant 0 : i32
    %dma_start3A_133 = tpu.memref_slice %arg2[%dma_start3A_131, %dma_start3A_132] : memref<4096x4096xf32, #tpu.memory_space<hbm>> -> memref<4096x4096xf32, #tpu.memory_space<hbm>>
    tpu.enqueue_indirect_dma source(%dma_start3A_133 : memref<4096x4096xf32, #tpu.memory_space<hbm>>) target(%arg8 : memref<8x4096xf32, #tpu.memory_space<vmem>>) offsets(%arg6 : memref<8xi32, #tpu.memory_space<vmem>>) semaphore(%arg10 : memref<!tpu.dma_semaphore, #tpu.memory_space<semaphore_mem>>)
    %dma_wait3A_134 = arith.constant 0 : i32
    %dma_wait3A_135 = arith.constant 0 : i32
    %dma_wait3A_136 = tpu.memref_slice %arg2[%dma_wait3A_134, %dma_wait3A_135] : memref<4096x4096xf32, #tpu.memory_space<hbm>> -> memref<4096x4096xf32, #tpu.memory_space<hbm>>
    tpu.wait_indirect_dma semaphore(%arg11 : memref<!tpu.dma_semaphore, #tpu.memory_space<semaphore_mem>>) src(%dma_wait3A_136 : memref<4096x4096xf32, #tpu.memory_space<hbm>>) dst(%arg9 : memref<8x4096xf32, #tpu.memory_space<vmem>>)
    %add3A_137 = arith.constant 40 : i32
    %add3A_138 = arith.addi %mul3A_2, %add3A_137 : i32
    %dma_start3A_139 = arith.constant 0 : i32
    %dma_start3A_140 = tpu.memref_slice %arg4[%add3A_138, %dma_start3A_139] : memref<4096x4096xf32, #tpu.memory_space<hbm>> -> memref<8x4096xf32, #tpu.memory_space<hbm>>
    %dma_start3A_141 = arith.constant 0 : i32
    %dma_start3A_142 = tpu.memref_slice %arg4[%add3A_138, %dma_start3A_141] : memref<4096x4096xf32, #tpu.memory_space<hbm>> -> memref<8x4096xf32, #tpu.memory_space<hbm>>
    tpu.enqueue_dma source(%arg9 : memref<8x4096xf32, #tpu.memory_space<vmem>>) target(%dma_start3A_142 : memref<8x4096xf32, #tpu.memory_space<hbm>>) target_semaphore(%arg13 : memref<!tpu.dma_semaphore, #tpu.memory_space<semaphore_mem>>)
    %dma_wait3A_143 = arith.constant 0 : i32
    %dma_wait3A_144 = tpu.memref_slice %arg4[%add3A_138, %dma_wait3A_143] : memref<4096x4096xf32, #tpu.memory_space<hbm>> -> memref<8x4096xf32, #tpu.memory_space<hbm>>
    %dma_wait3A_145 = arith.constant 0 : i32
    %dma_wait3A_146 = tpu.memref_slice %arg4[%add3A_138, %dma_wait3A_145] : memref<4096x4096xf32, #tpu.memory_space<hbm>> -> memref<8x4096xf32, #tpu.memory_space<hbm>>
    tpu.wait_dma2 semaphore(%arg13 : memref<!tpu.dma_semaphore, #tpu.memory_space<semaphore_mem>>) src(%arg9 : memref<8x4096xf32, #tpu.memory_space<vmem>>) dst(%dma_wait3A_146 : memref<8x4096xf32, #tpu.memory_space<hbm>>)
    %get3A_147 = arith.constant 56 : index
    %get3A_148 = tpu.vector_load %arg5[%get3A_147] {strides = array<i32>} : memref<128xi32, #tpu.memory_space<vmem>>, vector<8xi32>,
    %get3A_149 = vector.shape_cast %get3A_148 : vector<8xi32> to vector<8xi32>
    %swap3A_150 = arith.constant 0 : index
    %swap3A_151 = tpu.vector_load %arg7[%swap3A_150] {strides = array<i32>} : memref<8xi32, #tpu.memory_space<vmem>>, vector<8xi32>,
    %swap3A_152 = vector.shape_cast %swap3A_151 : vector<8xi32> to vector<8xi32>
    %swap3A_153 = vector.shape_cast %get3A_149 : vector<8xi32> to vector<8xi32>
    tpu.vector_store %arg7[%swap3A_150], %swap3A_153 {strides = array<i32>} : memref<8xi32, #tpu.memory_space<vmem>>, vector<8xi32>,
    %dma_start3A_154 = arith.constant 0 : i32
    %dma_start3A_155 = arith.constant 0 : i32
    %dma_start3A_156 = tpu.memref_slice %arg2[%dma_start3A_154, %dma_start3A_155] : memref<4096x4096xf32, #tpu.memory_space<hbm>> -> memref<4096x4096xf32, #tpu.memory_space<hbm>>
    tpu.enqueue_indirect_dma source(%dma_start3A_156 : memref<4096x4096xf32, #tpu.memory_space<hbm>>) target(%arg9 : memref<8x4096xf32, #tpu.memory_space<vmem>>) offsets(%arg7 : memref<8xi32, #tpu.memory_space<vmem>>) semaphore(%arg11 : memref<!tpu.dma_semaphore, #tpu.memory_space<semaphore_mem>>)
    %dma_wait3A_157 = arith.constant 0 : i32
    %dma_wait3A_158 = arith.constant 0 : i32
    %dma_wait3A_159 = tpu.memref_slice %arg2[%dma_wait3A_157, %dma_wait3A_158] : memref<4096x4096xf32, #tpu.memory_space<hbm>> -> memref<4096x4096xf32, #tpu.memory_space<hbm>>
    tpu.wait_indirect_dma semaphore(%arg10 : memref<!tpu.dma_semaphore, #tpu.memory_space<semaphore_mem>>) src(%dma_wait3A_159 : memref<4096x4096xf32, #tpu.memory_space<hbm>>) dst(%arg8 : memref<8x4096xf32, #tpu.memory_space<vmem>>)
    %add3A_160 = arith.constant 48 : i32
    %add3A_161 = arith.addi %mul3A_2, %add3A_160 : i32
    %dma_start3A_162 = arith.constant 0 : i32
    %dma_start3A_163 = tpu.memref_slice %arg4[%add3A_161, %dma_start3A_162] : memref<4096x4096xf32, #tpu.memory_space<hbm>> -> memref<8x4096xf32, #tpu.memory_space<hbm>>
    %dma_start3A_164 = arith.constant 0 : i32
    %dma_start3A_165 = tpu.memref_slice %arg4[%add3A_161, %dma_start3A_164] : memref<4096x4096xf32, #tpu.memory_space<hbm>> -> memref<8x4096xf32, #tpu.memory_space<hbm>>
    tpu.enqueue_dma source(%arg8 : memref<8x4096xf32, #tpu.memory_space<vmem>>) target(%dma_start3A_165 : memref<8x4096xf32, #tpu.memory_space<hbm>>) target_semaphore(%arg12 : memref<!tpu.dma_semaphore, #tpu.memory_space<semaphore_mem>>)
    %dma_wait3A_166 = arith.constant 0 : i32
    %dma_wait3A_167 = tpu.memref_slice %arg4[%add3A_161, %dma_wait3A_166] : memref<4096x4096xf32, #tpu.memory_space<hbm>> -> memref<8x4096xf32, #tpu.memory_space<hbm>>
    %dma_wait3A_168 = arith.constant 0 : i32
    %dma_wait3A_169 = tpu.memref_slice %arg4[%add3A_161, %dma_wait3A_168] : memref<4096x4096xf32, #tpu.memory_space<hbm>> -> memref<8x4096xf32, #tpu.memory_space<hbm>>
    tpu.wait_dma2 semaphore(%arg12 : memref<!tpu.dma_semaphore, #tpu.memory_space<semaphore_mem>>) src(%arg8 : memref<8x4096xf32, #tpu.memory_space<vmem>>) dst(%dma_wait3A_169 : memref<8x4096xf32, #tpu.memory_space<hbm>>)
    %get3A_170 = arith.constant 64 : index
    %get3A_171 = tpu.vector_load %arg5[%get3A_170] {strides = array<i32>} : memref<128xi32, #tpu.memory_space<vmem>>, vector<8xi32>,
    %get3A_172 = vector.shape_cast %get3A_171 : vector<8xi32> to vector<8xi32>
    %swap3A_173 = arith.constant 0 : index
    %swap3A_174 = tpu.vector_load %arg6[%swap3A_173] {strides = array<i32>} : memref<8xi32, #tpu.memory_space<vmem>>, vector<8xi32>,
    %swap3A_175 = vector.shape_cast %swap3A_174 : vector<8xi32> to vector<8xi32>
    %swap3A_176 = vector.shape_cast %get3A_172 : vector<8xi32> to vector<8xi32>
    tpu.vector_store %arg6[%swap3A_173], %swap3A_176 {strides = array<i32>} : memref<8xi32, #tpu.memory_space<vmem>>, vector<8xi32>,
    %dma_start3A_177 = arith.constant 0 : i32
    %dma_start3A_178 = arith.constant 0 : i32
    %dma_start3A_179 = tpu.memref_slice %arg2[%dma_start3A_177, %dma_start3A_178] : memref<4096x4096xf32, #tpu.memory_space<hbm>> -> memref<4096x4096xf32, #tpu.memory_space<hbm>>
    tpu.enqueue_indirect_dma source(%dma_start3A_179 : memref<4096x4096xf32, #tpu.memory_space<hbm>>) target(%arg8 : memref<8x4096xf32, #tpu.memory_space<vmem>>) offsets(%arg6 : memref<8xi32, #tpu.memory_space<vmem>>) semaphore(%arg10 : memref<!tpu.dma_semaphore, #tpu.memory_space<semaphore_mem>>)
    %dma_wait3A_180 = arith.constant 0 : i32
    %dma_wait3A_181 = arith.constant 0 : i32
    %dma_wait3A_182 = tpu.memref_slice %arg2[%dma_wait3A_180, %dma_wait3A_181] : memref<4096x4096xf32, #tpu.memory_space<hbm>> -> memref<4096x4096xf32, #tpu.memory_space<hbm>>
    tpu.wait_indirect_dma semaphore(%arg11 : memref<!tpu.dma_semaphore, #tpu.memory_space<semaphore_mem>>) src(%dma_wait3A_182 : memref<4096x4096xf32, #tpu.memory_space<hbm>>) dst(%arg9 : memref<8x4096xf32, #tpu.memory_space<vmem>>)
    %add3A_183 = arith.constant 56 : i32
    %add3A_184 = arith.addi %mul3A_2, %add3A_183 : i32
    %dma_start3A_185 = arith.constant 0 : i32
    %dma_start3A_186 = tpu.memref_slice %arg4[%add3A_184, %dma_start3A_185] : memref<4096x4096xf32, #tpu.memory_space<hbm>> -> memref<8x4096xf32, #tpu.memory_space<hbm>>
    %dma_start3A_187 = arith.constant 0 : i32
    %dma_start3A_188 = tpu.memref_slice %arg4[%add3A_184, %dma_start3A_187] : memref<4096x4096xf32, #tpu.memory_space<hbm>> -> memref<8x4096xf32, #tpu.memory_space<hbm>>
    tpu.enqueue_dma source(%arg9 : memref<8x4096xf32, #tpu.memory_space<vmem>>) target(%dma_start3A_188 : memref<8x4096xf32, #tpu.memory_space<hbm>>) target_semaphore(%arg13 : memref<!tpu.dma_semaphore, #tpu.memory_space<semaphore_mem>>)
    %dma_wait3A_189 = arith.constant 0 : i32
    %dma_wait3A_190 = tpu.memref_slice %arg4[%add3A_184, %dma_wait3A_189] : memref<4096x4096xf32, #tpu.memory_space<hbm>> -> memref<8x4096xf32, #tpu.memory_space<hbm>>
    %dma_wait3A_191 = arith.constant 0 : i32
    %dma_wait3A_192 = tpu.memref_slice %arg4[%add3A_184, %dma_wait3A_191] : memref<4096x4096xf32, #tpu.memory_space<hbm>> -> memref<8x4096xf32, #tpu.memory_space<hbm>>
    tpu.wait_dma2 semaphore(%arg13 : memref<!tpu.dma_semaphore, #tpu.memory_space<semaphore_mem>>) src(%arg9 : memref<8x4096xf32, #tpu.memory_space<vmem>>) dst(%dma_wait3A_192 : memref<8x4096xf32, #tpu.memory_space<hbm>>)
    %get3A_193 = arith.constant 72 : index
    %get3A_194 = tpu.vector_load %arg5[%get3A_193] {strides = array<i32>} : memref<128xi32, #tpu.memory_space<vmem>>, vector<8xi32>,
    %get3A_195 = vector.shape_cast %get3A_194 : vector<8xi32> to vector<8xi32>
    %swap3A_196 = arith.constant 0 : index
    %swap3A_197 = tpu.vector_load %arg7[%swap3A_196] {strides = array<i32>} : memref<8xi32, #tpu.memory_space<vmem>>, vector<8xi32>,
    %swap3A_198 = vector.shape_cast %swap3A_197 : vector<8xi32> to vector<8xi32>
    %swap3A_199 = vector.shape_cast %get3A_195 : vector<8xi32> to vector<8xi32>
    tpu.vector_store %arg7[%swap3A_196], %swap3A_199 {strides = array<i32>} : memref<8xi32, #tpu.memory_space<vmem>>, vector<8xi32>,
    %dma_start3A_200 = arith.constant 0 : i32
    %dma_start3A_201 = arith.constant 0 : i32
    %dma_start3A_202 = tpu.memref_slice %arg2[%dma_start3A_200, %dma_start3A_201] : memref<4096x4096xf32, #tpu.memory_space<hbm>> -> memref<4096x4096xf32, #tpu.memory_space<hbm>>
    tpu.enqueue_indirect_dma source(%dma_start3A_202 : memref<4096x4096xf32, #tpu.memory_space<hbm>>) target(%arg9 : memref<8x4096xf32, #tpu.memory_space<vmem>>) offsets(%arg7 : memref<8xi32, #tpu.memory_space<vmem>>) semaphore(%arg11 : memref<!tpu.dma_semaphore, #tpu.memory_space<semaphore_mem>>)
    %dma_wait3A_203 = arith.constant 0 : i32
    %dma_wait3A_204 = arith.constant 0 : i32
    %dma_wait3A_205 = tpu.memref_slice %arg2[%dma_wait3A_203, %dma_wait3A_204] : memref<4096x4096xf32, #tpu.memory_space<hbm>> -> memref<4096x4096xf32, #tpu.memory_space<hbm>>
    tpu.wait_indirect_dma semaphore(%arg10 : memref<!tpu.dma_semaphore, #tpu.memory_space<semaphore_mem>>) src(%dma_wait3A_205 : memref<4096x4096xf32, #tpu.memory_space<hbm>>) dst(%arg8 : memref<8x4096xf32, #tpu.memory_space<vmem>>)
    %add3A_206 = arith.constant 64 : i32
    %add3A_207 = arith.addi %mul3A_2, %add3A_206 : i32
    %dma_start3A_208 = arith.constant 0 : i32
    %dma_start3A_209 = tpu.memref_slice %arg4[%add3A_207, %dma_start3A_208] : memref<4096x4096xf32, #tpu.memory_space<hbm>> -> memref<8x4096xf32, #tpu.memory_space<hbm>>
    %dma_start3A_210 = arith.constant 0 : i32
    %dma_start3A_211 = tpu.memref_slice %arg4[%add3A_207, %dma_start3A_210] : memref<4096x4096xf32, #tpu.memory_space<hbm>> -> memref<8x4096xf32, #tpu.memory_space<hbm>>
    tpu.enqueue_dma source(%arg8 : memref<8x4096xf32, #tpu.memory_space<vmem>>) target(%dma_start3A_211 : memref<8x4096xf32, #tpu.memory_space<hbm>>) target_semaphore(%arg12 : memref<!tpu.dma_semaphore, #tpu.memory_space<semaphore_mem>>)
    %dma_wait3A_212 = arith.constant 0 : i32
    %dma_wait3A_213 = tpu.memref_slice %arg4[%add3A_207, %dma_wait3A_212] : memref<4096x4096xf32, #tpu.memory_space<hbm>> -> memref<8x4096xf32, #tpu.memory_space<hbm>>
    %dma_wait3A_214 = arith.constant 0 : i32
    %dma_wait3A_215 = tpu.memref_slice %arg4[%add3A_207, %dma_wait3A_214] : memref<4096x4096xf32, #tpu.memory_space<hbm>> -> memref<8x4096xf32, #tpu.memory_space<hbm>>
    tpu.wait_dma2 semaphore(%arg12 : memref<!tpu.dma_semaphore, #tpu.memory_space<semaphore_mem>>) src(%arg8 : memref<8x4096xf32, #tpu.memory_space<vmem>>) dst(%dma_wait3A_215 : memref<8x4096xf32, #tpu.memory_space<hbm>>)
    %get3A_216 = arith.constant 80 : index
    %get3A_217 = tpu.vector_load %arg5[%get3A_216] {strides = array<i32>} : memref<128xi32, #tpu.memory_space<vmem>>, vector<8xi32>,
    %get3A_218 = vector.shape_cast %get3A_217 : vector<8xi32> to vector<8xi32>
    %swap3A_219 = arith.constant 0 : index
    %swap3A_220 = tpu.vector_load %arg6[%swap3A_219] {strides = array<i32>} : memref<8xi32, #tpu.memory_space<vmem>>, vector<8xi32>,
    %swap3A_221 = vector.shape_cast %swap3A_220 : vector<8xi32> to vector<8xi32>
    %swap3A_222 = vector.shape_cast %get3A_218 : vector<8xi32> to vector<8xi32>
    tpu.vector_store %arg6[%swap3A_219], %swap3A_222 {strides = array<i32>} : memref<8xi32, #tpu.memory_space<vmem>>, vector<8xi32>,
    %dma_start3A_223 = arith.constant 0 : i32
    %dma_start3A_224 = arith.constant 0 : i32
    %dma_start3A_225 = tpu.memref_slice %arg2[%dma_start3A_223, %dma_start3A_224] : memref<4096x4096xf32, #tpu.memory_space<hbm>> -> memref<4096x4096xf32, #tpu.memory_space<hbm>>
    tpu.enqueue_indirect_dma source(%dma_start3A_225 : memref<4096x4096xf32, #tpu.memory_space<hbm>>) target(%arg8 : memref<8x4096xf32, #tpu.memory_space<vmem>>) offsets(%arg6 : memref<8xi32, #tpu.memory_space<vmem>>) semaphore(%arg10 : memref<!tpu.dma_semaphore, #tpu.memory_space<semaphore_mem>>)
    %dma_wait3A_226 = arith.constant 0 : i32
    %dma_wait3A_227 = arith.constant 0 : i32
    %dma_wait3A_228 = tpu.memref_slice %arg2[%dma_wait3A_226, %dma_wait3A_227] : memref<4096x4096xf32, #tpu.memory_space<hbm>> -> memref<4096x4096xf32, #tpu.memory_space<hbm>>
    tpu.wait_indirect_dma semaphore(%arg11 : memref<!tpu.dma_semaphore, #tpu.memory_space<semaphore_mem>>) src(%dma_wait3A_228 : memref<4096x4096xf32, #tpu.memory_space<hbm>>) dst(%arg9 : memref<8x4096xf32, #tpu.memory_space<vmem>>)
    %add3A_229 = arith.constant 72 : i32
    %add3A_230 = arith.addi %mul3A_2, %add3A_229 : i32
    %dma_start3A_231 = arith.constant 0 : i32
    %dma_start3A_232 = tpu.memref_slice %arg4[%add3A_230, %dma_start3A_231] : memref<4096x4096xf32, #tpu.memory_space<hbm>> -> memref<8x4096xf32, #tpu.memory_space<hbm>>
    %dma_start3A_233 = arith.constant 0 : i32
    %dma_start3A_234 = tpu.memref_slice %arg4[%add3A_230, %dma_start3A_233] : memref<4096x4096xf32, #tpu.memory_space<hbm>> -> memref<8x4096xf32, #tpu.memory_space<hbm>>
    tpu.enqueue_dma source(%arg9 : memref<8x4096xf32, #tpu.memory_space<vmem>>) target(%dma_start3A_234 : memref<8x4096xf32, #tpu.memory_space<hbm>>) target_semaphore(%arg13 : memref<!tpu.dma_semaphore, #tpu.memory_space<semaphore_mem>>)
    %dma_wait3A_235 = arith.constant 0 : i32
    %dma_wait3A_236 = tpu.memref_slice %arg4[%add3A_230, %dma_wait3A_235] : memref<4096x4096xf32, #tpu.memory_space<hbm>> -> memref<8x4096xf32, #tpu.memory_space<hbm>>
    %dma_wait3A_237 = arith.constant 0 : i32
    %dma_wait3A_238 = tpu.memref_slice %arg4[%add3A_230, %dma_wait3A_237] : memref<4096x4096xf32, #tpu.memory_space<hbm>> -> memref<8x4096xf32, #tpu.memory_space<hbm>>
    tpu.wait_dma2 semaphore(%arg13 : memref<!tpu.dma_semaphore, #tpu.memory_space<semaphore_mem>>) src(%arg9 : memref<8x4096xf32, #tpu.memory_space<vmem>>) dst(%dma_wait3A_238 : memref<8x4096xf32, #tpu.memory_space<hbm>>)
    %get3A_239 = arith.constant 88 : index
    %get3A_240 = tpu.vector_load %arg5[%get3A_239] {strides = array<i32>} : memref<128xi32, #tpu.memory_space<vmem>>, vector<8xi32>,
    %get3A_241 = vector.shape_cast %get3A_240 : vector<8xi32> to vector<8xi32>
    %swap3A_242 = arith.constant 0 : index
    %swap3A_243 = tpu.vector_load %arg7[%swap3A_242] {strides = array<i32>} : memref<8xi32, #tpu.memory_space<vmem>>, vector<8xi32>,
    %swap3A_244 = vector.shape_cast %swap3A_243 : vector<8xi32> to vector<8xi32>
    %swap3A_245 = vector.shape_cast %get3A_241 : vector<8xi32> to vector<8xi32>
    tpu.vector_store %arg7[%swap3A_242], %swap3A_245 {strides = array<i32>} : memref<8xi32, #tpu.memory_space<vmem>>, vector<8xi32>,
    %dma_start3A_246 = arith.constant 0 : i32
    %dma_start3A_247 = arith.constant 0 : i32
    %dma_start3A_248 = tpu.memref_slice %arg2[%dma_start3A_246, %dma_start3A_247] : memref<4096x4096xf32, #tpu.memory_space<hbm>> -> memref<4096x4096xf32, #tpu.memory_space<hbm>>
    tpu.enqueue_indirect_dma source(%dma_start3A_248 : memref<4096x4096xf32, #tpu.memory_space<hbm>>) target(%arg9 : memref<8x4096xf32, #tpu.memory_space<vmem>>) offsets(%arg7 : memref<8xi32, #tpu.memory_space<vmem>>) semaphore(%arg11 : memref<!tpu.dma_semaphore, #tpu.memory_space<semaphore_mem>>)
    %dma_wait3A_249 = arith.constant 0 : i32
    %dma_wait3A_250 = arith.constant 0 : i32
    %dma_wait3A_251 = tpu.memref_slice %arg2[%dma_wait3A_249, %dma_wait3A_250] : memref<4096x4096xf32, #tpu.memory_space<hbm>> -> memref<4096x4096xf32, #tpu.memory_space<hbm>>
    tpu.wait_indirect_dma semaphore(%arg10 : memref<!tpu.dma_semaphore, #tpu.memory_space<semaphore_mem>>) src(%dma_wait3A_251 : memref<4096x4096xf32, #tpu.memory_space<hbm>>) dst(%arg8 : memref<8x4096xf32, #tpu.memory_space<vmem>>)
    %add3A_252 = arith.constant 80 : i32
    %add3A_253 = arith.addi %mul3A_2, %add3A_252 : i32
    %dma_start3A_254 = arith.constant 0 : i32
    %dma_start3A_255 = tpu.memref_slice %arg4[%add3A_253, %dma_start3A_254] : memref<4096x4096xf32, #tpu.memory_space<hbm>> -> memref<8x4096xf32, #tpu.memory_space<hbm>>
    %dma_start3A_256 = arith.constant 0 : i32
    %dma_start3A_257 = tpu.memref_slice %arg4[%add3A_253, %dma_start3A_256] : memref<4096x4096xf32, #tpu.memory_space<hbm>> -> memref<8x4096xf32, #tpu.memory_space<hbm>>
    tpu.enqueue_dma source(%arg8 : memref<8x4096xf32, #tpu.memory_space<vmem>>) target(%dma_start3A_257 : memref<8x4096xf32, #tpu.memory_space<hbm>>) target_semaphore(%arg12 : memref<!tpu.dma_semaphore, #tpu.memory_space<semaphore_mem>>)
    %dma_wait3A_258 = arith.constant 0 : i32
    %dma_wait3A_259 = tpu.memref_slice %arg4[%add3A_253, %dma_wait3A_258] : memref<4096x4096xf32, #tpu.memory_space<hbm>> -> memref<8x4096xf32, #tpu.memory_space<hbm>>
    %dma_wait3A_260 = arith.constant 0 : i32
    %dma_wait3A_261 = tpu.memref_slice %arg4[%add3A_253, %dma_wait3A_260] : memref<4096x4096xf32, #tpu.memory_space<hbm>> -> memref<8x4096xf32, #tpu.memory_space<hbm>>
    tpu.wait_dma2 semaphore(%arg12 : memref<!tpu.dma_semaphore, #tpu.memory_space<semaphore_mem>>) src(%arg8 : memref<8x4096xf32, #tpu.memory_space<vmem>>) dst(%dma_wait3A_261 : memref<8x4096xf32, #tpu.memory_space<hbm>>)
    %get3A_262 = arith.constant 96 : index
    %get3A_263 = tpu.vector_load %arg5[%get3A_262] {strides = array<i32>} : memref<128xi32, #tpu.memory_space<vmem>>, vector<8xi32>,
    %get3A_264 = vector.shape_cast %get3A_263 : vector<8xi32> to vector<8xi32>
    %swap3A_265 = arith.constant 0 : index
    %swap3A_266 = tpu.vector_load %arg6[%swap3A_265] {strides = array<i32>} : memref<8xi32, #tpu.memory_space<vmem>>, vector<8xi32>,
    %swap3A_267 = vector.shape_cast %swap3A_266 : vector<8xi32> to vector<8xi32>
    %swap3A_268 = vector.shape_cast %get3A_264 : vector<8xi32> to vector<8xi32>
    tpu.vector_store %arg6[%swap3A_265], %swap3A_268 {strides = array<i32>} : memref<8xi32, #tpu.memory_space<vmem>>, vector<8xi32>,
    %dma_start3A_269 = arith.constant 0 : i32
    %dma_start3A_270 = arith.constant 0 : i32
    %dma_start3A_271 = tpu.memref_slice %arg2[%dma_start3A_269, %dma_start3A_270] : memref<4096x4096xf32, #tpu.memory_space<hbm>> -> memref<4096x4096xf32, #tpu.memory_space<hbm>>
    tpu.enqueue_indirect_dma source(%dma_start3A_271 : memref<4096x4096xf32, #tpu.memory_space<hbm>>) target(%arg8 : memref<8x4096xf32, #tpu.memory_space<vmem>>) offsets(%arg6 : memref<8xi32, #tpu.memory_space<vmem>>) semaphore(%arg10 : memref<!tpu.dma_semaphore, #tpu.memory_space<semaphore_mem>>)
    %dma_wait3A_272 = arith.constant 0 : i32
    %dma_wait3A_273 = arith.constant 0 : i32
    %dma_wait3A_274 = tpu.memref_slice %arg2[%dma_wait3A_272, %dma_wait3A_273] : memref<4096x4096xf32, #tpu.memory_space<hbm>> -> memref<4096x4096xf32, #tpu.memory_space<hbm>>
    tpu.wait_indirect_dma semaphore(%arg11 : memref<!tpu.dma_semaphore, #tpu.memory_space<semaphore_mem>>) src(%dma_wait3A_274 : memref<4096x4096xf32, #tpu.memory_space<hbm>>) dst(%arg9 : memref<8x4096xf32, #tpu.memory_space<vmem>>)
    %add3A_275 = arith.constant 88 : i32
    %add3A_276 = arith.addi %mul3A_2, %add3A_275 : i32
    %dma_start3A_277 = arith.constant 0 : i32
    %dma_start3A_278 = tpu.memref_slice %arg4[%add3A_276, %dma_start3A_277] : memref<4096x4096xf32, #tpu.memory_space<hbm>> -> memref<8x4096xf32, #tpu.memory_space<hbm>>
    %dma_start3A_279 = arith.constant 0 : i32
    %dma_start3A_280 = tpu.memref_slice %arg4[%add3A_276, %dma_start3A_279] : memref<4096x4096xf32, #tpu.memory_space<hbm>> -> memref<8x4096xf32, #tpu.memory_space<hbm>>
    tpu.enqueue_dma source(%arg9 : memref<8x4096xf32, #tpu.memory_space<vmem>>) target(%dma_start3A_280 : memref<8x4096xf32, #tpu.memory_space<hbm>>) target_semaphore(%arg13 : memref<!tpu.dma_semaphore, #tpu.memory_space<semaphore_mem>>)
    %dma_wait3A_281 = arith.constant 0 : i32
    %dma_wait3A_282 = tpu.memref_slice %arg4[%add3A_276, %dma_wait3A_281] : memref<4096x4096xf32, #tpu.memory_space<hbm>> -> memref<8x4096xf32, #tpu.memory_space<hbm>>
    %dma_wait3A_283 = arith.constant 0 : i32
    %dma_wait3A_284 = tpu.memref_slice %arg4[%add3A_276, %dma_wait3A_283] : memref<4096x4096xf32, #tpu.memory_space<hbm>> -> memref<8x4096xf32, #tpu.memory_space<hbm>>
    tpu.wait_dma2 semaphore(%arg13 : memref<!tpu.dma_semaphore, #tpu.memory_space<semaphore_mem>>) src(%arg9 : memref<8x4096xf32, #tpu.memory_space<vmem>>) dst(%dma_wait3A_284 : memref<8x4096xf32, #tpu.memory_space<hbm>>)
    %get3A_285 = arith.constant 104 : index
    %get3A_286 = tpu.vector_load %arg5[%get3A_285] {strides = array<i32>} : memref<128xi32, #tpu.memory_space<vmem>>, vector<8xi32>,
    %get3A_287 = vector.shape_cast %get3A_286 : vector<8xi32> to vector<8xi32>
    %swap3A_288 = arith.constant 0 : index
    %swap3A_289 = tpu.vector_load %arg7[%swap3A_288] {strides = array<i32>} : memref<8xi32, #tpu.memory_space<vmem>>, vector<8xi32>,
    %swap3A_290 = vector.shape_cast %swap3A_289 : vector<8xi32> to vector<8xi32>
    %swap3A_291 = vector.shape_cast %get3A_287 : vector<8xi32> to vector<8xi32>
    tpu.vector_store %arg7[%swap3A_288], %swap3A_291 {strides = array<i32>} : memref<8xi32, #tpu.memory_space<vmem>>, vector<8xi32>,
    %dma_start3A_292 = arith.constant 0 : i32
    %dma_start3A_293 = arith.constant 0 : i32
    %dma_start3A_294 = tpu.memref_slice %arg2[%dma_start3A_292, %dma_start3A_293] : memref<4096x4096xf32, #tpu.memory_space<hbm>> -> memref<4096x4096xf32, #tpu.memory_space<hbm>>
    tpu.enqueue_indirect_dma source(%dma_start3A_294 : memref<4096x4096xf32, #tpu.memory_space<hbm>>) target(%arg9 : memref<8x4096xf32, #tpu.memory_space<vmem>>) offsets(%arg7 : memref<8xi32, #tpu.memory_space<vmem>>) semaphore(%arg11 : memref<!tpu.dma_semaphore, #tpu.memory_space<semaphore_mem>>)
    %dma_wait3A_295 = arith.constant 0 : i32
    %dma_wait3A_296 = arith.constant 0 : i32
    %dma_wait3A_297 = tpu.memref_slice %arg2[%dma_wait3A_295, %dma_wait3A_296] : memref<4096x4096xf32, #tpu.memory_space<hbm>> -> memref<4096x4096xf32, #tpu.memory_space<hbm>>
    tpu.wait_indirect_dma semaphore(%arg10 : memref<!tpu.dma_semaphore, #tpu.memory_space<semaphore_mem>>) src(%dma_wait3A_297 : memref<4096x4096xf32, #tpu.memory_space<hbm>>) dst(%arg8 : memref<8x4096xf32, #tpu.memory_space<vmem>>)
    %add3A_298 = arith.constant 96 : i32
    %add3A_299 = arith.addi %mul3A_2, %add3A_298 : i32
    %dma_start3A_300 = arith.constant 0 : i32
    %dma_start3A_301 = tpu.memref_slice %arg4[%add3A_299, %dma_start3A_300] : memref<4096x4096xf32, #tpu.memory_space<hbm>> -> memref<8x4096xf32, #tpu.memory_space<hbm>>
    %dma_start3A_302 = arith.constant 0 : i32
    %dma_start3A_303 = tpu.memref_slice %arg4[%add3A_299, %dma_start3A_302] : memref<4096x4096xf32, #tpu.memory_space<hbm>> -> memref<8x4096xf32, #tpu.memory_space<hbm>>
    tpu.enqueue_dma source(%arg8 : memref<8x4096xf32, #tpu.memory_space<vmem>>) target(%dma_start3A_303 : memref<8x4096xf32, #tpu.memory_space<hbm>>) target_semaphore(%arg12 : memref<!tpu.dma_semaphore, #tpu.memory_space<semaphore_mem>>)
    %dma_wait3A_304 = arith.constant 0 : i32
    %dma_wait3A_305 = tpu.memref_slice %arg4[%add3A_299, %dma_wait3A_304] : memref<4096x4096xf32, #tpu.memory_space<hbm>> -> memref<8x4096xf32, #tpu.memory_space<hbm>>
    %dma_wait3A_306 = arith.constant 0 : i32
    %dma_wait3A_307 = tpu.memref_slice %arg4[%add3A_299, %dma_wait3A_306] : memref<4096x4096xf32, #tpu.memory_space<hbm>> -> memref<8x4096xf32, #tpu.memory_space<hbm>>
    tpu.wait_dma2 semaphore(%arg12 : memref<!tpu.dma_semaphore, #tpu.memory_space<semaphore_mem>>) src(%arg8 : memref<8x4096xf32, #tpu.memory_space<vmem>>) dst(%dma_wait3A_307 : memref<8x4096xf32, #tpu.memory_space<hbm>>)
    %get3A_308 = arith.constant 112 : index
    %get3A_309 = tpu.vector_load %arg5[%get3A_308] {strides = array<i32>} : memref<128xi32, #tpu.memory_space<vmem>>, vector<8xi32>,
    %get3A_310 = vector.shape_cast %get3A_309 : vector<8xi32> to vector<8xi32>
    %swap3A_311 = arith.constant 0 : index
    %swap3A_312 = tpu.vector_load %arg6[%swap3A_311] {strides = array<i32>} : memref<8xi32, #tpu.memory_space<vmem>>, vector<8xi32>,
    %swap3A_313 = vector.shape_cast %swap3A_312 : vector<8xi32> to vector<8xi32>
    %swap3A_314 = vector.shape_cast %get3A_310 : vector<8xi32> to vector<8xi32>
    tpu.vector_store %arg6[%swap3A_311], %swap3A_314 {strides = array<i32>} : memref<8xi32, #tpu.memory_space<vmem>>, vector<8xi32>,
    %dma_start3A_315 = arith.constant 0 : i32
    %dma_start3A_316 = arith.constant 0 : i32
    %dma_start3A_317 = tpu.memref_slice %arg2[%dma_start3A_315, %dma_start3A_316] : memref<4096x4096xf32, #tpu.memory_space<hbm>> -> memref<4096x4096xf32, #tpu.memory_space<hbm>>
    tpu.enqueue_indirect_dma source(%dma_start3A_317 : memref<4096x4096xf32, #tpu.memory_space<hbm>>) target(%arg8 : memref<8x4096xf32, #tpu.memory_space<vmem>>) offsets(%arg6 : memref<8xi32, #tpu.memory_space<vmem>>) semaphore(%arg10 : memref<!tpu.dma_semaphore, #tpu.memory_space<semaphore_mem>>)
    %dma_wait3A_318 = arith.constant 0 : i32
    %dma_wait3A_319 = arith.constant 0 : i32
    %dma_wait3A_320 = tpu.memref_slice %arg2[%dma_wait3A_318, %dma_wait3A_319] : memref<4096x4096xf32, #tpu.memory_space<hbm>> -> memref<4096x4096xf32, #tpu.memory_space<hbm>>
    tpu.wait_indirect_dma semaphore(%arg11 : memref<!tpu.dma_semaphore, #tpu.memory_space<semaphore_mem>>) src(%dma_wait3A_320 : memref<4096x4096xf32, #tpu.memory_space<hbm>>) dst(%arg9 : memref<8x4096xf32, #tpu.memory_space<vmem>>)
    %add3A_321 = arith.constant 104 : i32
    %add3A_322 = arith.addi %mul3A_2, %add3A_321 : i32
    %dma_start3A_323 = arith.constant 0 : i32
    %dma_start3A_324 = tpu.memref_slice %arg4[%add3A_322, %dma_start3A_323] : memref<4096x4096xf32, #tpu.memory_space<hbm>> -> memref<8x4096xf32, #tpu.memory_space<hbm>>
    %dma_start3A_325 = arith.constant 0 : i32
    %dma_start3A_326 = tpu.memref_slice %arg4[%add3A_322, %dma_start3A_325] : memref<4096x4096xf32, #tpu.memory_space<hbm>> -> memref<8x4096xf32, #tpu.memory_space<hbm>>
    tpu.enqueue_dma source(%arg9 : memref<8x4096xf32, #tpu.memory_space<vmem>>) target(%dma_start3A_326 : memref<8x4096xf32, #tpu.memory_space<hbm>>) target_semaphore(%arg13 : memref<!tpu.dma_semaphore, #tpu.memory_space<semaphore_mem>>)
    %dma_wait3A_327 = arith.constant 0 : i32
    %dma_wait3A_328 = tpu.memref_slice %arg4[%add3A_322, %dma_wait3A_327] : memref<4096x4096xf32, #tpu.memory_space<hbm>> -> memref<8x4096xf32, #tpu.memory_space<hbm>>
    %dma_wait3A_329 = arith.constant 0 : i32
    %dma_wait3A_330 = tpu.memref_slice %arg4[%add3A_322, %dma_wait3A_329] : memref<4096x4096xf32, #tpu.memory_space<hbm>> -> memref<8x4096xf32, #tpu.memory_space<hbm>>
    tpu.wait_dma2 semaphore(%arg13 : memref<!tpu.dma_semaphore, #tpu.memory_space<semaphore_mem>>) src(%arg9 : memref<8x4096xf32, #tpu.memory_space<vmem>>) dst(%dma_wait3A_330 : memref<8x4096xf32, #tpu.memory_space<hbm>>)
    %get3A_331 = arith.constant 120 : index
    %get3A_332 = tpu.vector_load %arg5[%get3A_331] {strides = array<i32>} : memref<128xi32, #tpu.memory_space<vmem>>, vector<8xi32>,
    %get3A_333 = vector.shape_cast %get3A_332 : vector<8xi32> to vector<8xi32>
    %swap3A_334 = arith.constant 0 : index
    %swap3A_335 = tpu.vector_load %arg7[%swap3A_334] {strides = array<i32>} : memref<8xi32, #tpu.memory_space<vmem>>, vector<8xi32>,
    %swap3A_336 = vector.shape_cast %swap3A_335 : vector<8xi32> to vector<8xi32>
    %swap3A_337 = vector.shape_cast %get3A_333 : vector<8xi32> to vector<8xi32>
    tpu.vector_store %arg7[%swap3A_334], %swap3A_337 {strides = array<i32>} : memref<8xi32, #tpu.memory_space<vmem>>, vector<8xi32>,
    %dma_start3A_338 = arith.constant 0 : i32
    %dma_start3A_339 = arith.constant 0 : i32
    %dma_start3A_340 = tpu.memref_slice %arg2[%dma_start3A_338, %dma_start3A_339] : memref<4096x4096xf32, #tpu.memory_space<hbm>> -> memref<4096x4096xf32, #tpu.memory_space<hbm>>
    tpu.enqueue_indirect_dma source(%dma_start3A_340 : memref<4096x4096xf32, #tpu.memory_space<hbm>>) target(%arg9 : memref<8x4096xf32, #tpu.memory_space<vmem>>) offsets(%arg7 : memref<8xi32, #tpu.memory_space<vmem>>) semaphore(%arg11 : memref<!tpu.dma_semaphore, #tpu.memory_space<semaphore_mem>>)
    %dma_wait3A_341 = arith.constant 0 : i32
    %dma_wait3A_342 = arith.constant 0 : i32
    %dma_wait3A_343 = tpu.memref_slice %arg2[%dma_wait3A_341, %dma_wait3A_342] : memref<4096x4096xf32, #tpu.memory_space<hbm>> -> memref<4096x4096xf32, #tpu.memory_space<hbm>>
    tpu.wait_indirect_dma semaphore(%arg10 : memref<!tpu.dma_semaphore, #tpu.memory_space<semaphore_mem>>) src(%dma_wait3A_343 : memref<4096x4096xf32, #tpu.memory_space<hbm>>) dst(%arg8 : memref<8x4096xf32, #tpu.memory_space<vmem>>)
    %add3A_344 = arith.constant 112 : i32
    %add3A_345 = arith.addi %mul3A_2, %add3A_344 : i32
    %dma_start3A_346 = arith.constant 0 : i32
    %dma_start3A_347 = tpu.memref_slice %arg4[%add3A_345, %dma_start3A_346] : memref<4096x4096xf32, #tpu.memory_space<hbm>> -> memref<8x4096xf32, #tpu.memory_space<hbm>>
    %dma_start3A_348 = arith.constant 0 : i32
    %dma_start3A_349 = tpu.memref_slice %arg4[%add3A_345, %dma_start3A_348] : memref<4096x4096xf32, #tpu.memory_space<hbm>> -> memref<8x4096xf32, #tpu.memory_space<hbm>>
    tpu.enqueue_dma source(%arg8 : memref<8x4096xf32, #tpu.memory_space<vmem>>) target(%dma_start3A_349 : memref<8x4096xf32, #tpu.memory_space<hbm>>) target_semaphore(%arg12 : memref<!tpu.dma_semaphore, #tpu.memory_space<semaphore_mem>>)
    %dma_wait3A_350 = arith.constant 0 : i32
    %dma_wait3A_351 = arith.constant 0 : i32
    %dma_wait3A_352 = tpu.memref_slice %arg2[%dma_wait3A_350, %dma_wait3A_351] : memref<4096x4096xf32, #tpu.memory_space<hbm>> -> memref<4096x4096xf32, #tpu.memory_space<hbm>>
    tpu.wait_indirect_dma semaphore(%arg11 : memref<!tpu.dma_semaphore, #tpu.memory_space<semaphore_mem>>) src(%dma_wait3A_352 : memref<4096x4096xf32, #tpu.memory_space<hbm>>) dst(%arg9 : memref<8x4096xf32, #tpu.memory_space<vmem>>)
    %add3A_353 = arith.constant 120 : i32
    %add3A_354 = arith.addi %mul3A_2, %add3A_353 : i32
    %dma_start3A_355 = arith.constant 0 : i32
    %dma_start3A_356 = tpu.memref_slice %arg4[%add3A_354, %dma_start3A_355] : memref<4096x4096xf32, #tpu.memory_space<hbm>> -> memref<8x4096xf32, #tpu.memory_space<hbm>>
    %dma_start3A_357 = arith.constant 0 : i32
    %dma_start3A_358 = tpu.memref_slice %arg4[%add3A_354, %dma_start3A_357] : memref<4096x4096xf32, #tpu.memory_space<hbm>> -> memref<8x4096xf32, #tpu.memory_space<hbm>>
    tpu.enqueue_dma source(%arg9 : memref<8x4096xf32, #tpu.memory_space<vmem>>) target(%dma_start3A_358 : memref<8x4096xf32, #tpu.memory_space<hbm>>) target_semaphore(%arg13 : memref<!tpu.dma_semaphore, #tpu.memory_space<semaphore_mem>>)
    %dma_wait3A_359 = arith.constant 0 : i32
    %dma_wait3A_360 = tpu.memref_slice %arg4[%add3A_345, %dma_wait3A_359] : memref<4096x4096xf32, #tpu.memory_space<hbm>> -> memref<8x4096xf32, #tpu.memory_space<hbm>>
    %dma_wait3A_361 = arith.constant 0 : i32
    %dma_wait3A_362 = tpu.memref_slice %arg4[%add3A_345, %dma_wait3A_361] : memref<4096x4096xf32, #tpu.memory_space<hbm>> -> memref<8x4096xf32, #tpu.memory_space<hbm>>
    tpu.wait_dma2 semaphore(%arg12 : memref<!tpu.dma_semaphore, #tpu.memory_space<semaphore_mem>>) src(%arg8 : memref<8x4096xf32, #tpu.memory_space<vmem>>) dst(%dma_wait3A_362 : memref<8x4096xf32, #tpu.memory_space<hbm>>)
    %dma_wait3A_363 = arith.constant 0 : i32
    %dma_wait3A_364 = tpu.memref_slice %arg4[%add3A_354, %dma_wait3A_363] : memref<4096x4096xf32, #tpu.memory_space<hbm>> -> memref<8x4096xf32, #tpu.memory_space<hbm>>
    %dma_wait3A_365 = arith.constant 0 : i32
    %dma_wait3A_366 = tpu.memref_slice %arg4[%add3A_354, %dma_wait3A_365] : memref<4096x4096xf32, #tpu.memory_space<hbm>> -> memref<8x4096xf32, #tpu.memory_space<hbm>>
    tpu.wait_dma2 semaphore(%arg13 : memref<!tpu.dma_semaphore, #tpu.memory_space<semaphore_mem>>) src(%arg9 : memref<8x4096xf32, #tpu.memory_space<vmem>>) dst(%dma_wait3A_366 : memref<8x4096xf32, #tpu.memory_space<hbm>>)
    return
  }
}

#map = affine_map<(d0, d1) -> (0, 0)>
#map1 = affine_map<(d0, d1) -> (0)>
module attributes {stable_mosaic.version = 14 : i64} {
  func.func @_combine_body(%arg0: i32, %arg1: i32, %arg2: memref<4096x1024xf32, #tpu.memory_space<hbm>>, %arg3: memref<2048xi32, #tpu.memory_space<hbm>>, %arg4: memref<2048xi32, #tpu.memory_space<hbm>>, %arg5: memref<2048x1024xf32, #tpu.memory_space<hbm>>, %arg6: memref<64xi32, #tpu.memory_space<vmem>>, %arg7: memref<64xi32, #tpu.memory_space<vmem>>, %arg8: memref<16xi32, #tpu.memory_space<vmem>>, %arg9: memref<16xi32, #tpu.memory_space<vmem>>, %arg10: memref<16xi32, #tpu.memory_space<vmem>>, %arg11: memref<16xi32, #tpu.memory_space<vmem>>, %arg12: memref<16x1024xf32, #tpu.memory_space<vmem>>, %arg13: memref<16x1024xf32, #tpu.memory_space<vmem>>, %arg14: memref<16x1024xf32, #tpu.memory_space<vmem>>, %arg15: memref<16x1024xf32, #tpu.memory_space<vmem>>, %arg16: memref<!tpu.dma_semaphore, #tpu.memory_space<semaphore_mem>>, %arg17: memref<!tpu.dma_semaphore, #tpu.memory_space<semaphore_mem>>, %arg18: memref<!tpu.dma_semaphore, #tpu.memory_space<semaphore_mem>>, %arg19: memref<!tpu.dma_semaphore, #tpu.memory_space<semaphore_mem>>, %arg20: memref<!tpu.dma_semaphore, #tpu.memory_space<semaphore_mem>>, %arg21: memref<!tpu.dma_semaphore, #tpu.memory_space<semaphore_mem>>) attributes {dimension_semantics = [#tpu.dimension_semantics<core_parallel>, #tpu.dimension_semantics<subcore_parallel>], iteration_bounds = array<i64: 2, 16>, scalar_prefetch = 0 : i64, scratch_operands = 16 : i64, tpu.core_type = #tpu.core_type<sc_vector_subcore>, window_params = [{transform_indices = #map}, {transform_indices = #map1}, {transform_indices = #map1}, {transform_indices = #map}]} {
    %mul3A = arith.constant 2 : i32
    %mul3A_0 = arith.muli %arg1, %mul3A : i32
    %add3A = arith.addi %mul3A_0, %arg0 : i32
    %mul3A_1 = arith.constant 64 : i32
    %mul3A_2 = arith.muli %add3A, %mul3A_1 : i32
    "tpu.region"() ({
      %run_scoped3A = tpu.sem_alloc : memref<!tpu.dma_semaphore, #tpu.memory_space<semaphore_mem>>
      %dma_start3A_162 = tpu.memref_slice %arg3[%mul3A_2] : memref<2048xi32, #tpu.memory_space<hbm>> -> memref<64xi32, #tpu.memory_space<hbm>>
      %dma_start3A_163 = tpu.memref_slice %arg3[%mul3A_2] : memref<2048xi32, #tpu.memory_space<hbm>> -> memref<64xi32, #tpu.memory_space<hbm>>
      tpu.enqueue_dma source(%dma_start3A_163 : memref<64xi32, #tpu.memory_space<hbm>>) target(%arg6 : memref<64xi32, #tpu.memory_space<vmem>>) target_semaphore(%run_scoped3A : memref<!tpu.dma_semaphore, #tpu.memory_space<semaphore_mem>>)
      %dma_wait3A_164 = tpu.memref_slice %arg3[%mul3A_2] : memref<2048xi32, #tpu.memory_space<hbm>> -> memref<64xi32, #tpu.memory_space<hbm>>
      %dma_wait3A_165 = tpu.memref_slice %arg3[%mul3A_2] : memref<2048xi32, #tpu.memory_space<hbm>> -> memref<64xi32, #tpu.memory_space<hbm>>
      tpu.wait_dma2 semaphore(%run_scoped3A : memref<!tpu.dma_semaphore, #tpu.memory_space<semaphore_mem>>) src(%dma_wait3A_165 : memref<64xi32, #tpu.memory_space<hbm>>) dst(%arg6 : memref<64xi32, #tpu.memory_space<vmem>>)
      tpu.yield
    }) : () -> ()
    "tpu.region"() ({
      %run_scoped3A = tpu.sem_alloc : memref<!tpu.dma_semaphore, #tpu.memory_space<semaphore_mem>>
      %dma_start3A_162 = tpu.memref_slice %arg4[%mul3A_2] : memref<2048xi32, #tpu.memory_space<hbm>> -> memref<64xi32, #tpu.memory_space<hbm>>
      %dma_start3A_163 = tpu.memref_slice %arg4[%mul3A_2] : memref<2048xi32, #tpu.memory_space<hbm>> -> memref<64xi32, #tpu.memory_space<hbm>>
      tpu.enqueue_dma source(%dma_start3A_163 : memref<64xi32, #tpu.memory_space<hbm>>) target(%arg7 : memref<64xi32, #tpu.memory_space<vmem>>) target_semaphore(%run_scoped3A : memref<!tpu.dma_semaphore, #tpu.memory_space<semaphore_mem>>)
      %dma_wait3A_164 = tpu.memref_slice %arg4[%mul3A_2] : memref<2048xi32, #tpu.memory_space<hbm>> -> memref<64xi32, #tpu.memory_space<hbm>>
      %dma_wait3A_165 = tpu.memref_slice %arg4[%mul3A_2] : memref<2048xi32, #tpu.memory_space<hbm>> -> memref<64xi32, #tpu.memory_space<hbm>>
      tpu.wait_dma2 semaphore(%run_scoped3A : memref<!tpu.dma_semaphore, #tpu.memory_space<semaphore_mem>>) src(%dma_wait3A_165 : memref<64xi32, #tpu.memory_space<hbm>>) dst(%arg7 : memref<64xi32, #tpu.memory_space<vmem>>)
      tpu.yield
    }) : () -> ()
    %get3A = arith.constant 0 : index
    %get3A_3 = tpu.vector_load %arg6[%get3A] {strides = array<i32>} : memref<64xi32, #tpu.memory_space<vmem>>, vector<16xi32>,
    %get3A_4 = vector.shape_cast %get3A_3 : vector<16xi32> to vector<16xi32>
    %swap3A = arith.constant 0 : index
    %swap3A_5 = tpu.vector_load %arg8[%swap3A] {strides = array<i32>} : memref<16xi32, #tpu.memory_space<vmem>>, vector<16xi32>,
    %swap3A_6 = vector.shape_cast %swap3A_5 : vector<16xi32> to vector<16xi32>
    %swap3A_7 = vector.shape_cast %get3A_4 : vector<16xi32> to vector<16xi32>
    tpu.vector_store %arg8[%swap3A], %swap3A_7 {strides = array<i32>} : memref<16xi32, #tpu.memory_space<vmem>>, vector<16xi32>,
    %get3A_8 = arith.constant 0 : index
    %get3A_9 = tpu.vector_load %arg7[%get3A_8] {strides = array<i32>} : memref<64xi32, #tpu.memory_space<vmem>>, vector<16xi32>,
    %get3A_10 = vector.shape_cast %get3A_9 : vector<16xi32> to vector<16xi32>
    %swap3A_11 = arith.constant 0 : index
    %swap3A_12 = tpu.vector_load %arg10[%swap3A_11] {strides = array<i32>} : memref<16xi32, #tpu.memory_space<vmem>>, vector<16xi32>,
    %swap3A_13 = vector.shape_cast %swap3A_12 : vector<16xi32> to vector<16xi32>
    %swap3A_14 = vector.shape_cast %get3A_10 : vector<16xi32> to vector<16xi32>
    tpu.vector_store %arg10[%swap3A_11], %swap3A_14 {strides = array<i32>} : memref<16xi32, #tpu.memory_space<vmem>>, vector<16xi32>,
    %dma_start3A = arith.constant 0 : i32
    %dma_start3A_15 = arith.constant 0 : i32
    %dma_start3A_16 = tpu.memref_slice %arg2[%dma_start3A, %dma_start3A_15] : memref<4096x1024xf32, #tpu.memory_space<hbm>> -> memref<4096x1024xf32, #tpu.memory_space<hbm>>
    tpu.enqueue_indirect_dma source(%dma_start3A_16 : memref<4096x1024xf32, #tpu.memory_space<hbm>>) target(%arg12 : memref<16x1024xf32, #tpu.memory_space<vmem>>) offsets(%arg8 : memref<16xi32, #tpu.memory_space<vmem>>) semaphore(%arg16 : memref<!tpu.dma_semaphore, #tpu.memory_space<semaphore_mem>>)
    %dma_start3A_17 = arith.constant 0 : i32
    %dma_start3A_18 = arith.constant 0 : i32
    %dma_start3A_19 = tpu.memref_slice %arg2[%dma_start3A_17, %dma_start3A_18] : memref<4096x1024xf32, #tpu.memory_space<hbm>> -> memref<4096x1024xf32, #tpu.memory_space<hbm>>
    tpu.enqueue_indirect_dma source(%dma_start3A_19 : memref<4096x1024xf32, #tpu.memory_space<hbm>>) target(%arg14 : memref<16x1024xf32, #tpu.memory_space<vmem>>) offsets(%arg10 : memref<16xi32, #tpu.memory_space<vmem>>) semaphore(%arg18 : memref<!tpu.dma_semaphore, #tpu.memory_space<semaphore_mem>>)
    %get3A_20 = arith.constant 16 : index
    %get3A_21 = tpu.vector_load %arg6[%get3A_20] {strides = array<i32>} : memref<64xi32, #tpu.memory_space<vmem>>, vector<16xi32>,
    %get3A_22 = vector.shape_cast %get3A_21 : vector<16xi32> to vector<16xi32>
    %swap3A_23 = arith.constant 0 : index
    %swap3A_24 = tpu.vector_load %arg9[%swap3A_23] {strides = array<i32>} : memref<16xi32, #tpu.memory_space<vmem>>, vector<16xi32>,
    %swap3A_25 = vector.shape_cast %swap3A_24 : vector<16xi32> to vector<16xi32>
    %swap3A_26 = vector.shape_cast %get3A_22 : vector<16xi32> to vector<16xi32>
    tpu.vector_store %arg9[%swap3A_23], %swap3A_26 {strides = array<i32>} : memref<16xi32, #tpu.memory_space<vmem>>, vector<16xi32>,
    %get3A_27 = arith.constant 16 : index
    %get3A_28 = tpu.vector_load %arg7[%get3A_27] {strides = array<i32>} : memref<64xi32, #tpu.memory_space<vmem>>, vector<16xi32>,
    %get3A_29 = vector.shape_cast %get3A_28 : vector<16xi32> to vector<16xi32>
    %swap3A_30 = arith.constant 0 : index
    %swap3A_31 = tpu.vector_load %arg11[%swap3A_30] {strides = array<i32>} : memref<16xi32, #tpu.memory_space<vmem>>, vector<16xi32>,
    %swap3A_32 = vector.shape_cast %swap3A_31 : vector<16xi32> to vector<16xi32>
    %swap3A_33 = vector.shape_cast %get3A_29 : vector<16xi32> to vector<16xi32>
    tpu.vector_store %arg11[%swap3A_30], %swap3A_33 {strides = array<i32>} : memref<16xi32, #tpu.memory_space<vmem>>, vector<16xi32>,
    %dma_start3A_34 = arith.constant 0 : i32
    %dma_start3A_35 = arith.constant 0 : i32
    %dma_start3A_36 = tpu.memref_slice %arg2[%dma_start3A_34, %dma_start3A_35] : memref<4096x1024xf32, #tpu.memory_space<hbm>> -> memref<4096x1024xf32, #tpu.memory_space<hbm>>
    tpu.enqueue_indirect_dma source(%dma_start3A_36 : memref<4096x1024xf32, #tpu.memory_space<hbm>>) target(%arg13 : memref<16x1024xf32, #tpu.memory_space<vmem>>) offsets(%arg9 : memref<16xi32, #tpu.memory_space<vmem>>) semaphore(%arg17 : memref<!tpu.dma_semaphore, #tpu.memory_space<semaphore_mem>>)
    %dma_start3A_37 = arith.constant 0 : i32
    %dma_start3A_38 = arith.constant 0 : i32
    %dma_start3A_39 = tpu.memref_slice %arg2[%dma_start3A_37, %dma_start3A_38] : memref<4096x1024xf32, #tpu.memory_space<hbm>> -> memref<4096x1024xf32, #tpu.memory_space<hbm>>
    tpu.enqueue_indirect_dma source(%dma_start3A_39 : memref<4096x1024xf32, #tpu.memory_space<hbm>>) target(%arg15 : memref<16x1024xf32, #tpu.memory_space<vmem>>) offsets(%arg11 : memref<16xi32, #tpu.memory_space<vmem>>) semaphore(%arg19 : memref<!tpu.dma_semaphore, #tpu.memory_space<semaphore_mem>>)
    %dma_wait3A = arith.constant 0 : i32
    %dma_wait3A_40 = arith.constant 0 : i32
    %dma_wait3A_41 = tpu.memref_slice %arg2[%dma_wait3A, %dma_wait3A_40] : memref<4096x1024xf32, #tpu.memory_space<hbm>> -> memref<4096x1024xf32, #tpu.memory_space<hbm>>
    tpu.wait_indirect_dma semaphore(%arg16 : memref<!tpu.dma_semaphore, #tpu.memory_space<semaphore_mem>>) src(%dma_wait3A_41 : memref<4096x1024xf32, #tpu.memory_space<hbm>>) dst(%arg12 : memref<16x1024xf32, #tpu.memory_space<vmem>>)
    %dma_wait3A_42 = arith.constant 0 : i32
    %dma_wait3A_43 = arith.constant 0 : i32
    %dma_wait3A_44 = tpu.memref_slice %arg2[%dma_wait3A_42, %dma_wait3A_43] : memref<4096x1024xf32, #tpu.memory_space<hbm>> -> memref<4096x1024xf32, #tpu.memory_space<hbm>>
    tpu.wait_indirect_dma semaphore(%arg18 : memref<!tpu.dma_semaphore, #tpu.memory_space<semaphore_mem>>) src(%dma_wait3A_44 : memref<4096x1024xf32, #tpu.memory_space<hbm>>) dst(%arg14 : memref<16x1024xf32, #tpu.memory_space<vmem>>)
    %scan3A = arith.constant 0 : i32
    %scan3A_45 = arith.constant 16 : i32
    %scan3A_46 = arith.addi %scan3A, %scan3A_45 : i32
    %scan3A_47 = arith.constant 1 : i32
    scf.for %scan3A_162 = %scan3A to %scan3A_46 step %scan3A_47  : i32 {
      %mul3A_163 = arith.constant 1 : i32
      %mul3A_164 = arith.muli %scan3A_162, %mul3A_163 : i32
      %add3A_165 = arith.constant 0 : i32
      %add3A_166 = arith.addi %add3A_165, %mul3A_164 : i32
      %scan3A_167 = arith.constant 0 : i32
      %scan3A_168 = arith.constant 64 : i32
      %scan3A_169 = arith.addi %scan3A_167, %scan3A_168 : i32
      %scan3A_170 = arith.constant 8 : i32
      scf.for %scan3A_172 = %scan3A_167 to %scan3A_169 step %scan3A_170  : i32 {
        %mul3A_173 = arith.constant 1 : i32
        %mul3A_174 = arith.muli %scan3A_172, %mul3A_173 : i32
        %add3A_175 = arith.constant 0 : i32
        %add3A_176 = arith.addi %add3A_175, %mul3A_174 : i32
        %mul3A_177 = arith.constant 16 : i32
        %mul3A_178 = arith.muli %add3A_176, %mul3A_177 : i32
        %get3A_179 = arith.index_cast %add3A_166 : i32 to index
        %get3A_180 = arith.index_cast %mul3A_178 : i32 to index
        %get3A_181 = tpu.vector_load %arg12[%get3A_179, %get3A_180] {strides = array<i32>} : memref<16x1024xf32, #tpu.memory_space<vmem>>, vector<1x16xf32>,
        %get3A_182 = vector.shape_cast %get3A_181 : vector<1x16xf32> to vector<16xf32>
        %mul3A_183 = arith.constant 16 : i32
        %mul3A_184 = arith.muli %add3A_176, %mul3A_183 : i32
        %get3A_185 = arith.index_cast %add3A_166 : i32 to index
        %get3A_186 = arith.index_cast %mul3A_184 : i32 to index
        %get3A_187 = tpu.vector_load %arg14[%get3A_185, %get3A_186] {strides = array<i32>} : memref<16x1024xf32, #tpu.memory_space<vmem>>, vector<1x16xf32>,
        %get3A_188 = vector.shape_cast %get3A_187 : vector<1x16xf32> to vector<16xf32>
        %add3A_189 = arith.addf %get3A_182, %get3A_188 : vector<16xf32>
        %mul3A_190 = arith.constant 16 : i32
        %mul3A_191 = arith.muli %add3A_176, %mul3A_190 : i32
        %swap3A_192 = arith.index_cast %add3A_166 : i32 to index
        %swap3A_193 = arith.index_cast %mul3A_191 : i32 to index
        %swap3A_194 = tpu.vector_load %arg12[%swap3A_192, %swap3A_193] {strides = array<i32>} : memref<16x1024xf32, #tpu.memory_space<vmem>>, vector<1x16xf32>,
        %swap3A_195 = vector.shape_cast %swap3A_194 : vector<1x16xf32> to vector<16xf32>
        %swap3A_196 = vector.shape_cast %add3A_189 : vector<16xf32> to vector<1x16xf32>
        tpu.vector_store %arg12[%swap3A_192, %swap3A_193], %swap3A_196 {strides = array<i32>} : memref<16x1024xf32, #tpu.memory_space<vmem>>, vector<1x16xf32>,
        %scan3A_197 = arith.constant 1 : i32
        %scan3A_198 = arith.addi %scan3A_172, %scan3A_197 : i32
        %mul3A_199 = arith.constant 1 : i32
        %mul3A_200 = arith.muli %scan3A_198, %mul3A_199 : i32
        %add3A_201 = arith.constant 0 : i32
        %add3A_202 = arith.addi %add3A_201, %mul3A_200 : i32
        %mul3A_203 = arith.constant 16 : i32
        %mul3A_204 = arith.muli %add3A_202, %mul3A_203 : i32
        %get3A_205 = arith.index_cast %add3A_166 : i32 to index
        %get3A_206 = arith.index_cast %mul3A_204 : i32 to index
        %get3A_207 = tpu.vector_load %arg12[%get3A_205, %get3A_206] {strides = array<i32>} : memref<16x1024xf32, #tpu.memory_space<vmem>>, vector<1x16xf32>,
        %get3A_208 = vector.shape_cast %get3A_207 : vector<1x16xf32> to vector<16xf32>
        %mul3A_209 = arith.constant 16 : i32
        %mul3A_210 = arith.muli %add3A_202, %mul3A_209 : i32
        %get3A_211 = arith.index_cast %add3A_166 : i32 to index
        %get3A_212 = arith.index_cast %mul3A_210 : i32 to index
        %get3A_213 = tpu.vector_load %arg14[%get3A_211, %get3A_212] {strides = array<i32>} : memref<16x1024xf32, #tpu.memory_space<vmem>>, vector<1x16xf32>,
        %get3A_214 = vector.shape_cast %get3A_213 : vector<1x16xf32> to vector<16xf32>
        %add3A_215 = arith.addf %get3A_208, %get3A_214 : vector<16xf32>
        %mul3A_216 = arith.constant 16 : i32
        %mul3A_217 = arith.muli %add3A_202, %mul3A_216 : i32
        %swap3A_218 = arith.index_cast %add3A_166 : i32 to index
        %swap3A_219 = arith.index_cast %mul3A_217 : i32 to index
        %swap3A_220 = tpu.vector_load %arg12[%swap3A_218, %swap3A_219] {strides = array<i32>} : memref<16x1024xf32, #tpu.memory_space<vmem>>, vector<1x16xf32>,
        %swap3A_221 = vector.shape_cast %swap3A_220 : vector<1x16xf32> to vector<16xf32>
        %swap3A_222 = vector.shape_cast %add3A_215 : vector<16xf32> to vector<1x16xf32>
        tpu.vector_store %arg12[%swap3A_218, %swap3A_219], %swap3A_222 {strides = array<i32>} : memref<16x1024xf32, #tpu.memory_space<vmem>>, vector<1x16xf32>,
        %scan3A_223 = arith.constant 2 : i32
        %scan3A_224 = arith.addi %scan3A_172, %scan3A_223 : i32
        %mul3A_225 = arith.constant 1 : i32
        %mul3A_226 = arith.muli %scan3A_224, %mul3A_225 : i32
        %add3A_227 = arith.constant 0 : i32
        %add3A_228 = arith.addi %add3A_227, %mul3A_226 : i32
        %mul3A_229 = arith.constant 16 : i32
        %mul3A_230 = arith.muli %add3A_228, %mul3A_229 : i32
        %get3A_231 = arith.index_cast %add3A_166 : i32 to index
        %get3A_232 = arith.index_cast %mul3A_230 : i32 to index
        %get3A_233 = tpu.vector_load %arg12[%get3A_231, %get3A_232] {strides = array<i32>} : memref<16x1024xf32, #tpu.memory_space<vmem>>, vector<1x16xf32>,
        %get3A_234 = vector.shape_cast %get3A_233 : vector<1x16xf32> to vector<16xf32>
        %mul3A_235 = arith.constant 16 : i32
        %mul3A_236 = arith.muli %add3A_228, %mul3A_235 : i32
        %get3A_237 = arith.index_cast %add3A_166 : i32 to index
        %get3A_238 = arith.index_cast %mul3A_236 : i32 to index
        %get3A_239 = tpu.vector_load %arg14[%get3A_237, %get3A_238] {strides = array<i32>} : memref<16x1024xf32, #tpu.memory_space<vmem>>, vector<1x16xf32>,
        %get3A_240 = vector.shape_cast %get3A_239 : vector<1x16xf32> to vector<16xf32>
        %add3A_241 = arith.addf %get3A_234, %get3A_240 : vector<16xf32>
        %mul3A_242 = arith.constant 16 : i32
        %mul3A_243 = arith.muli %add3A_228, %mul3A_242 : i32
        %swap3A_244 = arith.index_cast %add3A_166 : i32 to index
        %swap3A_245 = arith.index_cast %mul3A_243 : i32 to index
        %swap3A_246 = tpu.vector_load %arg12[%swap3A_244, %swap3A_245] {strides = array<i32>} : memref<16x1024xf32, #tpu.memory_space<vmem>>, vector<1x16xf32>,
        %swap3A_247 = vector.shape_cast %swap3A_246 : vector<1x16xf32> to vector<16xf32>
        %swap3A_248 = vector.shape_cast %add3A_241 : vector<16xf32> to vector<1x16xf32>
        tpu.vector_store %arg12[%swap3A_244, %swap3A_245], %swap3A_248 {strides = array<i32>} : memref<16x1024xf32, #tpu.memory_space<vmem>>, vector<1x16xf32>,
        %scan3A_249 = arith.constant 3 : i32
        %scan3A_250 = arith.addi %scan3A_172, %scan3A_249 : i32
        %mul3A_251 = arith.constant 1 : i32
        %mul3A_252 = arith.muli %scan3A_250, %mul3A_251 : i32
        %add3A_253 = arith.constant 0 : i32
        %add3A_254 = arith.addi %add3A_253, %mul3A_252 : i32
        %mul3A_255 = arith.constant 16 : i32
        %mul3A_256 = arith.muli %add3A_254, %mul3A_255 : i32
        %get3A_257 = arith.index_cast %add3A_166 : i32 to index
        %get3A_258 = arith.index_cast %mul3A_256 : i32 to index
        %get3A_259 = tpu.vector_load %arg12[%get3A_257, %get3A_258] {strides = array<i32>} : memref<16x1024xf32, #tpu.memory_space<vmem>>, vector<1x16xf32>,
        %get3A_260 = vector.shape_cast %get3A_259 : vector<1x16xf32> to vector<16xf32>
        %mul3A_261 = arith.constant 16 : i32
        %mul3A_262 = arith.muli %add3A_254, %mul3A_261 : i32
        %get3A_263 = arith.index_cast %add3A_166 : i32 to index
        %get3A_264 = arith.index_cast %mul3A_262 : i32 to index
        %get3A_265 = tpu.vector_load %arg14[%get3A_263, %get3A_264] {strides = array<i32>} : memref<16x1024xf32, #tpu.memory_space<vmem>>, vector<1x16xf32>,
        %get3A_266 = vector.shape_cast %get3A_265 : vector<1x16xf32> to vector<16xf32>
        %add3A_267 = arith.addf %get3A_260, %get3A_266 : vector<16xf32>
        %mul3A_268 = arith.constant 16 : i32
        %mul3A_269 = arith.muli %add3A_254, %mul3A_268 : i32
        %swap3A_270 = arith.index_cast %add3A_166 : i32 to index
        %swap3A_271 = arith.index_cast %mul3A_269 : i32 to index
        %swap3A_272 = tpu.vector_load %arg12[%swap3A_270, %swap3A_271] {strides = array<i32>} : memref<16x1024xf32, #tpu.memory_space<vmem>>, vector<1x16xf32>,
        %swap3A_273 = vector.shape_cast %swap3A_272 : vector<1x16xf32> to vector<16xf32>
        %swap3A_274 = vector.shape_cast %add3A_267 : vector<16xf32> to vector<1x16xf32>
        tpu.vector_store %arg12[%swap3A_270, %swap3A_271], %swap3A_274 {strides = array<i32>} : memref<16x1024xf32, #tpu.memory_space<vmem>>, vector<1x16xf32>,
        %scan3A_275 = arith.constant 4 : i32
        %scan3A_276 = arith.addi %scan3A_172, %scan3A_275 : i32
        %mul3A_277 = arith.constant 1 : i32
        %mul3A_278 = arith.muli %scan3A_276, %mul3A_277 : i32
        %add3A_279 = arith.constant 0 : i32
        %add3A_280 = arith.addi %add3A_279, %mul3A_278 : i32
        %mul3A_281 = arith.constant 16 : i32
        %mul3A_282 = arith.muli %add3A_280, %mul3A_281 : i32
        %get3A_283 = arith.index_cast %add3A_166 : i32 to index
        %get3A_284 = arith.index_cast %mul3A_282 : i32 to index
        %get3A_285 = tpu.vector_load %arg12[%get3A_283, %get3A_284] {strides = array<i32>} : memref<16x1024xf32, #tpu.memory_space<vmem>>, vector<1x16xf32>,
        %get3A_286 = vector.shape_cast %get3A_285 : vector<1x16xf32> to vector<16xf32>
        %mul3A_287 = arith.constant 16 : i32
        %mul3A_288 = arith.muli %add3A_280, %mul3A_287 : i32
        %get3A_289 = arith.index_cast %add3A_166 : i32 to index
        %get3A_290 = arith.index_cast %mul3A_288 : i32 to index
        %get3A_291 = tpu.vector_load %arg14[%get3A_289, %get3A_290] {strides = array<i32>} : memref<16x1024xf32, #tpu.memory_space<vmem>>, vector<1x16xf32>,
        %get3A_292 = vector.shape_cast %get3A_291 : vector<1x16xf32> to vector<16xf32>
        %add3A_293 = arith.addf %get3A_286, %get3A_292 : vector<16xf32>
        %mul3A_294 = arith.constant 16 : i32
        %mul3A_295 = arith.muli %add3A_280, %mul3A_294 : i32
        %swap3A_296 = arith.index_cast %add3A_166 : i32 to index
        %swap3A_297 = arith.index_cast %mul3A_295 : i32 to index
        %swap3A_298 = tpu.vector_load %arg12[%swap3A_296, %swap3A_297] {strides = array<i32>} : memref<16x1024xf32, #tpu.memory_space<vmem>>, vector<1x16xf32>,
        %swap3A_299 = vector.shape_cast %swap3A_298 : vector<1x16xf32> to vector<16xf32>
        %swap3A_300 = vector.shape_cast %add3A_293 : vector<16xf32> to vector<1x16xf32>
        tpu.vector_store %arg12[%swap3A_296, %swap3A_297], %swap3A_300 {strides = array<i32>} : memref<16x1024xf32, #tpu.memory_space<vmem>>, vector<1x16xf32>,
        %scan3A_301 = arith.constant 5 : i32
        %scan3A_302 = arith.addi %scan3A_172, %scan3A_301 : i32
        %mul3A_303 = arith.constant 1 : i32
        %mul3A_304 = arith.muli %scan3A_302, %mul3A_303 : i32
        %add3A_305 = arith.constant 0 : i32
        %add3A_306 = arith.addi %add3A_305, %mul3A_304 : i32
        %mul3A_307 = arith.constant 16 : i32
        %mul3A_308 = arith.muli %add3A_306, %mul3A_307 : i32
        %get3A_309 = arith.index_cast %add3A_166 : i32 to index
        %get3A_310 = arith.index_cast %mul3A_308 : i32 to index
        %get3A_311 = tpu.vector_load %arg12[%get3A_309, %get3A_310] {strides = array<i32>} : memref<16x1024xf32, #tpu.memory_space<vmem>>, vector<1x16xf32>,
        %get3A_312 = vector.shape_cast %get3A_311 : vector<1x16xf32> to vector<16xf32>
        %mul3A_313 = arith.constant 16 : i32
        %mul3A_314 = arith.muli %add3A_306, %mul3A_313 : i32
        %get3A_315 = arith.index_cast %add3A_166 : i32 to index
        %get3A_316 = arith.index_cast %mul3A_314 : i32 to index
        %get3A_317 = tpu.vector_load %arg14[%get3A_315, %get3A_316] {strides = array<i32>} : memref<16x1024xf32, #tpu.memory_space<vmem>>, vector<1x16xf32>,
        %get3A_318 = vector.shape_cast %get3A_317 : vector<1x16xf32> to vector<16xf32>
        %add3A_319 = arith.addf %get3A_312, %get3A_318 : vector<16xf32>
        %mul3A_320 = arith.constant 16 : i32
        %mul3A_321 = arith.muli %add3A_306, %mul3A_320 : i32
        %swap3A_322 = arith.index_cast %add3A_166 : i32 to index
        %swap3A_323 = arith.index_cast %mul3A_321 : i32 to index
        %swap3A_324 = tpu.vector_load %arg12[%swap3A_322, %swap3A_323] {strides = array<i32>} : memref<16x1024xf32, #tpu.memory_space<vmem>>, vector<1x16xf32>,
        %swap3A_325 = vector.shape_cast %swap3A_324 : vector<1x16xf32> to vector<16xf32>
        %swap3A_326 = vector.shape_cast %add3A_319 : vector<16xf32> to vector<1x16xf32>
        tpu.vector_store %arg12[%swap3A_322, %swap3A_323], %swap3A_326 {strides = array<i32>} : memref<16x1024xf32, #tpu.memory_space<vmem>>, vector<1x16xf32>,
        %scan3A_327 = arith.constant 6 : i32
        %scan3A_328 = arith.addi %scan3A_172, %scan3A_327 : i32
        %mul3A_329 = arith.constant 1 : i32
        %mul3A_330 = arith.muli %scan3A_328, %mul3A_329 : i32
        %add3A_331 = arith.constant 0 : i32
        %add3A_332 = arith.addi %add3A_331, %mul3A_330 : i32
        %mul3A_333 = arith.constant 16 : i32
        %mul3A_334 = arith.muli %add3A_332, %mul3A_333 : i32
        %get3A_335 = arith.index_cast %add3A_166 : i32 to index
        %get3A_336 = arith.index_cast %mul3A_334 : i32 to index
        %get3A_337 = tpu.vector_load %arg12[%get3A_335, %get3A_336] {strides = array<i32>} : memref<16x1024xf32, #tpu.memory_space<vmem>>, vector<1x16xf32>,
        %get3A_338 = vector.shape_cast %get3A_337 : vector<1x16xf32> to vector<16xf32>
        %mul3A_339 = arith.constant 16 : i32
        %mul3A_340 = arith.muli %add3A_332, %mul3A_339 : i32
        %get3A_341 = arith.index_cast %add3A_166 : i32 to index
        %get3A_342 = arith.index_cast %mul3A_340 : i32 to index
        %get3A_343 = tpu.vector_load %arg14[%get3A_341, %get3A_342] {strides = array<i32>} : memref<16x1024xf32, #tpu.memory_space<vmem>>, vector<1x16xf32>,
        %get3A_344 = vector.shape_cast %get3A_343 : vector<1x16xf32> to vector<16xf32>
        %add3A_345 = arith.addf %get3A_338, %get3A_344 : vector<16xf32>
        %mul3A_346 = arith.constant 16 : i32
        %mul3A_347 = arith.muli %add3A_332, %mul3A_346 : i32
        %swap3A_348 = arith.index_cast %add3A_166 : i32 to index
        %swap3A_349 = arith.index_cast %mul3A_347 : i32 to index
        %swap3A_350 = tpu.vector_load %arg12[%swap3A_348, %swap3A_349] {strides = array<i32>} : memref<16x1024xf32, #tpu.memory_space<vmem>>, vector<1x16xf32>,
        %swap3A_351 = vector.shape_cast %swap3A_350 : vector<1x16xf32> to vector<16xf32>
        %swap3A_352 = vector.shape_cast %add3A_345 : vector<16xf32> to vector<1x16xf32>
        tpu.vector_store %arg12[%swap3A_348, %swap3A_349], %swap3A_352 {strides = array<i32>} : memref<16x1024xf32, #tpu.memory_space<vmem>>, vector<1x16xf32>,
        %scan3A_353 = arith.constant 7 : i32
        %scan3A_354 = arith.addi %scan3A_172, %scan3A_353 : i32
        %mul3A_355 = arith.constant 1 : i32
        %mul3A_356 = arith.muli %scan3A_354, %mul3A_355 : i32
        %add3A_357 = arith.constant 0 : i32
        %add3A_358 = arith.addi %add3A_357, %mul3A_356 : i32
        %mul3A_359 = arith.constant 16 : i32
        %mul3A_360 = arith.muli %add3A_358, %mul3A_359 : i32
        %get3A_361 = arith.index_cast %add3A_166 : i32 to index
        %get3A_362 = arith.index_cast %mul3A_360 : i32 to index
        %get3A_363 = tpu.vector_load %arg12[%get3A_361, %get3A_362] {strides = array<i32>} : memref<16x1024xf32, #tpu.memory_space<vmem>>, vector<1x16xf32>,
        %get3A_364 = vector.shape_cast %get3A_363 : vector<1x16xf32> to vector<16xf32>
        %mul3A_365 = arith.constant 16 : i32
        %mul3A_366 = arith.muli %add3A_358, %mul3A_365 : i32
        %get3A_367 = arith.index_cast %add3A_166 : i32 to index
        %get3A_368 = arith.index_cast %mul3A_366 : i32 to index
        %get3A_369 = tpu.vector_load %arg14[%get3A_367, %get3A_368] {strides = array<i32>} : memref<16x1024xf32, #tpu.memory_space<vmem>>, vector<1x16xf32>,
        %get3A_370 = vector.shape_cast %get3A_369 : vector<1x16xf32> to vector<16xf32>
        %add3A_371 = arith.addf %get3A_364, %get3A_370 : vector<16xf32>
        %mul3A_372 = arith.constant 16 : i32
        %mul3A_373 = arith.muli %add3A_358, %mul3A_372 : i32
        %swap3A_374 = arith.index_cast %add3A_166 : i32 to index
        %swap3A_375 = arith.index_cast %mul3A_373 : i32 to index
        %swap3A_376 = tpu.vector_load %arg12[%swap3A_374, %swap3A_375] {strides = array<i32>} : memref<16x1024xf32, #tpu.memory_space<vmem>>, vector<1x16xf32>,
        %swap3A_377 = vector.shape_cast %swap3A_376 : vector<1x16xf32> to vector<16xf32>
        %swap3A_378 = vector.shape_cast %add3A_371 : vector<16xf32> to vector<1x16xf32>
        tpu.vector_store %arg12[%swap3A_374, %swap3A_375], %swap3A_378 {strides = array<i32>} : memref<16x1024xf32, #tpu.memory_space<vmem>>, vector<1x16xf32>,
      }
      %scan3A_171 = arith.constant 64 : i32
    }
    %scan3A_48 = arith.constant 16 : i32
    %add3A_49 = arith.constant 0 : i32
    %add3A_50 = arith.addi %mul3A_2, %add3A_49 : i32
    %dma_start3A_51 = arith.constant 0 : i32
    %dma_start3A_52 = tpu.memref_slice %arg5[%add3A_50, %dma_start3A_51] : memref<2048x1024xf32, #tpu.memory_space<hbm>> -> memref<16x1024xf32, #tpu.memory_space<hbm>>
    %dma_start3A_53 = arith.constant 0 : i32
    %dma_start3A_54 = tpu.memref_slice %arg5[%add3A_50, %dma_start3A_53] : memref<2048x1024xf32, #tpu.memory_space<hbm>> -> memref<16x1024xf32, #tpu.memory_space<hbm>>
    tpu.enqueue_dma source(%arg12 : memref<16x1024xf32, #tpu.memory_space<vmem>>) target(%dma_start3A_54 : memref<16x1024xf32, #tpu.memory_space<hbm>>) target_semaphore(%arg20 : memref<!tpu.dma_semaphore, #tpu.memory_space<semaphore_mem>>)
    %dma_wait3A_55 = arith.constant 0 : i32
    %dma_wait3A_56 = tpu.memref_slice %arg5[%add3A_50, %dma_wait3A_55] : memref<2048x1024xf32, #tpu.memory_space<hbm>> -> memref<16x1024xf32, #tpu.memory_space<hbm>>
    %dma_wait3A_57 = arith.constant 0 : i32
    %dma_wait3A_58 = tpu.memref_slice %arg5[%add3A_50, %dma_wait3A_57] : memref<2048x1024xf32, #tpu.memory_space<hbm>> -> memref<16x1024xf32, #tpu.memory_space<hbm>>
    tpu.wait_dma2 semaphore(%arg20 : memref<!tpu.dma_semaphore, #tpu.memory_space<semaphore_mem>>) src(%arg12 : memref<16x1024xf32, #tpu.memory_space<vmem>>) dst(%dma_wait3A_58 : memref<16x1024xf32, #tpu.memory_space<hbm>>)
    %get3A_59 = arith.constant 32 : index
    %get3A_60 = tpu.vector_load %arg6[%get3A_59] {strides = array<i32>} : memref<64xi32, #tpu.memory_space<vmem>>, vector<16xi32>,
    %get3A_61 = vector.shape_cast %get3A_60 : vector<16xi32> to vector<16xi32>
    %swap3A_62 = arith.constant 0 : index
    %swap3A_63 = tpu.vector_load %arg8[%swap3A_62] {strides = array<i32>} : memref<16xi32, #tpu.memory_space<vmem>>, vector<16xi32>,
    %swap3A_64 = vector.shape_cast %swap3A_63 : vector<16xi32> to vector<16xi32>
    %swap3A_65 = vector.shape_cast %get3A_61 : vector<16xi32> to vector<16xi32>
    tpu.vector_store %arg8[%swap3A_62], %swap3A_65 {strides = array<i32>} : memref<16xi32, #tpu.memory_space<vmem>>, vector<16xi32>,
    %get3A_66 = arith.constant 32 : index
    %get3A_67 = tpu.vector_load %arg7[%get3A_66] {strides = array<i32>} : memref<64xi32, #tpu.memory_space<vmem>>, vector<16xi32>,
    %get3A_68 = vector.shape_cast %get3A_67 : vector<16xi32> to vector<16xi32>
    %swap3A_69 = arith.constant 0 : index
    %swap3A_70 = tpu.vector_load %arg10[%swap3A_69] {strides = array<i32>} : memref<16xi32, #tpu.memory_space<vmem>>, vector<16xi32>,
    %swap3A_71 = vector.shape_cast %swap3A_70 : vector<16xi32> to vector<16xi32>
    %swap3A_72 = vector.shape_cast %get3A_68 : vector<16xi32> to vector<16xi32>
    tpu.vector_store %arg10[%swap3A_69], %swap3A_72 {strides = array<i32>} : memref<16xi32, #tpu.memory_space<vmem>>, vector<16xi32>,
    %dma_start3A_73 = arith.constant 0 : i32
    %dma_start3A_74 = arith.constant 0 : i32
    %dma_start3A_75 = tpu.memref_slice %arg2[%dma_start3A_73, %dma_start3A_74] : memref<4096x1024xf32, #tpu.memory_space<hbm>> -> memref<4096x1024xf32, #tpu.memory_space<hbm>>
    tpu.enqueue_indirect_dma source(%dma_start3A_75 : memref<4096x1024xf32, #tpu.memory_space<hbm>>) target(%arg12 : memref<16x1024xf32, #tpu.memory_space<vmem>>) offsets(%arg8 : memref<16xi32, #tpu.memory_space<vmem>>) semaphore(%arg16 : memref<!tpu.dma_semaphore, #tpu.memory_space<semaphore_mem>>)
    %dma_start3A_76 = arith.constant 0 : i32
    %dma_start3A_77 = arith.constant 0 : i32
    %dma_start3A_78 = tpu.memref_slice %arg2[%dma_start3A_76, %dma_start3A_77] : memref<4096x1024xf32, #tpu.memory_space<hbm>> -> memref<4096x1024xf32, #tpu.memory_space<hbm>>
    tpu.enqueue_indirect_dma source(%dma_start3A_78 : memref<4096x1024xf32, #tpu.memory_space<hbm>>) target(%arg14 : memref<16x1024xf32, #tpu.memory_space<vmem>>) offsets(%arg10 : memref<16xi32, #tpu.memory_space<vmem>>) semaphore(%arg18 : memref<!tpu.dma_semaphore, #tpu.memory_space<semaphore_mem>>)
    %dma_wait3A_79 = arith.constant 0 : i32
    %dma_wait3A_80 = arith.constant 0 : i32
    %dma_wait3A_81 = tpu.memref_slice %arg2[%dma_wait3A_79, %dma_wait3A_80] : memref<4096x1024xf32, #tpu.memory_space<hbm>> -> memref<4096x1024xf32, #tpu.memory_space<hbm>>
    tpu.wait_indirect_dma semaphore(%arg17 : memref<!tpu.dma_semaphore, #tpu.memory_space<semaphore_mem>>) src(%dma_wait3A_81 : memref<4096x1024xf32, #tpu.memory_space<hbm>>) dst(%arg13 : memref<16x1024xf32, #tpu.memory_space<vmem>>)
    %dma_wait3A_82 = arith.constant 0 : i32
    %dma_wait3A_83 = arith.constant 0 : i32
    %dma_wait3A_84 = tpu.memref_slice %arg2[%dma_wait3A_82, %dma_wait3A_83] : memref<4096x1024xf32, #tpu.memory_space<hbm>> -> memref<4096x1024xf32, #tpu.memory_space<hbm>>
    tpu.wait_indirect_dma semaphore(%arg19 : memref<!tpu.dma_semaphore, #tpu.memory_space<semaphore_mem>>) src(%dma_wait3A_84 : memref<4096x1024xf32, #tpu.memory_space<hbm>>) dst(%arg15 : memref<16x1024xf32, #tpu.memory_space<vmem>>)
    %scan3A_85 = arith.constant 0 : i32
    %scan3A_86 = arith.constant 16 : i32
    %scan3A_87 = arith.addi %scan3A_85, %scan3A_86 : i32
    %scan3A_88 = arith.constant 1 : i32
    scf.for %scan3A_162 = %scan3A_85 to %scan3A_87 step %scan3A_88  : i32 {
      %mul3A_163 = arith.constant 1 : i32
      %mul3A_164 = arith.muli %scan3A_162, %mul3A_163 : i32
      %add3A_165 = arith.constant 0 : i32
      %add3A_166 = arith.addi %add3A_165, %mul3A_164 : i32
      %scan3A_167 = arith.constant 0 : i32
      %scan3A_168 = arith.constant 64 : i32
      %scan3A_169 = arith.addi %scan3A_167, %scan3A_168 : i32
      %scan3A_170 = arith.constant 8 : i32
      scf.for %scan3A_172 = %scan3A_167 to %scan3A_169 step %scan3A_170  : i32 {
        %mul3A_173 = arith.constant 1 : i32
        %mul3A_174 = arith.muli %scan3A_172, %mul3A_173 : i32
        %add3A_175 = arith.constant 0 : i32
        %add3A_176 = arith.addi %add3A_175, %mul3A_174 : i32
        %mul3A_177 = arith.constant 16 : i32
        %mul3A_178 = arith.muli %add3A_176, %mul3A_177 : i32
        %get3A_179 = arith.index_cast %add3A_166 : i32 to index
        %get3A_180 = arith.index_cast %mul3A_178 : i32 to index
        %get3A_181 = tpu.vector_load %arg13[%get3A_179, %get3A_180] {strides = array<i32>} : memref<16x1024xf32, #tpu.memory_space<vmem>>, vector<1x16xf32>,
        %get3A_182 = vector.shape_cast %get3A_181 : vector<1x16xf32> to vector<16xf32>
        %mul3A_183 = arith.constant 16 : i32
        %mul3A_184 = arith.muli %add3A_176, %mul3A_183 : i32
        %get3A_185 = arith.index_cast %add3A_166 : i32 to index
        %get3A_186 = arith.index_cast %mul3A_184 : i32 to index
        %get3A_187 = tpu.vector_load %arg15[%get3A_185, %get3A_186] {strides = array<i32>} : memref<16x1024xf32, #tpu.memory_space<vmem>>, vector<1x16xf32>,
        %get3A_188 = vector.shape_cast %get3A_187 : vector<1x16xf32> to vector<16xf32>
        %add3A_189 = arith.addf %get3A_182, %get3A_188 : vector<16xf32>
        %mul3A_190 = arith.constant 16 : i32
        %mul3A_191 = arith.muli %add3A_176, %mul3A_190 : i32
        %swap3A_192 = arith.index_cast %add3A_166 : i32 to index
        %swap3A_193 = arith.index_cast %mul3A_191 : i32 to index
        %swap3A_194 = tpu.vector_load %arg13[%swap3A_192, %swap3A_193] {strides = array<i32>} : memref<16x1024xf32, #tpu.memory_space<vmem>>, vector<1x16xf32>,
        %swap3A_195 = vector.shape_cast %swap3A_194 : vector<1x16xf32> to vector<16xf32>
        %swap3A_196 = vector.shape_cast %add3A_189 : vector<16xf32> to vector<1x16xf32>
        tpu.vector_store %arg13[%swap3A_192, %swap3A_193], %swap3A_196 {strides = array<i32>} : memref<16x1024xf32, #tpu.memory_space<vmem>>, vector<1x16xf32>,
        %scan3A_197 = arith.constant 1 : i32
        %scan3A_198 = arith.addi %scan3A_172, %scan3A_197 : i32
        %mul3A_199 = arith.constant 1 : i32
        %mul3A_200 = arith.muli %scan3A_198, %mul3A_199 : i32
        %add3A_201 = arith.constant 0 : i32
        %add3A_202 = arith.addi %add3A_201, %mul3A_200 : i32
        %mul3A_203 = arith.constant 16 : i32
        %mul3A_204 = arith.muli %add3A_202, %mul3A_203 : i32
        %get3A_205 = arith.index_cast %add3A_166 : i32 to index
        %get3A_206 = arith.index_cast %mul3A_204 : i32 to index
        %get3A_207 = tpu.vector_load %arg13[%get3A_205, %get3A_206] {strides = array<i32>} : memref<16x1024xf32, #tpu.memory_space<vmem>>, vector<1x16xf32>,
        %get3A_208 = vector.shape_cast %get3A_207 : vector<1x16xf32> to vector<16xf32>
        %mul3A_209 = arith.constant 16 : i32
        %mul3A_210 = arith.muli %add3A_202, %mul3A_209 : i32
        %get3A_211 = arith.index_cast %add3A_166 : i32 to index
        %get3A_212 = arith.index_cast %mul3A_210 : i32 to index
        %get3A_213 = tpu.vector_load %arg15[%get3A_211, %get3A_212] {strides = array<i32>} : memref<16x1024xf32, #tpu.memory_space<vmem>>, vector<1x16xf32>,
        %get3A_214 = vector.shape_cast %get3A_213 : vector<1x16xf32> to vector<16xf32>
        %add3A_215 = arith.addf %get3A_208, %get3A_214 : vector<16xf32>
        %mul3A_216 = arith.constant 16 : i32
        %mul3A_217 = arith.muli %add3A_202, %mul3A_216 : i32
        %swap3A_218 = arith.index_cast %add3A_166 : i32 to index
        %swap3A_219 = arith.index_cast %mul3A_217 : i32 to index
        %swap3A_220 = tpu.vector_load %arg13[%swap3A_218, %swap3A_219] {strides = array<i32>} : memref<16x1024xf32, #tpu.memory_space<vmem>>, vector<1x16xf32>,
        %swap3A_221 = vector.shape_cast %swap3A_220 : vector<1x16xf32> to vector<16xf32>
        %swap3A_222 = vector.shape_cast %add3A_215 : vector<16xf32> to vector<1x16xf32>
        tpu.vector_store %arg13[%swap3A_218, %swap3A_219], %swap3A_222 {strides = array<i32>} : memref<16x1024xf32, #tpu.memory_space<vmem>>, vector<1x16xf32>,
        %scan3A_223 = arith.constant 2 : i32
        %scan3A_224 = arith.addi %scan3A_172, %scan3A_223 : i32
        %mul3A_225 = arith.constant 1 : i32
        %mul3A_226 = arith.muli %scan3A_224, %mul3A_225 : i32
        %add3A_227 = arith.constant 0 : i32
        %add3A_228 = arith.addi %add3A_227, %mul3A_226 : i32
        %mul3A_229 = arith.constant 16 : i32
        %mul3A_230 = arith.muli %add3A_228, %mul3A_229 : i32
        %get3A_231 = arith.index_cast %add3A_166 : i32 to index
        %get3A_232 = arith.index_cast %mul3A_230 : i32 to index
        %get3A_233 = tpu.vector_load %arg13[%get3A_231, %get3A_232] {strides = array<i32>} : memref<16x1024xf32, #tpu.memory_space<vmem>>, vector<1x16xf32>,
        %get3A_234 = vector.shape_cast %get3A_233 : vector<1x16xf32> to vector<16xf32>
        %mul3A_235 = arith.constant 16 : i32
        %mul3A_236 = arith.muli %add3A_228, %mul3A_235 : i32
        %get3A_237 = arith.index_cast %add3A_166 : i32 to index
        %get3A_238 = arith.index_cast %mul3A_236 : i32 to index
        %get3A_239 = tpu.vector_load %arg15[%get3A_237, %get3A_238] {strides = array<i32>} : memref<16x1024xf32, #tpu.memory_space<vmem>>, vector<1x16xf32>,
        %get3A_240 = vector.shape_cast %get3A_239 : vector<1x16xf32> to vector<16xf32>
        %add3A_241 = arith.addf %get3A_234, %get3A_240 : vector<16xf32>
        %mul3A_242 = arith.constant 16 : i32
        %mul3A_243 = arith.muli %add3A_228, %mul3A_242 : i32
        %swap3A_244 = arith.index_cast %add3A_166 : i32 to index
        %swap3A_245 = arith.index_cast %mul3A_243 : i32 to index
        %swap3A_246 = tpu.vector_load %arg13[%swap3A_244, %swap3A_245] {strides = array<i32>} : memref<16x1024xf32, #tpu.memory_space<vmem>>, vector<1x16xf32>,
        %swap3A_247 = vector.shape_cast %swap3A_246 : vector<1x16xf32> to vector<16xf32>
        %swap3A_248 = vector.shape_cast %add3A_241 : vector<16xf32> to vector<1x16xf32>
        tpu.vector_store %arg13[%swap3A_244, %swap3A_245], %swap3A_248 {strides = array<i32>} : memref<16x1024xf32, #tpu.memory_space<vmem>>, vector<1x16xf32>,
        %scan3A_249 = arith.constant 3 : i32
        %scan3A_250 = arith.addi %scan3A_172, %scan3A_249 : i32
        %mul3A_251 = arith.constant 1 : i32
        %mul3A_252 = arith.muli %scan3A_250, %mul3A_251 : i32
        %add3A_253 = arith.constant 0 : i32
        %add3A_254 = arith.addi %add3A_253, %mul3A_252 : i32
        %mul3A_255 = arith.constant 16 : i32
        %mul3A_256 = arith.muli %add3A_254, %mul3A_255 : i32
        %get3A_257 = arith.index_cast %add3A_166 : i32 to index
        %get3A_258 = arith.index_cast %mul3A_256 : i32 to index
        %get3A_259 = tpu.vector_load %arg13[%get3A_257, %get3A_258] {strides = array<i32>} : memref<16x1024xf32, #tpu.memory_space<vmem>>, vector<1x16xf32>,
        %get3A_260 = vector.shape_cast %get3A_259 : vector<1x16xf32> to vector<16xf32>
        %mul3A_261 = arith.constant 16 : i32
        %mul3A_262 = arith.muli %add3A_254, %mul3A_261 : i32
        %get3A_263 = arith.index_cast %add3A_166 : i32 to index
        %get3A_264 = arith.index_cast %mul3A_262 : i32 to index
        %get3A_265 = tpu.vector_load %arg15[%get3A_263, %get3A_264] {strides = array<i32>} : memref<16x1024xf32, #tpu.memory_space<vmem>>, vector<1x16xf32>,
        %get3A_266 = vector.shape_cast %get3A_265 : vector<1x16xf32> to vector<16xf32>
        %add3A_267 = arith.addf %get3A_260, %get3A_266 : vector<16xf32>
        %mul3A_268 = arith.constant 16 : i32
        %mul3A_269 = arith.muli %add3A_254, %mul3A_268 : i32
        %swap3A_270 = arith.index_cast %add3A_166 : i32 to index
        %swap3A_271 = arith.index_cast %mul3A_269 : i32 to index
        %swap3A_272 = tpu.vector_load %arg13[%swap3A_270, %swap3A_271] {strides = array<i32>} : memref<16x1024xf32, #tpu.memory_space<vmem>>, vector<1x16xf32>,
        %swap3A_273 = vector.shape_cast %swap3A_272 : vector<1x16xf32> to vector<16xf32>
        %swap3A_274 = vector.shape_cast %add3A_267 : vector<16xf32> to vector<1x16xf32>
        tpu.vector_store %arg13[%swap3A_270, %swap3A_271], %swap3A_274 {strides = array<i32>} : memref<16x1024xf32, #tpu.memory_space<vmem>>, vector<1x16xf32>,
        %scan3A_275 = arith.constant 4 : i32
        %scan3A_276 = arith.addi %scan3A_172, %scan3A_275 : i32
        %mul3A_277 = arith.constant 1 : i32
        %mul3A_278 = arith.muli %scan3A_276, %mul3A_277 : i32
        %add3A_279 = arith.constant 0 : i32
        %add3A_280 = arith.addi %add3A_279, %mul3A_278 : i32
        %mul3A_281 = arith.constant 16 : i32
        %mul3A_282 = arith.muli %add3A_280, %mul3A_281 : i32
        %get3A_283 = arith.index_cast %add3A_166 : i32 to index
        %get3A_284 = arith.index_cast %mul3A_282 : i32 to index
        %get3A_285 = tpu.vector_load %arg13[%get3A_283, %get3A_284] {strides = array<i32>} : memref<16x1024xf32, #tpu.memory_space<vmem>>, vector<1x16xf32>,
        %get3A_286 = vector.shape_cast %get3A_285 : vector<1x16xf32> to vector<16xf32>
        %mul3A_287 = arith.constant 16 : i32
        %mul3A_288 = arith.muli %add3A_280, %mul3A_287 : i32
        %get3A_289 = arith.index_cast %add3A_166 : i32 to index
        %get3A_290 = arith.index_cast %mul3A_288 : i32 to index
        %get3A_291 = tpu.vector_load %arg15[%get3A_289, %get3A_290] {strides = array<i32>} : memref<16x1024xf32, #tpu.memory_space<vmem>>, vector<1x16xf32>,
        %get3A_292 = vector.shape_cast %get3A_291 : vector<1x16xf32> to vector<16xf32>
        %add3A_293 = arith.addf %get3A_286, %get3A_292 : vector<16xf32>
        %mul3A_294 = arith.constant 16 : i32
        %mul3A_295 = arith.muli %add3A_280, %mul3A_294 : i32
        %swap3A_296 = arith.index_cast %add3A_166 : i32 to index
        %swap3A_297 = arith.index_cast %mul3A_295 : i32 to index
        %swap3A_298 = tpu.vector_load %arg13[%swap3A_296, %swap3A_297] {strides = array<i32>} : memref<16x1024xf32, #tpu.memory_space<vmem>>, vector<1x16xf32>,
        %swap3A_299 = vector.shape_cast %swap3A_298 : vector<1x16xf32> to vector<16xf32>
        %swap3A_300 = vector.shape_cast %add3A_293 : vector<16xf32> to vector<1x16xf32>
        tpu.vector_store %arg13[%swap3A_296, %swap3A_297], %swap3A_300 {strides = array<i32>} : memref<16x1024xf32, #tpu.memory_space<vmem>>, vector<1x16xf32>,
        %scan3A_301 = arith.constant 5 : i32
        %scan3A_302 = arith.addi %scan3A_172, %scan3A_301 : i32
        %mul3A_303 = arith.constant 1 : i32
        %mul3A_304 = arith.muli %scan3A_302, %mul3A_303 : i32
        %add3A_305 = arith.constant 0 : i32
        %add3A_306 = arith.addi %add3A_305, %mul3A_304 : i32
        %mul3A_307 = arith.constant 16 : i32
        %mul3A_308 = arith.muli %add3A_306, %mul3A_307 : i32
        %get3A_309 = arith.index_cast %add3A_166 : i32 to index
        %get3A_310 = arith.index_cast %mul3A_308 : i32 to index
        %get3A_311 = tpu.vector_load %arg13[%get3A_309, %get3A_310] {strides = array<i32>} : memref<16x1024xf32, #tpu.memory_space<vmem>>, vector<1x16xf32>,
        %get3A_312 = vector.shape_cast %get3A_311 : vector<1x16xf32> to vector<16xf32>
        %mul3A_313 = arith.constant 16 : i32
        %mul3A_314 = arith.muli %add3A_306, %mul3A_313 : i32
        %get3A_315 = arith.index_cast %add3A_166 : i32 to index
        %get3A_316 = arith.index_cast %mul3A_314 : i32 to index
        %get3A_317 = tpu.vector_load %arg15[%get3A_315, %get3A_316] {strides = array<i32>} : memref<16x1024xf32, #tpu.memory_space<vmem>>, vector<1x16xf32>,
        %get3A_318 = vector.shape_cast %get3A_317 : vector<1x16xf32> to vector<16xf32>
        %add3A_319 = arith.addf %get3A_312, %get3A_318 : vector<16xf32>
        %mul3A_320 = arith.constant 16 : i32
        %mul3A_321 = arith.muli %add3A_306, %mul3A_320 : i32
        %swap3A_322 = arith.index_cast %add3A_166 : i32 to index
        %swap3A_323 = arith.index_cast %mul3A_321 : i32 to index
        %swap3A_324 = tpu.vector_load %arg13[%swap3A_322, %swap3A_323] {strides = array<i32>} : memref<16x1024xf32, #tpu.memory_space<vmem>>, vector<1x16xf32>,
        %swap3A_325 = vector.shape_cast %swap3A_324 : vector<1x16xf32> to vector<16xf32>
        %swap3A_326 = vector.shape_cast %add3A_319 : vector<16xf32> to vector<1x16xf32>
        tpu.vector_store %arg13[%swap3A_322, %swap3A_323], %swap3A_326 {strides = array<i32>} : memref<16x1024xf32, #tpu.memory_space<vmem>>, vector<1x16xf32>,
        %scan3A_327 = arith.constant 6 : i32
        %scan3A_328 = arith.addi %scan3A_172, %scan3A_327 : i32
        %mul3A_329 = arith.constant 1 : i32
        %mul3A_330 = arith.muli %scan3A_328, %mul3A_329 : i32
        %add3A_331 = arith.constant 0 : i32
        %add3A_332 = arith.addi %add3A_331, %mul3A_330 : i32
        %mul3A_333 = arith.constant 16 : i32
        %mul3A_334 = arith.muli %add3A_332, %mul3A_333 : i32
        %get3A_335 = arith.index_cast %add3A_166 : i32 to index
        %get3A_336 = arith.index_cast %mul3A_334 : i32 to index
        %get3A_337 = tpu.vector_load %arg13[%get3A_335, %get3A_336] {strides = array<i32>} : memref<16x1024xf32, #tpu.memory_space<vmem>>, vector<1x16xf32>,
        %get3A_338 = vector.shape_cast %get3A_337 : vector<1x16xf32> to vector<16xf32>
        %mul3A_339 = arith.constant 16 : i32
        %mul3A_340 = arith.muli %add3A_332, %mul3A_339 : i32
        %get3A_341 = arith.index_cast %add3A_166 : i32 to index
        %get3A_342 = arith.index_cast %mul3A_340 : i32 to index
        %get3A_343 = tpu.vector_load %arg15[%get3A_341, %get3A_342] {strides = array<i32>} : memref<16x1024xf32, #tpu.memory_space<vmem>>, vector<1x16xf32>,
        %get3A_344 = vector.shape_cast %get3A_343 : vector<1x16xf32> to vector<16xf32>
        %add3A_345 = arith.addf %get3A_338, %get3A_344 : vector<16xf32>
        %mul3A_346 = arith.constant 16 : i32
        %mul3A_347 = arith.muli %add3A_332, %mul3A_346 : i32
        %swap3A_348 = arith.index_cast %add3A_166 : i32 to index
        %swap3A_349 = arith.index_cast %mul3A_347 : i32 to index
        %swap3A_350 = tpu.vector_load %arg13[%swap3A_348, %swap3A_349] {strides = array<i32>} : memref<16x1024xf32, #tpu.memory_space<vmem>>, vector<1x16xf32>,
        %swap3A_351 = vector.shape_cast %swap3A_350 : vector<1x16xf32> to vector<16xf32>
        %swap3A_352 = vector.shape_cast %add3A_345 : vector<16xf32> to vector<1x16xf32>
        tpu.vector_store %arg13[%swap3A_348, %swap3A_349], %swap3A_352 {strides = array<i32>} : memref<16x1024xf32, #tpu.memory_space<vmem>>, vector<1x16xf32>,
        %scan3A_353 = arith.constant 7 : i32
        %scan3A_354 = arith.addi %scan3A_172, %scan3A_353 : i32
        %mul3A_355 = arith.constant 1 : i32
        %mul3A_356 = arith.muli %scan3A_354, %mul3A_355 : i32
        %add3A_357 = arith.constant 0 : i32
        %add3A_358 = arith.addi %add3A_357, %mul3A_356 : i32
        %mul3A_359 = arith.constant 16 : i32
        %mul3A_360 = arith.muli %add3A_358, %mul3A_359 : i32
        %get3A_361 = arith.index_cast %add3A_166 : i32 to index
        %get3A_362 = arith.index_cast %mul3A_360 : i32 to index
        %get3A_363 = tpu.vector_load %arg13[%get3A_361, %get3A_362] {strides = array<i32>} : memref<16x1024xf32, #tpu.memory_space<vmem>>, vector<1x16xf32>,
        %get3A_364 = vector.shape_cast %get3A_363 : vector<1x16xf32> to vector<16xf32>
        %mul3A_365 = arith.constant 16 : i32
        %mul3A_366 = arith.muli %add3A_358, %mul3A_365 : i32
        %get3A_367 = arith.index_cast %add3A_166 : i32 to index
        %get3A_368 = arith.index_cast %mul3A_366 : i32 to index
        %get3A_369 = tpu.vector_load %arg15[%get3A_367, %get3A_368] {strides = array<i32>} : memref<16x1024xf32, #tpu.memory_space<vmem>>, vector<1x16xf32>,
        %get3A_370 = vector.shape_cast %get3A_369 : vector<1x16xf32> to vector<16xf32>
        %add3A_371 = arith.addf %get3A_364, %get3A_370 : vector<16xf32>
        %mul3A_372 = arith.constant 16 : i32
        %mul3A_373 = arith.muli %add3A_358, %mul3A_372 : i32
        %swap3A_374 = arith.index_cast %add3A_166 : i32 to index
        %swap3A_375 = arith.index_cast %mul3A_373 : i32 to index
        %swap3A_376 = tpu.vector_load %arg13[%swap3A_374, %swap3A_375] {strides = array<i32>} : memref<16x1024xf32, #tpu.memory_space<vmem>>, vector<1x16xf32>,
        %swap3A_377 = vector.shape_cast %swap3A_376 : vector<1x16xf32> to vector<16xf32>
        %swap3A_378 = vector.shape_cast %add3A_371 : vector<16xf32> to vector<1x16xf32>
        tpu.vector_store %arg13[%swap3A_374, %swap3A_375], %swap3A_378 {strides = array<i32>} : memref<16x1024xf32, #tpu.memory_space<vmem>>, vector<1x16xf32>,
      }
      %scan3A_171 = arith.constant 64 : i32
    }
    %scan3A_89 = arith.constant 16 : i32
    %add3A_90 = arith.constant 16 : i32
    %add3A_91 = arith.addi %mul3A_2, %add3A_90 : i32
    %dma_start3A_92 = arith.constant 0 : i32
    %dma_start3A_93 = tpu.memref_slice %arg5[%add3A_91, %dma_start3A_92] : memref<2048x1024xf32, #tpu.memory_space<hbm>> -> memref<16x1024xf32, #tpu.memory_space<hbm>>
    %dma_start3A_94 = arith.constant 0 : i32
    %dma_start3A_95 = tpu.memref_slice %arg5[%add3A_91, %dma_start3A_94] : memref<2048x1024xf32, #tpu.memory_space<hbm>> -> memref<16x1024xf32, #tpu.memory_space<hbm>>
    tpu.enqueue_dma source(%arg13 : memref<16x1024xf32, #tpu.memory_space<vmem>>) target(%dma_start3A_95 : memref<16x1024xf32, #tpu.memory_space<hbm>>) target_semaphore(%arg21 : memref<!tpu.dma_semaphore, #tpu.memory_space<semaphore_mem>>)
    %dma_wait3A_96 = arith.constant 0 : i32
    %dma_wait3A_97 = tpu.memref_slice %arg5[%add3A_91, %dma_wait3A_96] : memref<2048x1024xf32, #tpu.memory_space<hbm>> -> memref<16x1024xf32, #tpu.memory_space<hbm>>
    %dma_wait3A_98 = arith.constant 0 : i32
    %dma_wait3A_99 = tpu.memref_slice %arg5[%add3A_91, %dma_wait3A_98] : memref<2048x1024xf32, #tpu.memory_space<hbm>> -> memref<16x1024xf32, #tpu.memory_space<hbm>>
    tpu.wait_dma2 semaphore(%arg21 : memref<!tpu.dma_semaphore, #tpu.memory_space<semaphore_mem>>) src(%arg13 : memref<16x1024xf32, #tpu.memory_space<vmem>>) dst(%dma_wait3A_99 : memref<16x1024xf32, #tpu.memory_space<hbm>>)
    %get3A_100 = arith.constant 48 : index
    %get3A_101 = tpu.vector_load %arg6[%get3A_100] {strides = array<i32>} : memref<64xi32, #tpu.memory_space<vmem>>, vector<16xi32>,
    %get3A_102 = vector.shape_cast %get3A_101 : vector<16xi32> to vector<16xi32>
    %swap3A_103 = arith.constant 0 : index
    %swap3A_104 = tpu.vector_load %arg9[%swap3A_103] {strides = array<i32>} : memref<16xi32, #tpu.memory_space<vmem>>, vector<16xi32>,
    %swap3A_105 = vector.shape_cast %swap3A_104 : vector<16xi32> to vector<16xi32>
    %swap3A_106 = vector.shape_cast %get3A_102 : vector<16xi32> to vector<16xi32>
    tpu.vector_store %arg9[%swap3A_103], %swap3A_106 {strides = array<i32>} : memref<16xi32, #tpu.memory_space<vmem>>, vector<16xi32>,
    %get3A_107 = arith.constant 48 : index
    %get3A_108 = tpu.vector_load %arg7[%get3A_107] {strides = array<i32>} : memref<64xi32, #tpu.memory_space<vmem>>, vector<16xi32>,
    %get3A_109 = vector.shape_cast %get3A_108 : vector<16xi32> to vector<16xi32>
    %swap3A_110 = arith.constant 0 : index
    %swap3A_111 = tpu.vector_load %arg11[%swap3A_110] {strides = array<i32>} : memref<16xi32, #tpu.memory_space<vmem>>, vector<16xi32>,
    %swap3A_112 = vector.shape_cast %swap3A_111 : vector<16xi32> to vector<16xi32>
    %swap3A_113 = vector.shape_cast %get3A_109 : vector<16xi32> to vector<16xi32>
    tpu.vector_store %arg11[%swap3A_110], %swap3A_113 {strides = array<i32>} : memref<16xi32, #tpu.memory_space<vmem>>, vector<16xi32>,
    %dma_start3A_114 = arith.constant 0 : i32
    %dma_start3A_115 = arith.constant 0 : i32
    %dma_start3A_116 = tpu.memref_slice %arg2[%dma_start3A_114, %dma_start3A_115] : memref<4096x1024xf32, #tpu.memory_space<hbm>> -> memref<4096x1024xf32, #tpu.memory_space<hbm>>
    tpu.enqueue_indirect_dma source(%dma_start3A_116 : memref<4096x1024xf32, #tpu.memory_space<hbm>>) target(%arg13 : memref<16x1024xf32, #tpu.memory_space<vmem>>) offsets(%arg9 : memref<16xi32, #tpu.memory_space<vmem>>) semaphore(%arg17 : memref<!tpu.dma_semaphore, #tpu.memory_space<semaphore_mem>>)
    %dma_start3A_117 = arith.constant 0 : i32
    %dma_start3A_118 = arith.constant 0 : i32
    %dma_start3A_119 = tpu.memref_slice %arg2[%dma_start3A_117, %dma_start3A_118] : memref<4096x1024xf32, #tpu.memory_space<hbm>> -> memref<4096x1024xf32, #tpu.memory_space<hbm>>
    tpu.enqueue_indirect_dma source(%dma_start3A_119 : memref<4096x1024xf32, #tpu.memory_space<hbm>>) target(%arg15 : memref<16x1024xf32, #tpu.memory_space<vmem>>) offsets(%arg11 : memref<16xi32, #tpu.memory_space<vmem>>) semaphore(%arg19 : memref<!tpu.dma_semaphore, #tpu.memory_space<semaphore_mem>>)
    %dma_wait3A_120 = arith.constant 0 : i32
    %dma_wait3A_121 = arith.constant 0 : i32
    %dma_wait3A_122 = tpu.memref_slice %arg2[%dma_wait3A_120, %dma_wait3A_121] : memref<4096x1024xf32, #tpu.memory_space<hbm>> -> memref<4096x1024xf32, #tpu.memory_space<hbm>>
    tpu.wait_indirect_dma semaphore(%arg16 : memref<!tpu.dma_semaphore, #tpu.memory_space<semaphore_mem>>) src(%dma_wait3A_122 : memref<4096x1024xf32, #tpu.memory_space<hbm>>) dst(%arg12 : memref<16x1024xf32, #tpu.memory_space<vmem>>)
    %dma_wait3A_123 = arith.constant 0 : i32
    %dma_wait3A_124 = arith.constant 0 : i32
    %dma_wait3A_125 = tpu.memref_slice %arg2[%dma_wait3A_123, %dma_wait3A_124] : memref<4096x1024xf32, #tpu.memory_space<hbm>> -> memref<4096x1024xf32, #tpu.memory_space<hbm>>
    tpu.wait_indirect_dma semaphore(%arg18 : memref<!tpu.dma_semaphore, #tpu.memory_space<semaphore_mem>>) src(%dma_wait3A_125 : memref<4096x1024xf32, #tpu.memory_space<hbm>>) dst(%arg14 : memref<16x1024xf32, #tpu.memory_space<vmem>>)
    %scan3A_126 = arith.constant 0 : i32
    %scan3A_127 = arith.constant 16 : i32
    %scan3A_128 = arith.addi %scan3A_126, %scan3A_127 : i32
    %scan3A_129 = arith.constant 1 : i32
    scf.for %scan3A_162 = %scan3A_126 to %scan3A_128 step %scan3A_129  : i32 {
      %mul3A_163 = arith.constant 1 : i32
      %mul3A_164 = arith.muli %scan3A_162, %mul3A_163 : i32
      %add3A_165 = arith.constant 0 : i32
      %add3A_166 = arith.addi %add3A_165, %mul3A_164 : i32
      %scan3A_167 = arith.constant 0 : i32
      %scan3A_168 = arith.constant 64 : i32
      %scan3A_169 = arith.addi %scan3A_167, %scan3A_168 : i32
      %scan3A_170 = arith.constant 8 : i32
      scf.for %scan3A_172 = %scan3A_167 to %scan3A_169 step %scan3A_170  : i32 {
        %mul3A_173 = arith.constant 1 : i32
        %mul3A_174 = arith.muli %scan3A_172, %mul3A_173 : i32
        %add3A_175 = arith.constant 0 : i32
        %add3A_176 = arith.addi %add3A_175, %mul3A_174 : i32
        %mul3A_177 = arith.constant 16 : i32
        %mul3A_178 = arith.muli %add3A_176, %mul3A_177 : i32
        %get3A_179 = arith.index_cast %add3A_166 : i32 to index
        %get3A_180 = arith.index_cast %mul3A_178 : i32 to index
        %get3A_181 = tpu.vector_load %arg12[%get3A_179, %get3A_180] {strides = array<i32>} : memref<16x1024xf32, #tpu.memory_space<vmem>>, vector<1x16xf32>,
        %get3A_182 = vector.shape_cast %get3A_181 : vector<1x16xf32> to vector<16xf32>
        %mul3A_183 = arith.constant 16 : i32
        %mul3A_184 = arith.muli %add3A_176, %mul3A_183 : i32
        %get3A_185 = arith.index_cast %add3A_166 : i32 to index
        %get3A_186 = arith.index_cast %mul3A_184 : i32 to index
        %get3A_187 = tpu.vector_load %arg14[%get3A_185, %get3A_186] {strides = array<i32>} : memref<16x1024xf32, #tpu.memory_space<vmem>>, vector<1x16xf32>,
        %get3A_188 = vector.shape_cast %get3A_187 : vector<1x16xf32> to vector<16xf32>
        %add3A_189 = arith.addf %get3A_182, %get3A_188 : vector<16xf32>
        %mul3A_190 = arith.constant 16 : i32
        %mul3A_191 = arith.muli %add3A_176, %mul3A_190 : i32
        %swap3A_192 = arith.index_cast %add3A_166 : i32 to index
        %swap3A_193 = arith.index_cast %mul3A_191 : i32 to index
        %swap3A_194 = tpu.vector_load %arg12[%swap3A_192, %swap3A_193] {strides = array<i32>} : memref<16x1024xf32, #tpu.memory_space<vmem>>, vector<1x16xf32>,
        %swap3A_195 = vector.shape_cast %swap3A_194 : vector<1x16xf32> to vector<16xf32>
        %swap3A_196 = vector.shape_cast %add3A_189 : vector<16xf32> to vector<1x16xf32>
        tpu.vector_store %arg12[%swap3A_192, %swap3A_193], %swap3A_196 {strides = array<i32>} : memref<16x1024xf32, #tpu.memory_space<vmem>>, vector<1x16xf32>,
        %scan3A_197 = arith.constant 1 : i32
        %scan3A_198 = arith.addi %scan3A_172, %scan3A_197 : i32
        %mul3A_199 = arith.constant 1 : i32
        %mul3A_200 = arith.muli %scan3A_198, %mul3A_199 : i32
        %add3A_201 = arith.constant 0 : i32
        %add3A_202 = arith.addi %add3A_201, %mul3A_200 : i32
        %mul3A_203 = arith.constant 16 : i32
        %mul3A_204 = arith.muli %add3A_202, %mul3A_203 : i32
        %get3A_205 = arith.index_cast %add3A_166 : i32 to index
        %get3A_206 = arith.index_cast %mul3A_204 : i32 to index
        %get3A_207 = tpu.vector_load %arg12[%get3A_205, %get3A_206] {strides = array<i32>} : memref<16x1024xf32, #tpu.memory_space<vmem>>, vector<1x16xf32>,
        %get3A_208 = vector.shape_cast %get3A_207 : vector<1x16xf32> to vector<16xf32>
        %mul3A_209 = arith.constant 16 : i32
        %mul3A_210 = arith.muli %add3A_202, %mul3A_209 : i32
        %get3A_211 = arith.index_cast %add3A_166 : i32 to index
        %get3A_212 = arith.index_cast %mul3A_210 : i32 to index
        %get3A_213 = tpu.vector_load %arg14[%get3A_211, %get3A_212] {strides = array<i32>} : memref<16x1024xf32, #tpu.memory_space<vmem>>, vector<1x16xf32>,
        %get3A_214 = vector.shape_cast %get3A_213 : vector<1x16xf32> to vector<16xf32>
        %add3A_215 = arith.addf %get3A_208, %get3A_214 : vector<16xf32>
        %mul3A_216 = arith.constant 16 : i32
        %mul3A_217 = arith.muli %add3A_202, %mul3A_216 : i32
        %swap3A_218 = arith.index_cast %add3A_166 : i32 to index
        %swap3A_219 = arith.index_cast %mul3A_217 : i32 to index
        %swap3A_220 = tpu.vector_load %arg12[%swap3A_218, %swap3A_219] {strides = array<i32>} : memref<16x1024xf32, #tpu.memory_space<vmem>>, vector<1x16xf32>,
        %swap3A_221 = vector.shape_cast %swap3A_220 : vector<1x16xf32> to vector<16xf32>
        %swap3A_222 = vector.shape_cast %add3A_215 : vector<16xf32> to vector<1x16xf32>
        tpu.vector_store %arg12[%swap3A_218, %swap3A_219], %swap3A_222 {strides = array<i32>} : memref<16x1024xf32, #tpu.memory_space<vmem>>, vector<1x16xf32>,
        %scan3A_223 = arith.constant 2 : i32
        %scan3A_224 = arith.addi %scan3A_172, %scan3A_223 : i32
        %mul3A_225 = arith.constant 1 : i32
        %mul3A_226 = arith.muli %scan3A_224, %mul3A_225 : i32
        %add3A_227 = arith.constant 0 : i32
        %add3A_228 = arith.addi %add3A_227, %mul3A_226 : i32
        %mul3A_229 = arith.constant 16 : i32
        %mul3A_230 = arith.muli %add3A_228, %mul3A_229 : i32
        %get3A_231 = arith.index_cast %add3A_166 : i32 to index
        %get3A_232 = arith.index_cast %mul3A_230 : i32 to index
        %get3A_233 = tpu.vector_load %arg12[%get3A_231, %get3A_232] {strides = array<i32>} : memref<16x1024xf32, #tpu.memory_space<vmem>>, vector<1x16xf32>,
        %get3A_234 = vector.shape_cast %get3A_233 : vector<1x16xf32> to vector<16xf32>
        %mul3A_235 = arith.constant 16 : i32
        %mul3A_236 = arith.muli %add3A_228, %mul3A_235 : i32
        %get3A_237 = arith.index_cast %add3A_166 : i32 to index
        %get3A_238 = arith.index_cast %mul3A_236 : i32 to index
        %get3A_239 = tpu.vector_load %arg14[%get3A_237, %get3A_238] {strides = array<i32>} : memref<16x1024xf32, #tpu.memory_space<vmem>>, vector<1x16xf32>,
        %get3A_240 = vector.shape_cast %get3A_239 : vector<1x16xf32> to vector<16xf32>
        %add3A_241 = arith.addf %get3A_234, %get3A_240 : vector<16xf32>
        %mul3A_242 = arith.constant 16 : i32
        %mul3A_243 = arith.muli %add3A_228, %mul3A_242 : i32
        %swap3A_244 = arith.index_cast %add3A_166 : i32 to index
        %swap3A_245 = arith.index_cast %mul3A_243 : i32 to index
        %swap3A_246 = tpu.vector_load %arg12[%swap3A_244, %swap3A_245] {strides = array<i32>} : memref<16x1024xf32, #tpu.memory_space<vmem>>, vector<1x16xf32>,
        %swap3A_247 = vector.shape_cast %swap3A_246 : vector<1x16xf32> to vector<16xf32>
        %swap3A_248 = vector.shape_cast %add3A_241 : vector<16xf32> to vector<1x16xf32>
        tpu.vector_store %arg12[%swap3A_244, %swap3A_245], %swap3A_248 {strides = array<i32>} : memref<16x1024xf32, #tpu.memory_space<vmem>>, vector<1x16xf32>,
        %scan3A_249 = arith.constant 3 : i32
        %scan3A_250 = arith.addi %scan3A_172, %scan3A_249 : i32
        %mul3A_251 = arith.constant 1 : i32
        %mul3A_252 = arith.muli %scan3A_250, %mul3A_251 : i32
        %add3A_253 = arith.constant 0 : i32
        %add3A_254 = arith.addi %add3A_253, %mul3A_252 : i32
        %mul3A_255 = arith.constant 16 : i32
        %mul3A_256 = arith.muli %add3A_254, %mul3A_255 : i32
        %get3A_257 = arith.index_cast %add3A_166 : i32 to index
        %get3A_258 = arith.index_cast %mul3A_256 : i32 to index
        %get3A_259 = tpu.vector_load %arg12[%get3A_257, %get3A_258] {strides = array<i32>} : memref<16x1024xf32, #tpu.memory_space<vmem>>, vector<1x16xf32>,
        %get3A_260 = vector.shape_cast %get3A_259 : vector<1x16xf32> to vector<16xf32>
        %mul3A_261 = arith.constant 16 : i32
        %mul3A_262 = arith.muli %add3A_254, %mul3A_261 : i32
        %get3A_263 = arith.index_cast %add3A_166 : i32 to index
        %get3A_264 = arith.index_cast %mul3A_262 : i32 to index
        %get3A_265 = tpu.vector_load %arg14[%get3A_263, %get3A_264] {strides = array<i32>} : memref<16x1024xf32, #tpu.memory_space<vmem>>, vector<1x16xf32>,
        %get3A_266 = vector.shape_cast %get3A_265 : vector<1x16xf32> to vector<16xf32>
        %add3A_267 = arith.addf %get3A_260, %get3A_266 : vector<16xf32>
        %mul3A_268 = arith.constant 16 : i32
        %mul3A_269 = arith.muli %add3A_254, %mul3A_268 : i32
        %swap3A_270 = arith.index_cast %add3A_166 : i32 to index
        %swap3A_271 = arith.index_cast %mul3A_269 : i32 to index
        %swap3A_272 = tpu.vector_load %arg12[%swap3A_270, %swap3A_271] {strides = array<i32>} : memref<16x1024xf32, #tpu.memory_space<vmem>>, vector<1x16xf32>,
        %swap3A_273 = vector.shape_cast %swap3A_272 : vector<1x16xf32> to vector<16xf32>
        %swap3A_274 = vector.shape_cast %add3A_267 : vector<16xf32> to vector<1x16xf32>
        tpu.vector_store %arg12[%swap3A_270, %swap3A_271], %swap3A_274 {strides = array<i32>} : memref<16x1024xf32, #tpu.memory_space<vmem>>, vector<1x16xf32>,
        %scan3A_275 = arith.constant 4 : i32
        %scan3A_276 = arith.addi %scan3A_172, %scan3A_275 : i32
        %mul3A_277 = arith.constant 1 : i32
        %mul3A_278 = arith.muli %scan3A_276, %mul3A_277 : i32
        %add3A_279 = arith.constant 0 : i32
        %add3A_280 = arith.addi %add3A_279, %mul3A_278 : i32
        %mul3A_281 = arith.constant 16 : i32
        %mul3A_282 = arith.muli %add3A_280, %mul3A_281 : i32
        %get3A_283 = arith.index_cast %add3A_166 : i32 to index
        %get3A_284 = arith.index_cast %mul3A_282 : i32 to index
        %get3A_285 = tpu.vector_load %arg12[%get3A_283, %get3A_284] {strides = array<i32>} : memref<16x1024xf32, #tpu.memory_space<vmem>>, vector<1x16xf32>,
        %get3A_286 = vector.shape_cast %get3A_285 : vector<1x16xf32> to vector<16xf32>
        %mul3A_287 = arith.constant 16 : i32
        %mul3A_288 = arith.muli %add3A_280, %mul3A_287 : i32
        %get3A_289 = arith.index_cast %add3A_166 : i32 to index
        %get3A_290 = arith.index_cast %mul3A_288 : i32 to index
        %get3A_291 = tpu.vector_load %arg14[%get3A_289, %get3A_290] {strides = array<i32>} : memref<16x1024xf32, #tpu.memory_space<vmem>>, vector<1x16xf32>,
        %get3A_292 = vector.shape_cast %get3A_291 : vector<1x16xf32> to vector<16xf32>
        %add3A_293 = arith.addf %get3A_286, %get3A_292 : vector<16xf32>
        %mul3A_294 = arith.constant 16 : i32
        %mul3A_295 = arith.muli %add3A_280, %mul3A_294 : i32
        %swap3A_296 = arith.index_cast %add3A_166 : i32 to index
        %swap3A_297 = arith.index_cast %mul3A_295 : i32 to index
        %swap3A_298 = tpu.vector_load %arg12[%swap3A_296, %swap3A_297] {strides = array<i32>} : memref<16x1024xf32, #tpu.memory_space<vmem>>, vector<1x16xf32>,
        %swap3A_299 = vector.shape_cast %swap3A_298 : vector<1x16xf32> to vector<16xf32>
        %swap3A_300 = vector.shape_cast %add3A_293 : vector<16xf32> to vector<1x16xf32>
        tpu.vector_store %arg12[%swap3A_296, %swap3A_297], %swap3A_300 {strides = array<i32>} : memref<16x1024xf32, #tpu.memory_space<vmem>>, vector<1x16xf32>,
        %scan3A_301 = arith.constant 5 : i32
        %scan3A_302 = arith.addi %scan3A_172, %scan3A_301 : i32
        %mul3A_303 = arith.constant 1 : i32
        %mul3A_304 = arith.muli %scan3A_302, %mul3A_303 : i32
        %add3A_305 = arith.constant 0 : i32
        %add3A_306 = arith.addi %add3A_305, %mul3A_304 : i32
        %mul3A_307 = arith.constant 16 : i32
        %mul3A_308 = arith.muli %add3A_306, %mul3A_307 : i32
        %get3A_309 = arith.index_cast %add3A_166 : i32 to index
        %get3A_310 = arith.index_cast %mul3A_308 : i32 to index
        %get3A_311 = tpu.vector_load %arg12[%get3A_309, %get3A_310] {strides = array<i32>} : memref<16x1024xf32, #tpu.memory_space<vmem>>, vector<1x16xf32>,
        %get3A_312 = vector.shape_cast %get3A_311 : vector<1x16xf32> to vector<16xf32>
        %mul3A_313 = arith.constant 16 : i32
        %mul3A_314 = arith.muli %add3A_306, %mul3A_313 : i32
        %get3A_315 = arith.index_cast %add3A_166 : i32 to index
        %get3A_316 = arith.index_cast %mul3A_314 : i32 to index
        %get3A_317 = tpu.vector_load %arg14[%get3A_315, %get3A_316] {strides = array<i32>} : memref<16x1024xf32, #tpu.memory_space<vmem>>, vector<1x16xf32>,
        %get3A_318 = vector.shape_cast %get3A_317 : vector<1x16xf32> to vector<16xf32>
        %add3A_319 = arith.addf %get3A_312, %get3A_318 : vector<16xf32>
        %mul3A_320 = arith.constant 16 : i32
        %mul3A_321 = arith.muli %add3A_306, %mul3A_320 : i32
        %swap3A_322 = arith.index_cast %add3A_166 : i32 to index
        %swap3A_323 = arith.index_cast %mul3A_321 : i32 to index
        %swap3A_324 = tpu.vector_load %arg12[%swap3A_322, %swap3A_323] {strides = array<i32>} : memref<16x1024xf32, #tpu.memory_space<vmem>>, vector<1x16xf32>,
        %swap3A_325 = vector.shape_cast %swap3A_324 : vector<1x16xf32> to vector<16xf32>
        %swap3A_326 = vector.shape_cast %add3A_319 : vector<16xf32> to vector<1x16xf32>
        tpu.vector_store %arg12[%swap3A_322, %swap3A_323], %swap3A_326 {strides = array<i32>} : memref<16x1024xf32, #tpu.memory_space<vmem>>, vector<1x16xf32>,
        %scan3A_327 = arith.constant 6 : i32
        %scan3A_328 = arith.addi %scan3A_172, %scan3A_327 : i32
        %mul3A_329 = arith.constant 1 : i32
        %mul3A_330 = arith.muli %scan3A_328, %mul3A_329 : i32
        %add3A_331 = arith.constant 0 : i32
        %add3A_332 = arith.addi %add3A_331, %mul3A_330 : i32
        %mul3A_333 = arith.constant 16 : i32
        %mul3A_334 = arith.muli %add3A_332, %mul3A_333 : i32
        %get3A_335 = arith.index_cast %add3A_166 : i32 to index
        %get3A_336 = arith.index_cast %mul3A_334 : i32 to index
        %get3A_337 = tpu.vector_load %arg12[%get3A_335, %get3A_336] {strides = array<i32>} : memref<16x1024xf32, #tpu.memory_space<vmem>>, vector<1x16xf32>,
        %get3A_338 = vector.shape_cast %get3A_337 : vector<1x16xf32> to vector<16xf32>
        %mul3A_339 = arith.constant 16 : i32
        %mul3A_340 = arith.muli %add3A_332, %mul3A_339 : i32
        %get3A_341 = arith.index_cast %add3A_166 : i32 to index
        %get3A_342 = arith.index_cast %mul3A_340 : i32 to index
        %get3A_343 = tpu.vector_load %arg14[%get3A_341, %get3A_342] {strides = array<i32>} : memref<16x1024xf32, #tpu.memory_space<vmem>>, vector<1x16xf32>,
        %get3A_344 = vector.shape_cast %get3A_343 : vector<1x16xf32> to vector<16xf32>
        %add3A_345 = arith.addf %get3A_338, %get3A_344 : vector<16xf32>
        %mul3A_346 = arith.constant 16 : i32
        %mul3A_347 = arith.muli %add3A_332, %mul3A_346 : i32
        %swap3A_348 = arith.index_cast %add3A_166 : i32 to index
        %swap3A_349 = arith.index_cast %mul3A_347 : i32 to index
        %swap3A_350 = tpu.vector_load %arg12[%swap3A_348, %swap3A_349] {strides = array<i32>} : memref<16x1024xf32, #tpu.memory_space<vmem>>, vector<1x16xf32>,
        %swap3A_351 = vector.shape_cast %swap3A_350 : vector<1x16xf32> to vector<16xf32>
        %swap3A_352 = vector.shape_cast %add3A_345 : vector<16xf32> to vector<1x16xf32>
        tpu.vector_store %arg12[%swap3A_348, %swap3A_349], %swap3A_352 {strides = array<i32>} : memref<16x1024xf32, #tpu.memory_space<vmem>>, vector<1x16xf32>,
        %scan3A_353 = arith.constant 7 : i32
        %scan3A_354 = arith.addi %scan3A_172, %scan3A_353 : i32
        %mul3A_355 = arith.constant 1 : i32
        %mul3A_356 = arith.muli %scan3A_354, %mul3A_355 : i32
        %add3A_357 = arith.constant 0 : i32
        %add3A_358 = arith.addi %add3A_357, %mul3A_356 : i32
        %mul3A_359 = arith.constant 16 : i32
        %mul3A_360 = arith.muli %add3A_358, %mul3A_359 : i32
        %get3A_361 = arith.index_cast %add3A_166 : i32 to index
        %get3A_362 = arith.index_cast %mul3A_360 : i32 to index
        %get3A_363 = tpu.vector_load %arg12[%get3A_361, %get3A_362] {strides = array<i32>} : memref<16x1024xf32, #tpu.memory_space<vmem>>, vector<1x16xf32>,
        %get3A_364 = vector.shape_cast %get3A_363 : vector<1x16xf32> to vector<16xf32>
        %mul3A_365 = arith.constant 16 : i32
        %mul3A_366 = arith.muli %add3A_358, %mul3A_365 : i32
        %get3A_367 = arith.index_cast %add3A_166 : i32 to index
        %get3A_368 = arith.index_cast %mul3A_366 : i32 to index
        %get3A_369 = tpu.vector_load %arg14[%get3A_367, %get3A_368] {strides = array<i32>} : memref<16x1024xf32, #tpu.memory_space<vmem>>, vector<1x16xf32>,
        %get3A_370 = vector.shape_cast %get3A_369 : vector<1x16xf32> to vector<16xf32>
        %add3A_371 = arith.addf %get3A_364, %get3A_370 : vector<16xf32>
        %mul3A_372 = arith.constant 16 : i32
        %mul3A_373 = arith.muli %add3A_358, %mul3A_372 : i32
        %swap3A_374 = arith.index_cast %add3A_166 : i32 to index
        %swap3A_375 = arith.index_cast %mul3A_373 : i32 to index
        %swap3A_376 = tpu.vector_load %arg12[%swap3A_374, %swap3A_375] {strides = array<i32>} : memref<16x1024xf32, #tpu.memory_space<vmem>>, vector<1x16xf32>,
        %swap3A_377 = vector.shape_cast %swap3A_376 : vector<1x16xf32> to vector<16xf32>
        %swap3A_378 = vector.shape_cast %add3A_371 : vector<16xf32> to vector<1x16xf32>
        tpu.vector_store %arg12[%swap3A_374, %swap3A_375], %swap3A_378 {strides = array<i32>} : memref<16x1024xf32, #tpu.memory_space<vmem>>, vector<1x16xf32>,
      }
      %scan3A_171 = arith.constant 64 : i32
    }
    %scan3A_130 = arith.constant 16 : i32
    %add3A_131 = arith.constant 32 : i32
    %add3A_132 = arith.addi %mul3A_2, %add3A_131 : i32
    %dma_start3A_133 = arith.constant 0 : i32
    %dma_start3A_134 = tpu.memref_slice %arg5[%add3A_132, %dma_start3A_133] : memref<2048x1024xf32, #tpu.memory_space<hbm>> -> memref<16x1024xf32, #tpu.memory_space<hbm>>
    %dma_start3A_135 = arith.constant 0 : i32
    %dma_start3A_136 = tpu.memref_slice %arg5[%add3A_132, %dma_start3A_135] : memref<2048x1024xf32, #tpu.memory_space<hbm>> -> memref<16x1024xf32, #tpu.memory_space<hbm>>
    tpu.enqueue_dma source(%arg12 : memref<16x1024xf32, #tpu.memory_space<vmem>>) target(%dma_start3A_136 : memref<16x1024xf32, #tpu.memory_space<hbm>>) target_semaphore(%arg20 : memref<!tpu.dma_semaphore, #tpu.memory_space<semaphore_mem>>)
    %dma_wait3A_137 = arith.constant 0 : i32
    %dma_wait3A_138 = arith.constant 0 : i32
    %dma_wait3A_139 = tpu.memref_slice %arg2[%dma_wait3A_137, %dma_wait3A_138] : memref<4096x1024xf32, #tpu.memory_space<hbm>> -> memref<4096x1024xf32, #tpu.memory_space<hbm>>
    tpu.wait_indirect_dma semaphore(%arg17 : memref<!tpu.dma_semaphore, #tpu.memory_space<semaphore_mem>>) src(%dma_wait3A_139 : memref<4096x1024xf32, #tpu.memory_space<hbm>>) dst(%arg13 : memref<16x1024xf32, #tpu.memory_space<vmem>>)
    %dma_wait3A_140 = arith.constant 0 : i32
    %dma_wait3A_141 = arith.constant 0 : i32
    %dma_wait3A_142 = tpu.memref_slice %arg2[%dma_wait3A_140, %dma_wait3A_141] : memref<4096x1024xf32, #tpu.memory_space<hbm>> -> memref<4096x1024xf32, #tpu.memory_space<hbm>>
    tpu.wait_indirect_dma semaphore(%arg19 : memref<!tpu.dma_semaphore, #tpu.memory_space<semaphore_mem>>) src(%dma_wait3A_142 : memref<4096x1024xf32, #tpu.memory_space<hbm>>) dst(%arg15 : memref<16x1024xf32, #tpu.memory_space<vmem>>)
    %scan3A_143 = arith.constant 0 : i32
    %scan3A_144 = arith.constant 16 : i32
    %scan3A_145 = arith.addi %scan3A_143, %scan3A_144 : i32
    %scan3A_146 = arith.constant 1 : i32
    scf.for %scan3A_162 = %scan3A_143 to %scan3A_145 step %scan3A_146  : i32 {
      %mul3A_163 = arith.constant 1 : i32
      %mul3A_164 = arith.muli %scan3A_162, %mul3A_163 : i32
      %add3A_165 = arith.constant 0 : i32
      %add3A_166 = arith.addi %add3A_165, %mul3A_164 : i32
      %scan3A_167 = arith.constant 0 : i32
      %scan3A_168 = arith.constant 64 : i32
      %scan3A_169 = arith.addi %scan3A_167, %scan3A_168 : i32
      %scan3A_170 = arith.constant 8 : i32
      scf.for %scan3A_172 = %scan3A_167 to %scan3A_169 step %scan3A_170  : i32 {
        %mul3A_173 = arith.constant 1 : i32
        %mul3A_174 = arith.muli %scan3A_172, %mul3A_173 : i32
        %add3A_175 = arith.constant 0 : i32
        %add3A_176 = arith.addi %add3A_175, %mul3A_174 : i32
        %mul3A_177 = arith.constant 16 : i32
        %mul3A_178 = arith.muli %add3A_176, %mul3A_177 : i32
        %get3A_179 = arith.index_cast %add3A_166 : i32 to index
        %get3A_180 = arith.index_cast %mul3A_178 : i32 to index
        %get3A_181 = tpu.vector_load %arg13[%get3A_179, %get3A_180] {strides = array<i32>} : memref<16x1024xf32, #tpu.memory_space<vmem>>, vector<1x16xf32>,
        %get3A_182 = vector.shape_cast %get3A_181 : vector<1x16xf32> to vector<16xf32>
        %mul3A_183 = arith.constant 16 : i32
        %mul3A_184 = arith.muli %add3A_176, %mul3A_183 : i32
        %get3A_185 = arith.index_cast %add3A_166 : i32 to index
        %get3A_186 = arith.index_cast %mul3A_184 : i32 to index
        %get3A_187 = tpu.vector_load %arg15[%get3A_185, %get3A_186] {strides = array<i32>} : memref<16x1024xf32, #tpu.memory_space<vmem>>, vector<1x16xf32>,
        %get3A_188 = vector.shape_cast %get3A_187 : vector<1x16xf32> to vector<16xf32>
        %add3A_189 = arith.addf %get3A_182, %get3A_188 : vector<16xf32>
        %mul3A_190 = arith.constant 16 : i32
        %mul3A_191 = arith.muli %add3A_176, %mul3A_190 : i32
        %swap3A_192 = arith.index_cast %add3A_166 : i32 to index
        %swap3A_193 = arith.index_cast %mul3A_191 : i32 to index
        %swap3A_194 = tpu.vector_load %arg13[%swap3A_192, %swap3A_193] {strides = array<i32>} : memref<16x1024xf32, #tpu.memory_space<vmem>>, vector<1x16xf32>,
        %swap3A_195 = vector.shape_cast %swap3A_194 : vector<1x16xf32> to vector<16xf32>
        %swap3A_196 = vector.shape_cast %add3A_189 : vector<16xf32> to vector<1x16xf32>
        tpu.vector_store %arg13[%swap3A_192, %swap3A_193], %swap3A_196 {strides = array<i32>} : memref<16x1024xf32, #tpu.memory_space<vmem>>, vector<1x16xf32>,
        %scan3A_197 = arith.constant 1 : i32
        %scan3A_198 = arith.addi %scan3A_172, %scan3A_197 : i32
        %mul3A_199 = arith.constant 1 : i32
        %mul3A_200 = arith.muli %scan3A_198, %mul3A_199 : i32
        %add3A_201 = arith.constant 0 : i32
        %add3A_202 = arith.addi %add3A_201, %mul3A_200 : i32
        %mul3A_203 = arith.constant 16 : i32
        %mul3A_204 = arith.muli %add3A_202, %mul3A_203 : i32
        %get3A_205 = arith.index_cast %add3A_166 : i32 to index
        %get3A_206 = arith.index_cast %mul3A_204 : i32 to index
        %get3A_207 = tpu.vector_load %arg13[%get3A_205, %get3A_206] {strides = array<i32>} : memref<16x1024xf32, #tpu.memory_space<vmem>>, vector<1x16xf32>,
        %get3A_208 = vector.shape_cast %get3A_207 : vector<1x16xf32> to vector<16xf32>
        %mul3A_209 = arith.constant 16 : i32
        %mul3A_210 = arith.muli %add3A_202, %mul3A_209 : i32
        %get3A_211 = arith.index_cast %add3A_166 : i32 to index
        %get3A_212 = arith.index_cast %mul3A_210 : i32 to index
        %get3A_213 = tpu.vector_load %arg15[%get3A_211, %get3A_212] {strides = array<i32>} : memref<16x1024xf32, #tpu.memory_space<vmem>>, vector<1x16xf32>,
        %get3A_214 = vector.shape_cast %get3A_213 : vector<1x16xf32> to vector<16xf32>
        %add3A_215 = arith.addf %get3A_208, %get3A_214 : vector<16xf32>
        %mul3A_216 = arith.constant 16 : i32
        %mul3A_217 = arith.muli %add3A_202, %mul3A_216 : i32
        %swap3A_218 = arith.index_cast %add3A_166 : i32 to index
        %swap3A_219 = arith.index_cast %mul3A_217 : i32 to index
        %swap3A_220 = tpu.vector_load %arg13[%swap3A_218, %swap3A_219] {strides = array<i32>} : memref<16x1024xf32, #tpu.memory_space<vmem>>, vector<1x16xf32>,
        %swap3A_221 = vector.shape_cast %swap3A_220 : vector<1x16xf32> to vector<16xf32>
        %swap3A_222 = vector.shape_cast %add3A_215 : vector<16xf32> to vector<1x16xf32>
        tpu.vector_store %arg13[%swap3A_218, %swap3A_219], %swap3A_222 {strides = array<i32>} : memref<16x1024xf32, #tpu.memory_space<vmem>>, vector<1x16xf32>,
        %scan3A_223 = arith.constant 2 : i32
        %scan3A_224 = arith.addi %scan3A_172, %scan3A_223 : i32
        %mul3A_225 = arith.constant 1 : i32
        %mul3A_226 = arith.muli %scan3A_224, %mul3A_225 : i32
        %add3A_227 = arith.constant 0 : i32
        %add3A_228 = arith.addi %add3A_227, %mul3A_226 : i32
        %mul3A_229 = arith.constant 16 : i32
        %mul3A_230 = arith.muli %add3A_228, %mul3A_229 : i32
        %get3A_231 = arith.index_cast %add3A_166 : i32 to index
        %get3A_232 = arith.index_cast %mul3A_230 : i32 to index
        %get3A_233 = tpu.vector_load %arg13[%get3A_231, %get3A_232] {strides = array<i32>} : memref<16x1024xf32, #tpu.memory_space<vmem>>, vector<1x16xf32>,
        %get3A_234 = vector.shape_cast %get3A_233 : vector<1x16xf32> to vector<16xf32>
        %mul3A_235 = arith.constant 16 : i32
        %mul3A_236 = arith.muli %add3A_228, %mul3A_235 : i32
        %get3A_237 = arith.index_cast %add3A_166 : i32 to index
        %get3A_238 = arith.index_cast %mul3A_236 : i32 to index
        %get3A_239 = tpu.vector_load %arg15[%get3A_237, %get3A_238] {strides = array<i32>} : memref<16x1024xf32, #tpu.memory_space<vmem>>, vector<1x16xf32>,
        %get3A_240 = vector.shape_cast %get3A_239 : vector<1x16xf32> to vector<16xf32>
        %add3A_241 = arith.addf %get3A_234, %get3A_240 : vector<16xf32>
        %mul3A_242 = arith.constant 16 : i32
        %mul3A_243 = arith.muli %add3A_228, %mul3A_242 : i32
        %swap3A_244 = arith.index_cast %add3A_166 : i32 to index
        %swap3A_245 = arith.index_cast %mul3A_243 : i32 to index
        %swap3A_246 = tpu.vector_load %arg13[%swap3A_244, %swap3A_245] {strides = array<i32>} : memref<16x1024xf32, #tpu.memory_space<vmem>>, vector<1x16xf32>,
        %swap3A_247 = vector.shape_cast %swap3A_246 : vector<1x16xf32> to vector<16xf32>
        %swap3A_248 = vector.shape_cast %add3A_241 : vector<16xf32> to vector<1x16xf32>
        tpu.vector_store %arg13[%swap3A_244, %swap3A_245], %swap3A_248 {strides = array<i32>} : memref<16x1024xf32, #tpu.memory_space<vmem>>, vector<1x16xf32>,
        %scan3A_249 = arith.constant 3 : i32
        %scan3A_250 = arith.addi %scan3A_172, %scan3A_249 : i32
        %mul3A_251 = arith.constant 1 : i32
        %mul3A_252 = arith.muli %scan3A_250, %mul3A_251 : i32
        %add3A_253 = arith.constant 0 : i32
        %add3A_254 = arith.addi %add3A_253, %mul3A_252 : i32
        %mul3A_255 = arith.constant 16 : i32
        %mul3A_256 = arith.muli %add3A_254, %mul3A_255 : i32
        %get3A_257 = arith.index_cast %add3A_166 : i32 to index
        %get3A_258 = arith.index_cast %mul3A_256 : i32 to index
        %get3A_259 = tpu.vector_load %arg13[%get3A_257, %get3A_258] {strides = array<i32>} : memref<16x1024xf32, #tpu.memory_space<vmem>>, vector<1x16xf32>,
        %get3A_260 = vector.shape_cast %get3A_259 : vector<1x16xf32> to vector<16xf32>
        %mul3A_261 = arith.constant 16 : i32
        %mul3A_262 = arith.muli %add3A_254, %mul3A_261 : i32
        %get3A_263 = arith.index_cast %add3A_166 : i32 to index
        %get3A_264 = arith.index_cast %mul3A_262 : i32 to index
        %get3A_265 = tpu.vector_load %arg15[%get3A_263, %get3A_264] {strides = array<i32>} : memref<16x1024xf32, #tpu.memory_space<vmem>>, vector<1x16xf32>,
        %get3A_266 = vector.shape_cast %get3A_265 : vector<1x16xf32> to vector<16xf32>
        %add3A_267 = arith.addf %get3A_260, %get3A_266 : vector<16xf32>
        %mul3A_268 = arith.constant 16 : i32
        %mul3A_269 = arith.muli %add3A_254, %mul3A_268 : i32
        %swap3A_270 = arith.index_cast %add3A_166 : i32 to index
        %swap3A_271 = arith.index_cast %mul3A_269 : i32 to index
        %swap3A_272 = tpu.vector_load %arg13[%swap3A_270, %swap3A_271] {strides = array<i32>} : memref<16x1024xf32, #tpu.memory_space<vmem>>, vector<1x16xf32>,
        %swap3A_273 = vector.shape_cast %swap3A_272 : vector<1x16xf32> to vector<16xf32>
        %swap3A_274 = vector.shape_cast %add3A_267 : vector<16xf32> to vector<1x16xf32>
        tpu.vector_store %arg13[%swap3A_270, %swap3A_271], %swap3A_274 {strides = array<i32>} : memref<16x1024xf32, #tpu.memory_space<vmem>>, vector<1x16xf32>,
        %scan3A_275 = arith.constant 4 : i32
        %scan3A_276 = arith.addi %scan3A_172, %scan3A_275 : i32
        %mul3A_277 = arith.constant 1 : i32
        %mul3A_278 = arith.muli %scan3A_276, %mul3A_277 : i32
        %add3A_279 = arith.constant 0 : i32
        %add3A_280 = arith.addi %add3A_279, %mul3A_278 : i32
        %mul3A_281 = arith.constant 16 : i32
        %mul3A_282 = arith.muli %add3A_280, %mul3A_281 : i32
        %get3A_283 = arith.index_cast %add3A_166 : i32 to index
        %get3A_284 = arith.index_cast %mul3A_282 : i32 to index
        %get3A_285 = tpu.vector_load %arg13[%get3A_283, %get3A_284] {strides = array<i32>} : memref<16x1024xf32, #tpu.memory_space<vmem>>, vector<1x16xf32>,
        %get3A_286 = vector.shape_cast %get3A_285 : vector<1x16xf32> to vector<16xf32>
        %mul3A_287 = arith.constant 16 : i32
        %mul3A_288 = arith.muli %add3A_280, %mul3A_287 : i32
        %get3A_289 = arith.index_cast %add3A_166 : i32 to index
        %get3A_290 = arith.index_cast %mul3A_288 : i32 to index
        %get3A_291 = tpu.vector_load %arg15[%get3A_289, %get3A_290] {strides = array<i32>} : memref<16x1024xf32, #tpu.memory_space<vmem>>, vector<1x16xf32>,
        %get3A_292 = vector.shape_cast %get3A_291 : vector<1x16xf32> to vector<16xf32>
        %add3A_293 = arith.addf %get3A_286, %get3A_292 : vector<16xf32>
        %mul3A_294 = arith.constant 16 : i32
        %mul3A_295 = arith.muli %add3A_280, %mul3A_294 : i32
        %swap3A_296 = arith.index_cast %add3A_166 : i32 to index
        %swap3A_297 = arith.index_cast %mul3A_295 : i32 to index
        %swap3A_298 = tpu.vector_load %arg13[%swap3A_296, %swap3A_297] {strides = array<i32>} : memref<16x1024xf32, #tpu.memory_space<vmem>>, vector<1x16xf32>,
        %swap3A_299 = vector.shape_cast %swap3A_298 : vector<1x16xf32> to vector<16xf32>
        %swap3A_300 = vector.shape_cast %add3A_293 : vector<16xf32> to vector<1x16xf32>
        tpu.vector_store %arg13[%swap3A_296, %swap3A_297], %swap3A_300 {strides = array<i32>} : memref<16x1024xf32, #tpu.memory_space<vmem>>, vector<1x16xf32>,
        %scan3A_301 = arith.constant 5 : i32
        %scan3A_302 = arith.addi %scan3A_172, %scan3A_301 : i32
        %mul3A_303 = arith.constant 1 : i32
        %mul3A_304 = arith.muli %scan3A_302, %mul3A_303 : i32
        %add3A_305 = arith.constant 0 : i32
        %add3A_306 = arith.addi %add3A_305, %mul3A_304 : i32
        %mul3A_307 = arith.constant 16 : i32
        %mul3A_308 = arith.muli %add3A_306, %mul3A_307 : i32
        %get3A_309 = arith.index_cast %add3A_166 : i32 to index
        %get3A_310 = arith.index_cast %mul3A_308 : i32 to index
        %get3A_311 = tpu.vector_load %arg13[%get3A_309, %get3A_310] {strides = array<i32>} : memref<16x1024xf32, #tpu.memory_space<vmem>>, vector<1x16xf32>,
        %get3A_312 = vector.shape_cast %get3A_311 : vector<1x16xf32> to vector<16xf32>
        %mul3A_313 = arith.constant 16 : i32
        %mul3A_314 = arith.muli %add3A_306, %mul3A_313 : i32
        %get3A_315 = arith.index_cast %add3A_166 : i32 to index
        %get3A_316 = arith.index_cast %mul3A_314 : i32 to index
        %get3A_317 = tpu.vector_load %arg15[%get3A_315, %get3A_316] {strides = array<i32>} : memref<16x1024xf32, #tpu.memory_space<vmem>>, vector<1x16xf32>,
        %get3A_318 = vector.shape_cast %get3A_317 : vector<1x16xf32> to vector<16xf32>
        %add3A_319 = arith.addf %get3A_312, %get3A_318 : vector<16xf32>
        %mul3A_320 = arith.constant 16 : i32
        %mul3A_321 = arith.muli %add3A_306, %mul3A_320 : i32
        %swap3A_322 = arith.index_cast %add3A_166 : i32 to index
        %swap3A_323 = arith.index_cast %mul3A_321 : i32 to index
        %swap3A_324 = tpu.vector_load %arg13[%swap3A_322, %swap3A_323] {strides = array<i32>} : memref<16x1024xf32, #tpu.memory_space<vmem>>, vector<1x16xf32>,
        %swap3A_325 = vector.shape_cast %swap3A_324 : vector<1x16xf32> to vector<16xf32>
        %swap3A_326 = vector.shape_cast %add3A_319 : vector<16xf32> to vector<1x16xf32>
        tpu.vector_store %arg13[%swap3A_322, %swap3A_323], %swap3A_326 {strides = array<i32>} : memref<16x1024xf32, #tpu.memory_space<vmem>>, vector<1x16xf32>,
        %scan3A_327 = arith.constant 6 : i32
        %scan3A_328 = arith.addi %scan3A_172, %scan3A_327 : i32
        %mul3A_329 = arith.constant 1 : i32
        %mul3A_330 = arith.muli %scan3A_328, %mul3A_329 : i32
        %add3A_331 = arith.constant 0 : i32
        %add3A_332 = arith.addi %add3A_331, %mul3A_330 : i32
        %mul3A_333 = arith.constant 16 : i32
        %mul3A_334 = arith.muli %add3A_332, %mul3A_333 : i32
        %get3A_335 = arith.index_cast %add3A_166 : i32 to index
        %get3A_336 = arith.index_cast %mul3A_334 : i32 to index
        %get3A_337 = tpu.vector_load %arg13[%get3A_335, %get3A_336] {strides = array<i32>} : memref<16x1024xf32, #tpu.memory_space<vmem>>, vector<1x16xf32>,
        %get3A_338 = vector.shape_cast %get3A_337 : vector<1x16xf32> to vector<16xf32>
        %mul3A_339 = arith.constant 16 : i32
        %mul3A_340 = arith.muli %add3A_332, %mul3A_339 : i32
        %get3A_341 = arith.index_cast %add3A_166 : i32 to index
        %get3A_342 = arith.index_cast %mul3A_340 : i32 to index
        %get3A_343 = tpu.vector_load %arg15[%get3A_341, %get3A_342] {strides = array<i32>} : memref<16x1024xf32, #tpu.memory_space<vmem>>, vector<1x16xf32>,
        %get3A_344 = vector.shape_cast %get3A_343 : vector<1x16xf32> to vector<16xf32>
        %add3A_345 = arith.addf %get3A_338, %get3A_344 : vector<16xf32>
        %mul3A_346 = arith.constant 16 : i32
        %mul3A_347 = arith.muli %add3A_332, %mul3A_346 : i32
        %swap3A_348 = arith.index_cast %add3A_166 : i32 to index
        %swap3A_349 = arith.index_cast %mul3A_347 : i32 to index
        %swap3A_350 = tpu.vector_load %arg13[%swap3A_348, %swap3A_349] {strides = array<i32>} : memref<16x1024xf32, #tpu.memory_space<vmem>>, vector<1x16xf32>,
        %swap3A_351 = vector.shape_cast %swap3A_350 : vector<1x16xf32> to vector<16xf32>
        %swap3A_352 = vector.shape_cast %add3A_345 : vector<16xf32> to vector<1x16xf32>
        tpu.vector_store %arg13[%swap3A_348, %swap3A_349], %swap3A_352 {strides = array<i32>} : memref<16x1024xf32, #tpu.memory_space<vmem>>, vector<1x16xf32>,
        %scan3A_353 = arith.constant 7 : i32
        %scan3A_354 = arith.addi %scan3A_172, %scan3A_353 : i32
        %mul3A_355 = arith.constant 1 : i32
        %mul3A_356 = arith.muli %scan3A_354, %mul3A_355 : i32
        %add3A_357 = arith.constant 0 : i32
        %add3A_358 = arith.addi %add3A_357, %mul3A_356 : i32
        %mul3A_359 = arith.constant 16 : i32
        %mul3A_360 = arith.muli %add3A_358, %mul3A_359 : i32
        %get3A_361 = arith.index_cast %add3A_166 : i32 to index
        %get3A_362 = arith.index_cast %mul3A_360 : i32 to index
        %get3A_363 = tpu.vector_load %arg13[%get3A_361, %get3A_362] {strides = array<i32>} : memref<16x1024xf32, #tpu.memory_space<vmem>>, vector<1x16xf32>,
        %get3A_364 = vector.shape_cast %get3A_363 : vector<1x16xf32> to vector<16xf32>
        %mul3A_365 = arith.constant 16 : i32
        %mul3A_366 = arith.muli %add3A_358, %mul3A_365 : i32
        %get3A_367 = arith.index_cast %add3A_166 : i32 to index
        %get3A_368 = arith.index_cast %mul3A_366 : i32 to index
        %get3A_369 = tpu.vector_load %arg15[%get3A_367, %get3A_368] {strides = array<i32>} : memref<16x1024xf32, #tpu.memory_space<vmem>>, vector<1x16xf32>,
        %get3A_370 = vector.shape_cast %get3A_369 : vector<1x16xf32> to vector<16xf32>
        %add3A_371 = arith.addf %get3A_364, %get3A_370 : vector<16xf32>
        %mul3A_372 = arith.constant 16 : i32
        %mul3A_373 = arith.muli %add3A_358, %mul3A_372 : i32
        %swap3A_374 = arith.index_cast %add3A_166 : i32 to index
        %swap3A_375 = arith.index_cast %mul3A_373 : i32 to index
        %swap3A_376 = tpu.vector_load %arg13[%swap3A_374, %swap3A_375] {strides = array<i32>} : memref<16x1024xf32, #tpu.memory_space<vmem>>, vector<1x16xf32>,
        %swap3A_377 = vector.shape_cast %swap3A_376 : vector<1x16xf32> to vector<16xf32>
        %swap3A_378 = vector.shape_cast %add3A_371 : vector<16xf32> to vector<1x16xf32>
        tpu.vector_store %arg13[%swap3A_374, %swap3A_375], %swap3A_378 {strides = array<i32>} : memref<16x1024xf32, #tpu.memory_space<vmem>>, vector<1x16xf32>,
      }
      %scan3A_171 = arith.constant 64 : i32
    }
    %scan3A_147 = arith.constant 16 : i32
    %add3A_148 = arith.constant 48 : i32
    %add3A_149 = arith.addi %mul3A_2, %add3A_148 : i32
    %dma_start3A_150 = arith.constant 0 : i32
    %dma_start3A_151 = tpu.memref_slice %arg5[%add3A_149, %dma_start3A_150] : memref<2048x1024xf32, #tpu.memory_space<hbm>> -> memref<16x1024xf32, #tpu.memory_space<hbm>>
    %dma_start3A_152 = arith.constant 0 : i32
    %dma_start3A_153 = tpu.memref_slice %arg5[%add3A_149, %dma_start3A_152] : memref<2048x1024xf32, #tpu.memory_space<hbm>> -> memref<16x1024xf32, #tpu.memory_space<hbm>>
    tpu.enqueue_dma source(%arg13 : memref<16x1024xf32, #tpu.memory_space<vmem>>) target(%dma_start3A_153 : memref<16x1024xf32, #tpu.memory_space<hbm>>) target_semaphore(%arg21 : memref<!tpu.dma_semaphore, #tpu.memory_space<semaphore_mem>>)
    %dma_wait3A_154 = arith.constant 0 : i32
    %dma_wait3A_155 = tpu.memref_slice %arg5[%add3A_132, %dma_wait3A_154] : memref<2048x1024xf32, #tpu.memory_space<hbm>> -> memref<16x1024xf32, #tpu.memory_space<hbm>>
    %dma_wait3A_156 = arith.constant 0 : i32
    %dma_wait3A_157 = tpu.memref_slice %arg5[%add3A_132, %dma_wait3A_156] : memref<2048x1024xf32, #tpu.memory_space<hbm>> -> memref<16x1024xf32, #tpu.memory_space<hbm>>
    tpu.wait_dma2 semaphore(%arg20 : memref<!tpu.dma_semaphore, #tpu.memory_space<semaphore_mem>>) src(%arg12 : memref<16x1024xf32, #tpu.memory_space<vmem>>) dst(%dma_wait3A_157 : memref<16x1024xf32, #tpu.memory_space<hbm>>)
    %dma_wait3A_158 = arith.constant 0 : i32
    %dma_wait3A_159 = tpu.memref_slice %arg5[%add3A_149, %dma_wait3A_158] : memref<2048x1024xf32, #tpu.memory_space<hbm>> -> memref<16x1024xf32, #tpu.memory_space<hbm>>
    %dma_wait3A_160 = arith.constant 0 : i32
    %dma_wait3A_161 = tpu.memref_slice %arg5[%add3A_149, %dma_wait3A_160] : memref<2048x1024xf32, #tpu.memory_space<hbm>> -> memref<16x1024xf32, #tpu.memory_space<hbm>>
    tpu.wait_dma2 semaphore(%arg21 : memref<!tpu.dma_semaphore, #tpu.memory_space<semaphore_mem>>) src(%arg13 : memref<16x1024xf32, #tpu.memory_space<vmem>>) dst(%dma_wait3A_161 : memref<16x1024xf32, #tpu.memory_space<hbm>>)
    return
  }
}

module attributes {stable_mosaic.version = 14 : i64} {
  func.func @_plan_body(%arg0: memref<2048x128xf32, #tpu.memory_space<vmem>>, %arg1: memref<8x512xi32, #tpu.memory_space<vmem>>, %arg2: memref<2048x1xi32, #tpu.memory_space<vmem>>, %arg3: memref<2048x1xi32, #tpu.memory_space<vmem>>, %arg4: memref<8x512xf32, #tpu.memory_space<vmem>>, %arg5: memref<4x128xi32, #tpu.memory_space<vmem>>) attributes {dimension_semantics = [], scalar_prefetch = 0 : i64, scratch_operands = 0 : i64, tpu.core_type = #tpu.core_type<tc>} {
    %get3A = arith.constant 0 : index
    %get3A_0 = arith.constant 0 : index
    %get3A_1 = vector.load %arg0[%get3A, %get3A_0] : memref<2048x128xf32, #tpu.memory_space<vmem>>, vector<2048x128xf32>
    %iota3A = tpu.iota {dimensions = array<i32: 1>} : vector<2048x128xi32>
    %reduce_max3A = arith.constant dense<0xFF800000> : vector<2048xf32>
    %reduce_max3A_2 = vector.multi_reduction <maximumf>, %get3A_1, %reduce_max3A [1] : vector<2048x128xf32> to vector<2048xf32>
    %broadcast_in_dim3A = vector.shape_cast %reduce_max3A_2 : vector<2048xf32> to vector<2048x1xf32>
    %sub3A = vector.broadcast %broadcast_in_dim3A : vector<2048x1xf32> to vector<2048x128xf32>
    %sub3A_3 = arith.subf %get3A_1, %sub3A : vector<2048x128xf32>
    %exp3A = math.exp %sub3A_3 : vector<2048x128xf32>
    %reduce_sum3A = arith.constant dense<0.000000e+00> : vector<2048xf32>
    %reduce_sum3A_4 = vector.multi_reduction <add>, %exp3A, %reduce_sum3A [1] : vector<2048x128xf32> to vector<2048xf32>
    %broadcast_in_dim3A_5 = vector.shape_cast %reduce_sum3A_4 : vector<2048xf32> to vector<2048x1xf32>
    %div3A = vector.broadcast %broadcast_in_dim3A_5 : vector<2048x1xf32> to vector<2048x128xf32>
    %div3A_6 = arith.divf %exp3A, %div3A : vector<2048x128xf32>
    %reduce_max3A_7 = arith.constant dense<0xFF800000> : vector<2048xf32>
    %reduce_max3A_8 = vector.multi_reduction <maximumf>, %div3A_6, %reduce_max3A_7 [1] : vector<2048x128xf32> to vector<2048xf32>
    %broadcast_in_dim3A_9 = vector.shape_cast %reduce_max3A_8 : vector<2048xf32> to vector<2048x1xf32>
    %eq3A = vector.broadcast %broadcast_in_dim3A_9 : vector<2048x1xf32> to vector<2048x128xf32>
    %eq3A_10 = arith.cmpf oeq, %div3A_6, %eq3A : vector<2048x128xf32>
    %jit3A = arith.constant 128 : i32
    %broadcast_in_dim3A_11 = vector.broadcast %jit3A : i32 to vector<2048x128xi32>
    %select_n3A = arith.select %eq3A_10, %iota3A, %broadcast_in_dim3A_11 : vector<2048x128xi1>, vector<2048x128xi32>
    %reduce_min3A = arith.constant dense<2147483647> : vector<2048xi32>
    %reduce_min3A_12 = vector.multi_reduction <minsi>, %select_n3A, %reduce_min3A [1] : vector<2048x128xi32> to vector<2048xi32>
    %broadcast_in_dim3A_13 = vector.shape_cast %reduce_min3A_12 : vector<2048xi32> to vector<2048x1xi32>
    %eq3A_14 = vector.broadcast %broadcast_in_dim3A_13 : vector<2048x1xi32> to vector<2048x128xi32>
    %eq3A_15 = arith.cmpi eq, %iota3A, %eq3A_14 : vector<2048x128xi32>
    %jit3A_16 = arith.constant -1.000000e+00 : f32
    %broadcast_in_dim3A_17 = vector.broadcast %jit3A_16 : f32 to vector<2048x128xf32>
    %select_n3A_18 = arith.select %eq3A_15, %broadcast_in_dim3A_17, %div3A_6 : vector<2048x128xi1>, vector<2048x128xf32>
    %reduce_max3A_19 = arith.constant dense<0xFF800000> : vector<2048xf32>
    %reduce_max3A_20 = vector.multi_reduction <maximumf>, %select_n3A_18, %reduce_max3A_19 [1] : vector<2048x128xf32> to vector<2048xf32>
    %broadcast_in_dim3A_21 = vector.shape_cast %reduce_max3A_20 : vector<2048xf32> to vector<2048x1xf32>
    %eq3A_22 = vector.broadcast %broadcast_in_dim3A_21 : vector<2048x1xf32> to vector<2048x128xf32>
    %eq3A_23 = arith.cmpf oeq, %select_n3A_18, %eq3A_22 : vector<2048x128xf32>
    %jit3A_24 = arith.constant 128 : i32
    %broadcast_in_dim3A_25 = vector.broadcast %jit3A_24 : i32 to vector<2048x128xi32>
    %select_n3A_26 = arith.select %eq3A_23, %iota3A, %broadcast_in_dim3A_25 : vector<2048x128xi1>, vector<2048x128xi32>
    %reduce_min3A_27 = arith.constant dense<2147483647> : vector<2048xi32>
    %reduce_min3A_28 = vector.multi_reduction <minsi>, %select_n3A_26, %reduce_min3A_27 [1] : vector<2048x128xi32> to vector<2048xi32>
    %broadcast_in_dim3A_29 = vector.shape_cast %reduce_min3A_28 : vector<2048xi32> to vector<2048x1xi32>
    %eq3A_30 = vector.broadcast %broadcast_in_dim3A_13 : vector<2048x1xi32> to vector<2048x128xi32>
    %eq3A_31 = arith.cmpi eq, %iota3A, %eq3A_30 : vector<2048x128xi32>
    %convert_element_type3A = arith.extui %eq3A_31 : vector<2048x128xi1> to vector<2048x128xi32>
    %convert_element_type3A_32 = arith.sitofp %convert_element_type3A : vector<2048x128xi32> to vector<2048x128xf32>
    %eq3A_33 = vector.broadcast %broadcast_in_dim3A_29 : vector<2048x1xi32> to vector<2048x128xi32>
    %eq3A_34 = arith.cmpi eq, %iota3A, %eq3A_33 : vector<2048x128xi32>
    %convert_element_type3A_35 = arith.extui %eq3A_34 : vector<2048x128xi1> to vector<2048x128xi32>
    %convert_element_type3A_36 = arith.sitofp %convert_element_type3A_35 : vector<2048x128xi32> to vector<2048x128xf32>
    %add3A = arith.addf %convert_element_type3A_32, %convert_element_type3A_36 : vector<2048x128xf32>
    %reshape3A = vector.shape_cast %add3A : vector<2048x128xf32> to vector<16x128x128xf32>
    %iota3A_37 = tpu.iota {dimensions = array<i32: 0>} : vector<128x128xi32>
    %iota3A_38 = tpu.iota {dimensions = array<i32: 1>} : vector<128x128xi32>
    %ge3A = arith.cmpi sge, %iota3A_37, %iota3A_38 : vector<128x128xi32>
    %convert_element_type3A_39 = arith.extui %ge3A : vector<128x128xi1> to vector<128x128xi32>
    %convert_element_type3A_40 = arith.sitofp %convert_element_type3A_39 : vector<128x128xi32> to vector<128x128xf32>
    %broadcast_in_dim3A_41 = vector.shape_cast %convert_element_type3A_40 : vector<128x128xf32> to vector<1x128x128xf32>
    %broadcast_in_dim3A_42 = vector.broadcast %broadcast_in_dim3A_41 : vector<1x128x128xf32> to vector<16x128x128xf32>
    %dot_general3A = arith.constant dense<0.000000e+00> : vector<16x128x128xf32>
    %dot_general3A_43 = tpu.matmul %broadcast_in_dim3A_42, %reshape3A, %dot_general3A {dimension_numbers = #tpu.dot_dimension_numbers<[2], [1], [1], [2], [0, 0, 0, 1, 1, 2], [0], [0]>, transpose_lhs_hint = false} : vector<16x128x128xf32>, vector<16x128x128xf32>, vector<16x128x128xf32> -> vector<16x128x128xf32>
    %reduce_sum3A_44 = arith.constant dense<0.000000e+00> : vector<16x128xf32>
    %reduce_sum3A_45 = vector.multi_reduction <add>, %reshape3A, %reduce_sum3A_44 [1] : vector<16x128x128xf32> to vector<16x128xf32>
    %iota3A_46 = tpu.iota {dimensions = array<i32: 0>} : vector<16x16xi32>
    %iota3A_47 = tpu.iota {dimensions = array<i32: 1>} : vector<16x16xi32>
    %gt3A = arith.cmpi sgt, %iota3A_46, %iota3A_47 : vector<16x16xi32>
    %convert_element_type3A_48 = arith.extui %gt3A : vector<16x16xi1> to vector<16x16xi32>
    %convert_element_type3A_49 = arith.sitofp %convert_element_type3A_48 : vector<16x16xi32> to vector<16x16xf32>
    %dot_general3A_50 = arith.constant dense<0.000000e+00> : vector<16x128xf32>
    %dot_general3A_51 = tpu.matmul %convert_element_type3A_49, %reduce_sum3A_45, %dot_general3A_50 {dimension_numbers = #tpu.dot_dimension_numbers<[1], [0], [0], [1], [0, 0, 1, 1], [], []>, transpose_lhs_hint = false} : vector<16x16xf32>, vector<16x128xf32>, vector<16x128xf32> -> vector<16x128xf32>
    %broadcast_in_dim3A_52 = vector.shape_cast %dot_general3A_51 : vector<16x128xf32> to vector<16x1x128xf32>
    %add3A_53 = vector.broadcast %broadcast_in_dim3A_52 : vector<16x1x128xf32> to vector<16x128x128xf32>
    %add3A_54 = arith.addf %dot_general3A_43, %add3A_53 : vector<16x128x128xf32>
    %reshape3A_55 = vector.shape_cast %add3A_54 : vector<16x128x128xf32> to vector<2048x128xf32>
    %sub3A_56 = arith.subf %reshape3A_55, %add3A : vector<2048x128xf32>
    %reduce_sum3A_57 = arith.constant dense<0.000000e+00> : vector<128xf32>
    %reduce_sum3A_58 = vector.multi_reduction <add>, %add3A, %reduce_sum3A_57 [0] : vector<2048x128xf32> to vector<128xf32>
    %broadcast_in_dim3A_59 = vector.shape_cast %reduce_sum3A_58 : vector<128xf32> to vector<1x128xf32>
    %iota3A_60 = tpu.iota {dimensions = array<i32: 0>} : vector<128x128xi32>
    %iota3A_61 = tpu.iota {dimensions = array<i32: 1>} : vector<128x128xi32>
    %lt3A = arith.cmpi slt, %iota3A_60, %iota3A_61 : vector<128x128xi32>
    %convert_element_type3A_62 = arith.extui %lt3A : vector<128x128xi1> to vector<128x128xi32>
    %convert_element_type3A_63 = arith.sitofp %convert_element_type3A_62 : vector<128x128xi32> to vector<128x128xf32>
    %dot_general3A_64 = arith.constant dense<0.000000e+00> : vector<1x128xf32>
    %dot_general3A_65 = tpu.matmul %broadcast_in_dim3A_59, %convert_element_type3A_63, %dot_general3A_64 {dimension_numbers = #tpu.dot_dimension_numbers<[1], [0], [0], [1], [0, 0, 1, 1], [], []>, precision = #tpu.contract_precision<fp32>, transpose_lhs_hint = false} : vector<1x128xf32>, vector<128x128xf32>, vector<1x128xf32> -> vector<1x128xf32>
    %iota3A_66 = tpu.iota {dimensions = array<i32: 1>} : vector<1x128xi32>
    %convert_element_type3A_67 = arith.sitofp %iota3A_66 : vector<1x128xi32> to vector<1x128xf32>
    %add3A_68 = arith.addf %dot_general3A_65, %broadcast_in_dim3A_59 : vector<1x128xf32>
    %div3A_69 = arith.constant 2.560000e+02 : f32
    %div3A_70 = vector.broadcast %div3A_69 : f32 to vector<1x128xf32>
    %div3A_71 = arith.divf %dot_general3A_65, %div3A_70 : vector<1x128xf32>
    %floor3A = math.floor %div3A_71 : vector<1x128xf32>
    %sub3A_72 = arith.constant 1.000000e+00 : f32
    %sub3A_73 = vector.broadcast %sub3A_72 : f32 to vector<1x128xf32>
    %sub3A_74 = arith.subf %add3A_68, %sub3A_73 : vector<1x128xf32>
    %div3A_75 = arith.constant 2.560000e+02 : f32
    %div3A_76 = vector.broadcast %div3A_75 : f32 to vector<1x128xf32>
    %div3A_77 = arith.divf %sub3A_74, %div3A_76 : vector<1x128xf32>
    %floor3A_78 = math.floor %div3A_77 : vector<1x128xf32>
    %gt3A_79 = arith.constant 0.000000e+00 : f32
    %gt3A_80 = vector.broadcast %gt3A_79 : f32 to vector<1x128xf32>
    %gt3A_81 = arith.cmpf ogt, %broadcast_in_dim3A_59, %gt3A_80 : vector<1x128xf32>
    %sub3A_82 = arith.subf %floor3A_78, %floor3A : vector<1x128xf32>
    %add3A_83 = arith.constant 1.000000e+00 : f32
    %add3A_84 = vector.broadcast %add3A_83 : f32 to vector<1x128xf32>
    %add3A_85 = arith.addf %sub3A_82, %add3A_84 : vector<1x128xf32>
    %jit3A_86 = arith.constant 0.000000e+00 : f32
    %broadcast_in_dim3A_87 = vector.broadcast %jit3A_86 : f32 to vector<1x128xf32>
    %select_n3A_88 = arith.select %gt3A_81, %add3A_85, %broadcast_in_dim3A_87 : vector<1x128xi1>, vector<1x128xf32>
    %dot_general3A_89 = arith.constant dense<0.000000e+00> : vector<1x128xf32>
    %dot_general3A_90 = tpu.matmul %select_n3A_88, %convert_element_type3A_63, %dot_general3A_89 {dimension_numbers = #tpu.dot_dimension_numbers<[1], [0], [0], [1], [0, 0, 1, 1], [], []>, precision = #tpu.contract_precision<fp32>, transpose_lhs_hint = false} : vector<1x128xf32>, vector<128x128xf32>, vector<1x128xf32> -> vector<1x128xf32>
    %reduce_sum3A_91 = vector.shape_cast %select_n3A_88 : vector<1x128xf32> to vector<1x1x128xf32>
    %reduce_sum3A_92 = arith.constant dense<0.000000e+00> : vector<1xf32>
    %reduce_sum3A_93 = vector.multi_reduction <add>, %reduce_sum3A_91, %reduce_sum3A_92 [1, 2] : vector<1x1x128xf32> to vector<1xf32>
    %reduce_sum3A_94 = vector.shape_cast %reduce_sum3A_93 : vector<1xf32> to vector<1x1x1xf32>
    %reduce_sum3A_95 = vector.extract %reduce_sum3A_94[0, 0, 0] : f32 from vector<1x1x1xf32>
    %broadcast_in_dim3A_96 = arith.constant 0.000000e+00 : f32
    %broadcast_in_dim3A_97 = vector.broadcast %broadcast_in_dim3A_96 : f32 to vector<1x128xf32>
    %broadcast_in_dim3A_98 = arith.constant 0.000000e+00 : f32
    %broadcast_in_dim3A_99 = vector.broadcast %broadcast_in_dim3A_98 : f32 to vector<1x128xf32>
    %eq3A_100 = arith.constant 0 : i32
    %eq3A_101 = vector.broadcast %eq3A_100 : i32 to vector<1x128xi32>
    %eq3A_102 = arith.cmpi eq, %iota3A_66, %eq3A_101 : vector<1x128xi32>
    %jit3A_103 = arith.constant 0.000000e+00 : f32
    %broadcast_in_dim3A_104 = vector.broadcast %jit3A_103 : f32 to vector<1x128xf32>
    %select_n3A_105 = arith.select %eq3A_102, %dot_general3A_90, %broadcast_in_dim3A_104 : vector<1x128xi1>, vector<1x128xf32>
    %reduce_sum3A_106 = vector.shape_cast %select_n3A_105 : vector<1x128xf32> to vector<1x1x128xf32>
    %reduce_sum3A_107 = arith.constant dense<0.000000e+00> : vector<1xf32>
    %reduce_sum3A_108 = vector.multi_reduction <add>, %reduce_sum3A_106, %reduce_sum3A_107 [1, 2] : vector<1x1x128xf32> to vector<1xf32>
    %reduce_sum3A_109 = vector.shape_cast %reduce_sum3A_108 : vector<1xf32> to vector<1x1x1xf32>
    %reduce_sum3A_110 = vector.extract %reduce_sum3A_109[0, 0, 0] : f32 from vector<1x1x1xf32>
    %eq3A_111 = arith.constant 0 : i32
    %eq3A_112 = vector.broadcast %eq3A_111 : i32 to vector<1x128xi32>
    %eq3A_113 = arith.cmpi eq, %iota3A_66, %eq3A_112 : vector<1x128xi32>
    %jit3A_114 = arith.constant 0.000000e+00 : f32
    %broadcast_in_dim3A_115 = vector.broadcast %jit3A_114 : f32 to vector<1x128xf32>
    %select_n3A_116 = arith.select %eq3A_113, %select_n3A_88, %broadcast_in_dim3A_115 : vector<1x128xi1>, vector<1x128xf32>
    %reduce_sum3A_117 = vector.shape_cast %select_n3A_116 : vector<1x128xf32> to vector<1x1x128xf32>
    %reduce_sum3A_118 = arith.constant dense<0.000000e+00> : vector<1xf32>
    %reduce_sum3A_119 = vector.multi_reduction <add>, %reduce_sum3A_117, %reduce_sum3A_118 [1, 2] : vector<1x1x128xf32> to vector<1xf32>
    %reduce_sum3A_120 = vector.shape_cast %reduce_sum3A_119 : vector<1xf32> to vector<1x1x1xf32>
    %reduce_sum3A_121 = vector.extract %reduce_sum3A_120[0, 0, 0] : f32 from vector<1x1x1xf32>
    %eq3A_122 = arith.constant 0 : i32
    %eq3A_123 = vector.broadcast %eq3A_122 : i32 to vector<1x128xi32>
    %eq3A_124 = arith.cmpi eq, %iota3A_66, %eq3A_123 : vector<1x128xi32>
    %jit3A_125 = arith.constant 0.000000e+00 : f32
    %broadcast_in_dim3A_126 = vector.broadcast %jit3A_125 : f32 to vector<1x128xf32>
    %select_n3A_127 = arith.select %eq3A_124, %floor3A, %broadcast_in_dim3A_126 : vector<1x128xi1>, vector<1x128xf32>
    %reduce_sum3A_128 = vector.shape_cast %select_n3A_127 : vector<1x128xf32> to vector<1x1x128xf32>
    %reduce_sum3A_129 = arith.constant dense<0.000000e+00> : vector<1xf32>
    %reduce_sum3A_130 = vector.multi_reduction <add>, %reduce_sum3A_128, %reduce_sum3A_129 [1, 2] : vector<1x1x128xf32> to vector<1xf32>
    %reduce_sum3A_131 = vector.shape_cast %reduce_sum3A_130 : vector<1xf32> to vector<1x1x1xf32>
    %reduce_sum3A_132 = vector.extract %reduce_sum3A_131[0, 0, 0] : f32 from vector<1x1x1xf32>
    %ge3A_133 = vector.broadcast %reduce_sum3A_110 : f32 to vector<1x128xf32>
    %ge3A_134 = arith.cmpf oge, %convert_element_type3A_67, %ge3A_133 : vector<1x128xf32>
    %add3A_135 = arith.addf %reduce_sum3A_110, %reduce_sum3A_121 : f32
    %lt3A_136 = vector.broadcast %add3A_135 : f32 to vector<1x128xf32>
    %lt3A_137 = arith.cmpf olt, %convert_element_type3A_67, %lt3A_136 : vector<1x128xf32>
    %and3A = arith.andi %ge3A_134, %lt3A_137 : vector<1x128xi1>
    %jit3A_138 = arith.constant 0.000000e+00 : f32
    %jit3A_139 = arith.constant 0.000000e+00 : f32
    %broadcast_in_dim3A_140 = vector.broadcast %jit3A_138 : f32 to vector<1x128xf32>
    %broadcast_in_dim3A_141 = vector.broadcast %jit3A_139 : f32 to vector<1x128xf32>
    %select_n3A_142 = arith.select %and3A, %broadcast_in_dim3A_140, %broadcast_in_dim3A_141 : vector<1x128xi1>, vector<1x128xf32>
    %add3A_143 = arith.addf %broadcast_in_dim3A_97, %select_n3A_142 : vector<1x128xf32>
    %add3A_144 = vector.broadcast %reduce_sum3A_132 : f32 to vector<1x128xf32>
    %add3A_145 = arith.addf %add3A_144, %convert_element_type3A_67 : vector<1x128xf32>
    %sub3A_146 = vector.broadcast %reduce_sum3A_110 : f32 to vector<1x128xf32>
    %sub3A_147 = arith.subf %add3A_145, %sub3A_146 : vector<1x128xf32>
    %jit3A_148 = arith.constant 0.000000e+00 : f32
    %broadcast_in_dim3A_149 = vector.broadcast %jit3A_148 : f32 to vector<1x128xf32>
    %select_n3A_150 = arith.select %and3A, %sub3A_147, %broadcast_in_dim3A_149 : vector<1x128xi1>, vector<1x128xf32>
    %add3A_151 = arith.addf %broadcast_in_dim3A_99, %select_n3A_150 : vector<1x128xf32>
    %eq3A_152 = arith.constant 1 : i32
    %eq3A_153 = vector.broadcast %eq3A_152 : i32 to vector<1x128xi32>
    %eq3A_154 = arith.cmpi eq, %iota3A_66, %eq3A_153 : vector<1x128xi32>
    %jit3A_155 = arith.constant 0.000000e+00 : f32
    %broadcast_in_dim3A_156 = vector.broadcast %jit3A_155 : f32 to vector<1x128xf32>
    %select_n3A_157 = arith.select %eq3A_154, %dot_general3A_90, %broadcast_in_dim3A_156 : vector<1x128xi1>, vector<1x128xf32>
    %reduce_sum3A_158 = vector.shape_cast %select_n3A_157 : vector<1x128xf32> to vector<1x1x128xf32>
    %reduce_sum3A_159 = arith.constant dense<0.000000e+00> : vector<1xf32>
    %reduce_sum3A_160 = vector.multi_reduction <add>, %reduce_sum3A_158, %reduce_sum3A_159 [1, 2] : vector<1x1x128xf32> to vector<1xf32>
    %reduce_sum3A_161 = vector.shape_cast %reduce_sum3A_160 : vector<1xf32> to vector<1x1x1xf32>
    %reduce_sum3A_162 = vector.extract %reduce_sum3A_161[0, 0, 0] : f32 from vector<1x1x1xf32>
    %eq3A_163 = arith.constant 1 : i32
    %eq3A_164 = vector.broadcast %eq3A_163 : i32 to vector<1x128xi32>
    %eq3A_165 = arith.cmpi eq, %iota3A_66, %eq3A_164 : vector<1x128xi32>
    %jit3A_166 = arith.constant 0.000000e+00 : f32
    %broadcast_in_dim3A_167 = vector.broadcast %jit3A_166 : f32 to vector<1x128xf32>
    %select_n3A_168 = arith.select %eq3A_165, %select_n3A_88, %broadcast_in_dim3A_167 : vector<1x128xi1>, vector<1x128xf32>
    %reduce_sum3A_169 = vector.shape_cast %select_n3A_168 : vector<1x128xf32> to vector<1x1x128xf32>
    %reduce_sum3A_170 = arith.constant dense<0.000000e+00> : vector<1xf32>
    %reduce_sum3A_171 = vector.multi_reduction <add>, %reduce_sum3A_169, %reduce_sum3A_170 [1, 2] : vector<1x1x128xf32> to vector<1xf32>
    %reduce_sum3A_172 = vector.shape_cast %reduce_sum3A_171 : vector<1xf32> to vector<1x1x1xf32>
    %reduce_sum3A_173 = vector.extract %reduce_sum3A_172[0, 0, 0] : f32 from vector<1x1x1xf32>
    %eq3A_174 = arith.constant 1 : i32
    %eq3A_175 = vector.broadcast %eq3A_174 : i32 to vector<1x128xi32>
    %eq3A_176 = arith.cmpi eq, %iota3A_66, %eq3A_175 : vector<1x128xi32>
    %jit3A_177 = arith.constant 0.000000e+00 : f32
    %broadcast_in_dim3A_178 = vector.broadcast %jit3A_177 : f32 to vector<1x128xf32>
    %select_n3A_179 = arith.select %eq3A_176, %floor3A, %broadcast_in_dim3A_178 : vector<1x128xi1>, vector<1x128xf32>
    %reduce_sum3A_180 = vector.shape_cast %select_n3A_179 : vector<1x128xf32> to vector<1x1x128xf32>
    %reduce_sum3A_181 = arith.constant dense<0.000000e+00> : vector<1xf32>
    %reduce_sum3A_182 = vector.multi_reduction <add>, %reduce_sum3A_180, %reduce_sum3A_181 [1, 2] : vector<1x1x128xf32> to vector<1xf32>
    %reduce_sum3A_183 = vector.shape_cast %reduce_sum3A_182 : vector<1xf32> to vector<1x1x1xf32>
    %reduce_sum3A_184 = vector.extract %reduce_sum3A_183[0, 0, 0] : f32 from vector<1x1x1xf32>
    %ge3A_185 = vector.broadcast %reduce_sum3A_162 : f32 to vector<1x128xf32>
    %ge3A_186 = arith.cmpf oge, %convert_element_type3A_67, %ge3A_185 : vector<1x128xf32>
    %add3A_187 = arith.addf %reduce_sum3A_162, %reduce_sum3A_173 : f32
    %lt3A_188 = vector.broadcast %add3A_187 : f32 to vector<1x128xf32>
    %lt3A_189 = arith.cmpf olt, %convert_element_type3A_67, %lt3A_188 : vector<1x128xf32>
    %and3A_190 = arith.andi %ge3A_186, %lt3A_189 : vector<1x128xi1>
    %jit3A_191 = arith.constant 1.000000e+00 : f32
    %jit3A_192 = arith.constant 0.000000e+00 : f32
    %broadcast_in_dim3A_193 = vector.broadcast %jit3A_191 : f32 to vector<1x128xf32>
    %broadcast_in_dim3A_194 = vector.broadcast %jit3A_192 : f32 to vector<1x128xf32>
    %select_n3A_195 = arith.select %and3A_190, %broadcast_in_dim3A_193, %broadcast_in_dim3A_194 : vector<1x128xi1>, vector<1x128xf32>
    %add3A_196 = arith.addf %add3A_143, %select_n3A_195 : vector<1x128xf32>
    %add3A_197 = vector.broadcast %reduce_sum3A_184 : f32 to vector<1x128xf32>
    %add3A_198 = arith.addf %add3A_197, %convert_element_type3A_67 : vector<1x128xf32>
    %sub3A_199 = vector.broadcast %reduce_sum3A_162 : f32 to vector<1x128xf32>
    %sub3A_200 = arith.subf %add3A_198, %sub3A_199 : vector<1x128xf32>
    %jit3A_201 = arith.constant 0.000000e+00 : f32
    %broadcast_in_dim3A_202 = vector.broadcast %jit3A_201 : f32 to vector<1x128xf32>
    %select_n3A_203 = arith.select %and3A_190, %sub3A_200, %broadcast_in_dim3A_202 : vector<1x128xi1>, vector<1x128xf32>
    %add3A_204 = arith.addf %add3A_151, %select_n3A_203 : vector<1x128xf32>
    %eq3A_205 = arith.constant 2 : i32
    %eq3A_206 = vector.broadcast %eq3A_205 : i32 to vector<1x128xi32>
    %eq3A_207 = arith.cmpi eq, %iota3A_66, %eq3A_206 : vector<1x128xi32>
    %jit3A_208 = arith.constant 0.000000e+00 : f32
    %broadcast_in_dim3A_209 = vector.broadcast %jit3A_208 : f32 to vector<1x128xf32>
    %select_n3A_210 = arith.select %eq3A_207, %dot_general3A_90, %broadcast_in_dim3A_209 : vector<1x128xi1>, vector<1x128xf32>
    %reduce_sum3A_211 = vector.shape_cast %select_n3A_210 : vector<1x128xf32> to vector<1x1x128xf32>
    %reduce_sum3A_212 = arith.constant dense<0.000000e+00> : vector<1xf32>
    %reduce_sum3A_213 = vector.multi_reduction <add>, %reduce_sum3A_211, %reduce_sum3A_212 [1, 2] : vector<1x1x128xf32> to vector<1xf32>
    %reduce_sum3A_214 = vector.shape_cast %reduce_sum3A_213 : vector<1xf32> to vector<1x1x1xf32>
    %reduce_sum3A_215 = vector.extract %reduce_sum3A_214[0, 0, 0] : f32 from vector<1x1x1xf32>
    %eq3A_216 = arith.constant 2 : i32
    %eq3A_217 = vector.broadcast %eq3A_216 : i32 to vector<1x128xi32>
    %eq3A_218 = arith.cmpi eq, %iota3A_66, %eq3A_217 : vector<1x128xi32>
    %jit3A_219 = arith.constant 0.000000e+00 : f32
    %broadcast_in_dim3A_220 = vector.broadcast %jit3A_219 : f32 to vector<1x128xf32>
    %select_n3A_221 = arith.select %eq3A_218, %select_n3A_88, %broadcast_in_dim3A_220 : vector<1x128xi1>, vector<1x128xf32>
    %reduce_sum3A_222 = vector.shape_cast %select_n3A_221 : vector<1x128xf32> to vector<1x1x128xf32>
    %reduce_sum3A_223 = arith.constant dense<0.000000e+00> : vector<1xf32>
    %reduce_sum3A_224 = vector.multi_reduction <add>, %reduce_sum3A_222, %reduce_sum3A_223 [1, 2] : vector<1x1x128xf32> to vector<1xf32>
    %reduce_sum3A_225 = vector.shape_cast %reduce_sum3A_224 : vector<1xf32> to vector<1x1x1xf32>
    %reduce_sum3A_226 = vector.extract %reduce_sum3A_225[0, 0, 0] : f32 from vector<1x1x1xf32>
    %eq3A_227 = arith.constant 2 : i32
    %eq3A_228 = vector.broadcast %eq3A_227 : i32 to vector<1x128xi32>
    %eq3A_229 = arith.cmpi eq, %iota3A_66, %eq3A_228 : vector<1x128xi32>
    %jit3A_230 = arith.constant 0.000000e+00 : f32
    %broadcast_in_dim3A_231 = vector.broadcast %jit3A_230 : f32 to vector<1x128xf32>
    %select_n3A_232 = arith.select %eq3A_229, %floor3A, %broadcast_in_dim3A_231 : vector<1x128xi1>, vector<1x128xf32>
    %reduce_sum3A_233 = vector.shape_cast %select_n3A_232 : vector<1x128xf32> to vector<1x1x128xf32>
    %reduce_sum3A_234 = arith.constant dense<0.000000e+00> : vector<1xf32>
    %reduce_sum3A_235 = vector.multi_reduction <add>, %reduce_sum3A_233, %reduce_sum3A_234 [1, 2] : vector<1x1x128xf32> to vector<1xf32>
    %reduce_sum3A_236 = vector.shape_cast %reduce_sum3A_235 : vector<1xf32> to vector<1x1x1xf32>
    %reduce_sum3A_237 = vector.extract %reduce_sum3A_236[0, 0, 0] : f32 from vector<1x1x1xf32>
    %ge3A_238 = vector.broadcast %reduce_sum3A_215 : f32 to vector<1x128xf32>
    %ge3A_239 = arith.cmpf oge, %convert_element_type3A_67, %ge3A_238 : vector<1x128xf32>
    %add3A_240 = arith.addf %reduce_sum3A_215, %reduce_sum3A_226 : f32
    %lt3A_241 = vector.broadcast %add3A_240 : f32 to vector<1x128xf32>
    %lt3A_242 = arith.cmpf olt, %convert_element_type3A_67, %lt3A_241 : vector<1x128xf32>
    %and3A_243 = arith.andi %ge3A_239, %lt3A_242 : vector<1x128xi1>
    %jit3A_244 = arith.constant 2.000000e+00 : f32
    %jit3A_245 = arith.constant 0.000000e+00 : f32
    %broadcast_in_dim3A_246 = vector.broadcast %jit3A_244 : f32 to vector<1x128xf32>
    %broadcast_in_dim3A_247 = vector.broadcast %jit3A_245 : f32 to vector<1x128xf32>
    %select_n3A_248 = arith.select %and3A_243, %broadcast_in_dim3A_246, %broadcast_in_dim3A_247 : vector<1x128xi1>, vector<1x128xf32>
    %add3A_249 = arith.addf %add3A_196, %select_n3A_248 : vector<1x128xf32>
    %add3A_250 = vector.broadcast %reduce_sum3A_237 : f32 to vector<1x128xf32>
    %add3A_251 = arith.addf %add3A_250, %convert_element_type3A_67 : vector<1x128xf32>
    %sub3A_252 = vector.broadcast %reduce_sum3A_215 : f32 to vector<1x128xf32>
    %sub3A_253 = arith.subf %add3A_251, %sub3A_252 : vector<1x128xf32>
    %jit3A_254 = arith.constant 0.000000e+00 : f32
    %broadcast_in_dim3A_255 = vector.broadcast %jit3A_254 : f32 to vector<1x128xf32>
    %select_n3A_256 = arith.select %and3A_243, %sub3A_253, %broadcast_in_dim3A_255 : vector<1x128xi1>, vector<1x128xf32>
    %add3A_257 = arith.addf %add3A_204, %select_n3A_256 : vector<1x128xf32>
    %eq3A_258 = arith.constant 3 : i32
    %eq3A_259 = vector.broadcast %eq3A_258 : i32 to vector<1x128xi32>
    %eq3A_260 = arith.cmpi eq, %iota3A_66, %eq3A_259 : vector<1x128xi32>
    %jit3A_261 = arith.constant 0.000000e+00 : f32
    %broadcast_in_dim3A_262 = vector.broadcast %jit3A_261 : f32 to vector<1x128xf32>
    %select_n3A_263 = arith.select %eq3A_260, %dot_general3A_90, %broadcast_in_dim3A_262 : vector<1x128xi1>, vector<1x128xf32>
    %reduce_sum3A_264 = vector.shape_cast %select_n3A_263 : vector<1x128xf32> to vector<1x1x128xf32>
    %reduce_sum3A_265 = arith.constant dense<0.000000e+00> : vector<1xf32>
    %reduce_sum3A_266 = vector.multi_reduction <add>, %reduce_sum3A_264, %reduce_sum3A_265 [1, 2] : vector<1x1x128xf32> to vector<1xf32>
    %reduce_sum3A_267 = vector.shape_cast %reduce_sum3A_266 : vector<1xf32> to vector<1x1x1xf32>
    %reduce_sum3A_268 = vector.extract %reduce_sum3A_267[0, 0, 0] : f32 from vector<1x1x1xf32>
    %eq3A_269 = arith.constant 3 : i32
    %eq3A_270 = vector.broadcast %eq3A_269 : i32 to vector<1x128xi32>
    %eq3A_271 = arith.cmpi eq, %iota3A_66, %eq3A_270 : vector<1x128xi32>
    %jit3A_272 = arith.constant 0.000000e+00 : f32
    %broadcast_in_dim3A_273 = vector.broadcast %jit3A_272 : f32 to vector<1x128xf32>
    %select_n3A_274 = arith.select %eq3A_271, %select_n3A_88, %broadcast_in_dim3A_273 : vector<1x128xi1>, vector<1x128xf32>
    %reduce_sum3A_275 = vector.shape_cast %select_n3A_274 : vector<1x128xf32> to vector<1x1x128xf32>
    %reduce_sum3A_276 = arith.constant dense<0.000000e+00> : vector<1xf32>
    %reduce_sum3A_277 = vector.multi_reduction <add>, %reduce_sum3A_275, %reduce_sum3A_276 [1, 2] : vector<1x1x128xf32> to vector<1xf32>
    %reduce_sum3A_278 = vector.shape_cast %reduce_sum3A_277 : vector<1xf32> to vector<1x1x1xf32>
    %reduce_sum3A_279 = vector.extract %reduce_sum3A_278[0, 0, 0] : f32 from vector<1x1x1xf32>
    %eq3A_280 = arith.constant 3 : i32
    %eq3A_281 = vector.broadcast %eq3A_280 : i32 to vector<1x128xi32>
    %eq3A_282 = arith.cmpi eq, %iota3A_66, %eq3A_281 : vector<1x128xi32>
    %jit3A_283 = arith.constant 0.000000e+00 : f32
    %broadcast_in_dim3A_284 = vector.broadcast %jit3A_283 : f32 to vector<1x128xf32>
    %select_n3A_285 = arith.select %eq3A_282, %floor3A, %broadcast_in_dim3A_284 : vector<1x128xi1>, vector<1x128xf32>
    %reduce_sum3A_286 = vector.shape_cast %select_n3A_285 : vector<1x128xf32> to vector<1x1x128xf32>
    %reduce_sum3A_287 = arith.constant dense<0.000000e+00> : vector<1xf32>
    %reduce_sum3A_288 = vector.multi_reduction <add>, %reduce_sum3A_286, %reduce_sum3A_287 [1, 2] : vector<1x1x128xf32> to vector<1xf32>
    %reduce_sum3A_289 = vector.shape_cast %reduce_sum3A_288 : vector<1xf32> to vector<1x1x1xf32>
    %reduce_sum3A_290 = vector.extract %reduce_sum3A_289[0, 0, 0] : f32 from vector<1x1x1xf32>
    %ge3A_291 = vector.broadcast %reduce_sum3A_268 : f32 to vector<1x128xf32>
    %ge3A_292 = arith.cmpf oge, %convert_element_type3A_67, %ge3A_291 : vector<1x128xf32>
    %add3A_293 = arith.addf %reduce_sum3A_268, %reduce_sum3A_279 : f32
    %lt3A_294 = vector.broadcast %add3A_293 : f32 to vector<1x128xf32>
    %lt3A_295 = arith.cmpf olt, %convert_element_type3A_67, %lt3A_294 : vector<1x128xf32>
    %and3A_296 = arith.andi %ge3A_292, %lt3A_295 : vector<1x128xi1>
    %jit3A_297 = arith.constant 3.000000e+00 : f32
    %jit3A_298 = arith.constant 0.000000e+00 : f32
    %broadcast_in_dim3A_299 = vector.broadcast %jit3A_297 : f32 to vector<1x128xf32>
    %broadcast_in_dim3A_300 = vector.broadcast %jit3A_298 : f32 to vector<1x128xf32>
    %select_n3A_301 = arith.select %and3A_296, %broadcast_in_dim3A_299, %broadcast_in_dim3A_300 : vector<1x128xi1>, vector<1x128xf32>
    %add3A_302 = arith.addf %add3A_249, %select_n3A_301 : vector<1x128xf32>
    %add3A_303 = vector.broadcast %reduce_sum3A_290 : f32 to vector<1x128xf32>
    %add3A_304 = arith.addf %add3A_303, %convert_element_type3A_67 : vector<1x128xf32>
    %sub3A_305 = vector.broadcast %reduce_sum3A_268 : f32 to vector<1x128xf32>
    %sub3A_306 = arith.subf %add3A_304, %sub3A_305 : vector<1x128xf32>
    %jit3A_307 = arith.constant 0.000000e+00 : f32
    %broadcast_in_dim3A_308 = vector.broadcast %jit3A_307 : f32 to vector<1x128xf32>
    %select_n3A_309 = arith.select %and3A_296, %sub3A_306, %broadcast_in_dim3A_308 : vector<1x128xi1>, vector<1x128xf32>
    %add3A_310 = arith.addf %add3A_257, %select_n3A_309 : vector<1x128xf32>
    %eq3A_311 = arith.constant 4 : i32
    %eq3A_312 = vector.broadcast %eq3A_311 : i32 to vector<1x128xi32>
    %eq3A_313 = arith.cmpi eq, %iota3A_66, %eq3A_312 : vector<1x128xi32>
    %jit3A_314 = arith.constant 0.000000e+00 : f32
    %broadcast_in_dim3A_315 = vector.broadcast %jit3A_314 : f32 to vector<1x128xf32>
    %select_n3A_316 = arith.select %eq3A_313, %dot_general3A_90, %broadcast_in_dim3A_315 : vector<1x128xi1>, vector<1x128xf32>
    %reduce_sum3A_317 = vector.shape_cast %select_n3A_316 : vector<1x128xf32> to vector<1x1x128xf32>
    %reduce_sum3A_318 = arith.constant dense<0.000000e+00> : vector<1xf32>
    %reduce_sum3A_319 = vector.multi_reduction <add>, %reduce_sum3A_317, %reduce_sum3A_318 [1, 2] : vector<1x1x128xf32> to vector<1xf32>
    %reduce_sum3A_320 = vector.shape_cast %reduce_sum3A_319 : vector<1xf32> to vector<1x1x1xf32>
    %reduce_sum3A_321 = vector.extract %reduce_sum3A_320[0, 0, 0] : f32 from vector<1x1x1xf32>
    %eq3A_322 = arith.constant 4 : i32
    %eq3A_323 = vector.broadcast %eq3A_322 : i32 to vector<1x128xi32>
    %eq3A_324 = arith.cmpi eq, %iota3A_66, %eq3A_323 : vector<1x128xi32>
    %jit3A_325 = arith.constant 0.000000e+00 : f32
    %broadcast_in_dim3A_326 = vector.broadcast %jit3A_325 : f32 to vector<1x128xf32>
    %select_n3A_327 = arith.select %eq3A_324, %select_n3A_88, %broadcast_in_dim3A_326 : vector<1x128xi1>, vector<1x128xf32>
    %reduce_sum3A_328 = vector.shape_cast %select_n3A_327 : vector<1x128xf32> to vector<1x1x128xf32>
    %reduce_sum3A_329 = arith.constant dense<0.000000e+00> : vector<1xf32>
    %reduce_sum3A_330 = vector.multi_reduction <add>, %reduce_sum3A_328, %reduce_sum3A_329 [1, 2] : vector<1x1x128xf32> to vector<1xf32>
    %reduce_sum3A_331 = vector.shape_cast %reduce_sum3A_330 : vector<1xf32> to vector<1x1x1xf32>
    %reduce_sum3A_332 = vector.extract %reduce_sum3A_331[0, 0, 0] : f32 from vector<1x1x1xf32>
    %eq3A_333 = arith.constant 4 : i32
    %eq3A_334 = vector.broadcast %eq3A_333 : i32 to vector<1x128xi32>
    %eq3A_335 = arith.cmpi eq, %iota3A_66, %eq3A_334 : vector<1x128xi32>
    %jit3A_336 = arith.constant 0.000000e+00 : f32
    %broadcast_in_dim3A_337 = vector.broadcast %jit3A_336 : f32 to vector<1x128xf32>
    %select_n3A_338 = arith.select %eq3A_335, %floor3A, %broadcast_in_dim3A_337 : vector<1x128xi1>, vector<1x128xf32>
    %reduce_sum3A_339 = vector.shape_cast %select_n3A_338 : vector<1x128xf32> to vector<1x1x128xf32>
    %reduce_sum3A_340 = arith.constant dense<0.000000e+00> : vector<1xf32>
    %reduce_sum3A_341 = vector.multi_reduction <add>, %reduce_sum3A_339, %reduce_sum3A_340 [1, 2] : vector<1x1x128xf32> to vector<1xf32>
    %reduce_sum3A_342 = vector.shape_cast %reduce_sum3A_341 : vector<1xf32> to vector<1x1x1xf32>
    %reduce_sum3A_343 = vector.extract %reduce_sum3A_342[0, 0, 0] : f32 from vector<1x1x1xf32>
    %ge3A_344 = vector.broadcast %reduce_sum3A_321 : f32 to vector<1x128xf32>
    %ge3A_345 = arith.cmpf oge, %convert_element_type3A_67, %ge3A_344 : vector<1x128xf32>
    %add3A_346 = arith.addf %reduce_sum3A_321, %reduce_sum3A_332 : f32
    %lt3A_347 = vector.broadcast %add3A_346 : f32 to vector<1x128xf32>
    %lt3A_348 = arith.cmpf olt, %convert_element_type3A_67, %lt3A_347 : vector<1x128xf32>
    %and3A_349 = arith.andi %ge3A_345, %lt3A_348 : vector<1x128xi1>
    %jit3A_350 = arith.constant 4.000000e+00 : f32
    %jit3A_351 = arith.constant 0.000000e+00 : f32
    %broadcast_in_dim3A_352 = vector.broadcast %jit3A_350 : f32 to vector<1x128xf32>
    %broadcast_in_dim3A_353 = vector.broadcast %jit3A_351 : f32 to vector<1x128xf32>
    %select_n3A_354 = arith.select %and3A_349, %broadcast_in_dim3A_352, %broadcast_in_dim3A_353 : vector<1x128xi1>, vector<1x128xf32>
    %add3A_355 = arith.addf %add3A_302, %select_n3A_354 : vector<1x128xf32>
    %add3A_356 = vector.broadcast %reduce_sum3A_343 : f32 to vector<1x128xf32>
    %add3A_357 = arith.addf %add3A_356, %convert_element_type3A_67 : vector<1x128xf32>
    %sub3A_358 = vector.broadcast %reduce_sum3A_321 : f32 to vector<1x128xf32>
    %sub3A_359 = arith.subf %add3A_357, %sub3A_358 : vector<1x128xf32>
    %jit3A_360 = arith.constant 0.000000e+00 : f32
    %broadcast_in_dim3A_361 = vector.broadcast %jit3A_360 : f32 to vector<1x128xf32>
    %select_n3A_362 = arith.select %and3A_349, %sub3A_359, %broadcast_in_dim3A_361 : vector<1x128xi1>, vector<1x128xf32>
    %add3A_363 = arith.addf %add3A_310, %select_n3A_362 : vector<1x128xf32>
    %eq3A_364 = arith.constant 5 : i32
    %eq3A_365 = vector.broadcast %eq3A_364 : i32 to vector<1x128xi32>
    %eq3A_366 = arith.cmpi eq, %iota3A_66, %eq3A_365 : vector<1x128xi32>
    %jit3A_367 = arith.constant 0.000000e+00 : f32
    %broadcast_in_dim3A_368 = vector.broadcast %jit3A_367 : f32 to vector<1x128xf32>
    %select_n3A_369 = arith.select %eq3A_366, %dot_general3A_90, %broadcast_in_dim3A_368 : vector<1x128xi1>, vector<1x128xf32>
    %reduce_sum3A_370 = vector.shape_cast %select_n3A_369 : vector<1x128xf32> to vector<1x1x128xf32>
    %reduce_sum3A_371 = arith.constant dense<0.000000e+00> : vector<1xf32>
    %reduce_sum3A_372 = vector.multi_reduction <add>, %reduce_sum3A_370, %reduce_sum3A_371 [1, 2] : vector<1x1x128xf32> to vector<1xf32>
    %reduce_sum3A_373 = vector.shape_cast %reduce_sum3A_372 : vector<1xf32> to vector<1x1x1xf32>
    %reduce_sum3A_374 = vector.extract %reduce_sum3A_373[0, 0, 0] : f32 from vector<1x1x1xf32>
    %eq3A_375 = arith.constant 5 : i32
    %eq3A_376 = vector.broadcast %eq3A_375 : i32 to vector<1x128xi32>
    %eq3A_377 = arith.cmpi eq, %iota3A_66, %eq3A_376 : vector<1x128xi32>
    %jit3A_378 = arith.constant 0.000000e+00 : f32
    %broadcast_in_dim3A_379 = vector.broadcast %jit3A_378 : f32 to vector<1x128xf32>
    %select_n3A_380 = arith.select %eq3A_377, %select_n3A_88, %broadcast_in_dim3A_379 : vector<1x128xi1>, vector<1x128xf32>
    %reduce_sum3A_381 = vector.shape_cast %select_n3A_380 : vector<1x128xf32> to vector<1x1x128xf32>
    %reduce_sum3A_382 = arith.constant dense<0.000000e+00> : vector<1xf32>
    %reduce_sum3A_383 = vector.multi_reduction <add>, %reduce_sum3A_381, %reduce_sum3A_382 [1, 2] : vector<1x1x128xf32> to vector<1xf32>
    %reduce_sum3A_384 = vector.shape_cast %reduce_sum3A_383 : vector<1xf32> to vector<1x1x1xf32>
    %reduce_sum3A_385 = vector.extract %reduce_sum3A_384[0, 0, 0] : f32 from vector<1x1x1xf32>
    %eq3A_386 = arith.constant 5 : i32
    %eq3A_387 = vector.broadcast %eq3A_386 : i32 to vector<1x128xi32>
    %eq3A_388 = arith.cmpi eq, %iota3A_66, %eq3A_387 : vector<1x128xi32>
    %jit3A_389 = arith.constant 0.000000e+00 : f32
    %broadcast_in_dim3A_390 = vector.broadcast %jit3A_389 : f32 to vector<1x128xf32>
    %select_n3A_391 = arith.select %eq3A_388, %floor3A, %broadcast_in_dim3A_390 : vector<1x128xi1>, vector<1x128xf32>
    %reduce_sum3A_392 = vector.shape_cast %select_n3A_391 : vector<1x128xf32> to vector<1x1x128xf32>
    %reduce_sum3A_393 = arith.constant dense<0.000000e+00> : vector<1xf32>
    %reduce_sum3A_394 = vector.multi_reduction <add>, %reduce_sum3A_392, %reduce_sum3A_393 [1, 2] : vector<1x1x128xf32> to vector<1xf32>
    %reduce_sum3A_395 = vector.shape_cast %reduce_sum3A_394 : vector<1xf32> to vector<1x1x1xf32>
    %reduce_sum3A_396 = vector.extract %reduce_sum3A_395[0, 0, 0] : f32 from vector<1x1x1xf32>
    %ge3A_397 = vector.broadcast %reduce_sum3A_374 : f32 to vector<1x128xf32>
    %ge3A_398 = arith.cmpf oge, %convert_element_type3A_67, %ge3A_397 : vector<1x128xf32>
    %add3A_399 = arith.addf %reduce_sum3A_374, %reduce_sum3A_385 : f32
    %lt3A_400 = vector.broadcast %add3A_399 : f32 to vector<1x128xf32>
    %lt3A_401 = arith.cmpf olt, %convert_element_type3A_67, %lt3A_400 : vector<1x128xf32>
    %and3A_402 = arith.andi %ge3A_398, %lt3A_401 : vector<1x128xi1>
    %jit3A_403 = arith.constant 5.000000e+00 : f32
    %jit3A_404 = arith.constant 0.000000e+00 : f32
    %broadcast_in_dim3A_405 = vector.broadcast %jit3A_403 : f32 to vector<1x128xf32>
    %broadcast_in_dim3A_406 = vector.broadcast %jit3A_404 : f32 to vector<1x128xf32>
    %select_n3A_407 = arith.select %and3A_402, %broadcast_in_dim3A_405, %broadcast_in_dim3A_406 : vector<1x128xi1>, vector<1x128xf32>
    %add3A_408 = arith.addf %add3A_355, %select_n3A_407 : vector<1x128xf32>
    %add3A_409 = vector.broadcast %reduce_sum3A_396 : f32 to vector<1x128xf32>
    %add3A_410 = arith.addf %add3A_409, %convert_element_type3A_67 : vector<1x128xf32>
    %sub3A_411 = vector.broadcast %reduce_sum3A_374 : f32 to vector<1x128xf32>
    %sub3A_412 = arith.subf %add3A_410, %sub3A_411 : vector<1x128xf32>
    %jit3A_413 = arith.constant 0.000000e+00 : f32
    %broadcast_in_dim3A_414 = vector.broadcast %jit3A_413 : f32 to vector<1x128xf32>
    %select_n3A_415 = arith.select %and3A_402, %sub3A_412, %broadcast_in_dim3A_414 : vector<1x128xi1>, vector<1x128xf32>
    %add3A_416 = arith.addf %add3A_363, %select_n3A_415 : vector<1x128xf32>
    %eq3A_417 = arith.constant 6 : i32
    %eq3A_418 = vector.broadcast %eq3A_417 : i32 to vector<1x128xi32>
    %eq3A_419 = arith.cmpi eq, %iota3A_66, %eq3A_418 : vector<1x128xi32>
    %jit3A_420 = arith.constant 0.000000e+00 : f32
    %broadcast_in_dim3A_421 = vector.broadcast %jit3A_420 : f32 to vector<1x128xf32>
    %select_n3A_422 = arith.select %eq3A_419, %dot_general3A_90, %broadcast_in_dim3A_421 : vector<1x128xi1>, vector<1x128xf32>
    %reduce_sum3A_423 = vector.shape_cast %select_n3A_422 : vector<1x128xf32> to vector<1x1x128xf32>
    %reduce_sum3A_424 = arith.constant dense<0.000000e+00> : vector<1xf32>
    %reduce_sum3A_425 = vector.multi_reduction <add>, %reduce_sum3A_423, %reduce_sum3A_424 [1, 2] : vector<1x1x128xf32> to vector<1xf32>
    %reduce_sum3A_426 = vector.shape_cast %reduce_sum3A_425 : vector<1xf32> to vector<1x1x1xf32>
    %reduce_sum3A_427 = vector.extract %reduce_sum3A_426[0, 0, 0] : f32 from vector<1x1x1xf32>
    %eq3A_428 = arith.constant 6 : i32
    %eq3A_429 = vector.broadcast %eq3A_428 : i32 to vector<1x128xi32>
    %eq3A_430 = arith.cmpi eq, %iota3A_66, %eq3A_429 : vector<1x128xi32>
    %jit3A_431 = arith.constant 0.000000e+00 : f32
    %broadcast_in_dim3A_432 = vector.broadcast %jit3A_431 : f32 to vector<1x128xf32>
    %select_n3A_433 = arith.select %eq3A_430, %select_n3A_88, %broadcast_in_dim3A_432 : vector<1x128xi1>, vector<1x128xf32>
    %reduce_sum3A_434 = vector.shape_cast %select_n3A_433 : vector<1x128xf32> to vector<1x1x128xf32>
    %reduce_sum3A_435 = arith.constant dense<0.000000e+00> : vector<1xf32>
    %reduce_sum3A_436 = vector.multi_reduction <add>, %reduce_sum3A_434, %reduce_sum3A_435 [1, 2] : vector<1x1x128xf32> to vector<1xf32>
    %reduce_sum3A_437 = vector.shape_cast %reduce_sum3A_436 : vector<1xf32> to vector<1x1x1xf32>
    %reduce_sum3A_438 = vector.extract %reduce_sum3A_437[0, 0, 0] : f32 from vector<1x1x1xf32>
    %eq3A_439 = arith.constant 6 : i32
    %eq3A_440 = vector.broadcast %eq3A_439 : i32 to vector<1x128xi32>
    %eq3A_441 = arith.cmpi eq, %iota3A_66, %eq3A_440 : vector<1x128xi32>
    %jit3A_442 = arith.constant 0.000000e+00 : f32
    %broadcast_in_dim3A_443 = vector.broadcast %jit3A_442 : f32 to vector<1x128xf32>
    %select_n3A_444 = arith.select %eq3A_441, %floor3A, %broadcast_in_dim3A_443 : vector<1x128xi1>, vector<1x128xf32>
    %reduce_sum3A_445 = vector.shape_cast %select_n3A_444 : vector<1x128xf32> to vector<1x1x128xf32>
    %reduce_sum3A_446 = arith.constant dense<0.000000e+00> : vector<1xf32>
    %reduce_sum3A_447 = vector.multi_reduction <add>, %reduce_sum3A_445, %reduce_sum3A_446 [1, 2] : vector<1x1x128xf32> to vector<1xf32>
    %reduce_sum3A_448 = vector.shape_cast %reduce_sum3A_447 : vector<1xf32> to vector<1x1x1xf32>
    %reduce_sum3A_449 = vector.extract %reduce_sum3A_448[0, 0, 0] : f32 from vector<1x1x1xf32>
    %ge3A_450 = vector.broadcast %reduce_sum3A_427 : f32 to vector<1x128xf32>
    %ge3A_451 = arith.cmpf oge, %convert_element_type3A_67, %ge3A_450 : vector<1x128xf32>
    %add3A_452 = arith.addf %reduce_sum3A_427, %reduce_sum3A_438 : f32
    %lt3A_453 = vector.broadcast %add3A_452 : f32 to vector<1x128xf32>
    %lt3A_454 = arith.cmpf olt, %convert_element_type3A_67, %lt3A_453 : vector<1x128xf32>
    %and3A_455 = arith.andi %ge3A_451, %lt3A_454 : vector<1x128xi1>
    %jit3A_456 = arith.constant 6.000000e+00 : f32
    %jit3A_457 = arith.constant 0.000000e+00 : f32
    %broadcast_in_dim3A_458 = vector.broadcast %jit3A_456 : f32 to vector<1x128xf32>
    %broadcast_in_dim3A_459 = vector.broadcast %jit3A_457 : f32 to vector<1x128xf32>
    %select_n3A_460 = arith.select %and3A_455, %broadcast_in_dim3A_458, %broadcast_in_dim3A_459 : vector<1x128xi1>, vector<1x128xf32>
    %add3A_461 = arith.addf %add3A_408, %select_n3A_460 : vector<1x128xf32>
    %add3A_462 = vector.broadcast %reduce_sum3A_449 : f32 to vector<1x128xf32>
    %add3A_463 = arith.addf %add3A_462, %convert_element_type3A_67 : vector<1x128xf32>
    %sub3A_464 = vector.broadcast %reduce_sum3A_427 : f32 to vector<1x128xf32>
    %sub3A_465 = arith.subf %add3A_463, %sub3A_464 : vector<1x128xf32>
    %jit3A_466 = arith.constant 0.000000e+00 : f32
    %broadcast_in_dim3A_467 = vector.broadcast %jit3A_466 : f32 to vector<1x128xf32>
    %select_n3A_468 = arith.select %and3A_455, %sub3A_465, %broadcast_in_dim3A_467 : vector<1x128xi1>, vector<1x128xf32>
    %add3A_469 = arith.addf %add3A_416, %select_n3A_468 : vector<1x128xf32>
    %eq3A_470 = arith.constant 7 : i32
    %eq3A_471 = vector.broadcast %eq3A_470 : i32 to vector<1x128xi32>
    %eq3A_472 = arith.cmpi eq, %iota3A_66, %eq3A_471 : vector<1x128xi32>
    %jit3A_473 = arith.constant 0.000000e+00 : f32
    %broadcast_in_dim3A_474 = vector.broadcast %jit3A_473 : f32 to vector<1x128xf32>
    %select_n3A_475 = arith.select %eq3A_472, %dot_general3A_90, %broadcast_in_dim3A_474 : vector<1x128xi1>, vector<1x128xf32>
    %reduce_sum3A_476 = vector.shape_cast %select_n3A_475 : vector<1x128xf32> to vector<1x1x128xf32>
    %reduce_sum3A_477 = arith.constant dense<0.000000e+00> : vector<1xf32>
    %reduce_sum3A_478 = vector.multi_reduction <add>, %reduce_sum3A_476, %reduce_sum3A_477 [1, 2] : vector<1x1x128xf32> to vector<1xf32>
    %reduce_sum3A_479 = vector.shape_cast %reduce_sum3A_478 : vector<1xf32> to vector<1x1x1xf32>
    %reduce_sum3A_480 = vector.extract %reduce_sum3A_479[0, 0, 0] : f32 from vector<1x1x1xf32>
    %eq3A_481 = arith.constant 7 : i32
    %eq3A_482 = vector.broadcast %eq3A_481 : i32 to vector<1x128xi32>
    %eq3A_483 = arith.cmpi eq, %iota3A_66, %eq3A_482 : vector<1x128xi32>
    %jit3A_484 = arith.constant 0.000000e+00 : f32
    %broadcast_in_dim3A_485 = vector.broadcast %jit3A_484 : f32 to vector<1x128xf32>
    %select_n3A_486 = arith.select %eq3A_483, %select_n3A_88, %broadcast_in_dim3A_485 : vector<1x128xi1>, vector<1x128xf32>
    %reduce_sum3A_487 = vector.shape_cast %select_n3A_486 : vector<1x128xf32> to vector<1x1x128xf32>
    %reduce_sum3A_488 = arith.constant dense<0.000000e+00> : vector<1xf32>
    %reduce_sum3A_489 = vector.multi_reduction <add>, %reduce_sum3A_487, %reduce_sum3A_488 [1, 2] : vector<1x1x128xf32> to vector<1xf32>
    %reduce_sum3A_490 = vector.shape_cast %reduce_sum3A_489 : vector<1xf32> to vector<1x1x1xf32>
    %reduce_sum3A_491 = vector.extract %reduce_sum3A_490[0, 0, 0] : f32 from vector<1x1x1xf32>
    %eq3A_492 = arith.constant 7 : i32
    %eq3A_493 = vector.broadcast %eq3A_492 : i32 to vector<1x128xi32>
    %eq3A_494 = arith.cmpi eq, %iota3A_66, %eq3A_493 : vector<1x128xi32>
    %jit3A_495 = arith.constant 0.000000e+00 : f32
    %broadcast_in_dim3A_496 = vector.broadcast %jit3A_495 : f32 to vector<1x128xf32>
    %select_n3A_497 = arith.select %eq3A_494, %floor3A, %broadcast_in_dim3A_496 : vector<1x128xi1>, vector<1x128xf32>
    %reduce_sum3A_498 = vector.shape_cast %select_n3A_497 : vector<1x128xf32> to vector<1x1x128xf32>
    %reduce_sum3A_499 = arith.constant dense<0.000000e+00> : vector<1xf32>
    %reduce_sum3A_500 = vector.multi_reduction <add>, %reduce_sum3A_498, %reduce_sum3A_499 [1, 2] : vector<1x1x128xf32> to vector<1xf32>
    %reduce_sum3A_501 = vector.shape_cast %reduce_sum3A_500 : vector<1xf32> to vector<1x1x1xf32>
    %reduce_sum3A_502 = vector.extract %reduce_sum3A_501[0, 0, 0] : f32 from vector<1x1x1xf32>
    %ge3A_503 = vector.broadcast %reduce_sum3A_480 : f32 to vector<1x128xf32>
    %ge3A_504 = arith.cmpf oge, %convert_element_type3A_67, %ge3A_503 : vector<1x128xf32>
    %add3A_505 = arith.addf %reduce_sum3A_480, %reduce_sum3A_491 : f32
    %lt3A_506 = vector.broadcast %add3A_505 : f32 to vector<1x128xf32>
    %lt3A_507 = arith.cmpf olt, %convert_element_type3A_67, %lt3A_506 : vector<1x128xf32>
    %and3A_508 = arith.andi %ge3A_504, %lt3A_507 : vector<1x128xi1>
    %jit3A_509 = arith.constant 7.000000e+00 : f32
    %jit3A_510 = arith.constant 0.000000e+00 : f32
    %broadcast_in_dim3A_511 = vector.broadcast %jit3A_509 : f32 to vector<1x128xf32>
    %broadcast_in_dim3A_512 = vector.broadcast %jit3A_510 : f32 to vector<1x128xf32>
    %select_n3A_513 = arith.select %and3A_508, %broadcast_in_dim3A_511, %broadcast_in_dim3A_512 : vector<1x128xi1>, vector<1x128xf32>
    %add3A_514 = arith.addf %add3A_461, %select_n3A_513 : vector<1x128xf32>
    %add3A_515 = vector.broadcast %reduce_sum3A_502 : f32 to vector<1x128xf32>
    %add3A_516 = arith.addf %add3A_515, %convert_element_type3A_67 : vector<1x128xf32>
    %sub3A_517 = vector.broadcast %reduce_sum3A_480 : f32 to vector<1x128xf32>
    %sub3A_518 = arith.subf %add3A_516, %sub3A_517 : vector<1x128xf32>
    %jit3A_519 = arith.constant 0.000000e+00 : f32
    %broadcast_in_dim3A_520 = vector.broadcast %jit3A_519 : f32 to vector<1x128xf32>
    %select_n3A_521 = arith.select %and3A_508, %sub3A_518, %broadcast_in_dim3A_520 : vector<1x128xi1>, vector<1x128xf32>
    %add3A_522 = arith.addf %add3A_469, %select_n3A_521 : vector<1x128xf32>
    %gt3A_523 = arith.constant 0.000000e+00 : f32
    %gt3A_524 = vector.broadcast %gt3A_523 : f32 to vector<1x128xf32>
    %gt3A_525 = arith.cmpf ogt, %broadcast_in_dim3A_59, %gt3A_524 : vector<1x128xf32>
    %jit3A_526 = arith.constant -1.000000e+00 : f32
    %broadcast_in_dim3A_527 = vector.broadcast %jit3A_526 : f32 to vector<1x128xf32>
    %select_n3A_528 = arith.select %gt3A_525, %convert_element_type3A_67, %broadcast_in_dim3A_527 : vector<1x128xi1>, vector<1x128xf32>
    %reduce_max3A_529 = vector.shape_cast %select_n3A_528 : vector<1x128xf32> to vector<1x1x128xf32>
    %reduce_max3A_530 = arith.constant dense<0xFF800000> : vector<1xf32>
    %reduce_max3A_531 = vector.multi_reduction <maximumf>, %reduce_max3A_529, %reduce_max3A_530 [1, 2] : vector<1x1x128xf32> to vector<1xf32>
    %reduce_max3A_532 = vector.shape_cast %reduce_max3A_531 : vector<1xf32> to vector<1x1x1xf32>
    %reduce_max3A_533 = vector.extract %reduce_max3A_532[0, 0, 0] : f32 from vector<1x1x1xf32>
    %gt3A_534 = arith.constant 0.000000e+00 : f32
    %gt3A_535 = vector.broadcast %gt3A_534 : f32 to vector<1x128xf32>
    %gt3A_536 = arith.cmpf ogt, %broadcast_in_dim3A_59, %gt3A_535 : vector<1x128xf32>
    %jit3A_537 = arith.constant -1.000000e+00 : f32
    %broadcast_in_dim3A_538 = vector.broadcast %jit3A_537 : f32 to vector<1x128xf32>
    %select_n3A_539 = arith.select %gt3A_536, %floor3A_78, %broadcast_in_dim3A_538 : vector<1x128xi1>, vector<1x128xf32>
    %reduce_max3A_540 = vector.shape_cast %select_n3A_539 : vector<1x128xf32> to vector<1x1x128xf32>
    %reduce_max3A_541 = arith.constant dense<0xFF800000> : vector<1xf32>
    %reduce_max3A_542 = vector.multi_reduction <maximumf>, %reduce_max3A_540, %reduce_max3A_541 [1, 2] : vector<1x1x128xf32> to vector<1xf32>
    %reduce_max3A_543 = vector.shape_cast %reduce_max3A_542 : vector<1xf32> to vector<1x1x1xf32>
    %reduce_max3A_544 = vector.extract %reduce_max3A_543[0, 0, 0] : f32 from vector<1x1x1xf32>
    %ge3A_545 = vector.broadcast %reduce_sum3A_95 : f32 to vector<1x128xf32>
    %ge3A_546 = arith.cmpf oge, %convert_element_type3A_67, %ge3A_545 : vector<1x128xf32>
    %broadcast_in_dim3A_547 = vector.broadcast %reduce_max3A_533 : f32 to vector<1x128xf32>
    %select_n3A_548 = arith.select %ge3A_546, %broadcast_in_dim3A_547, %add3A_514 : vector<1x128xi1>, vector<1x128xf32>
    %broadcast_in_dim3A_549 = vector.broadcast %reduce_max3A_544 : f32 to vector<1x128xf32>
    %select_n3A_550 = arith.select %ge3A_546, %broadcast_in_dim3A_549, %add3A_522 : vector<1x128xi1>, vector<1x128xf32>
    %jit3A_551 = arith.constant 0.000000e+00 : f32
    %jit3A_552 = arith.constant 1.000000e+00 : f32
    %broadcast_in_dim3A_553 = vector.broadcast %jit3A_551 : f32 to vector<1x128xf32>
    %broadcast_in_dim3A_554 = vector.broadcast %jit3A_552 : f32 to vector<1x128xf32>
    %select_n3A_555 = arith.select %ge3A_546, %broadcast_in_dim3A_553, %broadcast_in_dim3A_554 : vector<1x128xi1>, vector<1x128xf32>
    %concatenate3A = tpu.concatenate %select_n3A_548, %select_n3A_550, %select_n3A_555, %dot_general3A_65 in 0 : vector<1x128xf32>, vector<1x128xf32>, vector<1x128xf32>, vector<1x128xf32> -> vector<4x128xf32>
    %convert_element_type3A_556 = arith.fptosi %concatenate3A : vector<4x128xf32> to vector<4x128xi32>
    %swap3A = arith.constant 0 : index
    %swap3A_557 = arith.constant 0 : index
    %swap3A_558 = vector.load %arg5[%swap3A, %swap3A_557] : memref<4x128xi32, #tpu.memory_space<vmem>>, vector<4x128xi32>
    tpu.vector_store %arg5[%swap3A, %swap3A_557], %convert_element_type3A_556 {strides = array<i32>} : memref<4x128xi32, #tpu.memory_space<vmem>>, vector<4x128xi32>,
    %add3A_559 = vector.broadcast %dot_general3A_65 : vector<1x128xf32> to vector<2048x128xf32>
    %add3A_560 = arith.addf %add3A_559, %sub3A_56 : vector<2048x128xf32>
    %gt3A_561 = arith.constant 0.000000e+00 : f32
    %gt3A_562 = vector.broadcast %gt3A_561 : f32 to vector<2048x128xf32>
    %gt3A_563 = arith.cmpf ogt, %convert_element_type3A_32, %gt3A_562 : vector<2048x128xf32>
    %jit3A_564 = arith.constant 0.000000e+00 : f32
    %broadcast_in_dim3A_565 = vector.broadcast %jit3A_564 : f32 to vector<2048x128xf32>
    %select_n3A_566 = arith.select %gt3A_563, %add3A_560, %broadcast_in_dim3A_565 : vector<2048x128xi1>, vector<2048x128xf32>
    %reduce_sum3A_567 = arith.constant dense<0.000000e+00> : vector<2048xf32>
    %reduce_sum3A_568 = vector.multi_reduction <add>, %select_n3A_566, %reduce_sum3A_567 [1] : vector<2048x128xf32> to vector<2048xf32>
    %broadcast_in_dim3A_569 = vector.shape_cast %reduce_sum3A_568 : vector<2048xf32> to vector<2048x1xf32>
    %gt3A_570 = arith.constant 0.000000e+00 : f32
    %gt3A_571 = vector.broadcast %gt3A_570 : f32 to vector<2048x128xf32>
    %gt3A_572 = arith.cmpf ogt, %convert_element_type3A_36, %gt3A_571 : vector<2048x128xf32>
    %add3A_573 = arith.addf %add3A_560, %convert_element_type3A_32 : vector<2048x128xf32>
    %jit3A_574 = arith.constant 0.000000e+00 : f32
    %broadcast_in_dim3A_575 = vector.broadcast %jit3A_574 : f32 to vector<2048x128xf32>
    %select_n3A_576 = arith.select %gt3A_572, %add3A_573, %broadcast_in_dim3A_575 : vector<2048x128xi1>, vector<2048x128xf32>
    %reduce_sum3A_577 = arith.constant dense<0.000000e+00> : vector<2048xf32>
    %reduce_sum3A_578 = vector.multi_reduction <add>, %select_n3A_576, %reduce_sum3A_577 [1] : vector<2048x128xf32> to vector<2048xf32>
    %broadcast_in_dim3A_579 = vector.shape_cast %reduce_sum3A_578 : vector<2048xf32> to vector<2048x1xf32>
    %convert_element_type3A_580 = arith.fptosi %broadcast_in_dim3A_569 : vector<2048x1xf32> to vector<2048x1xi32>
    %swap3A_581 = arith.constant 0 : index
    %swap3A_582 = arith.constant 0 : index
    %swap3A_583 = vector.load %arg2[%swap3A_581, %swap3A_582] : memref<2048x1xi32, #tpu.memory_space<vmem>>, vector<2048x1xi32>
    tpu.vector_store %arg2[%swap3A_581, %swap3A_582], %convert_element_type3A_580 {strides = array<i32>} : memref<2048x1xi32, #tpu.memory_space<vmem>>, vector<2048x1xi32>,
    %convert_element_type3A_584 = arith.fptosi %broadcast_in_dim3A_579 : vector<2048x1xf32> to vector<2048x1xi32>
    %swap3A_585 = arith.constant 0 : index
    %swap3A_586 = arith.constant 0 : index
    %swap3A_587 = vector.load %arg3[%swap3A_585, %swap3A_586] : memref<2048x1xi32, #tpu.memory_space<vmem>>, vector<2048x1xi32>
    tpu.vector_store %arg3[%swap3A_585, %swap3A_586], %convert_element_type3A_584 {strides = array<i32>} : memref<2048x1xi32, #tpu.memory_space<vmem>>, vector<2048x1xi32>,
    %iota3A_588 = tpu.iota {dimensions = array<i32: 0>} : vector<2048x512xi32>
    %convert_element_type3A_589 = arith.sitofp %iota3A_588 : vector<2048x512xi32> to vector<2048x512xf32>
    %mul3A = arith.constant 2.000000e+00 : f32
    %mul3A_590 = vector.broadcast %mul3A : f32 to vector<2048x512xf32>
    %mul3A_591 = arith.mulf %mul3A_590, %convert_element_type3A_589 : vector<2048x512xf32>
    %iota3A_592 = tpu.iota {dimensions = array<i32: 1>} : vector<2048x512xi32>
    %convert_element_type3A_593 = arith.sitofp %iota3A_592 : vector<2048x512xi32> to vector<2048x512xf32>
    %add3A_594 = arith.constant 0.000000e+00 : f32
    %add3A_595 = vector.broadcast %add3A_594 : f32 to vector<2048x512xf32>
    %add3A_596 = arith.addf %add3A_595, %convert_element_type3A_593 : vector<2048x512xf32>
    %eq3A_597 = vector.broadcast %broadcast_in_dim3A_569 : vector<2048x1xf32> to vector<2048x512xf32>
    %eq3A_598 = arith.cmpf oeq, %eq3A_597, %add3A_596 : vector<2048x512xf32>
    %convert_element_type3A_599 = arith.extui %eq3A_598 : vector<2048x512xi1> to vector<2048x512xi32>
    %convert_element_type3A_600 = arith.sitofp %convert_element_type3A_599 : vector<2048x512xi32> to vector<2048x512xf32>
    %eq3A_601 = vector.broadcast %broadcast_in_dim3A_579 : vector<2048x1xf32> to vector<2048x512xf32>
    %eq3A_602 = arith.cmpf oeq, %eq3A_601, %add3A_596 : vector<2048x512xf32>
    %convert_element_type3A_603 = arith.extui %eq3A_602 : vector<2048x512xi1> to vector<2048x512xi32>
    %convert_element_type3A_604 = arith.sitofp %convert_element_type3A_603 : vector<2048x512xi32> to vector<2048x512xf32>
    %mul3A_605 = arith.mulf %convert_element_type3A_600, %mul3A_591 : vector<2048x512xf32>
    %add3A_606 = arith.constant 1.000000e+00 : f32
    %add3A_607 = vector.broadcast %add3A_606 : f32 to vector<2048x512xf32>
    %add3A_608 = arith.addf %mul3A_591, %add3A_607 : vector<2048x512xf32>
    %mul3A_609 = arith.mulf %convert_element_type3A_604, %add3A_608 : vector<2048x512xf32>
    %add3A_610 = arith.addf %mul3A_605, %mul3A_609 : vector<2048x512xf32>
    %reduce_sum3A_611 = arith.constant dense<0.000000e+00> : vector<512xf32>
    %reduce_sum3A_612 = vector.multi_reduction <add>, %add3A_610, %reduce_sum3A_611 [0] : vector<2048x512xf32> to vector<512xf32>
    %mul3A_613 = vector.broadcast %broadcast_in_dim3A_9 : vector<2048x1xf32> to vector<2048x512xf32>
    %mul3A_614 = arith.mulf %convert_element_type3A_600, %mul3A_613 : vector<2048x512xf32>
    %mul3A_615 = vector.broadcast %broadcast_in_dim3A_21 : vector<2048x1xf32> to vector<2048x512xf32>
    %mul3A_616 = arith.mulf %convert_element_type3A_604, %mul3A_615 : vector<2048x512xf32>
    %add3A_617 = arith.addf %mul3A_614, %mul3A_616 : vector<2048x512xf32>
    %reduce_sum3A_618 = arith.constant dense<0.000000e+00> : vector<512xf32>
    %reduce_sum3A_619 = vector.multi_reduction <add>, %add3A_617, %reduce_sum3A_618 [0] : vector<2048x512xf32> to vector<512xf32>
    %convert_element_type3A_620 = arith.fptosi %reduce_sum3A_612 : vector<512xf32> to vector<512xi32>
    %swap3A_621 = arith.constant 0 : index
    %swap3A_622 = arith.constant 0 : index
    %swap3A_623 = vector.load %arg1[%swap3A_621, %swap3A_622] : memref<8x512xi32, #tpu.memory_space<vmem>>, vector<1x512xi32>
    %swap3A_624 = vector.shape_cast %swap3A_623 : vector<1x512xi32> to vector<512xi32>
    %swap3A_625 = vector.shape_cast %convert_element_type3A_620 : vector<512xi32> to vector<1x512xi32>
    tpu.vector_store %arg1[%swap3A_621, %swap3A_622], %swap3A_625 {strides = array<i32>} : memref<8x512xi32, #tpu.memory_space<vmem>>, vector<1x512xi32>,
    %swap3A_626 = arith.constant 0 : index
    %swap3A_627 = arith.constant 0 : index
    %swap3A_628 = vector.load %arg4[%swap3A_626, %swap3A_627] : memref<8x512xf32, #tpu.memory_space<vmem>>, vector<1x512xf32>
    %swap3A_629 = vector.shape_cast %swap3A_628 : vector<1x512xf32> to vector<512xf32>
    %swap3A_630 = vector.shape_cast %reduce_sum3A_619 : vector<512xf32> to vector<1x512xf32>
    tpu.vector_store %arg4[%swap3A_626, %swap3A_627], %swap3A_630 {strides = array<i32>} : memref<8x512xf32, #tpu.memory_space<vmem>>, vector<1x512xf32>,
    %iota3A_631 = tpu.iota {dimensions = array<i32: 1>} : vector<2048x512xi32>
    %convert_element_type3A_632 = arith.sitofp %iota3A_631 : vector<2048x512xi32> to vector<2048x512xf32>
    %add3A_633 = arith.constant 5.120000e+02 : f32
    %add3A_634 = vector.broadcast %add3A_633 : f32 to vector<2048x512xf32>
    %add3A_635 = arith.addf %add3A_634, %convert_element_type3A_632 : vector<2048x512xf32>
    %eq3A_636 = vector.broadcast %broadcast_in_dim3A_569 : vector<2048x1xf32> to vector<2048x512xf32>
    %eq3A_637 = arith.cmpf oeq, %eq3A_636, %add3A_635 : vector<2048x512xf32>
    %convert_element_type3A_638 = arith.extui %eq3A_637 : vector<2048x512xi1> to vector<2048x512xi32>
    %convert_element_type3A_639 = arith.sitofp %convert_element_type3A_638 : vector<2048x512xi32> to vector<2048x512xf32>
    %eq3A_640 = vector.broadcast %broadcast_in_dim3A_579 : vector<2048x1xf32> to vector<2048x512xf32>
    %eq3A_641 = arith.cmpf oeq, %eq3A_640, %add3A_635 : vector<2048x512xf32>
    %convert_element_type3A_642 = arith.extui %eq3A_641 : vector<2048x512xi1> to vector<2048x512xi32>
    %convert_element_type3A_643 = arith.sitofp %convert_element_type3A_642 : vector<2048x512xi32> to vector<2048x512xf32>
    %mul3A_644 = arith.mulf %convert_element_type3A_639, %mul3A_591 : vector<2048x512xf32>
    %add3A_645 = arith.constant 1.000000e+00 : f32
    %add3A_646 = vector.broadcast %add3A_645 : f32 to vector<2048x512xf32>
    %add3A_647 = arith.addf %mul3A_591, %add3A_646 : vector<2048x512xf32>
    %mul3A_648 = arith.mulf %convert_element_type3A_643, %add3A_647 : vector<2048x512xf32>
    %add3A_649 = arith.addf %mul3A_644, %mul3A_648 : vector<2048x512xf32>
    %reduce_sum3A_650 = arith.constant dense<0.000000e+00> : vector<512xf32>
    %reduce_sum3A_651 = vector.multi_reduction <add>, %add3A_649, %reduce_sum3A_650 [0] : vector<2048x512xf32> to vector<512xf32>
    %mul3A_652 = vector.broadcast %broadcast_in_dim3A_9 : vector<2048x1xf32> to vector<2048x512xf32>
    %mul3A_653 = arith.mulf %convert_element_type3A_639, %mul3A_652 : vector<2048x512xf32>
    %mul3A_654 = vector.broadcast %broadcast_in_dim3A_21 : vector<2048x1xf32> to vector<2048x512xf32>
    %mul3A_655 = arith.mulf %convert_element_type3A_643, %mul3A_654 : vector<2048x512xf32>
    %add3A_656 = arith.addf %mul3A_653, %mul3A_655 : vector<2048x512xf32>
    %reduce_sum3A_657 = arith.constant dense<0.000000e+00> : vector<512xf32>
    %reduce_sum3A_658 = vector.multi_reduction <add>, %add3A_656, %reduce_sum3A_657 [0] : vector<2048x512xf32> to vector<512xf32>
    %convert_element_type3A_659 = arith.fptosi %reduce_sum3A_651 : vector<512xf32> to vector<512xi32>
    %swap3A_660 = arith.constant 1 : index
    %swap3A_661 = arith.constant 0 : index
    %swap3A_662 = vector.load %arg1[%swap3A_660, %swap3A_661] : memref<8x512xi32, #tpu.memory_space<vmem>>, vector<1x512xi32>
    %swap3A_663 = vector.shape_cast %swap3A_662 : vector<1x512xi32> to vector<512xi32>
    %swap3A_664 = vector.shape_cast %convert_element_type3A_659 : vector<512xi32> to vector<1x512xi32>
    tpu.vector_store %arg1[%swap3A_660, %swap3A_661], %swap3A_664 {strides = array<i32>} : memref<8x512xi32, #tpu.memory_space<vmem>>, vector<1x512xi32>,
    %swap3A_665 = arith.constant 1 : index
    %swap3A_666 = arith.constant 0 : index
    %swap3A_667 = vector.load %arg4[%swap3A_665, %swap3A_666] : memref<8x512xf32, #tpu.memory_space<vmem>>, vector<1x512xf32>
    %swap3A_668 = vector.shape_cast %swap3A_667 : vector<1x512xf32> to vector<512xf32>
    %swap3A_669 = vector.shape_cast %reduce_sum3A_658 : vector<512xf32> to vector<1x512xf32>
    tpu.vector_store %arg4[%swap3A_665, %swap3A_666], %swap3A_669 {strides = array<i32>} : memref<8x512xf32, #tpu.memory_space<vmem>>, vector<1x512xf32>,
    %iota3A_670 = tpu.iota {dimensions = array<i32: 1>} : vector<2048x512xi32>
    %convert_element_type3A_671 = arith.sitofp %iota3A_670 : vector<2048x512xi32> to vector<2048x512xf32>
    %add3A_672 = arith.constant 1.024000e+03 : f32
    %add3A_673 = vector.broadcast %add3A_672 : f32 to vector<2048x512xf32>
    %add3A_674 = arith.addf %add3A_673, %convert_element_type3A_671 : vector<2048x512xf32>
    %eq3A_675 = vector.broadcast %broadcast_in_dim3A_569 : vector<2048x1xf32> to vector<2048x512xf32>
    %eq3A_676 = arith.cmpf oeq, %eq3A_675, %add3A_674 : vector<2048x512xf32>
    %convert_element_type3A_677 = arith.extui %eq3A_676 : vector<2048x512xi1> to vector<2048x512xi32>
    %convert_element_type3A_678 = arith.sitofp %convert_element_type3A_677 : vector<2048x512xi32> to vector<2048x512xf32>
    %eq3A_679 = vector.broadcast %broadcast_in_dim3A_579 : vector<2048x1xf32> to vector<2048x512xf32>
    %eq3A_680 = arith.cmpf oeq, %eq3A_679, %add3A_674 : vector<2048x512xf32>
    %convert_element_type3A_681 = arith.extui %eq3A_680 : vector<2048x512xi1> to vector<2048x512xi32>
    %convert_element_type3A_682 = arith.sitofp %convert_element_type3A_681 : vector<2048x512xi32> to vector<2048x512xf32>
    %mul3A_683 = arith.mulf %convert_element_type3A_678, %mul3A_591 : vector<2048x512xf32>
    %add3A_684 = arith.constant 1.000000e+00 : f32
    %add3A_685 = vector.broadcast %add3A_684 : f32 to vector<2048x512xf32>
    %add3A_686 = arith.addf %mul3A_591, %add3A_685 : vector<2048x512xf32>
    %mul3A_687 = arith.mulf %convert_element_type3A_682, %add3A_686 : vector<2048x512xf32>
    %add3A_688 = arith.addf %mul3A_683, %mul3A_687 : vector<2048x512xf32>
    %reduce_sum3A_689 = arith.constant dense<0.000000e+00> : vector<512xf32>
    %reduce_sum3A_690 = vector.multi_reduction <add>, %add3A_688, %reduce_sum3A_689 [0] : vector<2048x512xf32> to vector<512xf32>
    %mul3A_691 = vector.broadcast %broadcast_in_dim3A_9 : vector<2048x1xf32> to vector<2048x512xf32>
    %mul3A_692 = arith.mulf %convert_element_type3A_678, %mul3A_691 : vector<2048x512xf32>
    %mul3A_693 = vector.broadcast %broadcast_in_dim3A_21 : vector<2048x1xf32> to vector<2048x512xf32>
    %mul3A_694 = arith.mulf %convert_element_type3A_682, %mul3A_693 : vector<2048x512xf32>
    %add3A_695 = arith.addf %mul3A_692, %mul3A_694 : vector<2048x512xf32>
    %reduce_sum3A_696 = arith.constant dense<0.000000e+00> : vector<512xf32>
    %reduce_sum3A_697 = vector.multi_reduction <add>, %add3A_695, %reduce_sum3A_696 [0] : vector<2048x512xf32> to vector<512xf32>
    %convert_element_type3A_698 = arith.fptosi %reduce_sum3A_690 : vector<512xf32> to vector<512xi32>
    %swap3A_699 = arith.constant 2 : index
    %swap3A_700 = arith.constant 0 : index
    %swap3A_701 = vector.load %arg1[%swap3A_699, %swap3A_700] : memref<8x512xi32, #tpu.memory_space<vmem>>, vector<1x512xi32>
    %swap3A_702 = vector.shape_cast %swap3A_701 : vector<1x512xi32> to vector<512xi32>
    %swap3A_703 = vector.shape_cast %convert_element_type3A_698 : vector<512xi32> to vector<1x512xi32>
    tpu.vector_store %arg1[%swap3A_699, %swap3A_700], %swap3A_703 {strides = array<i32>} : memref<8x512xi32, #tpu.memory_space<vmem>>, vector<1x512xi32>,
    %swap3A_704 = arith.constant 2 : index
    %swap3A_705 = arith.constant 0 : index
    %swap3A_706 = vector.load %arg4[%swap3A_704, %swap3A_705] : memref<8x512xf32, #tpu.memory_space<vmem>>, vector<1x512xf32>
    %swap3A_707 = vector.shape_cast %swap3A_706 : vector<1x512xf32> to vector<512xf32>
    %swap3A_708 = vector.shape_cast %reduce_sum3A_697 : vector<512xf32> to vector<1x512xf32>
    tpu.vector_store %arg4[%swap3A_704, %swap3A_705], %swap3A_708 {strides = array<i32>} : memref<8x512xf32, #tpu.memory_space<vmem>>, vector<1x512xf32>,
    %iota3A_709 = tpu.iota {dimensions = array<i32: 1>} : vector<2048x512xi32>
    %convert_element_type3A_710 = arith.sitofp %iota3A_709 : vector<2048x512xi32> to vector<2048x512xf32>
    %add3A_711 = arith.constant 1.536000e+03 : f32
    %add3A_712 = vector.broadcast %add3A_711 : f32 to vector<2048x512xf32>
    %add3A_713 = arith.addf %add3A_712, %convert_element_type3A_710 : vector<2048x512xf32>
    %eq3A_714 = vector.broadcast %broadcast_in_dim3A_569 : vector<2048x1xf32> to vector<2048x512xf32>
    %eq3A_715 = arith.cmpf oeq, %eq3A_714, %add3A_713 : vector<2048x512xf32>
    %convert_element_type3A_716 = arith.extui %eq3A_715 : vector<2048x512xi1> to vector<2048x512xi32>
    %convert_element_type3A_717 = arith.sitofp %convert_element_type3A_716 : vector<2048x512xi32> to vector<2048x512xf32>
    %eq3A_718 = vector.broadcast %broadcast_in_dim3A_579 : vector<2048x1xf32> to vector<2048x512xf32>
    %eq3A_719 = arith.cmpf oeq, %eq3A_718, %add3A_713 : vector<2048x512xf32>
    %convert_element_type3A_720 = arith.extui %eq3A_719 : vector<2048x512xi1> to vector<2048x512xi32>
    %convert_element_type3A_721 = arith.sitofp %convert_element_type3A_720 : vector<2048x512xi32> to vector<2048x512xf32>
    %mul3A_722 = arith.mulf %convert_element_type3A_717, %mul3A_591 : vector<2048x512xf32>
    %add3A_723 = arith.constant 1.000000e+00 : f32
    %add3A_724 = vector.broadcast %add3A_723 : f32 to vector<2048x512xf32>
    %add3A_725 = arith.addf %mul3A_591, %add3A_724 : vector<2048x512xf32>
    %mul3A_726 = arith.mulf %convert_element_type3A_721, %add3A_725 : vector<2048x512xf32>
    %add3A_727 = arith.addf %mul3A_722, %mul3A_726 : vector<2048x512xf32>
    %reduce_sum3A_728 = arith.constant dense<0.000000e+00> : vector<512xf32>
    %reduce_sum3A_729 = vector.multi_reduction <add>, %add3A_727, %reduce_sum3A_728 [0] : vector<2048x512xf32> to vector<512xf32>
    %mul3A_730 = vector.broadcast %broadcast_in_dim3A_9 : vector<2048x1xf32> to vector<2048x512xf32>
    %mul3A_731 = arith.mulf %convert_element_type3A_717, %mul3A_730 : vector<2048x512xf32>
    %mul3A_732 = vector.broadcast %broadcast_in_dim3A_21 : vector<2048x1xf32> to vector<2048x512xf32>
    %mul3A_733 = arith.mulf %convert_element_type3A_721, %mul3A_732 : vector<2048x512xf32>
    %add3A_734 = arith.addf %mul3A_731, %mul3A_733 : vector<2048x512xf32>
    %reduce_sum3A_735 = arith.constant dense<0.000000e+00> : vector<512xf32>
    %reduce_sum3A_736 = vector.multi_reduction <add>, %add3A_734, %reduce_sum3A_735 [0] : vector<2048x512xf32> to vector<512xf32>
    %convert_element_type3A_737 = arith.fptosi %reduce_sum3A_729 : vector<512xf32> to vector<512xi32>
    %swap3A_738 = arith.constant 3 : index
    %swap3A_739 = arith.constant 0 : index
    %swap3A_740 = vector.load %arg1[%swap3A_738, %swap3A_739] : memref<8x512xi32, #tpu.memory_space<vmem>>, vector<1x512xi32>
    %swap3A_741 = vector.shape_cast %swap3A_740 : vector<1x512xi32> to vector<512xi32>
    %swap3A_742 = vector.shape_cast %convert_element_type3A_737 : vector<512xi32> to vector<1x512xi32>
    tpu.vector_store %arg1[%swap3A_738, %swap3A_739], %swap3A_742 {strides = array<i32>} : memref<8x512xi32, #tpu.memory_space<vmem>>, vector<1x512xi32>,
    %swap3A_743 = arith.constant 3 : index
    %swap3A_744 = arith.constant 0 : index
    %swap3A_745 = vector.load %arg4[%swap3A_743, %swap3A_744] : memref<8x512xf32, #tpu.memory_space<vmem>>, vector<1x512xf32>
    %swap3A_746 = vector.shape_cast %swap3A_745 : vector<1x512xf32> to vector<512xf32>
    %swap3A_747 = vector.shape_cast %reduce_sum3A_736 : vector<512xf32> to vector<1x512xf32>
    tpu.vector_store %arg4[%swap3A_743, %swap3A_744], %swap3A_747 {strides = array<i32>} : memref<8x512xf32, #tpu.memory_space<vmem>>, vector<1x512xf32>,
    %iota3A_748 = tpu.iota {dimensions = array<i32: 1>} : vector<2048x512xi32>
    %convert_element_type3A_749 = arith.sitofp %iota3A_748 : vector<2048x512xi32> to vector<2048x512xf32>
    %add3A_750 = arith.constant 2.048000e+03 : f32
    %add3A_751 = vector.broadcast %add3A_750 : f32 to vector<2048x512xf32>
    %add3A_752 = arith.addf %add3A_751, %convert_element_type3A_749 : vector<2048x512xf32>
    %eq3A_753 = vector.broadcast %broadcast_in_dim3A_569 : vector<2048x1xf32> to vector<2048x512xf32>
    %eq3A_754 = arith.cmpf oeq, %eq3A_753, %add3A_752 : vector<2048x512xf32>
    %convert_element_type3A_755 = arith.extui %eq3A_754 : vector<2048x512xi1> to vector<2048x512xi32>
    %convert_element_type3A_756 = arith.sitofp %convert_element_type3A_755 : vector<2048x512xi32> to vector<2048x512xf32>
    %eq3A_757 = vector.broadcast %broadcast_in_dim3A_579 : vector<2048x1xf32> to vector<2048x512xf32>
    %eq3A_758 = arith.cmpf oeq, %eq3A_757, %add3A_752 : vector<2048x512xf32>
    %convert_element_type3A_759 = arith.extui %eq3A_758 : vector<2048x512xi1> to vector<2048x512xi32>
    %convert_element_type3A_760 = arith.sitofp %convert_element_type3A_759 : vector<2048x512xi32> to vector<2048x512xf32>
    %mul3A_761 = arith.mulf %convert_element_type3A_756, %mul3A_591 : vector<2048x512xf32>
    %add3A_762 = arith.constant 1.000000e+00 : f32
    %add3A_763 = vector.broadcast %add3A_762 : f32 to vector<2048x512xf32>
    %add3A_764 = arith.addf %mul3A_591, %add3A_763 : vector<2048x512xf32>
    %mul3A_765 = arith.mulf %convert_element_type3A_760, %add3A_764 : vector<2048x512xf32>
    %add3A_766 = arith.addf %mul3A_761, %mul3A_765 : vector<2048x512xf32>
    %reduce_sum3A_767 = arith.constant dense<0.000000e+00> : vector<512xf32>
    %reduce_sum3A_768 = vector.multi_reduction <add>, %add3A_766, %reduce_sum3A_767 [0] : vector<2048x512xf32> to vector<512xf32>
    %mul3A_769 = vector.broadcast %broadcast_in_dim3A_9 : vector<2048x1xf32> to vector<2048x512xf32>
    %mul3A_770 = arith.mulf %convert_element_type3A_756, %mul3A_769 : vector<2048x512xf32>
    %mul3A_771 = vector.broadcast %broadcast_in_dim3A_21 : vector<2048x1xf32> to vector<2048x512xf32>
    %mul3A_772 = arith.mulf %convert_element_type3A_760, %mul3A_771 : vector<2048x512xf32>
    %add3A_773 = arith.addf %mul3A_770, %mul3A_772 : vector<2048x512xf32>
    %reduce_sum3A_774 = arith.constant dense<0.000000e+00> : vector<512xf32>
    %reduce_sum3A_775 = vector.multi_reduction <add>, %add3A_773, %reduce_sum3A_774 [0] : vector<2048x512xf32> to vector<512xf32>
    %convert_element_type3A_776 = arith.fptosi %reduce_sum3A_768 : vector<512xf32> to vector<512xi32>
    %swap3A_777 = arith.constant 4 : index
    %swap3A_778 = arith.constant 0 : index
    %swap3A_779 = vector.load %arg1[%swap3A_777, %swap3A_778] : memref<8x512xi32, #tpu.memory_space<vmem>>, vector<1x512xi32>
    %swap3A_780 = vector.shape_cast %swap3A_779 : vector<1x512xi32> to vector<512xi32>
    %swap3A_781 = vector.shape_cast %convert_element_type3A_776 : vector<512xi32> to vector<1x512xi32>
    tpu.vector_store %arg1[%swap3A_777, %swap3A_778], %swap3A_781 {strides = array<i32>} : memref<8x512xi32, #tpu.memory_space<vmem>>, vector<1x512xi32>,
    %swap3A_782 = arith.constant 4 : index
    %swap3A_783 = arith.constant 0 : index
    %swap3A_784 = vector.load %arg4[%swap3A_782, %swap3A_783] : memref<8x512xf32, #tpu.memory_space<vmem>>, vector<1x512xf32>
    %swap3A_785 = vector.shape_cast %swap3A_784 : vector<1x512xf32> to vector<512xf32>
    %swap3A_786 = vector.shape_cast %reduce_sum3A_775 : vector<512xf32> to vector<1x512xf32>
    tpu.vector_store %arg4[%swap3A_782, %swap3A_783], %swap3A_786 {strides = array<i32>} : memref<8x512xf32, #tpu.memory_space<vmem>>, vector<1x512xf32>,
    %iota3A_787 = tpu.iota {dimensions = array<i32: 1>} : vector<2048x512xi32>
    %convert_element_type3A_788 = arith.sitofp %iota3A_787 : vector<2048x512xi32> to vector<2048x512xf32>
    %add3A_789 = arith.constant 2.560000e+03 : f32
    %add3A_790 = vector.broadcast %add3A_789 : f32 to vector<2048x512xf32>
    %add3A_791 = arith.addf %add3A_790, %convert_element_type3A_788 : vector<2048x512xf32>
    %eq3A_792 = vector.broadcast %broadcast_in_dim3A_569 : vector<2048x1xf32> to vector<2048x512xf32>
    %eq3A_793 = arith.cmpf oeq, %eq3A_792, %add3A_791 : vector<2048x512xf32>
    %convert_element_type3A_794 = arith.extui %eq3A_793 : vector<2048x512xi1> to vector<2048x512xi32>
    %convert_element_type3A_795 = arith.sitofp %convert_element_type3A_794 : vector<2048x512xi32> to vector<2048x512xf32>
    %eq3A_796 = vector.broadcast %broadcast_in_dim3A_579 : vector<2048x1xf32> to vector<2048x512xf32>
    %eq3A_797 = arith.cmpf oeq, %eq3A_796, %add3A_791 : vector<2048x512xf32>
    %convert_element_type3A_798 = arith.extui %eq3A_797 : vector<2048x512xi1> to vector<2048x512xi32>
    %convert_element_type3A_799 = arith.sitofp %convert_element_type3A_798 : vector<2048x512xi32> to vector<2048x512xf32>
    %mul3A_800 = arith.mulf %convert_element_type3A_795, %mul3A_591 : vector<2048x512xf32>
    %add3A_801 = arith.constant 1.000000e+00 : f32
    %add3A_802 = vector.broadcast %add3A_801 : f32 to vector<2048x512xf32>
    %add3A_803 = arith.addf %mul3A_591, %add3A_802 : vector<2048x512xf32>
    %mul3A_804 = arith.mulf %convert_element_type3A_799, %add3A_803 : vector<2048x512xf32>
    %add3A_805 = arith.addf %mul3A_800, %mul3A_804 : vector<2048x512xf32>
    %reduce_sum3A_806 = arith.constant dense<0.000000e+00> : vector<512xf32>
    %reduce_sum3A_807 = vector.multi_reduction <add>, %add3A_805, %reduce_sum3A_806 [0] : vector<2048x512xf32> to vector<512xf32>
    %mul3A_808 = vector.broadcast %broadcast_in_dim3A_9 : vector<2048x1xf32> to vector<2048x512xf32>
    %mul3A_809 = arith.mulf %convert_element_type3A_795, %mul3A_808 : vector<2048x512xf32>
    %mul3A_810 = vector.broadcast %broadcast_in_dim3A_21 : vector<2048x1xf32> to vector<2048x512xf32>
    %mul3A_811 = arith.mulf %convert_element_type3A_799, %mul3A_810 : vector<2048x512xf32>
    %add3A_812 = arith.addf %mul3A_809, %mul3A_811 : vector<2048x512xf32>
    %reduce_sum3A_813 = arith.constant dense<0.000000e+00> : vector<512xf32>
    %reduce_sum3A_814 = vector.multi_reduction <add>, %add3A_812, %reduce_sum3A_813 [0] : vector<2048x512xf32> to vector<512xf32>
    %convert_element_type3A_815 = arith.fptosi %reduce_sum3A_807 : vector<512xf32> to vector<512xi32>
    %swap3A_816 = arith.constant 5 : index
    %swap3A_817 = arith.constant 0 : index
    %swap3A_818 = vector.load %arg1[%swap3A_816, %swap3A_817] : memref<8x512xi32, #tpu.memory_space<vmem>>, vector<1x512xi32>
    %swap3A_819 = vector.shape_cast %swap3A_818 : vector<1x512xi32> to vector<512xi32>
    %swap3A_820 = vector.shape_cast %convert_element_type3A_815 : vector<512xi32> to vector<1x512xi32>
    tpu.vector_store %arg1[%swap3A_816, %swap3A_817], %swap3A_820 {strides = array<i32>} : memref<8x512xi32, #tpu.memory_space<vmem>>, vector<1x512xi32>,
    %swap3A_821 = arith.constant 5 : index
    %swap3A_822 = arith.constant 0 : index
    %swap3A_823 = vector.load %arg4[%swap3A_821, %swap3A_822] : memref<8x512xf32, #tpu.memory_space<vmem>>, vector<1x512xf32>
    %swap3A_824 = vector.shape_cast %swap3A_823 : vector<1x512xf32> to vector<512xf32>
    %swap3A_825 = vector.shape_cast %reduce_sum3A_814 : vector<512xf32> to vector<1x512xf32>
    tpu.vector_store %arg4[%swap3A_821, %swap3A_822], %swap3A_825 {strides = array<i32>} : memref<8x512xf32, #tpu.memory_space<vmem>>, vector<1x512xf32>,
    %iota3A_826 = tpu.iota {dimensions = array<i32: 1>} : vector<2048x512xi32>
    %convert_element_type3A_827 = arith.sitofp %iota3A_826 : vector<2048x512xi32> to vector<2048x512xf32>
    %add3A_828 = arith.constant 3.072000e+03 : f32
    %add3A_829 = vector.broadcast %add3A_828 : f32 to vector<2048x512xf32>
    %add3A_830 = arith.addf %add3A_829, %convert_element_type3A_827 : vector<2048x512xf32>
    %eq3A_831 = vector.broadcast %broadcast_in_dim3A_569 : vector<2048x1xf32> to vector<2048x512xf32>
    %eq3A_832 = arith.cmpf oeq, %eq3A_831, %add3A_830 : vector<2048x512xf32>
    %convert_element_type3A_833 = arith.extui %eq3A_832 : vector<2048x512xi1> to vector<2048x512xi32>
    %convert_element_type3A_834 = arith.sitofp %convert_element_type3A_833 : vector<2048x512xi32> to vector<2048x512xf32>
    %eq3A_835 = vector.broadcast %broadcast_in_dim3A_579 : vector<2048x1xf32> to vector<2048x512xf32>
    %eq3A_836 = arith.cmpf oeq, %eq3A_835, %add3A_830 : vector<2048x512xf32>
    %convert_element_type3A_837 = arith.extui %eq3A_836 : vector<2048x512xi1> to vector<2048x512xi32>
    %convert_element_type3A_838 = arith.sitofp %convert_element_type3A_837 : vector<2048x512xi32> to vector<2048x512xf32>
    %mul3A_839 = arith.mulf %convert_element_type3A_834, %mul3A_591 : vector<2048x512xf32>
    %add3A_840 = arith.constant 1.000000e+00 : f32
    %add3A_841 = vector.broadcast %add3A_840 : f32 to vector<2048x512xf32>
    %add3A_842 = arith.addf %mul3A_591, %add3A_841 : vector<2048x512xf32>
    %mul3A_843 = arith.mulf %convert_element_type3A_838, %add3A_842 : vector<2048x512xf32>
    %add3A_844 = arith.addf %mul3A_839, %mul3A_843 : vector<2048x512xf32>
    %reduce_sum3A_845 = arith.constant dense<0.000000e+00> : vector<512xf32>
    %reduce_sum3A_846 = vector.multi_reduction <add>, %add3A_844, %reduce_sum3A_845 [0] : vector<2048x512xf32> to vector<512xf32>
    %mul3A_847 = vector.broadcast %broadcast_in_dim3A_9 : vector<2048x1xf32> to vector<2048x512xf32>
    %mul3A_848 = arith.mulf %convert_element_type3A_834, %mul3A_847 : vector<2048x512xf32>
    %mul3A_849 = vector.broadcast %broadcast_in_dim3A_21 : vector<2048x1xf32> to vector<2048x512xf32>
    %mul3A_850 = arith.mulf %convert_element_type3A_838, %mul3A_849 : vector<2048x512xf32>
    %add3A_851 = arith.addf %mul3A_848, %mul3A_850 : vector<2048x512xf32>
    %reduce_sum3A_852 = arith.constant dense<0.000000e+00> : vector<512xf32>
    %reduce_sum3A_853 = vector.multi_reduction <add>, %add3A_851, %reduce_sum3A_852 [0] : vector<2048x512xf32> to vector<512xf32>
    %convert_element_type3A_854 = arith.fptosi %reduce_sum3A_846 : vector<512xf32> to vector<512xi32>
    %swap3A_855 = arith.constant 6 : index
    %swap3A_856 = arith.constant 0 : index
    %swap3A_857 = vector.load %arg1[%swap3A_855, %swap3A_856] : memref<8x512xi32, #tpu.memory_space<vmem>>, vector<1x512xi32>
    %swap3A_858 = vector.shape_cast %swap3A_857 : vector<1x512xi32> to vector<512xi32>
    %swap3A_859 = vector.shape_cast %convert_element_type3A_854 : vector<512xi32> to vector<1x512xi32>
    tpu.vector_store %arg1[%swap3A_855, %swap3A_856], %swap3A_859 {strides = array<i32>} : memref<8x512xi32, #tpu.memory_space<vmem>>, vector<1x512xi32>,
    %swap3A_860 = arith.constant 6 : index
    %swap3A_861 = arith.constant 0 : index
    %swap3A_862 = vector.load %arg4[%swap3A_860, %swap3A_861] : memref<8x512xf32, #tpu.memory_space<vmem>>, vector<1x512xf32>
    %swap3A_863 = vector.shape_cast %swap3A_862 : vector<1x512xf32> to vector<512xf32>
    %swap3A_864 = vector.shape_cast %reduce_sum3A_853 : vector<512xf32> to vector<1x512xf32>
    tpu.vector_store %arg4[%swap3A_860, %swap3A_861], %swap3A_864 {strides = array<i32>} : memref<8x512xf32, #tpu.memory_space<vmem>>, vector<1x512xf32>,
    %iota3A_865 = tpu.iota {dimensions = array<i32: 1>} : vector<2048x512xi32>
    %convert_element_type3A_866 = arith.sitofp %iota3A_865 : vector<2048x512xi32> to vector<2048x512xf32>
    %add3A_867 = arith.constant 3.584000e+03 : f32
    %add3A_868 = vector.broadcast %add3A_867 : f32 to vector<2048x512xf32>
    %add3A_869 = arith.addf %add3A_868, %convert_element_type3A_866 : vector<2048x512xf32>
    %eq3A_870 = vector.broadcast %broadcast_in_dim3A_569 : vector<2048x1xf32> to vector<2048x512xf32>
    %eq3A_871 = arith.cmpf oeq, %eq3A_870, %add3A_869 : vector<2048x512xf32>
    %convert_element_type3A_872 = arith.extui %eq3A_871 : vector<2048x512xi1> to vector<2048x512xi32>
    %convert_element_type3A_873 = arith.sitofp %convert_element_type3A_872 : vector<2048x512xi32> to vector<2048x512xf32>
    %eq3A_874 = vector.broadcast %broadcast_in_dim3A_579 : vector<2048x1xf32> to vector<2048x512xf32>
    %eq3A_875 = arith.cmpf oeq, %eq3A_874, %add3A_869 : vector<2048x512xf32>
    %convert_element_type3A_876 = arith.extui %eq3A_875 : vector<2048x512xi1> to vector<2048x512xi32>
    %convert_element_type3A_877 = arith.sitofp %convert_element_type3A_876 : vector<2048x512xi32> to vector<2048x512xf32>
    %mul3A_878 = arith.mulf %convert_element_type3A_873, %mul3A_591 : vector<2048x512xf32>
    %add3A_879 = arith.constant 1.000000e+00 : f32
    %add3A_880 = vector.broadcast %add3A_879 : f32 to vector<2048x512xf32>
    %add3A_881 = arith.addf %mul3A_591, %add3A_880 : vector<2048x512xf32>
    %mul3A_882 = arith.mulf %convert_element_type3A_877, %add3A_881 : vector<2048x512xf32>
    %add3A_883 = arith.addf %mul3A_878, %mul3A_882 : vector<2048x512xf32>
    %reduce_sum3A_884 = arith.constant dense<0.000000e+00> : vector<512xf32>
    %reduce_sum3A_885 = vector.multi_reduction <add>, %add3A_883, %reduce_sum3A_884 [0] : vector<2048x512xf32> to vector<512xf32>
    %mul3A_886 = vector.broadcast %broadcast_in_dim3A_9 : vector<2048x1xf32> to vector<2048x512xf32>
    %mul3A_887 = arith.mulf %convert_element_type3A_873, %mul3A_886 : vector<2048x512xf32>
    %mul3A_888 = vector.broadcast %broadcast_in_dim3A_21 : vector<2048x1xf32> to vector<2048x512xf32>
    %mul3A_889 = arith.mulf %convert_element_type3A_877, %mul3A_888 : vector<2048x512xf32>
    %add3A_890 = arith.addf %mul3A_887, %mul3A_889 : vector<2048x512xf32>
    %reduce_sum3A_891 = arith.constant dense<0.000000e+00> : vector<512xf32>
    %reduce_sum3A_892 = vector.multi_reduction <add>, %add3A_890, %reduce_sum3A_891 [0] : vector<2048x512xf32> to vector<512xf32>
    %convert_element_type3A_893 = arith.fptosi %reduce_sum3A_885 : vector<512xf32> to vector<512xi32>
    %swap3A_894 = arith.constant 7 : index
    %swap3A_895 = arith.constant 0 : index
    %swap3A_896 = vector.load %arg1[%swap3A_894, %swap3A_895] : memref<8x512xi32, #tpu.memory_space<vmem>>, vector<1x512xi32>
    %swap3A_897 = vector.shape_cast %swap3A_896 : vector<1x512xi32> to vector<512xi32>
    %swap3A_898 = vector.shape_cast %convert_element_type3A_893 : vector<512xi32> to vector<1x512xi32>
    tpu.vector_store %arg1[%swap3A_894, %swap3A_895], %swap3A_898 {strides = array<i32>} : memref<8x512xi32, #tpu.memory_space<vmem>>, vector<1x512xi32>,
    %swap3A_899 = arith.constant 7 : index
    %swap3A_900 = arith.constant 0 : index
    %swap3A_901 = vector.load %arg4[%swap3A_899, %swap3A_900] : memref<8x512xf32, #tpu.memory_space<vmem>>, vector<1x512xf32>
    %swap3A_902 = vector.shape_cast %swap3A_901 : vector<1x512xf32> to vector<512xf32>
    %swap3A_903 = vector.shape_cast %reduce_sum3A_892 : vector<512xf32> to vector<1x512xf32>
    tpu.vector_store %arg4[%swap3A_899, %swap3A_900], %swap3A_903 {strides = array<i32>} : memref<8x512xf32, #tpu.memory_space<vmem>>, vector<1x512xf32>,
    return
  }
}

module attributes {stable_mosaic.version = 14 : i64} {
  func.func @_gemm_body(%arg0: i32, %arg1: i32, %arg2: memref<4x128xi32, #tpu.memory_space<smem>>, %arg3: memref<256x4096xf32, #tpu.memory_space<vmem>>, %arg4: memref<1x4096x1024xf32, #tpu.memory_space<vmem>>, %arg5: memref<256x1xf32, #tpu.memory_space<vmem>>, %arg6: memref<4096x1024xf32, #tpu.memory_space<vmem>>) attributes {dimension_semantics = [#tpu.dimension_semantics<arbitrary>, #tpu.dimension_semantics<arbitrary>], iteration_bounds = array<i64: 1, 24>, scalar_prefetch = 1 : i64, scratch_operands = 0 : i64, tpu.core_type = #tpu.core_type<tc>, window_params = [{transform_indices = @transform_0, window_bounds = array<i64: 256, 4096>}, {transform_indices = @transform_1, window_bounds = array<i64: 1, 4096, 1024>}, {transform_indices = @transform_2, window_bounds = array<i64: 256, 1>}, {pipeline_mode = #tpu.pipeline_mode<synchronous>, transform_indices = @transform_3, window_bounds = array<i64: 4096, 1024>}]} {
    %eq3A = arith.constant 0 : i32
    %eq3A_0 = arith.cmpi eq, %arg0, %eq3A : i32
    %eq3A_1 = arith.constant 0 : i32
    %eq3A_2 = arith.cmpi eq, %arg1, %eq3A_1 : i32
    %and3A = arith.andi %eq3A_0, %eq3A_2 : i1
    %convert_element_type3A = arith.extui %and3A : i1 to i32
    %cond3A = arith.constant 0 : i32
    %cond3A_3 = arith.cmpi ne, %convert_element_type3A, %cond3A : i32
    scf.if %cond3A_3 {
      %broadcast_in_dim3A = arith.constant 0.000000e+00 : f32
      %broadcast_in_dim3A_16 = vector.broadcast %broadcast_in_dim3A : f32 to vector<4096x1024xf32>
      %swap3A = arith.constant 0 : index
      %swap3A_17 = arith.constant 0 : index
      %swap3A_18 = vector.load %arg6[%swap3A, %swap3A_17] : memref<4096x1024xf32, #tpu.memory_space<vmem>>, vector<4096x1024xf32>
      tpu.vector_store %arg6[%swap3A, %swap3A_17], %broadcast_in_dim3A_16 {strides = array<i32>} : memref<4096x1024xf32, #tpu.memory_space<vmem>>, vector<4096x1024xf32>,
    } else {
    }
    %get3A = arith.constant 0 : index
    %get3A_4 = arith.index_cast %arg1 : i32 to index
    %get3A_5 = memref.load %arg2[%get3A, %get3A_4] : memref<4x128xi32, #tpu.memory_space<smem>>
    %get3A_6 = arith.constant 1 : index
    %get3A_7 = arith.index_cast %arg1 : i32 to index
    %get3A_8 = memref.load %arg2[%get3A_6, %get3A_7] : memref<4x128xi32, #tpu.memory_space<smem>>
    %get3A_9 = arith.constant 2 : index
    %get3A_10 = arith.index_cast %arg1 : i32 to index
    %get3A_11 = memref.load %arg2[%get3A_9, %get3A_10] : memref<4x128xi32, #tpu.memory_space<smem>>
    %gt3A = arith.constant 0 : i32
    %gt3A_12 = arith.cmpi sgt, %get3A_11, %gt3A : i32
    %convert_element_type3A_13 = arith.extui %gt3A_12 : i1 to i32
    %cond3A_14 = arith.constant 0 : i32
    %cond3A_15 = arith.cmpi ne, %convert_element_type3A_13, %cond3A_14 : i32
    scf.if %cond3A_15 {
      %get3A_16 = arith.constant 3 : index
      %get3A_17 = arith.index_cast %get3A_5 : i32 to index
      %get3A_18 = memref.load %arg2[%get3A_16, %get3A_17] : memref<4x128xi32, #tpu.memory_space<smem>>
      %add3A = arith.constant 1 : i32
      %add3A_19 = arith.addi %get3A_5, %add3A : i32
      %get3A_20 = arith.constant 3 : index
      %get3A_21 = arith.index_cast %add3A_19 : i32 to index
      %get3A_22 = memref.load %arg2[%get3A_20, %get3A_21] : memref<4x128xi32, #tpu.memory_space<smem>>
      %get3A_23 = arith.constant 0 : index
      %get3A_24 = arith.constant 0 : index
      %get3A_25 = vector.load %arg3[%get3A_23, %get3A_24] : memref<256x4096xf32, #tpu.memory_space<vmem>>, vector<256x4096xf32>
      %get3A_26 = arith.constant 0 : index
      %get3A_27 = arith.constant 0 : index
      %get3A_28 = arith.constant 0 : index
      %get3A_29 = vector.load %arg4[%get3A_26, %get3A_27, %get3A_28] : memref<1x4096x1024xf32, #tpu.memory_space<vmem>>, vector<1x4096x1024xf32>
      %get3A_30 = vector.shape_cast %get3A_29 : vector<1x4096x1024xf32> to vector<4096x1024xf32>
      %dot_general3A = arith.constant dense<0.000000e+00> : vector<256x1024xf32>
      %dot_general3A_31 = tpu.matmul %get3A_25, %get3A_30, %dot_general3A {dimension_numbers = #tpu.dot_dimension_numbers<[1], [0], [0], [1], [0, 0, 1, 1], [], []>, transpose_lhs_hint = false} : vector<256x4096xf32>, vector<4096x1024xf32>, vector<256x1024xf32> -> vector<256x1024xf32>
      %mul3A = arith.constant 256 : i32
      %mul3A_32 = arith.muli %get3A_8, %mul3A : i32
      %iota3A = tpu.iota {dimensions = array<i32: 0>} : vector<256x1xi32>
      %add3A_33 = vector.broadcast %mul3A_32 : i32 to vector<256x1xi32>
      %add3A_34 = arith.addi %add3A_33, %iota3A : vector<256x1xi32>
      %ge3A = vector.broadcast %get3A_18 : i32 to vector<256x1xi32>
      %ge3A_35 = arith.cmpi sge, %add3A_34, %ge3A : vector<256x1xi32>
      %lt3A = vector.broadcast %get3A_22 : i32 to vector<256x1xi32>
      %lt3A_36 = arith.cmpi slt, %add3A_34, %lt3A : vector<256x1xi32>
      %and3A_37 = arith.andi %ge3A_35, %lt3A_36 : vector<256x1xi1>
      %get3A_38 = arith.constant 0 : index
      %get3A_39 = arith.constant 0 : index
      %get3A_40 = vector.load %arg5[%get3A_38, %get3A_39] : memref<256x1xf32, #tpu.memory_space<vmem>>, vector<256x1xf32>
      %jit3A = arith.constant 0.000000e+00 : f32
      %broadcast_in_dim3A = vector.broadcast %jit3A : f32 to vector<256x1xf32>
      %select_n3A = arith.select %and3A_37, %get3A_40, %broadcast_in_dim3A : vector<256x1xi1>, vector<256x1xf32>
      %mul3A_41 = arith.constant 256 : i32
      %mul3A_42 = arith.muli %get3A_8, %mul3A_41 : i32
      %get3A_43 = arith.index_cast %mul3A_42 : i32 to index
      %get3A_44 = arith.constant 0 : index
      %get3A_45 = vector.load %arg6[%get3A_43, %get3A_44] : memref<4096x1024xf32, #tpu.memory_space<vmem>>, vector<256x1024xf32>
      %mul3A_46 = vector.broadcast %select_n3A : vector<256x1xf32> to vector<256x1024xf32>
      %mul3A_47 = arith.mulf %dot_general3A_31, %mul3A_46 : vector<256x1024xf32>
      %add3A_48 = arith.addf %get3A_45, %mul3A_47 : vector<256x1024xf32>
      %swap3A = arith.index_cast %mul3A_42 : i32 to index
      %swap3A_49 = arith.constant 0 : index
      %swap3A_50 = vector.load %arg6[%swap3A, %swap3A_49] : memref<4096x1024xf32, #tpu.memory_space<vmem>>, vector<256x1024xf32>
      tpu.vector_store %arg6[%swap3A, %swap3A_49], %add3A_48 {strides = array<i32>} : memref<4096x1024xf32, #tpu.memory_space<vmem>>, vector<256x1024xf32>,
    } else {
    }
    return
  }
  func.func @transform_0(%arg0: i32, %arg1: i32, %arg2: memref<4x128xi32, #tpu.memory_space<smem>>) -> (i32, i32) {
    %get3A = arith.constant 1 : index
    %get3A_0 = arith.index_cast %arg1 : i32 to index
    %get3A_1 = memref.load %arg2[%get3A, %get3A_0] : memref<4x128xi32, #tpu.memory_space<smem>>
    %c0_i32 = arith.constant 0 : i32
    return %get3A_1, %arg0 : i32, i32
  }
  func.func @transform_1(%arg0: i32, %arg1: i32, %arg2: memref<4x128xi32, #tpu.memory_space<smem>>) -> (i32, i32, i32) {
    %get3A = arith.constant 0 : index
    %get3A_0 = arith.index_cast %arg1 : i32 to index
    %get3A_1 = memref.load %arg2[%get3A, %get3A_0] : memref<4x128xi32, #tpu.memory_space<smem>>
    %c0_i32 = arith.constant 0 : i32
    %c0_i32_2 = arith.constant 0 : i32
    return %get3A_1, %arg0, %c0_i32 : i32, i32, i32
  }
  func.func @transform_2(%arg0: i32, %arg1: i32, %arg2: memref<4x128xi32, #tpu.memory_space<smem>>) -> (i32, i32) {
    %get3A = arith.constant 1 : index
    %get3A_0 = arith.index_cast %arg1 : i32 to index
    %get3A_1 = memref.load %arg2[%get3A, %get3A_0] : memref<4x128xi32, #tpu.memory_space<smem>>
    %c0_i32 = arith.constant 0 : i32
    %c0_i32_2 = arith.constant 0 : i32
    return %get3A_1, %c0_i32 : i32, i32
  }
  func.func @transform_3(%arg0: i32, %arg1: i32, %arg2: memref<4x128xi32, #tpu.memory_space<smem>>) -> (i32, i32) {
    %c0_i32 = arith.constant 0 : i32
    %c0_i32_0 = arith.constant 0 : i32
    %c0_i32_1 = arith.constant 0 : i32
    return %c0_i32, %c0_i32_0 : i32, i32
  }
}

</mosaic_0001>

<sc_bundles>
// kernel: kernel.6.cloned.1.call-start
scs
__scs_entry_jumppad:
0x0: {  	(pc) =	sbr.rel $0x88, $3  }
0x1: {  	(tag) =	ssettag $0x0;
	lr =	simm.s32 $0x1  }
0x2: {  	[smem:$0x3F9E] =	sst lr;
	_ =	strace $0xD0000000  }
0x3: {  	_ = 	snop  }
0x4: {  	_ = 	snop  }
0x5: {  	_ = 	snop  }
0x6: {  	_ = 	snop  }
0x7: {  	_ = 	snop  }
__scs_overlays_trampoline_lowered:
0x8: {  	[smem:$0x3FAD] =	sst s0  }
0x9: {  	[smem:$0x3FAE] =	sst s1  }
0xa: {  	[smem:$0x3FAF] =	sst s2  }
0xb: {  	[smem:$0x3FB0] =	sst s3  }
0xc: {  	[smem:$0x3FB1] =	sst s4  }
0xd: {  	[smem:$0x3FB2] =	sst s5  }
0xe: {  	[smem:$0x3FB3] =	sst s6  }
0xf: {  	[smem:$0x3FB4] =	sst s7  }
0x10: {  	[smem:$0x3FB5] =	sst s8  }
0x11: {  	[smem:$0x3FB6] =	sst s9;
	s0 =	simm.s32 @!p0 $0x0  }
0x12: {  	s1 =	sld [smem:$0x3F9C];
	s0 =	simm.s32 @p0 $0x1  }
0x13: {  	[smem:$0x3FB7] =	sst s0;
	s0 =	simm.s32 @!p1 $0x0  }
0x14: {  	s2 =	sld [smem:$0x3F9B];
	s0 =	simm.s32 @p1 $0x1  }
0x15: {  	[smem:$0x3FB8] =	sst s0;
	s0 =	simm.s32 @!p2 $0x0  }
0x16: {  	s3 =	sld [smem:$0x3FDB];
	s0 =	simm.s32 @p2 $0x1  }
0x17: {  	s4 =	simm.s32 $0x1BF5;
	[smem:$0x3FBA] =	sst s0  }
0x18: {  	s0 =	sld [smem:$0x3F9D];
	_ =	swait.ge [sflag:s4], $0x0  }
0x19: {  	s7 =	sld [smem:$0x3F9E]  }
0x1a: {  	s8 =	sadd.s32 $0xFFFFE003, lr  }
0x1b: {  	s9 =	sadd.s32 $0xFFFFFEF7, lr;
	s5 =	simm.s32 $0xFFFFFFFF;
	p2 =	slt.u32 s8, $0xFFFFF086  }
0x1c: {  	p1 =	slt.u32 s9, $0xF7A;
	s5 =	simm.s32 @!p2 $0x0  }
0x1d: {  	s5 =	simm.s32 @p1 $0x1;
	p0 =	seq.s32 s7, s2  }
0x1e: {  	s7 =	smul.u32 @!p0 $0xF7A, s2;
	p2 =	seq.s32 @!p0 s5, $0x0  }
0x1f: {  	s9 =	smul.u32 $0xF7A, s1;
	s8 =	simm.s32 @!p0 $0x1BF5;
	p2 =	por !p2, p0  }
0x20: {  	[sflag:s8] =	ssyncset.s32 @!p0 $0xFFFFF086;
	s6 =	sadd.s32 @!p0 s3, s7;
	s7 =	simm.s32 @!p0 $0x108  }
0x21: {  	s3 =	sadd.s32 s3, s9;
	s6 =	sadd.s32 @!p0 $0x88, s6;
	s7 =	simm.s32 @p2 $0x1082  }
0x22: {  	[simem:s7], [sflag:s8] =	dma.local @!p0 [hbm:s6], $0xF7A  }
0x23: {  	s9 =	sor.u32 $0xD0000000, s2;
	s6 =	simm.s32 $0x108;
	_ =	swait.ge @!p0 [sflag:s8], $0x0  }
0x24: {  	s3 =	sadd.s32 $0x88, s3;
	s6 =	simm.s32 @!p1 $0x1082;
	[sflag:s4] =	ssyncset.s32 $0xFFFFF086  }
0x25: {  	[simem:s6], [sflag:s4] =	dma.local [hbm:s3], $0xF7A  }
0x26: {  	[smem:$0x3F9E] =	sst s1;
	(tag) =	ssettag s2;
	_ =	strace s9  }
0x27: {  	s1 =	sld [smem:$0x3FAE]  }
0x28: {  	s2 =	sld [smem:$0x3FAF]  }
0x29: {  	s4 =	sld [smem:$0x3FB1]  }
0x2a: {  	p0 =	seq.s32 s5, $0x0;
	s5 =	sld [smem:$0x3FB2]  }
0x2b: {  	s6 =	sld [smem:$0x3FB3]  }
0x2c: {  	s7 =	sld [smem:$0x3FB4]  }
0x2d: {  	s3 =	simm.s32 $0x108;
	s8 =	sld [smem:$0x3FB5]  }
0x2e: {  	s3 =	simm.s32 @!p0 $0x1082;
	s9 =	sld [smem:$0x3FB6]  }
0x2f: {  	lr =	sadd.s32 s0, s3;
	s0 =	sld [smem:$0x3FAD]  }
0x30: {  	s3 =	sld [smem:$0x3FB0]  }
0x31: {  	[smem:$0x3FB9] =	sst s10  }
0x32: {  	s10 =	sld [smem:$0x3FB7];
	_ =	sdelay $0x3  }
0x33: {  	p0 =	seq.s32 s10, $0x1;
	s10 =	sld [smem:$0x3FB9];
	_ =	sdelay $0x3  }
0x34: {  	[smem:$0x3FB9] =	sst s10  }
0x35: {  	s10 =	sld [smem:$0x3FB8];
	_ =	sdelay $0x3  }
0x36: {  	p1 =	seq.s32 s10, $0x1;
	s10 =	sld [smem:$0x3FB9];
	_ =	sdelay $0x3  }
0x37: {  	[smem:$0x3FB9] =	sst s10  }
0x38: {  	s10 =	sld [smem:$0x3FBA]  }
0x39: {  	_ = 	snop;
	(pc) =	sbr.ind lr, $3  }
0x3a: {  	_ = 	snop  }
0x3b: {  	_ = 	snop  }
0x3c: {  	p2 =	seq.s32 s10, $0x1;
	s10 =	sld [smem:$0x3FB9]  }
0x3d: {  	_ =	shalt  }
0x3e: {  	_ =	shalt  }
0x3f: {  	_ =	shalt  }
0x40: {  	_ =	shalt  }
0x41: {  	_ =	shalt  }
0x42: {  	_ =	shalt  }
0x43: {  	_ =	shalt  }
0x44: {  	_ =	shalt  }
0x45: {  	_ =	shalt  }
0x46: {  	_ =	shalt  }
0x47: {  	_ =	shalt  }
0x48: {  	_ =	shalt  }
0x49: {  	_ =	shalt  }
0x4a: {  	_ =	shalt  }
0x4b: {  	_ =	shalt  }
0x4c: {  	_ =	shalt  }
0x4d: {  	_ =	shalt  }
0x4e: {  	_ =	shalt  }
0x4f: {  	_ =	shalt  }
0x50: {  	_ =	shalt  }
0x51: {  	_ =	shalt  }
0x52: {  	_ =	shalt  }
0x53: {  	_ =	shalt  }
0x54: {  	_ =	shalt  }
0x55: {  	_ =	shalt  }
0x56: {  	_ =	shalt  }
0x57: {  	_ =	shalt  }
0x58: {  	_ =	shalt  }
0x59: {  	_ =	shalt  }
0x5a: {  	_ =	shalt  }
0x5b: {  	_ =	shalt  }
0x5c: {  	_ =	shalt  }
0x5d: {  	_ =	shalt  }
0x5e: {  	_ =	shalt  }
0x5f: {  	_ =	shalt  }
0x60: {  	_ =	shalt  }
0x61: {  	_ =	shalt  }
0x62: {  	_ =	shalt  }
0x63: {  	_ =	shalt  }
0x64: {  	_ =	shalt  }
0x65: {  	_ =	shalt  }
0x66: {  	_ =	shalt  }
0x67: {  	_ =	shalt  }
0x68: {  	_ =	shalt  }
0x69: {  	_ =	shalt  }
0x6a: {  	_ =	shalt  }
0x6b: {  	_ =	shalt  }
0x6c: {  	_ =	shalt  }
0x6d: {  	_ =	shalt  }
0x6e: {  	_ =	shalt  }
0x6f: {  	_ =	shalt  }
0x70: {  	_ =	shalt  }
0x71: {  	_ =	shalt  }
0x72: {  	_ =	shalt  }
0x73: {  	_ =	shalt  }
0x74: {  	_ =	shalt  }
0x75: {  	_ =	shalt  }
0x76: {  	_ =	shalt  }
0x77: {  	_ =	shalt  }
0x78: {  	_ =	shalt  }
0x79: {  	_ =	shalt  }
0x7a: {  	_ =	shalt  }
0x7b: {  	_ =	shalt  }
0x7c: {  	_ =	shalt  }
0x7d: {  	_ =	shalt  }
0x7e: {  	_ =	shalt  }
0x7f: {  	_ =	shalt  }
0x80: {  	_ =	shalt  }
0x81: {  	_ =	shalt  }
0x82: {  	_ =	shalt  }
0x83: {  	_ =	shalt  }
0x84: {  	_ =	shalt  }
0x85: {  	_ =	shalt  }
0x86: {  	_ =	shalt  }
0x87: {  	_ =	shalt  }
.Lfunc_end0:
.L_simem_size_0:
called_computation_lowered:
.L_overlay_start_0:
0x88: {  	s2 =	sld [smem:$0x3FD9]  }
0x89: {  	s3 =	sld [smem:$0x3FFE];
	_ =	sdelay $0x1  }
0x8a: {  	s1 =	srdreg.scid  }
0x8b: {  	s0 =	sand.u32 $0x1, s1  }
0x8c: {  	s17 =	sshll.u32 s0, $0xA;
	s2 =	sadd.s32 s3, s2  }
0x8d: {  	s2 =	sadd.s32 s2, s17  }
0x8e: {  	[smem:$0x3FC5] =	sst s2  }
0x8f: {  	_ = 	snop  }
0x90: {  	s2 =	sld [smem:$0x3FC9];
	(tm) =	ssettm $0x1  }
0x91: {  	s18 =	sld [smem:$0x3FFB];
	_ =	sdelay $0x3  }
0x92: {  	_ =	strace s18  }
0x93: {  	s3 =	sld [smem:$0x3FFC];
	_ =	sdelay $0x3  }
0x94: {  	_ =	strace s3  }
0x95: {  	s3 =	sld [smem:$0x3FFD];
	_ =	sdelay $0x3  }
0x96: {  	_ =	strace s3  }
0x97: {  	_ =	strace $0x8FFFFFFF  }
0x98: {  	s19 =	sld [smem:$0x3FDB];
	_ =	sdelay $0x1  }
0x99: {  	s4 =	simm.s32 $_scs_section_size  }
0x9a: {  	s5 =	simm.s32 $_size__tile_overlayer_lowered;
	s6 =	simm.s32 $_tile_overlayer_lowered  }
0x9b: {  	s22 =	simm.s32 $0x1BFF;
	s21 =	sshll.u32 s6, $0x1;
	s3 =	sadd.s32 s4, s19  }
0x9c: {  	s7 =	simm.s32 $0x0;
	s20 =	sshll.u32 s5, $0x1;
	s5 =	sadd.s32 s21, s3  }
0x9d: {  	[timem:s7], [sflag:s22] =	dma.local [hbm:s5], s20  }
0x9e: {  	_ =	swait.ge [sflag:s22], s20  }
0x9f: {  	s4 =	ssub.s32 $0x0, s20;
	[sflag:s22] =	ssyncset.done $0x0  }
0xa0: {  	[sflag:s22] =	ssyncadd.s32 s4;
	_ =	sdelay $0x1  }
0xa1: {  	s23 =	simm.s32 $0x1B8B  }
0xa2: {  	_ =	swait.ge [sflag:s23], $0x1  }
0xa3: {  	[sflag:s23] =	ssyncset.done $0x0  }
0xa4: {  	s25 =	simm.s32 $0x1B8E;
	s24 =	sld [smem:$0x3FFE];
	[sflag:s23] =	ssyncadd.s32 $0xFFFFFFFF  }
0xa5: {  	s26 =	simm.s32 $execute0_lowered;
	[smem:$0x3FD2] =	sst s25  }
0xa6: {  	s5 =	sshll.u32 s26, $0x1;
	_ =	strace $0x80000046;
	[dreg:$0x1] =	wrdreg $0xFFFFFFFF  }
0xa7: {  	s28 =	simm.s32 $_size_execute0_lowered;
	s3 =	sadd.s32 s3, s5;
	[dreg:$0x0] =	wrdreg $0x0  }
0xa8: {  	s5 =	sshll.u32 s28, $0x1;
	[dreg:$0x2] =	wrdreg s3  }
0xa9: {  	[dreg:$0x3] =	wrdreg s5  }
0xaa: {  	[dreg:$0x4] =	wrdreg $0xC0  }
0xab: {  	_ =	task [dreg:s7], $0x5FFFF  }
0xac: {  	[dreg:$0x1] =	wrdreg $0xFFFFFFFF  }
0xad: {  	[dreg:$0x0] =	wrdreg $0x60  }
0xae: {  	[dreg:$0x2] =	wrdreg s2  }
0xaf: {  	[dreg:$0x3] =	wrdreg s24  }
0xb0: {  	[dreg:$0x4] =	wrdreg $0x9  }
0xb1: {  	_ =	task.clear_ibuf [dreg:s7], $0x5FFFF;
	_ =	strace $0x90000046  }
0xb2: {  	s29 =	simm.s32 $0x9;
	_ =	strace $0x80000048  }
0xb3: {  	_ =	swait.ge [sflag:s29], $0x1  }
0xb4: {  	[sflag:s29] =	ssyncadd.s32 $0xFFFFFFFF  }
0xb5: {  	_ =	strace $0x90000048  }
0xb6: {  	_ =	sfence  }
0xb7: {  	s30 =	sld [smem:$0x0];
	_ =	sdelay $0x2  }
0xb8: {  	s31 =	sshll.u32 s1, $0xD;
	s1 =	sshrl.u32 s1, $0x2  }
0xb9: {  	s3 =	sand.u32 $0x4000, s31;
	s1 =	sadd.s32 s1, s30  }
0xba: {  	s0 =	sor.u32 s3, s0;
	s1 =	sshll.u32 s1, $0x11  }
0xbb: {  	s0 =	sor.u32 s1, s0  }
0xbc: {  	s0 =	sadd.s32 $0x8F2B, s0  }
0xbd: {  	[sflag:s0] =	ssyncadd.remote.s32 $0x1  }
0xbe: {  	_ =	sfence.sel $0xFFFF  }
0xbf: {  	[dreg:$0x0] =	wrdreg $0xFFFFFFFF;
	(pc) =	sbr.abs _section_cstart, $3  }
0xc0: {  	[dreg:$0x1] =	wrdreg $0xFFFFFFFF  }
0xc1: {  	_ =	task.clear_ibuf [dreg:s7], $0x2FFFF;
	_ =	strace $0x9FFFFFFF  }
0xc2: {  	(tm) =	ssettm $0x7FFFFFFF  }
0xc3: {  	_ =	shalt  }
tec
execute0_lowered:
.L_overlay_start_1:
0x0: {  	(tag) =	ssettag $0x1  }
0x1: {  	s0 =	srdreg.scid;
	s2 =	rddreg [dreg:$0x0]  }
0x2: {  	s3 =	stileid.u32;
	s1 =	rddreg [dreg:$0x1]  }
0x3: {  	s20 =	simm.s32 $0x3;
	s21 =	simm.s32 $0x2;
	s0 =	sand.u32 $0x1, s0  }
0x4: {  	s23 =	simm.s32 $0x4;
	s4 =	sshll.u32 s3, $0x8;
	s5 =	sshll.u32 s0, $0x7  }
0x5: {  	s26 =	simm.s32 $0x8180;
	s3 =	simm.s32 $0x0;
	s4 =	sor.u32 s5, s4  }
0x6: {  	[smem:$0x7FF] =	sst s3;
	s0 =	ssub.s32 $0x2, s0;
	s5 =	sshrl.u32 s4, $0x3  }
0x7: {  	_ =	strace $0x80000047;
	s4 =	sshll.u32 s4, $0x9;
	s5 =	sadd.s32 s5, s1  }
0x8: {  	s29 =	sshrl.u32 s0, $0x1;
	s1 =	sadd.s32 s4, s1;
	s28 =	sadd.s32 $0x10C00, s5  }
0x9: {  	s0 =	ssub.s32 s0, s29;
	s30 =	sadd.s32 $0x10E00, s1;
	[dreg:$0x3] =	wrdreg s28  }
0xa: {  	s4 =	sadd.s32 $0x100, s2;
	s31 =	sadd.s32 $0x11E00, s1;
	[dreg:$0x4] =	wrdreg s30  }
0xb: {  	s6 =	sadd.s32 $0x12E00, s1;
	s5 =	sadd.s32 $0x200, s2;
	[dreg:$0x5] =	wrdreg s31  }
0xc: {  	s7 =	sadd.s32 $0x13E00, s1;
	s8 =	sadd.s32 $0x14E00, s1;
	[dreg:$0x6] =	wrdreg s6  }
0xd: {  	s9 =	sadd.s32 $0x15E00, s1;
	s10 =	sadd.s32 $0x16E00, s1;
	[dreg:$0x7] =	wrdreg s7  }
0xe: {  	s11 =	sadd.s32 $0x17E00, s1;
	s12 =	sadd.s32 $0x18E00, s1;
	[dreg:$0x8] =	wrdreg s8  }
0xf: {  	s13 =	sadd.s32 $0x19E00, s1;
	s14 =	sadd.s32 $0x1AE00, s1;
	[dreg:$0x9] =	wrdreg s9  }
0x10: {  	s15 =	sadd.s32 $0x1BE00, s1;
	s16 =	sadd.s32 $0x1CE00, s1;
	[dreg:$0xa] =	wrdreg s10  }
0x11: {  	s17 =	sadd.s32 $0x1DE00, s1;
	s18 =	sadd.s32 $0x1EE00, s1;
	[dreg:$0xb] =	wrdreg s11  }
0x12: {  	s1 =	sadd.s32 $0x1FE00, s1;
	s6 =	sadd.s32 $0x300, s2;
	[dreg:$0xc] =	wrdreg s12  }
0x13: {  	s7 =	sadd.s32 $0x400, s2;
	s8 =	sadd.s32 $0x500, s2;
	[dreg:$0xd] =	wrdreg s13  }
0x14: {  	s9 =	sadd.s32 $0x600, s2;
	s10 =	sadd.s32 $0x700, s2;
	[dreg:$0xe] =	wrdreg s14  }
0x15: {  	s11 =	sadd.s32 $0x800, s2;
	s12 =	sadd.s32 $0x900, s2;
	[dreg:$0xf] =	wrdreg s15  }
0x16: {  	s13 =	sadd.s32 $0xA00, s2;
	s14 =	sadd.s32 $0xB00, s2;
	[dreg:$0x10] =	wrdreg s16  }
0x17: {  	v0 =	vlaneseq.u32;
	s15 =	sadd.s32 $0xC00, s2;
	s16 =	sadd.s32 $0xD00, s2;
	[dreg:$0x11] =	wrdreg s17  }
0x18: {  	v1 =	vshrl.u32 v0, $0x3;
	s17 =	sadd.s32 $0xE00, s2;
	[dreg:$0x12] =	wrdreg s18;
	s18 =	sadd.s32 $0xF00, s2  }
0x19: {  	vm0 =	vmmov $0xffff;
	v0 =	vand.u32 $0x7, v0;
	v1 =	vmul.u32 $0x8, v1;
	[dreg:$0x13] =	wrdreg s1;
	s1 =	smax.u32 s0, $0x1;
	s0 =	simm.s32 $0x1  }
.LBB2_1:
0x1a: {  	[dreg:$0x14] =	wrdreg s1  }
0x1b: {  	s24 =	rddreg [dreg:$0x3];
	s22 =	simm.s32 $0x5  }
0x1c: {  	[tilespmem:s3], [sflag:$0x5] =	stream.linear.gather [hbm4b:s24+s3], $0x80, $0x38;
	[tilespmem:$0x10180] =	vst v63  }
0x1d: {  	_ =	swait.ge [sflag:s22], $0x80  }
0x1e: {  	[sflag:s22] =	ssyncset.done $0x0  }
0x1f: {  	[sflag:s22] =	ssyncadd.s32 $0xFFFFFF80  }
0x20: {  	v2 =	vld.msk [tilespmem:$0x0], $0xff;
	_ =	sdelay $0x4  }
0x21: {  	v3 =	vshll.u32 v2, $0x5  }
0x22: {  	v4 =	vand.u32 $0x7, v2;
	v3 =	vand.u32 $0xFFFFFF00, v3  }
0x23: {  	v3 =	vor.u32 v4, v3  }
0x24: {  	v3 =	vperm.xlane v3, v0;
	_ =	sdelay $0x1  }
0x25: {  	v3 =	vadd.s32 v1, v3;
	_ =	sdelay $0x2  }
0x26: {  	s25 =	simm.s32 $0x80  }
0x27: {  	s28 =	simm.s32 $0x180;
	[tilespmem:s25+$0x0] =	vst.msk $0xff, v2;
	s25 =	rddreg [dreg:$0x0]  }
0x28: {  	[tilespmem:s28], [sflag:$0x1] =	stream.indirect_vreg.gather [hbm4b:s25+s3], $0x80, v3, vm0, $0xb8;
	[tilespmem:$0x10180] =	vst v63  }
0x29: {  	s29 =	simm.s32 $0x980  }
0x2a: {  	[tilespmem:s29], [sflag:$0x1] =	stream.indirect_vreg.gather [hbm4b:s4+s3], $0x80, v3, vm0, $0xb8;
	[tilespmem:$0x10180] =	vst v63  }
0x2b: {  	s30 =	simm.s32 $0x1180  }
0x2c: {  	[tilespmem:s30], [sflag:$0x1] =	stream.indirect_vreg.gather [hbm4b:s5+s3], $0x80, v3, vm0, $0xb8;
	[tilespmem:$0x10180] =	vst v63  }
0x2d: {  	s31 =	simm.s32 $0x1980  }
0x2e: {  	[tilespmem:s31], [sflag:$0x1] =	stream.indirect_vreg.gather [hbm4b:s6+s3], $0x80, v3, vm0, $0xb8;
	[tilespmem:$0x10180] =	vst v63  }
0x2f: {  	s19 =	simm.s32 $0x2180  }
0x30: {  	[tilespmem:s19], [sflag:$0x1] =	stream.indirect_vreg.gather [hbm4b:s7+s3], $0x80, v3, vm0, $0xb8;
	[tilespmem:$0x10180] =	vst v63  }
0x31: {  	s22 =	simm.s32 $0x2980  }
0x32: {  	[tilespmem:s22], [sflag:$0x1] =	stream.indirect_vreg.gather [hbm4b:s8+s3], $0x80, v3, vm0, $0xb8;
	[tilespmem:$0x10180] =	vst v63  }
0x33: {  	s24 =	simm.s32 $0x3180  }
0x34: {  	[tilespmem:s24], [sflag:$0x1] =	stream.indirect_vreg.gather [hbm4b:s9+s3], $0x80, v3, vm0, $0xb8;
	[tilespmem:$0x10180] =	vst v63  }
0x35: {  	s28 =	simm.s32 $0x3980  }
0x36: {  	[tilespmem:s28], [sflag:$0x1] =	stream.indirect_vreg.gather [hbm4b:s10+s3], $0x80, v3, vm0, $0xb8;
	[tilespmem:$0x10180] =	vst v63  }
0x37: {  	s29 =	simm.s32 $0x4180  }
0x38: {  	[tilespmem:s29], [sflag:$0x1] =	stream.indirect_vreg.gather [hbm4b:s11+s3], $0x80, v3, vm0, $0xb8;
	[tilespmem:$0x10180] =	vst v63  }
0x39: {  	s30 =	simm.s32 $0x4980  }
0x3a: {  	[tilespmem:s30], [sflag:$0x1] =	stream.indirect_vreg.gather [hbm4b:s12+s3], $0x80, v3, vm0, $0xb8;
	[tilespmem:$0x10180] =	vst v63  }
0x3b: {  	s31 =	simm.s32 $0x5180  }
0x3c: {  	[tilespmem:s31], [sflag:$0x1] =	stream.indirect_vreg.gather [hbm4b:s13+s3], $0x80, v3, vm0, $0xb8;
	[tilespmem:$0x10180] =	vst v63  }
0x3d: {  	s19 =	simm.s32 $0x5980  }
0x3e: {  	[tilespmem:s19], [sflag:$0x1] =	stream.indirect_vreg.gather [hbm4b:s14+s3], $0x80, v3, vm0, $0xb8;
	[tilespmem:$0x10180] =	vst v63  }
0x3f: {  	s22 =	simm.s32 $0x6180  }
0x40: {  	[tilespmem:s22], [sflag:$0x1] =	stream.indirect_vreg.gather [hbm4b:s15+s3], $0x80, v3, vm0, $0xb8;
	[tilespmem:$0x10180] =	vst v63  }
0x41: {  	s24 =	simm.s32 $0x6980  }
0x42: {  	[tilespmem:s24], [sflag:$0x1] =	stream.indirect_vreg.gather [hbm4b:s16+s3], $0x80, v3, vm0, $0xb8;
	[tilespmem:$0x10180] =	vst v63  }
0x43: {  	s28 =	simm.s32 $0x7180  }
0x44: {  	[tilespmem:s28], [sflag:$0x1] =	stream.indirect_vreg.gather [hbm4b:s17+s3], $0x80, v3, vm0, $0xb8;
	[tilespmem:$0x10180] =	vst v63  }
0x45: {  	s29 =	simm.s32 $0x7980  }
0x46: {  	[tilespmem:s29], [sflag:$0x1] =	stream.indirect_vreg.gather [hbm4b:s18+s3], $0x80, v3, vm0, $0xb8;
	[tilespmem:$0x10180] =	vst v63  }
0x47: {  	v2 =	vld.msk [tilespmem:$0x8], $0xff;
	_ =	sdelay $0x4  }
0x48: {  	v3 =	vshll.u32 v2, $0x5  }
0x49: {  	v49 =	vand.u32 $0x7, v2;
	v3 =	vand.u32 $0xFFFFFF00, v3  }
0x4a: {  	v3 =	vor.u32 v49, v3  }
0x4b: {  	v3 =	vperm.xlane v3, v0;
	_ =	sdelay $0x1  }
0x4c: {  	v3 =	vadd.s32 v1, v3;
	_ =	sdelay $0x2  }
0x4d: {  	s30 =	simm.s32 $0x100  }
0x4e: {  	[tilespmem:s30+$0x0] =	vst.msk $0xff, v2  }
0x4f: {  	[tilespmem:s26], [sflag:$0x2] =	stream.indirect_vreg.gather [hbm4b:s25+s3], $0x80, v3, vm0, $0xb8;
	[tilespmem:$0x10180] =	vst v63  }
0x50: {  	s31 =	simm.s32 $0x8980  }
0x51: {  	[tilespmem:s31], [sflag:$0x2] =	stream.indirect_vreg.gather [hbm4b:s4+s3], $0x80, v3, vm0, $0xb8;
	[tilespmem:$0x10180] =	vst v63  }
0x52: {  	s1 =	simm.s32 $0x9180  }
0x53: {  	[tilespmem:s1], [sflag:$0x2] =	stream.indirect_vreg.gather [hbm4b:s5+s3], $0x80, v3, vm0, $0xb8;
	[tilespmem:$0x10180] =	vst v63  }
0x54: {  	s19 =	simm.s32 $0x9980  }
0x55: {  	[tilespmem:s19], [sflag:$0x2] =	stream.indirect_vreg.gather [hbm4b:s6+s3], $0x80, v3, vm0, $0xb8;
	[tilespmem:$0x10180] =	vst v63  }
0x56: {  	s22 =	simm.s32 $0xA180  }
0x57: {  	[tilespmem:s22], [sflag:$0x2] =	stream.indirect_vreg.gather [hbm4b:s7+s3], $0x80, v3, vm0, $0xb8;
	[tilespmem:$0x10180] =	vst v63  }
0x58: {  	s28 =	simm.s32 $0xA980  }
0x59: {  	[tilespmem:s28], [sflag:$0x2] =	stream.indirect_vreg.gather [hbm4b:s8+s3], $0x80, v3, vm0, $0xb8;
	[tilespmem:$0x10180] =	vst v63  }
0x5a: {  	s29 =	simm.s32 $0xB180  }
0x5b: {  	[tilespmem:s29], [sflag:$0x2] =	stream.indirect_vreg.gather [hbm4b:s9+s3], $0x80, v3, vm0, $0xb8;
	[tilespmem:$0x10180] =	vst v63  }
0x5c: {  	s30 =	simm.s32 $0xB980  }
0x5d: {  	[tilespmem:s30], [sflag:$0x2] =	stream.indirect_vreg.gather [hbm4b:s10+s3], $0x80, v3, vm0, $0xb8;
	[tilespmem:$0x10180] =	vst v63  }
0x5e: {  	s31 =	simm.s32 $0xC180  }
0x5f: {  	[tilespmem:s31], [sflag:$0x2] =	stream.indirect_vreg.gather [hbm4b:s11+s3], $0x80, v3, vm0, $0xb8;
	[tilespmem:$0x10180] =	vst v63  }
0x60: {  	s1 =	simm.s32 $0xC980  }
0x61: {  	[tilespmem:s1], [sflag:$0x2] =	stream.indirect_vreg.gather [hbm4b:s12+s3], $0x80, v3, vm0, $0xb8;
	[tilespmem:$0x10180] =	vst v63  }
0x62: {  	s19 =	simm.s32 $0xD180  }
0x63: {  	[tilespmem:s19], [sflag:$0x2] =	stream.indirect_vreg.gather [hbm4b:s13+s3], $0x80, v3, vm0, $0xb8;
	[tilespmem:$0x10180] =	vst v63  }
0x64: {  	s22 =	simm.s32 $0xD980  }
0x65: {  	[tilespmem:s22], [sflag:$0x2] =	stream.indirect_vreg.gather [hbm4b:s14+s3], $0x80, v3, vm0, $0xb8;
	[tilespmem:$0x10180] =	vst v63  }
0x66: {  	s28 =	simm.s32 $0xE180  }
0x67: {  	[tilespmem:s28], [sflag:$0x2] =	stream.indirect_vreg.gather [hbm4b:s15+s3], $0x80, v3, vm0, $0xb8;
	[tilespmem:$0x10180] =	vst v63  }
0x68: {  	s29 =	simm.s32 $0xE980  }
0x69: {  	[tilespmem:s29], [sflag:$0x2] =	stream.indirect_vreg.gather [hbm4b:s16+s3], $0x80, v3, vm0, $0xb8;
	[tilespmem:$0x10180] =	vst v63  }
0x6a: {  	s30 =	simm.s32 $0xF180  }
0x6b: {  	[tilespmem:s30], [sflag:$0x2] =	stream.indirect_vreg.gather [hbm4b:s17+s3], $0x80, v3, vm0, $0xb8;
	[tilespmem:$0x10180] =	vst v63  }
0x6c: {  	s31 =	simm.s32 $0xF980  }
0x6d: {  	[tilespmem:s31], [sflag:$0x2] =	stream.indirect_vreg.gather [hbm4b:s18+s3], $0x80, v3, vm0, $0xb8;
	[tilespmem:$0x10180] =	vst v63  }
0x6e: {  	_ =	swait.ge [sflag:s0], $0x8000  }
0x6f: {  	[sflag:s0] =	ssyncset.done $0x0  }
0x70: {  	s19 =	simm.s32 $0x180;
	s1 =	rddreg [dreg:$0x4];
	[sflag:s0] =	ssyncadd.s32 $0xFFFF8000  }
0x71: {  	[hbm4b:s1+s3] =	stream.linear.scatter [tilespmem:s19], [sflag:$0x3], $0x8000, $0x38;
	[tilespmem:$0x10180] =	vst v63  }
0x72: {  	_ =	swait.ge [sflag:s20], $0x8000  }
0x73: {  	[sflag:s20] =	ssyncset.done $0x0  }
0x74: {  	[sflag:s20] =	ssyncadd.s32 $0xFFFF8000  }
0x75: {  	v2 =	vld.msk [tilespmem:$0x10], $0xff;
	_ =	sdelay $0x4  }
0x76: {  	v3 =	vshll.u32 v2, $0x5  }
0x77: {  	v50 =	vand.u32 $0x7, v2;
	v3 =	vand.u32 $0xFFFFFF00, v3  }
0x78: {  	v3 =	vor.u32 v50, v3  }
0x79: {  	v3 =	vperm.xlane v3, v0;
	_ =	sdelay $0x1  }
0x7a: {  	v3 =	vadd.s32 v1, v3;
	_ =	sdelay $0x2  }
0x7b: {  	s2 =	simm.s32 $0x80  }
0x7c: {  	[tilespmem:s2+$0x0] =	vst.msk $0xff, v2  }
0x7d: {  	[tilespmem:s19], [sflag:$0x1] =	stream.indirect_vreg.gather [hbm4b:s25+s3], $0x80, v3, vm0, $0xb8;
	[tilespmem:$0x10180] =	vst v63  }
0x7e: {  	s22 =	simm.s32 $0x980  }
0x7f: {  	[tilespmem:s22], [sflag:$0x1] =	stream.indirect_vreg.gather [hbm4b:s4+s3], $0x80, v3, vm0, $0xb8;
	[tilespmem:$0x10180] =	vst v63  }
0x80: {  	s24 =	simm.s32 $0x1180  }
0x81: {  	[tilespmem:s24], [sflag:$0x1] =	stream.indirect_vreg.gather [hbm4b:s5+s3], $0x80, v3, vm0, $0xb8;
	[tilespmem:$0x10180] =	vst v63  }
0x82: {  	s28 =	simm.s32 $0x1980  }
0x83: {  	[tilespmem:s28], [sflag:$0x1] =	stream.indirect_vreg.gather [hbm4b:s6+s3], $0x80, v3, vm0, $0xb8;
	[tilespmem:$0x10180] =	vst v63  }
0x84: {  	s29 =	simm.s32 $0x2180  }
0x85: {  	[tilespmem:s29], [sflag:$0x1] =	stream.indirect_vreg.gather [hbm4b:s7+s3], $0x80, v3, vm0, $0xb8;
	[tilespmem:$0x10180] =	vst v63  }
0x86: {  	s30 =	simm.s32 $0x2980  }
0x87: {  	[tilespmem:s30], [sflag:$0x1] =	stream.indirect_vreg.gather [hbm4b:s8+s3], $0x80, v3, vm0, $0xb8;
	[tilespmem:$0x10180] =	vst v63  }
0x88: {  	s31 =	simm.s32 $0x3180  }
0x89: {  	[tilespmem:s31], [sflag:$0x1] =	stream.indirect_vreg.gather [hbm4b:s9+s3], $0x80, v3, vm0, $0xb8;
	[tilespmem:$0x10180] =	vst v63  }
0x8a: {  	s19 =	simm.s32 $0x3980  }
0x8b: {  	[tilespmem:s19], [sflag:$0x1] =	stream.indirect_vreg.gather [hbm4b:s10+s3], $0x80, v3, vm0, $0xb8;
	[tilespmem:$0x10180] =	vst v63  }
0x8c: {  	s22 =	simm.s32 $0x4180  }
0x8d: {  	[tilespmem:s22], [sflag:$0x1] =	stream.indirect_vreg.gather [hbm4b:s11+s3], $0x80, v3, vm0, $0xb8;
	[tilespmem:$0x10180] =	vst v63  }
0x8e: {  	s2 =	simm.s32 $0x4980  }
0x8f: {  	[tilespmem:s2], [sflag:$0x1] =	stream.indirect_vreg.gather [hbm4b:s12+s3], $0x80, v3, vm0, $0xb8;
	[tilespmem:$0x10180] =	vst v63  }
0x90: {  	s19 =	simm.s32 $0x5180  }
0x91: {  	[tilespmem:s19], [sflag:$0x1] =	stream.indirect_vreg.gather [hbm4b:s13+s3], $0x80, v3, vm0, $0xb8;
	[tilespmem:$0x10180] =	vst v63  }
0x92: {  	s22 =	simm.s32 $0x5980  }
0x93: {  	[tilespmem:s22], [sflag:$0x1] =	stream.indirect_vreg.gather [hbm4b:s14+s3], $0x80, v3, vm0, $0xb8;
	[tilespmem:$0x10180] =	vst v63  }
0x94: {  	s28 =	simm.s32 $0x6180  }
0x95: {  	[tilespmem:s28], [sflag:$0x1] =	stream.indirect_vreg.gather [hbm4b:s15+s3], $0x80, v3, vm0, $0xb8;
	[tilespmem:$0x10180] =	vst v63  }
0x96: {  	s29 =	simm.s32 $0x6980  }
0x97: {  	[tilespmem:s29], [sflag:$0x1] =	stream.indirect_vreg.gather [hbm4b:s16+s3], $0x80, v3, vm0, $0xb8;
	[tilespmem:$0x10180] =	vst v63  }
0x98: {  	s30 =	simm.s32 $0x7180  }
0x99: {  	[tilespmem:s30], [sflag:$0x1] =	stream.indirect_vreg.gather [hbm4b:s17+s3], $0x80, v3, vm0, $0xb8;
	[tilespmem:$0x10180] =	vst v63  }
0x9a: {  	s31 =	simm.s32 $0x7980  }
0x9b: {  	[tilespmem:s31], [sflag:$0x1] =	stream.indirect_vreg.gather [hbm4b:s18+s3], $0x80, v3, vm0, $0xb8;
	[tilespmem:$0x10180] =	vst v63  }
0x9c: {  	_ =	swait.ge [sflag:s21], $0x8000  }
0x9d: {  	[sflag:s21] =	ssyncset.done $0x0  }
0x9e: {  	s24 =	rddreg [dreg:$0x5];
	[sflag:s21] =	ssyncadd.s32 $0xFFFF8000  }
0x9f: {  	[hbm4b:s24+s3] =	stream.linear.scatter [tilespmem:s26], [sflag:$0x4], $0x8000, $0x38;
	[tilespmem:$0x10180] =	vst v63  }
0xa0: {  	_ =	swait.ge [sflag:s23], $0x8000  }
0xa1: {  	[sflag:s23] =	ssyncset.done $0x0  }
0xa2: {  	[sflag:s23] =	ssyncadd.s32 $0xFFFF8000  }
0xa3: {  	v2 =	vld.msk [tilespmem:$0x18], $0xff;
	_ =	sdelay $0x4  }
0xa4: {  	v3 =	vshll.u32 v2, $0x5  }
0xa5: {  	v51 =	vand.u32 $0x7, v2;
	v3 =	vand.u32 $0xFFFFFF00, v3  }
0xa6: {  	v3 =	vor.u32 v51, v3  }
0xa7: {  	v3 =	vperm.xlane v3, v0;
	_ =	sdelay $0x1  }
0xa8: {  	v3 =	vadd.s32 v1, v3;
	_ =	sdelay $0x2  }
0xa9: {  	s24 =	simm.s32 $0x100  }
0xaa: {  	[tilespmem:s24+$0x0] =	vst.msk $0xff, v2  }
0xab: {  	[tilespmem:s26], [sflag:$0x2] =	stream.indirect_vreg.gather [hbm4b:s25+s3], $0x80, v3, vm0, $0xb8;
	[tilespmem:$0x10180] =	vst v63  }
0xac: {  	s24 =	simm.s32 $0x8980  }
0xad: {  	[tilespmem:s24], [sflag:$0x2] =	stream.indirect_vreg.gather [hbm4b:s4+s3], $0x80, v3, vm0, $0xb8;
	[tilespmem:$0x10180] =	vst v63  }
0xae: {  	s24 =	simm.s32 $0x9180  }
0xaf: {  	[tilespmem:s24], [sflag:$0x2] =	stream.indirect_vreg.gather [hbm4b:s5+s3], $0x80, v3, vm0, $0xb8;
	[tilespmem:$0x10180] =	vst v63  }
0xb0: {  	s24 =	simm.s32 $0x9980  }
0xb1: {  	[tilespmem:s24], [sflag:$0x2] =	stream.indirect_vreg.gather [hbm4b:s6+s3], $0x80, v3, vm0, $0xb8;
	[tilespmem:$0x10180] =	vst v63  }
0xb2: {  	s24 =	simm.s32 $0xA180  }
0xb3: {  	[tilespmem:s24], [sflag:$0x2] =	stream.indirect_vreg.gather [hbm4b:s7+s3], $0x80, v3, vm0, $0xb8;
	[tilespmem:$0x10180] =	vst v63  }
0xb4: {  	s24 =	simm.s32 $0xA980  }
0xb5: {  	[tilespmem:s24], [sflag:$0x2] =	stream.indirect_vreg.gather [hbm4b:s8+s3], $0x80, v3, vm0, $0xb8;
	[tilespmem:$0x10180] =	vst v63  }
0xb6: {  	s24 =	simm.s32 $0xB180  }
0xb7: {  	[tilespmem:s24], [sflag:$0x2] =	stream.indirect_vreg.gather [hbm4b:s9+s3], $0x80, v3, vm0, $0xb8;
	[tilespmem:$0x10180] =	vst v63  }
0xb8: {  	s24 =	simm.s32 $0xB980  }
0xb9: {  	[tilespmem:s24], [sflag:$0x2] =	stream.indirect_vreg.gather [hbm4b:s10+s3], $0x80, v3, vm0, $0xb8;
	[tilespmem:$0x10180] =	vst v63  }
0xba: {  	s24 =	simm.s32 $0xC180  }
0xbb: {  	[tilespmem:s24], [sflag:$0x2] =	stream.indirect_vreg.gather [hbm4b:s11+s3], $0x80, v3, vm0, $0xb8;
	[tilespmem:$0x10180] =	vst v63  }
0xbc: {  	s24 =	simm.s32 $0xC980  }
0xbd: {  	[tilespmem:s24], [sflag:$0x2] =	stream.indirect_vreg.gather [hbm4b:s12+s3], $0x80, v3, vm0, $0xb8;
	[tilespmem:$0x10180] =	vst v63  }
0xbe: {  	s24 =	simm.s32 $0xD180  }
0xbf: {  	[tilespmem:s24], [sflag:$0x2] =	stream.indirect_vreg.gather [hbm4b:s13+s3], $0x80, v3, vm0, $0xb8;
	[tilespmem:$0x10180] =	vst v63  }
0xc0: {  	s24 =	simm.s32 $0xD980  }
0xc1: {  	[tilespmem:s24], [sflag:$0x2] =	stream.indirect_vreg.gather [hbm4b:s14+s3], $0x80, v3, vm0, $0xb8;
	[tilespmem:$0x10180] =	vst v63  }
0xc2: {  	s24 =	simm.s32 $0xE180  }
0xc3: {  	[tilespmem:s24], [sflag:$0x2] =	stream.indirect_vreg.gather [hbm4b:s15+s3], $0x80, v3, vm0, $0xb8;
	[tilespmem:$0x10180] =	vst v63  }
0xc4: {  	s24 =	simm.s32 $0xE980  }
0xc5: {  	[tilespmem:s24], [sflag:$0x2] =	stream.indirect_vreg.gather [hbm4b:s16+s3], $0x80, v3, vm0, $0xb8;
	[tilespmem:$0x10180] =	vst v63  }
0xc6: {  	s24 =	simm.s32 $0xF180  }
0xc7: {  	[tilespmem:s24], [sflag:$0x2] =	stream.indirect_vreg.gather [hbm4b:s17+s3], $0x80, v3, vm0, $0xb8;
	[tilespmem:$0x10180] =	vst v63  }
0xc8: {  	s24 =	simm.s32 $0xF980  }
0xc9: {  	[tilespmem:s24], [sflag:$0x2] =	stream.indirect_vreg.gather [hbm4b:s18+s3], $0x80, v3, vm0, $0xb8;
	[tilespmem:$0x10180] =	vst v63  }
0xca: {  	_ =	swait.ge [sflag:s0], $0x8000  }
0xcb: {  	[sflag:s0] =	ssyncset.done $0x0  }
0xcc: {  	s1 =	simm.s32 $0x180;
	s24 =	rddreg [dreg:$0x6];
	[sflag:s0] =	ssyncadd.s32 $0xFFFF8000  }
0xcd: {  	[hbm4b:s24+s3] =	stream.linear.scatter [tilespmem:s1], [sflag:$0x3], $0x8000, $0x38;
	[tilespmem:$0x10180] =	vst v63  }
0xce: {  	_ =	swait.ge [sflag:s20], $0x8000  }
0xcf: {  	[sflag:s20] =	ssyncset.done $0x0  }
0xd0: {  	[sflag:s20] =	ssyncadd.s32 $0xFFFF8000  }
0xd1: {  	v2 =	vld.msk [tilespmem:$0x20], $0xff;
	_ =	sdelay $0x4  }
0xd2: {  	v3 =	vshll.u32 v2, $0x5  }
0xd3: {  	v52 =	vand.u32 $0x7, v2;
	v3 =	vand.u32 $0xFFFFFF00, v3  }
0xd4: {  	v3 =	vor.u32 v52, v3  }
0xd5: {  	v3 =	vperm.xlane v3, v0;
	_ =	sdelay $0x1  }
0xd6: {  	v3 =	vadd.s32 v1, v3;
	_ =	sdelay $0x2  }
0xd7: {  	s24 =	simm.s32 $0x80  }
0xd8: {  	[tilespmem:s24+$0x0] =	vst.msk $0xff, v2  }
0xd9: {  	[tilespmem:s1], [sflag:$0x1] =	stream.indirect_vreg.gather [hbm4b:s25+s3], $0x80, v3, vm0, $0xb8;
	[tilespmem:$0x10180] =	vst v63  }
0xda: {  	s24 =	simm.s32 $0x980  }
0xdb: {  	[tilespmem:s24], [sflag:$0x1] =	stream.indirect_vreg.gather [hbm4b:s4+s3], $0x80, v3, vm0, $0xb8;
	[tilespmem:$0x10180] =	vst v63  }
0xdc: {  	s24 =	simm.s32 $0x1180  }
0xdd: {  	[tilespmem:s24], [sflag:$0x1] =	stream.indirect_vreg.gather [hbm4b:s5+s3], $0x80, v3, vm0, $0xb8;
	[tilespmem:$0x10180] =	vst v63  }
0xde: {  	s24 =	simm.s32 $0x1980  }
0xdf: {  	[tilespmem:s24], [sflag:$0x1] =	stream.indirect_vreg.gather [hbm4b:s6+s3], $0x80, v3, vm0, $0xb8;
	[tilespmem:$0x10180] =	vst v63  }
0xe0: {  	s24 =	simm.s32 $0x2180  }
0xe1: {  	[tilespmem:s24], [sflag:$0x1] =	stream.indirect_vreg.gather [hbm4b:s7+s3], $0x80, v3, vm0, $0xb8;
	[tilespmem:$0x10180] =	vst v63  }
0xe2: {  	s24 =	simm.s32 $0x2980  }
0xe3: {  	[tilespmem:s24], [sflag:$0x1] =	stream.indirect_vreg.gather [hbm4b:s8+s3], $0x80, v3, vm0, $0xb8;
	[tilespmem:$0x10180] =	vst v63  }
0xe4: {  	s24 =	simm.s32 $0x3180  }
0xe5: {  	[tilespmem:s24], [sflag:$0x1] =	stream.indirect_vreg.gather [hbm4b:s9+s3], $0x80, v3, vm0, $0xb8;
	[tilespmem:$0x10180] =	vst v63  }
0xe6: {  	s24 =	simm.s32 $0x3980  }
0xe7: {  	[tilespmem:s24], [sflag:$0x1] =	stream.indirect_vreg.gather [hbm4b:s10+s3], $0x80, v3, vm0, $0xb8;
	[tilespmem:$0x10180] =	vst v63  }
0xe8: {  	s24 =	simm.s32 $0x4180  }
0xe9: {  	[tilespmem:s24], [sflag:$0x1] =	stream.indirect_vreg.gather [hbm4b:s11+s3], $0x80, v3, vm0, $0xb8;
	[tilespmem:$0x10180] =	vst v63  }
0xea: {  	_ = 	snop  }
0xeb: {  	[tilespmem:s2], [sflag:$0x1] =	stream.indirect_vreg.gather [hbm4b:s12+s3], $0x80, v3, vm0, $0xb8;
	[tilespmem:$0x10180] =	vst v63  }
0xec: {  	_ = 	snop  }
0xed: {  	[tilespmem:s19], [sflag:$0x1] =	stream.indirect_vreg.gather [hbm4b:s13+s3], $0x80, v3, vm0, $0xb8;
	[tilespmem:$0x10180] =	vst v63  }
0xee: {  	_ = 	snop  }
0xef: {  	[tilespmem:s22], [sflag:$0x1] =	stream.indirect_vreg.gather [hbm4b:s14+s3], $0x80, v3, vm0, $0xb8;
	[tilespmem:$0x10180] =	vst v63  }
0xf0: {  	_ = 	snop  }
0xf1: {  	[tilespmem:s28], [sflag:$0x1] =	stream.indirect_vreg.gather [hbm4b:s15+s3], $0x80, v3, vm0, $0xb8;
	[tilespmem:$0x10180] =	vst v63  }
0xf2: {  	_ = 	snop  }
0xf3: {  	[tilespmem:s29], [sflag:$0x1] =	stream.indirect_vreg.gather [hbm4b:s16+s3], $0x80, v3, vm0, $0xb8;
	[tilespmem:$0x10180] =	vst v63  }
0xf4: {  	_ = 	snop  }
0xf5: {  	[tilespmem:s30], [sflag:$0x1] =	stream.indirect_vreg.gather [hbm4b:s17+s3], $0x80, v3, vm0, $0xb8;
	[tilespmem:$0x10180] =	vst v63  }
0xf6: {  	_ = 	snop  }
0xf7: {  	[tilespmem:s31], [sflag:$0x1] =	stream.indirect_vreg.gather [hbm4b:s18+s3], $0x80, v3, vm0, $0xb8;
	[tilespmem:$0x10180] =	vst v63  }
0xf8: {  	_ =	swait.ge [sflag:s21], $0x8000  }
0xf9: {  	[sflag:s21] =	ssyncset.done $0x0  }
0xfa: {  	s1 =	rddreg [dreg:$0x7];
	[sflag:s21] =	ssyncadd.s32 $0xFFFF8000  }
0xfb: {  	[hbm4b:s1+s3] =	stream.linear.scatter [tilespmem:s26], [sflag:$0x4], $0x8000, $0x38;
	[tilespmem:$0x10180] =	vst v63  }
0xfc: {  	_ =	swait.ge [sflag:s23], $0x8000  }
0xfd: {  	[sflag:s23] =	ssyncset.done $0x0  }
0xfe: {  	[sflag:s23] =	ssyncadd.s32 $0xFFFF8000  }
0xff: {  	v2 =	vld.msk [tilespmem:$0x28], $0xff;
	_ =	sdelay $0x4  }
0x100: {  	v3 =	vshll.u32 v2, $0x5  }
0x101: {  	v53 =	vand.u32 $0x7, v2;
	v3 =	vand.u32 $0xFFFFFF00, v3  }
0x102: {  	v3 =	vor.u32 v53, v3  }
0x103: {  	v3 =	vperm.xlane v3, v0;
	_ =	sdelay $0x1  }
0x104: {  	v3 =	vadd.s32 v1, v3;
	_ =	sdelay $0x2  }
0x105: {  	s31 =	simm.s32 $0x100  }
0x106: {  	[tilespmem:s31+$0x0] =	vst.msk $0xff, v2  }
0x107: {  	[tilespmem:s26], [sflag:$0x2] =	stream.indirect_vreg.gather [hbm4b:s25+s3], $0x80, v3, vm0, $0xb8;
	[tilespmem:$0x10180] =	vst v63  }
0x108: {  	s24 =	simm.s32 $0x8980  }
0x109: {  	[tilespmem:s24], [sflag:$0x2] =	stream.indirect_vreg.gather [hbm4b:s4+s3], $0x80, v3, vm0, $0xb8;
	[tilespmem:$0x10180] =	vst v63  }
0x10a: {  	s31 =	simm.s32 $0x9180  }
0x10b: {  	[tilespmem:s31], [sflag:$0x2] =	stream.indirect_vreg.gather [hbm4b:s5+s3], $0x80, v3, vm0, $0xb8;
	[tilespmem:$0x10180] =	vst v63  }
0x10c: {  	s24 =	simm.s32 $0x9980  }
0x10d: {  	[tilespmem:s24], [sflag:$0x2] =	stream.indirect_vreg.gather [hbm4b:s6+s3], $0x80, v3, vm0, $0xb8;
	[tilespmem:$0x10180] =	vst v63  }
0x10e: {  	s31 =	simm.s32 $0xA180  }
0x10f: {  	[tilespmem:s31], [sflag:$0x2] =	stream.indirect_vreg.gather [hbm4b:s7+s3], $0x80, v3, vm0, $0xb8;
	[tilespmem:$0x10180] =	vst v63  }
0x110: {  	s24 =	simm.s32 $0xA980  }
0x111: {  	[tilespmem:s24], [sflag:$0x2] =	stream.indirect_vreg.gather [hbm4b:s8+s3], $0x80, v3, vm0, $0xb8;
	[tilespmem:$0x10180] =	vst v63  }
0x112: {  	s31 =	simm.s32 $0xB180  }
0x113: {  	[tilespmem:s31], [sflag:$0x2] =	stream.indirect_vreg.gather [hbm4b:s9+s3], $0x80, v3, vm0, $0xb8;
	[tilespmem:$0x10180] =	vst v63  }
0x114: {  	s24 =	simm.s32 $0xB980  }
0x115: {  	[tilespmem:s24], [sflag:$0x2] =	stream.indirect_vreg.gather [hbm4b:s10+s3], $0x80, v3, vm0, $0xb8;
	[tilespmem:$0x10180] =	vst v63  }
0x116: {  	s31 =	simm.s32 $0xC180  }
0x117: {  	[tilespmem:s31], [sflag:$0x2] =	stream.indirect_vreg.gather [hbm4b:s11+s3], $0x80, v3, vm0, $0xb8;
	[tilespmem:$0x10180] =	vst v63  }
0x118: {  	s24 =	simm.s32 $0xC980  }
0x119: {  	[tilespmem:s24], [sflag:$0x2] =	stream.indirect_vreg.gather [hbm4b:s12+s3], $0x80, v3, vm0, $0xb8;
	[tilespmem:$0x10180] =	vst v63  }
0x11a: {  	s31 =	simm.s32 $0xD180  }
0x11b: {  	[tilespmem:s31], [sflag:$0x2] =	stream.indirect_vreg.gather [hbm4b:s13+s3], $0x80, v3, vm0, $0xb8;
	[tilespmem:$0x10180] =	vst v63  }
0x11c: {  	s24 =	simm.s32 $0xD980  }
0x11d: {  	[tilespmem:s24], [sflag:$0x2] =	stream.indirect_vreg.gather [hbm4b:s14+s3], $0x80, v3, vm0, $0xb8;
	[tilespmem:$0x10180] =	vst v63  }
0x11e: {  	s31 =	simm.s32 $0xE180  }
0x11f: {  	[tilespmem:s31], [sflag:$0x2] =	stream.indirect_vreg.gather [hbm4b:s15+s3], $0x80, v3, vm0, $0xb8;
	[tilespmem:$0x10180] =	vst v63  }
0x120: {  	s24 =	simm.s32 $0xE980  }
0x121: {  	[tilespmem:s24], [sflag:$0x2] =	stream.indirect_vreg.gather [hbm4b:s16+s3], $0x80, v3, vm0, $0xb8;
	[tilespmem:$0x10180] =	vst v63  }
0x122: {  	s31 =	simm.s32 $0xF180  }
0x123: {  	[tilespmem:s31], [sflag:$0x2] =	stream.indirect_vreg.gather [hbm4b:s17+s3], $0x80, v3, vm0, $0xb8;
	[tilespmem:$0x10180] =	vst v63  }
0x124: {  	s24 =	simm.s32 $0xF980  }
0x125: {  	[tilespmem:s24], [sflag:$0x2] =	stream.indirect_vreg.gather [hbm4b:s18+s3], $0x80, v3, vm0, $0xb8;
	[tilespmem:$0x10180] =	vst v63  }
0x126: {  	_ =	swait.ge [sflag:s0], $0x8000  }
0x127: {  	[sflag:s0] =	ssyncset.done $0x0  }
0x128: {  	s1 =	simm.s32 $0x180;
	s31 =	rddreg [dreg:$0x8];
	[sflag:s0] =	ssyncadd.s32 $0xFFFF8000  }
0x129: {  	[hbm4b:s31+s3] =	stream.linear.scatter [tilespmem:s1], [sflag:$0x3], $0x8000, $0x38;
	[tilespmem:$0x10180] =	vst v63  }
0x12a: {  	_ =	swait.ge [sflag:s20], $0x8000  }
0x12b: {  	[sflag:s20] =	ssyncset.done $0x0  }
0x12c: {  	[sflag:s20] =	ssyncadd.s32 $0xFFFF8000  }
0x12d: {  	v2 =	vld.msk [tilespmem:$0x30], $0xff;
	_ =	sdelay $0x4  }
0x12e: {  	v3 =	vshll.u32 v2, $0x5  }
0x12f: {  	v54 =	vand.u32 $0x7, v2;
	v3 =	vand.u32 $0xFFFFFF00, v3  }
0x130: {  	v3 =	vor.u32 v54, v3  }
0x131: {  	v3 =	vperm.xlane v3, v0;
	_ =	sdelay $0x1  }
0x132: {  	v3 =	vadd.s32 v1, v3;
	_ =	sdelay $0x2  }
0x133: {  	s31 =	simm.s32 $0x80  }
0x134: {  	[tilespmem:s31+$0x0] =	vst.msk $0xff, v2  }
0x135: {  	[tilespmem:s1], [sflag:$0x1] =	stream.indirect_vreg.gather [hbm4b:s25+s3], $0x80, v3, vm0, $0xb8;
	[tilespmem:$0x10180] =	vst v63  }
0x136: {  	s31 =	simm.s32 $0x980  }
0x137: {  	[tilespmem:s31], [sflag:$0x1] =	stream.indirect_vreg.gather [hbm4b:s4+s3], $0x80, v3, vm0, $0xb8;
	[tilespmem:$0x10180] =	vst v63  }
0x138: {  	s31 =	simm.s32 $0x1180  }
0x139: {  	[tilespmem:s31], [sflag:$0x1] =	stream.indirect_vreg.gather [hbm4b:s5+s3], $0x80, v3, vm0, $0xb8;
	[tilespmem:$0x10180] =	vst v63  }
0x13a: {  	s31 =	simm.s32 $0x1980  }
0x13b: {  	[tilespmem:s31], [sflag:$0x1] =	stream.indirect_vreg.gather [hbm4b:s6+s3], $0x80, v3, vm0, $0xb8;
	[tilespmem:$0x10180] =	vst v63  }
0x13c: {  	s31 =	simm.s32 $0x2180  }
0x13d: {  	[tilespmem:s31], [sflag:$0x1] =	stream.indirect_vreg.gather [hbm4b:s7+s3], $0x80, v3, vm0, $0xb8;
	[tilespmem:$0x10180] =	vst v63  }
0x13e: {  	s31 =	simm.s32 $0x2980  }
0x13f: {  	[tilespmem:s31], [sflag:$0x1] =	stream.indirect_vreg.gather [hbm4b:s8+s3], $0x80, v3, vm0, $0xb8;
	[tilespmem:$0x10180] =	vst v63  }
0x140: {  	s24 =	simm.s32 $0x3180  }
0x141: {  	[tilespmem:s24], [sflag:$0x1] =	stream.indirect_vreg.gather [hbm4b:s9+s3], $0x80, v3, vm0, $0xb8;
	[tilespmem:$0x10180] =	vst v63  }
0x142: {  	s24 =	simm.s32 $0x3980  }
0x143: {  	[tilespmem:s24], [sflag:$0x1] =	stream.indirect_vreg.gather [hbm4b:s10+s3], $0x80, v3, vm0, $0xb8;
	[tilespmem:$0x10180] =	vst v63  }
0x144: {  	s24 =	simm.s32 $0x4180  }
0x145: {  	[tilespmem:s24], [sflag:$0x1] =	stream.indirect_vreg.gather [hbm4b:s11+s3], $0x80, v3, vm0, $0xb8;
	[tilespmem:$0x10180] =	vst v63  }
0x146: {  	s24 =	simm.s32 $0x4980  }
0x147: {  	[tilespmem:s24], [sflag:$0x1] =	stream.indirect_vreg.gather [hbm4b:s12+s3], $0x80, v3, vm0, $0xb8;
	[tilespmem:$0x10180] =	vst v63  }
0x148: {  	s2 =	simm.s32 $0x5180  }
0x149: {  	[tilespmem:s2], [sflag:$0x1] =	stream.indirect_vreg.gather [hbm4b:s13+s3], $0x80, v3, vm0, $0xb8;
	[tilespmem:$0x10180] =	vst v63  }
0x14a: {  	s19 =	simm.s32 $0x5980  }
0x14b: {  	[tilespmem:s19], [sflag:$0x1] =	stream.indirect_vreg.gather [hbm4b:s14+s3], $0x80, v3, vm0, $0xb8;
	[tilespmem:$0x10180] =	vst v63  }
0x14c: {  	s22 =	simm.s32 $0x6180  }
0x14d: {  	[tilespmem:s22], [sflag:$0x1] =	stream.indirect_vreg.gather [hbm4b:s15+s3], $0x80, v3, vm0, $0xb8;
	[tilespmem:$0x10180] =	vst v63  }
0x14e: {  	s28 =	simm.s32 $0x6980  }
0x14f: {  	[tilespmem:s28], [sflag:$0x1] =	stream.indirect_vreg.gather [hbm4b:s16+s3], $0x80, v3, vm0, $0xb8;
	[tilespmem:$0x10180] =	vst v63  }
0x150: {  	s29 =	simm.s32 $0x7180  }
0x151: {  	[tilespmem:s29], [sflag:$0x1] =	stream.indirect_vreg.gather [hbm4b:s17+s3], $0x80, v3, vm0, $0xb8;
	[tilespmem:$0x10180] =	vst v63  }
0x152: {  	s30 =	simm.s32 $0x7980  }
0x153: {  	[tilespmem:s30], [sflag:$0x1] =	stream.indirect_vreg.gather [hbm4b:s18+s3], $0x80, v3, vm0, $0xb8;
	[tilespmem:$0x10180] =	vst v63  }
0x154: {  	_ =	swait.ge [sflag:s21], $0x8000  }
0x155: {  	[sflag:s21] =	ssyncset.done $0x0  }
0x156: {  	s24 =	rddreg [dreg:$0x9];
	[sflag:s21] =	ssyncadd.s32 $0xFFFF8000  }
0x157: {  	[hbm4b:s24+s3] =	stream.linear.scatter [tilespmem:s26], [sflag:$0x4], $0x8000, $0x38;
	[tilespmem:$0x10180] =	vst v63  }
0x158: {  	_ =	swait.ge [sflag:s23], $0x8000  }
0x159: {  	[sflag:s23] =	ssyncset.done $0x0  }
0x15a: {  	[sflag:s23] =	ssyncadd.s32 $0xFFFF8000  }
0x15b: {  	v2 =	vld.msk [tilespmem:$0x38], $0xff;
	_ =	sdelay $0x4  }
0x15c: {  	v3 =	vshll.u32 v2, $0x5  }
0x15d: {  	v55 =	vand.u32 $0x7, v2;
	v3 =	vand.u32 $0xFFFFFF00, v3  }
0x15e: {  	v3 =	vor.u32 v55, v3  }
0x15f: {  	v3 =	vperm.xlane v3, v0;
	_ =	sdelay $0x1  }
0x160: {  	v3 =	vadd.s32 v1, v3;
	_ =	sdelay $0x2  }
0x161: {  	s24 =	simm.s32 $0x100  }
0x162: {  	[tilespmem:s24+$0x0] =	vst.msk $0xff, v2  }
0x163: {  	[tilespmem:s26], [sflag:$0x2] =	stream.indirect_vreg.gather [hbm4b:s25+s3], $0x80, v3, vm0, $0xb8;
	[tilespmem:$0x10180] =	vst v63  }
0x164: {  	s24 =	simm.s32 $0x8980  }
0x165: {  	[tilespmem:s24], [sflag:$0x2] =	stream.indirect_vreg.gather [hbm4b:s4+s3], $0x80, v3, vm0, $0xb8;
	[tilespmem:$0x10180] =	vst v63  }
0x166: {  	s24 =	simm.s32 $0x9180  }
0x167: {  	[tilespmem:s24], [sflag:$0x2] =	stream.indirect_vreg.gather [hbm4b:s5+s3], $0x80, v3, vm0, $0xb8;
	[tilespmem:$0x10180] =	vst v63  }
0x168: {  	s24 =	simm.s32 $0x9980  }
0x169: {  	[tilespmem:s24], [sflag:$0x2] =	stream.indirect_vreg.gather [hbm4b:s6+s3], $0x80, v3, vm0, $0xb8;
	[tilespmem:$0x10180] =	vst v63  }
0x16a: {  	s24 =	simm.s32 $0xA180  }
0x16b: {  	[tilespmem:s24], [sflag:$0x2] =	stream.indirect_vreg.gather [hbm4b:s7+s3], $0x80, v3, vm0, $0xb8;
	[tilespmem:$0x10180] =	vst v63  }
0x16c: {  	s24 =	simm.s32 $0xA980  }
0x16d: {  	[tilespmem:s24], [sflag:$0x2] =	stream.indirect_vreg.gather [hbm4b:s8+s3], $0x80, v3, vm0, $0xb8;
	[tilespmem:$0x10180] =	vst v63  }
0x16e: {  	s24 =	simm.s32 $0xB180  }
0x16f: {  	[tilespmem:s24], [sflag:$0x2] =	stream.indirect_vreg.gather [hbm4b:s9+s3], $0x80, v3, vm0, $0xb8;
	[tilespmem:$0x10180] =	vst v63  }
0x170: {  	s24 =	simm.s32 $0xB980  }
0x171: {  	[tilespmem:s24], [sflag:$0x2] =	stream.indirect_vreg.gather [hbm4b:s10+s3], $0x80, v3, vm0, $0xb8;
	[tilespmem:$0x10180] =	vst v63  }
0x172: {  	s24 =	simm.s32 $0xC180  }
0x173: {  	[tilespmem:s24], [sflag:$0x2] =	stream.indirect_vreg.gather [hbm4b:s11+s3], $0x80, v3, vm0, $0xb8;
	[tilespmem:$0x10180] =	vst v63  }
0x174: {  	s24 =	simm.s32 $0xC980  }
0x175: {  	[tilespmem:s24], [sflag:$0x2] =	stream.indirect_vreg.gather [hbm4b:s12+s3], $0x80, v3, vm0, $0xb8;
	[tilespmem:$0x10180] =	vst v63  }
0x176: {  	s24 =	simm.s32 $0xD180  }
0x177: {  	[tilespmem:s24], [sflag:$0x2] =	stream.indirect_vreg.gather [hbm4b:s13+s3], $0x80, v3, vm0, $0xb8;
	[tilespmem:$0x10180] =	vst v63  }
0x178: {  	s24 =	simm.s32 $0xD980  }
0x179: {  	[tilespmem:s24], [sflag:$0x2] =	stream.indirect_vreg.gather [hbm4b:s14+s3], $0x80, v3, vm0, $0xb8;
	[tilespmem:$0x10180] =	vst v63  }
0x17a: {  	s24 =	simm.s32 $0xE180  }
0x17b: {  	[tilespmem:s24], [sflag:$0x2] =	stream.indirect_vreg.gather [hbm4b:s15+s3], $0x80, v3, vm0, $0xb8;
	[tilespmem:$0x10180] =	vst v63  }
0x17c: {  	s24 =	simm.s32 $0xE980  }
0x17d: {  	[tilespmem:s24], [sflag:$0x2] =	stream.indirect_vreg.gather [hbm4b:s16+s3], $0x80, v3, vm0, $0xb8;
	[tilespmem:$0x10180] =	vst v63  }
0x17e: {  	s24 =	simm.s32 $0xF180  }
0x17f: {  	[tilespmem:s24], [sflag:$0x2] =	stream.indirect_vreg.gather [hbm4b:s17+s3], $0x80, v3, vm0, $0xb8;
	[tilespmem:$0x10180] =	vst v63  }
0x180: {  	s24 =	simm.s32 $0xF980  }
0x181: {  	[tilespmem:s24], [sflag:$0x2] =	stream.indirect_vreg.gather [hbm4b:s18+s3], $0x80, v3, vm0, $0xb8;
	[tilespmem:$0x10180] =	vst v63  }
0x182: {  	_ =	swait.ge [sflag:s0], $0x8000  }
0x183: {  	[sflag:s0] =	ssyncset.done $0x0  }
0x184: {  	s1 =	simm.s32 $0x180;
	s24 =	rddreg [dreg:$0xa];
	[sflag:s0] =	ssyncadd.s32 $0xFFFF8000  }
0x185: {  	[hbm4b:s24+s3] =	stream.linear.scatter [tilespmem:s1], [sflag:$0x3], $0x8000, $0x38;
	[tilespmem:$0x10180] =	vst v63  }
0x186: {  	_ =	swait.ge [sflag:s20], $0x8000  }
0x187: {  	[sflag:s20] =	ssyncset.done $0x0  }
0x188: {  	[sflag:s20] =	ssyncadd.s32 $0xFFFF8000  }
0x189: {  	v2 =	vld.msk [tilespmem:$0x40], $0xff;
	_ =	sdelay $0x4  }
0x18a: {  	v3 =	vshll.u32 v2, $0x5  }
0x18b: {  	v56 =	vand.u32 $0x7, v2;
	v3 =	vand.u32 $0xFFFFFF00, v3  }
0x18c: {  	v3 =	vor.u32 v56, v3  }
0x18d: {  	v3 =	vperm.xlane v3, v0;
	_ =	sdelay $0x1  }
0x18e: {  	v3 =	vadd.s32 v1, v3;
	_ =	sdelay $0x2  }
0x18f: {  	s24 =	simm.s32 $0x80  }
0x190: {  	[tilespmem:s24+$0x0] =	vst.msk $0xff, v2  }
0x191: {  	[tilespmem:s1], [sflag:$0x1] =	stream.indirect_vreg.gather [hbm4b:s25+s3], $0x80, v3, vm0, $0xb8;
	[tilespmem:$0x10180] =	vst v63  }
0x192: {  	s24 =	simm.s32 $0x980  }
0x193: {  	[tilespmem:s24], [sflag:$0x1] =	stream.indirect_vreg.gather [hbm4b:s4+s3], $0x80, v3, vm0, $0xb8;
	[tilespmem:$0x10180] =	vst v63  }
0x194: {  	s24 =	simm.s32 $0x1180  }
0x195: {  	[tilespmem:s24], [sflag:$0x1] =	stream.indirect_vreg.gather [hbm4b:s5+s3], $0x80, v3, vm0, $0xb8;
	[tilespmem:$0x10180] =	vst v63  }
0x196: {  	s24 =	simm.s32 $0x1980  }
0x197: {  	[tilespmem:s24], [sflag:$0x1] =	stream.indirect_vreg.gather [hbm4b:s6+s3], $0x80, v3, vm0, $0xb8;
	[tilespmem:$0x10180] =	vst v63  }
0x198: {  	s24 =	simm.s32 $0x2180  }
0x199: {  	[tilespmem:s24], [sflag:$0x1] =	stream.indirect_vreg.gather [hbm4b:s7+s3], $0x80, v3, vm0, $0xb8;
	[tilespmem:$0x10180] =	vst v63  }
0x19a: {  	s31 =	simm.s32 $0x2980  }
0x19b: {  	[tilespmem:s31], [sflag:$0x1] =	stream.indirect_vreg.gather [hbm4b:s8+s3], $0x80, v3, vm0, $0xb8;
	[tilespmem:$0x10180] =	vst v63  }
0x19c: {  	s24 =	simm.s32 $0x3180  }
0x19d: {  	[tilespmem:s24], [sflag:$0x1] =	stream.indirect_vreg.gather [hbm4b:s9+s3], $0x80, v3, vm0, $0xb8;
	[tilespmem:$0x10180] =	vst v63  }
0x19e: {  	s31 =	simm.s32 $0x3980  }
0x19f: {  	[tilespmem:s31], [sflag:$0x1] =	stream.indirect_vreg.gather [hbm4b:s10+s3], $0x80, v3, vm0, $0xb8;
	[tilespmem:$0x10180] =	vst v63  }
0x1a0: {  	s24 =	simm.s32 $0x4180  }
0x1a1: {  	[tilespmem:s24], [sflag:$0x1] =	stream.indirect_vreg.gather [hbm4b:s11+s3], $0x80, v3, vm0, $0xb8;
	[tilespmem:$0x10180] =	vst v63  }
0x1a2: {  	s31 =	simm.s32 $0x4980  }
0x1a3: {  	[tilespmem:s31], [sflag:$0x1] =	stream.indirect_vreg.gather [hbm4b:s12+s3], $0x80, v3, vm0, $0xb8;
	[tilespmem:$0x10180] =	vst v63  }
0x1a4: {  	s2 =	simm.s32 $0x5180  }
0x1a5: {  	[tilespmem:s2], [sflag:$0x1] =	stream.indirect_vreg.gather [hbm4b:s13+s3], $0x80, v3, vm0, $0xb8;
	[tilespmem:$0x10180] =	vst v63  }
0x1a6: {  	s19 =	simm.s32 $0x5980  }
0x1a7: {  	[tilespmem:s19], [sflag:$0x1] =	stream.indirect_vreg.gather [hbm4b:s14+s3], $0x80, v3, vm0, $0xb8;
	[tilespmem:$0x10180] =	vst v63  }
0x1a8: {  	s22 =	simm.s32 $0x6180  }
0x1a9: {  	[tilespmem:s22], [sflag:$0x1] =	stream.indirect_vreg.gather [hbm4b:s15+s3], $0x80, v3, vm0, $0xb8;
	[tilespmem:$0x10180] =	vst v63  }
0x1aa: {  	s28 =	simm.s32 $0x6980  }
0x1ab: {  	[tilespmem:s28], [sflag:$0x1] =	stream.indirect_vreg.gather [hbm4b:s16+s3], $0x80, v3, vm0, $0xb8;
	[tilespmem:$0x10180] =	vst v63  }
0x1ac: {  	s29 =	simm.s32 $0x7180  }
0x1ad: {  	[tilespmem:s29], [sflag:$0x1] =	stream.indirect_vreg.gather [hbm4b:s17+s3], $0x80, v3, vm0, $0xb8;
	[tilespmem:$0x10180] =	vst v63  }
0x1ae: {  	s30 =	simm.s32 $0x7980  }
0x1af: {  	[tilespmem:s30], [sflag:$0x1] =	stream.indirect_vreg.gather [hbm4b:s18+s3], $0x80, v3, vm0, $0xb8;
	[tilespmem:$0x10180] =	vst v63  }
0x1b0: {  	_ =	swait.ge [sflag:s21], $0x8000  }
0x1b1: {  	[sflag:s21] =	ssyncset.done $0x0  }
0x1b2: {  	s1 =	rddreg [dreg:$0xb];
	[sflag:s21] =	ssyncadd.s32 $0xFFFF8000  }
0x1b3: {  	[hbm4b:s1+s3] =	stream.linear.scatter [tilespmem:s26], [sflag:$0x4], $0x8000, $0x38;
	[tilespmem:$0x10180] =	vst v63  }
0x1b4: {  	_ =	swait.ge [sflag:s23], $0x8000  }
0x1b5: {  	[sflag:s23] =	ssyncset.done $0x0  }
0x1b6: {  	[sflag:s23] =	ssyncadd.s32 $0xFFFF8000  }
0x1b7: {  	v2 =	vld.msk [tilespmem:$0x48], $0xff;
	_ =	sdelay $0x4  }
0x1b8: {  	v3 =	vshll.u32 v2, $0x5  }
0x1b9: {  	v57 =	vand.u32 $0x7, v2;
	v3 =	vand.u32 $0xFFFFFF00, v3  }
0x1ba: {  	v3 =	vor.u32 v57, v3  }
0x1bb: {  	v3 =	vperm.xlane v3, v0;
	_ =	sdelay $0x1  }
0x1bc: {  	v3 =	vadd.s32 v1, v3;
	_ =	sdelay $0x2  }
0x1bd: {  	s2 =	simm.s32 $0x100  }
0x1be: {  	[tilespmem:s2+$0x0] =	vst.msk $0xff, v2  }
0x1bf: {  	[tilespmem:s26], [sflag:$0x2] =	stream.indirect_vreg.gather [hbm4b:s25+s3], $0x80, v3, vm0, $0xb8;
	[tilespmem:$0x10180] =	vst v63  }
0x1c0: {  	s19 =	simm.s32 $0x8980  }
0x1c1: {  	[tilespmem:s19], [sflag:$0x2] =	stream.indirect_vreg.gather [hbm4b:s4+s3], $0x80, v3, vm0, $0xb8;
	[tilespmem:$0x10180] =	vst v63  }
0x1c2: {  	s22 =	simm.s32 $0x9180  }
0x1c3: {  	[tilespmem:s22], [sflag:$0x2] =	stream.indirect_vreg.gather [hbm4b:s5+s3], $0x80, v3, vm0, $0xb8;
	[tilespmem:$0x10180] =	vst v63  }
0x1c4: {  	s24 =	simm.s32 $0x9980  }
0x1c5: {  	[tilespmem:s24], [sflag:$0x2] =	stream.indirect_vreg.gather [hbm4b:s6+s3], $0x80, v3, vm0, $0xb8;
	[tilespmem:$0x10180] =	vst v63  }
0x1c6: {  	s28 =	simm.s32 $0xA180  }
0x1c7: {  	[tilespmem:s28], [sflag:$0x2] =	stream.indirect_vreg.gather [hbm4b:s7+s3], $0x80, v3, vm0, $0xb8;
	[tilespmem:$0x10180] =	vst v63  }
0x1c8: {  	s29 =	simm.s32 $0xA980  }
0x1c9: {  	[tilespmem:s29], [sflag:$0x2] =	stream.indirect_vreg.gather [hbm4b:s8+s3], $0x80, v3, vm0, $0xb8;
	[tilespmem:$0x10180] =	vst v63  }
0x1ca: {  	s30 =	simm.s32 $0xB180  }
0x1cb: {  	[tilespmem:s30], [sflag:$0x2] =	stream.indirect_vreg.gather [hbm4b:s9+s3], $0x80, v3, vm0, $0xb8;
	[tilespmem:$0x10180] =	vst v63  }
0x1cc: {  	s31 =	simm.s32 $0xB980  }
0x1cd: {  	[tilespmem:s31], [sflag:$0x2] =	stream.indirect_vreg.gather [hbm4b:s10+s3], $0x80, v3, vm0, $0xb8;
	[tilespmem:$0x10180] =	vst v63  }
0x1ce: {  	s2 =	simm.s32 $0xC180  }
0x1cf: {  	[tilespmem:s2], [sflag:$0x2] =	stream.indirect_vreg.gather [hbm4b:s11+s3], $0x80, v3, vm0, $0xb8;
	[tilespmem:$0x10180] =	vst v63  }
0x1d0: {  	s19 =	simm.s32 $0xC980  }
0x1d1: {  	[tilespmem:s19], [sflag:$0x2] =	stream.indirect_vreg.gather [hbm4b:s12+s3], $0x80, v3, vm0, $0xb8;
	[tilespmem:$0x10180] =	vst v63  }
0x1d2: {  	s22 =	simm.s32 $0xD180  }
0x1d3: {  	[tilespmem:s22], [sflag:$0x2] =	stream.indirect_vreg.gather [hbm4b:s13+s3], $0x80, v3, vm0, $0xb8;
	[tilespmem:$0x10180] =	vst v63  }
0x1d4: {  	s24 =	simm.s32 $0xD980  }
0x1d5: {  	[tilespmem:s24], [sflag:$0x2] =	stream.indirect_vreg.gather [hbm4b:s14+s3], $0x80, v3, vm0, $0xb8;
	[tilespmem:$0x10180] =	vst v63  }
0x1d6: {  	s28 =	simm.s32 $0xE180  }
0x1d7: {  	[tilespmem:s28], [sflag:$0x2] =	stream.indirect_vreg.gather [hbm4b:s15+s3], $0x80, v3, vm0, $0xb8;
	[tilespmem:$0x10180] =	vst v63  }
0x1d8: {  	s29 =	simm.s32 $0xE980  }
0x1d9: {  	[tilespmem:s29], [sflag:$0x2] =	stream.indirect_vreg.gather [hbm4b:s16+s3], $0x80, v3, vm0, $0xb8;
	[tilespmem:$0x10180] =	vst v63  }
0x1da: {  	s30 =	simm.s32 $0xF180  }
0x1db: {  	[tilespmem:s30], [sflag:$0x2] =	stream.indirect_vreg.gather [hbm4b:s17+s3], $0x80, v3, vm0, $0xb8;
	[tilespmem:$0x10180] =	vst v63  }
0x1dc: {  	s31 =	simm.s32 $0xF980  }
0x1dd: {  	[tilespmem:s31], [sflag:$0x2] =	stream.indirect_vreg.gather [hbm4b:s18+s3], $0x80, v3, vm0, $0xb8;
	[tilespmem:$0x10180] =	vst v63  }
0x1de: {  	_ =	swait.ge [sflag:s0], $0x8000  }
0x1df: {  	[sflag:s0] =	ssyncset.done $0x0  }
0x1e0: {  	s19 =	simm.s32 $0x180;
	s2 =	rddreg [dreg:$0xc];
	[sflag:s0] =	ssyncadd.s32 $0xFFFF8000  }
0x1e1: {  	[hbm4b:s2+s3] =	stream.linear.scatter [tilespmem:s19], [sflag:$0x3], $0x8000, $0x38;
	[tilespmem:$0x10180] =	vst v63  }
0x1e2: {  	_ =	swait.ge [sflag:s20], $0x8000  }
0x1e3: {  	[sflag:s20] =	ssyncset.done $0x0  }
0x1e4: {  	[sflag:s20] =	ssyncadd.s32 $0xFFFF8000  }
0x1e5: {  	v2 =	vld.msk [tilespmem:$0x50], $0xff;
	_ =	sdelay $0x4  }
0x1e6: {  	v3 =	vshll.u32 v2, $0x5  }
0x1e7: {  	v58 =	vand.u32 $0x7, v2;
	v3 =	vand.u32 $0xFFFFFF00, v3  }
0x1e8: {  	v3 =	vor.u32 v58, v3  }
0x1e9: {  	v3 =	vperm.xlane v3, v0;
	_ =	sdelay $0x1  }
0x1ea: {  	v3 =	vadd.s32 v1, v3;
	_ =	sdelay $0x2  }
0x1eb: {  	s22 =	simm.s32 $0x80  }
0x1ec: {  	[tilespmem:s22+$0x0] =	vst.msk $0xff, v2  }
0x1ed: {  	[tilespmem:s19], [sflag:$0x1] =	stream.indirect_vreg.gather [hbm4b:s25+s3], $0x80, v3, vm0, $0xb8;
	[tilespmem:$0x10180] =	vst v63  }
0x1ee: {  	s2 =	simm.s32 $0x980  }
0x1ef: {  	[tilespmem:s2], [sflag:$0x1] =	stream.indirect_vreg.gather [hbm4b:s4+s3], $0x80, v3, vm0, $0xb8;
	[tilespmem:$0x10180] =	vst v63  }
0x1f0: {  	s19 =	simm.s32 $0x1180  }
0x1f1: {  	[tilespmem:s19], [sflag:$0x1] =	stream.indirect_vreg.gather [hbm4b:s5+s3], $0x80, v3, vm0, $0xb8;
	[tilespmem:$0x10180] =	vst v63  }
0x1f2: {  	s22 =	simm.s32 $0x1980  }
0x1f3: {  	[tilespmem:s22], [sflag:$0x1] =	stream.indirect_vreg.gather [hbm4b:s6+s3], $0x80, v3, vm0, $0xb8;
	[tilespmem:$0x10180] =	vst v63  }
0x1f4: {  	s28 =	simm.s32 $0x2180  }
0x1f5: {  	[tilespmem:s28], [sflag:$0x1] =	stream.indirect_vreg.gather [hbm4b:s7+s3], $0x80, v3, vm0, $0xb8;
	[tilespmem:$0x10180] =	vst v63  }
0x1f6: {  	s29 =	simm.s32 $0x2980  }
0x1f7: {  	[tilespmem:s29], [sflag:$0x1] =	stream.indirect_vreg.gather [hbm4b:s8+s3], $0x80, v3, vm0, $0xb8;
	[tilespmem:$0x10180] =	vst v63  }
0x1f8: {  	s31 =	simm.s32 $0x3180  }
0x1f9: {  	[tilespmem:s31], [sflag:$0x1] =	stream.indirect_vreg.gather [hbm4b:s9+s3], $0x80, v3, vm0, $0xb8;
	[tilespmem:$0x10180] =	vst v63  }
0x1fa: {  	s30 =	simm.s32 $0x3980  }
0x1fb: {  	[tilespmem:s30], [sflag:$0x1] =	stream.indirect_vreg.gather [hbm4b:s10+s3], $0x80, v3, vm0, $0xb8;
	[tilespmem:$0x10180] =	vst v63  }
0x1fc: {  	s24 =	simm.s32 $0x4180  }
0x1fd: {  	[tilespmem:s24], [sflag:$0x1] =	stream.indirect_vreg.gather [hbm4b:s11+s3], $0x80, v3, vm0, $0xb8;
	[tilespmem:$0x10180] =	vst v63  }
0x1fe: {  	s24 =	simm.s32 $0x4980  }
0x1ff: {  	[tilespmem:s24], [sflag:$0x1] =	stream.indirect_vreg.gather [hbm4b:s12+s3], $0x80, v3, vm0, $0xb8;
	[tilespmem:$0x10180] =	vst v63  }
0x200: {  	s24 =	simm.s32 $0x5180  }
0x201: {  	[tilespmem:s24], [sflag:$0x1] =	stream.indirect_vreg.gather [hbm4b:s13+s3], $0x80, v3, vm0, $0xb8;
	[tilespmem:$0x10180] =	vst v63  }
0x202: {  	s24 =	simm.s32 $0x5980  }
0x203: {  	[tilespmem:s24], [sflag:$0x1] =	stream.indirect_vreg.gather [hbm4b:s14+s3], $0x80, v3, vm0, $0xb8;
	[tilespmem:$0x10180] =	vst v63  }
0x204: {  	s24 =	simm.s32 $0x6180  }
0x205: {  	[tilespmem:s24], [sflag:$0x1] =	stream.indirect_vreg.gather [hbm4b:s15+s3], $0x80, v3, vm0, $0xb8;
	[tilespmem:$0x10180] =	vst v63  }
0x206: {  	s24 =	simm.s32 $0x6980  }
0x207: {  	[tilespmem:s24], [sflag:$0x1] =	stream.indirect_vreg.gather [hbm4b:s16+s3], $0x80, v3, vm0, $0xb8;
	[tilespmem:$0x10180] =	vst v63  }
0x208: {  	s24 =	simm.s32 $0x7180  }
0x209: {  	[tilespmem:s24], [sflag:$0x1] =	stream.indirect_vreg.gather [hbm4b:s17+s3], $0x80, v3, vm0, $0xb8;
	[tilespmem:$0x10180] =	vst v63  }
0x20a: {  	s24 =	simm.s32 $0x7980  }
0x20b: {  	[tilespmem:s24], [sflag:$0x1] =	stream.indirect_vreg.gather [hbm4b:s18+s3], $0x80, v3, vm0, $0xb8;
	[tilespmem:$0x10180] =	vst v63  }
0x20c: {  	_ =	swait.ge [sflag:s21], $0x8000  }
0x20d: {  	[sflag:s21] =	ssyncset.done $0x0  }
0x20e: {  	s24 =	rddreg [dreg:$0xd];
	[sflag:s21] =	ssyncadd.s32 $0xFFFF8000  }
0x20f: {  	[hbm4b:s24+s3] =	stream.linear.scatter [tilespmem:s26], [sflag:$0x4], $0x8000, $0x38;
	[tilespmem:$0x10180] =	vst v63  }
0x210: {  	_ =	swait.ge [sflag:s23], $0x8000  }
0x211: {  	[sflag:s23] =	ssyncset.done $0x0  }
0x212: {  	[sflag:s23] =	ssyncadd.s32 $0xFFFF8000  }
0x213: {  	v2 =	vld.msk [tilespmem:$0x58], $0xff;
	_ =	sdelay $0x4  }
0x214: {  	v3 =	vshll.u32 v2, $0x5  }
0x215: {  	v59 =	vand.u32 $0x7, v2;
	v3 =	vand.u32 $0xFFFFFF00, v3  }
0x216: {  	v3 =	vor.u32 v59, v3  }
0x217: {  	v3 =	vperm.xlane v3, v0;
	_ =	sdelay $0x1  }
0x218: {  	v3 =	vadd.s32 v1, v3;
	_ =	sdelay $0x2  }
0x219: {  	s24 =	simm.s32 $0x100  }
0x21a: {  	[tilespmem:s24+$0x0] =	vst.msk $0xff, v2  }
0x21b: {  	[tilespmem:s26], [sflag:$0x2] =	stream.indirect_vreg.gather [hbm4b:s25+s3], $0x80, v3, vm0, $0xb8;
	[tilespmem:$0x10180] =	vst v63  }
0x21c: {  	s24 =	simm.s32 $0x8980  }
0x21d: {  	[tilespmem:s24], [sflag:$0x2] =	stream.indirect_vreg.gather [hbm4b:s4+s3], $0x80, v3, vm0, $0xb8;
	[tilespmem:$0x10180] =	vst v63  }
0x21e: {  	s24 =	simm.s32 $0x9180  }
0x21f: {  	[tilespmem:s24], [sflag:$0x2] =	stream.indirect_vreg.gather [hbm4b:s5+s3], $0x80, v3, vm0, $0xb8;
	[tilespmem:$0x10180] =	vst v63  }
0x220: {  	s24 =	simm.s32 $0x9980  }
0x221: {  	[tilespmem:s24], [sflag:$0x2] =	stream.indirect_vreg.gather [hbm4b:s6+s3], $0x80, v3, vm0, $0xb8;
	[tilespmem:$0x10180] =	vst v63  }
0x222: {  	s24 =	simm.s32 $0xA180  }
0x223: {  	[tilespmem:s24], [sflag:$0x2] =	stream.indirect_vreg.gather [hbm4b:s7+s3], $0x80, v3, vm0, $0xb8;
	[tilespmem:$0x10180] =	vst v63  }
0x224: {  	s24 =	simm.s32 $0xA980  }
0x225: {  	[tilespmem:s24], [sflag:$0x2] =	stream.indirect_vreg.gather [hbm4b:s8+s3], $0x80, v3, vm0, $0xb8;
	[tilespmem:$0x10180] =	vst v63  }
0x226: {  	s24 =	simm.s32 $0xB180  }
0x227: {  	[tilespmem:s24], [sflag:$0x2] =	stream.indirect_vreg.gather [hbm4b:s9+s3], $0x80, v3, vm0, $0xb8;
	[tilespmem:$0x10180] =	vst v63  }
0x228: {  	s24 =	simm.s32 $0xB980  }
0x229: {  	[tilespmem:s24], [sflag:$0x2] =	stream.indirect_vreg.gather [hbm4b:s10+s3], $0x80, v3, vm0, $0xb8;
	[tilespmem:$0x10180] =	vst v63  }
0x22a: {  	s24 =	simm.s32 $0xC180  }
0x22b: {  	[tilespmem:s24], [sflag:$0x2] =	stream.indirect_vreg.gather [hbm4b:s11+s3], $0x80, v3, vm0, $0xb8;
	[tilespmem:$0x10180] =	vst v63  }
0x22c: {  	s24 =	simm.s32 $0xC980  }
0x22d: {  	[tilespmem:s24], [sflag:$0x2] =	stream.indirect_vreg.gather [hbm4b:s12+s3], $0x80, v3, vm0, $0xb8;
	[tilespmem:$0x10180] =	vst v63  }
0x22e: {  	s24 =	simm.s32 $0xD180  }
0x22f: {  	[tilespmem:s24], [sflag:$0x2] =	stream.indirect_vreg.gather [hbm4b:s13+s3], $0x80, v3, vm0, $0xb8;
	[tilespmem:$0x10180] =	vst v63  }
0x230: {  	s24 =	simm.s32 $0xD980  }
0x231: {  	[tilespmem:s24], [sflag:$0x2] =	stream.indirect_vreg.gather [hbm4b:s14+s3], $0x80, v3, vm0, $0xb8;
	[tilespmem:$0x10180] =	vst v63  }
0x232: {  	s24 =	simm.s32 $0xE180  }
0x233: {  	[tilespmem:s24], [sflag:$0x2] =	stream.indirect_vreg.gather [hbm4b:s15+s3], $0x80, v3, vm0, $0xb8;
	[tilespmem:$0x10180] =	vst v63  }
0x234: {  	s24 =	simm.s32 $0xE980  }
0x235: {  	[tilespmem:s24], [sflag:$0x2] =	stream.indirect_vreg.gather [hbm4b:s16+s3], $0x80, v3, vm0, $0xb8;
	[tilespmem:$0x10180] =	vst v63  }
0x236: {  	s24 =	simm.s32 $0xF180  }
0x237: {  	[tilespmem:s24], [sflag:$0x2] =	stream.indirect_vreg.gather [hbm4b:s17+s3], $0x80, v3, vm0, $0xb8;
	[tilespmem:$0x10180] =	vst v63  }
0x238: {  	s24 =	simm.s32 $0xF980  }
0x239: {  	[tilespmem:s24], [sflag:$0x2] =	stream.indirect_vreg.gather [hbm4b:s18+s3], $0x80, v3, vm0, $0xb8;
	[tilespmem:$0x10180] =	vst v63  }
0x23a: {  	_ =	swait.ge [sflag:s0], $0x8000  }
0x23b: {  	[sflag:s0] =	ssyncset.done $0x0  }
0x23c: {  	s1 =	simm.s32 $0x180;
	s24 =	rddreg [dreg:$0xe];
	[sflag:s0] =	ssyncadd.s32 $0xFFFF8000  }
0x23d: {  	[hbm4b:s24+s3] =	stream.linear.scatter [tilespmem:s1], [sflag:$0x3], $0x8000, $0x38;
	[tilespmem:$0x10180] =	vst v63  }
0x23e: {  	_ =	swait.ge [sflag:s20], $0x8000  }
0x23f: {  	[sflag:s20] =	ssyncset.done $0x0  }
0x240: {  	[sflag:s20] =	ssyncadd.s32 $0xFFFF8000  }
0x241: {  	v2 =	vld.msk [tilespmem:$0x60], $0xff;
	_ =	sdelay $0x4  }
0x242: {  	v3 =	vshll.u32 v2, $0x5  }
0x243: {  	v60 =	vand.u32 $0x7, v2;
	v3 =	vand.u32 $0xFFFFFF00, v3  }
0x244: {  	v3 =	vor.u32 v60, v3  }
0x245: {  	v3 =	vperm.xlane v3, v0;
	_ =	sdelay $0x1  }
0x246: {  	v3 =	vadd.s32 v1, v3;
	_ =	sdelay $0x2  }
0x247: {  	s24 =	simm.s32 $0x80  }
0x248: {  	[tilespmem:s24+$0x0] =	vst.msk $0xff, v2  }
0x249: {  	[tilespmem:s1], [sflag:$0x1] =	stream.indirect_vreg.gather [hbm4b:s25+s3], $0x80, v3, vm0, $0xb8;
	[tilespmem:$0x10180] =	vst v63  }
0x24a: {  	_ = 	snop  }
0x24b: {  	[tilespmem:s2], [sflag:$0x1] =	stream.indirect_vreg.gather [hbm4b:s4+s3], $0x80, v3, vm0, $0xb8;
	[tilespmem:$0x10180] =	vst v63  }
0x24c: {  	_ = 	snop  }
0x24d: {  	[tilespmem:s19], [sflag:$0x1] =	stream.indirect_vreg.gather [hbm4b:s5+s3], $0x80, v3, vm0, $0xb8;
	[tilespmem:$0x10180] =	vst v63  }
0x24e: {  	_ = 	snop  }
0x24f: {  	[tilespmem:s22], [sflag:$0x1] =	stream.indirect_vreg.gather [hbm4b:s6+s3], $0x80, v3, vm0, $0xb8;
	[tilespmem:$0x10180] =	vst v63  }
0x250: {  	_ = 	snop  }
0x251: {  	[tilespmem:s28], [sflag:$0x1] =	stream.indirect_vreg.gather [hbm4b:s7+s3], $0x80, v3, vm0, $0xb8;
	[tilespmem:$0x10180] =	vst v63  }
0x252: {  	_ = 	snop  }
0x253: {  	[tilespmem:s29], [sflag:$0x1] =	stream.indirect_vreg.gather [hbm4b:s8+s3], $0x80, v3, vm0, $0xb8;
	[tilespmem:$0x10180] =	vst v63  }
0x254: {  	_ = 	snop  }
0x255: {  	[tilespmem:s31], [sflag:$0x1] =	stream.indirect_vreg.gather [hbm4b:s9+s3], $0x80, v3, vm0, $0xb8;
	[tilespmem:$0x10180] =	vst v63  }
0x256: {  	_ = 	snop  }
0x257: {  	[tilespmem:s30], [sflag:$0x1] =	stream.indirect_vreg.gather [hbm4b:s10+s3], $0x80, v3, vm0, $0xb8;
	[tilespmem:$0x10180] =	vst v63  }
0x258: {  	s24 =	simm.s32 $0x4180  }
0x259: {  	[tilespmem:s24], [sflag:$0x1] =	stream.indirect_vreg.gather [hbm4b:s11+s3], $0x80, v3, vm0, $0xb8;
	[tilespmem:$0x10180] =	vst v63  }
0x25a: {  	s30 =	simm.s32 $0x4980  }
0x25b: {  	[tilespmem:s30], [sflag:$0x1] =	stream.indirect_vreg.gather [hbm4b:s12+s3], $0x80, v3, vm0, $0xb8;
	[tilespmem:$0x10180] =	vst v63  }
0x25c: {  	s24 =	simm.s32 $0x5180  }
0x25d: {  	[tilespmem:s24], [sflag:$0x1] =	stream.indirect_vreg.gather [hbm4b:s13+s3], $0x80, v3, vm0, $0xb8;
	[tilespmem:$0x10180] =	vst v63  }
0x25e: {  	s30 =	simm.s32 $0x5980  }
0x25f: {  	[tilespmem:s30], [sflag:$0x1] =	stream.indirect_vreg.gather [hbm4b:s14+s3], $0x80, v3, vm0, $0xb8;
	[tilespmem:$0x10180] =	vst v63  }
0x260: {  	s24 =	simm.s32 $0x6180  }
0x261: {  	[tilespmem:s24], [sflag:$0x1] =	stream.indirect_vreg.gather [hbm4b:s15+s3], $0x80, v3, vm0, $0xb8;
	[tilespmem:$0x10180] =	vst v63  }
0x262: {  	s30 =	simm.s32 $0x6980  }
0x263: {  	[tilespmem:s30], [sflag:$0x1] =	stream.indirect_vreg.gather [hbm4b:s16+s3], $0x80, v3, vm0, $0xb8;
	[tilespmem:$0x10180] =	vst v63  }
0x264: {  	s24 =	simm.s32 $0x7180  }
0x265: {  	[tilespmem:s24], [sflag:$0x1] =	stream.indirect_vreg.gather [hbm4b:s17+s3], $0x80, v3, vm0, $0xb8;
	[tilespmem:$0x10180] =	vst v63  }
0x266: {  	s30 =	simm.s32 $0x7980  }
0x267: {  	[tilespmem:s30], [sflag:$0x1] =	stream.indirect_vreg.gather [hbm4b:s18+s3], $0x80, v3, vm0, $0xb8;
	[tilespmem:$0x10180] =	vst v63  }
0x268: {  	_ =	swait.ge [sflag:s21], $0x8000  }
0x269: {  	[sflag:s21] =	ssyncset.done $0x0  }
0x26a: {  	s1 =	rddreg [dreg:$0xf];
	[sflag:s21] =	ssyncadd.s32 $0xFFFF8000  }
0x26b: {  	[hbm4b:s1+s3] =	stream.linear.scatter [tilespmem:s26], [sflag:$0x4], $0x8000, $0x38;
	[tilespmem:$0x10180] =	vst v63  }
0x26c: {  	_ =	swait.ge [sflag:s23], $0x8000  }
0x26d: {  	[sflag:s23] =	ssyncset.done $0x0  }
0x26e: {  	[sflag:s23] =	ssyncadd.s32 $0xFFFF8000  }
0x26f: {  	v2 =	vld.msk [tilespmem:$0x68], $0xff;
	_ =	sdelay $0x4  }
0x270: {  	v3 =	vshll.u32 v2, $0x5  }
0x271: {  	v61 =	vand.u32 $0x7, v2;
	v3 =	vand.u32 $0xFFFFFF00, v3  }
0x272: {  	v3 =	vor.u32 v61, v3  }
0x273: {  	v3 =	vperm.xlane v3, v0;
	_ =	sdelay $0x1  }
0x274: {  	v3 =	vadd.s32 v1, v3;
	_ =	sdelay $0x2  }
0x275: {  	s30 =	simm.s32 $0x100  }
0x276: {  	[tilespmem:s30+$0x0] =	vst.msk $0xff, v2  }
0x277: {  	[tilespmem:s26], [sflag:$0x2] =	stream.indirect_vreg.gather [hbm4b:s25+s3], $0x80, v3, vm0, $0xb8;
	[tilespmem:$0x10180] =	vst v63  }
0x278: {  	s24 =	simm.s32 $0x8980  }
0x279: {  	[tilespmem:s24], [sflag:$0x2] =	stream.indirect_vreg.gather [hbm4b:s4+s3], $0x80, v3, vm0, $0xb8;
	[tilespmem:$0x10180] =	vst v63  }
0x27a: {  	s30 =	simm.s32 $0x9180  }
0x27b: {  	[tilespmem:s30], [sflag:$0x2] =	stream.indirect_vreg.gather [hbm4b:s5+s3], $0x80, v3, vm0, $0xb8;
	[tilespmem:$0x10180] =	vst v63  }
0x27c: {  	s24 =	simm.s32 $0x9980  }
0x27d: {  	[tilespmem:s24], [sflag:$0x2] =	stream.indirect_vreg.gather [hbm4b:s6+s3], $0x80, v3, vm0, $0xb8;
	[tilespmem:$0x10180] =	vst v63  }
0x27e: {  	s30 =	simm.s32 $0xA180  }
0x27f: {  	[tilespmem:s30], [sflag:$0x2] =	stream.indirect_vreg.gather [hbm4b:s7+s3], $0x80, v3, vm0, $0xb8;
	[tilespmem:$0x10180] =	vst v63  }
0x280: {  	s24 =	simm.s32 $0xA980  }
0x281: {  	[tilespmem:s24], [sflag:$0x2] =	stream.indirect_vreg.gather [hbm4b:s8+s3], $0x80, v3, vm0, $0xb8;
	[tilespmem:$0x10180] =	vst v63  }
0x282: {  	s30 =	simm.s32 $0xB180  }
0x283: {  	[tilespmem:s30], [sflag:$0x2] =	stream.indirect_vreg.gather [hbm4b:s9+s3], $0x80, v3, vm0, $0xb8;
	[tilespmem:$0x10180] =	vst v63  }
0x284: {  	s24 =	simm.s32 $0xB980  }
0x285: {  	[tilespmem:s24], [sflag:$0x2] =	stream.indirect_vreg.gather [hbm4b:s10+s3], $0x80, v3, vm0, $0xb8;
	[tilespmem:$0x10180] =	vst v63  }
0x286: {  	s30 =	simm.s32 $0xC180  }
0x287: {  	[tilespmem:s30], [sflag:$0x2] =	stream.indirect_vreg.gather [hbm4b:s11+s3], $0x80, v3, vm0, $0xb8;
	[tilespmem:$0x10180] =	vst v63  }
0x288: {  	s24 =	simm.s32 $0xC980  }
0x289: {  	[tilespmem:s24], [sflag:$0x2] =	stream.indirect_vreg.gather [hbm4b:s12+s3], $0x80, v3, vm0, $0xb8;
	[tilespmem:$0x10180] =	vst v63  }
0x28a: {  	s30 =	simm.s32 $0xD180  }
0x28b: {  	[tilespmem:s30], [sflag:$0x2] =	stream.indirect_vreg.gather [hbm4b:s13+s3], $0x80, v3, vm0, $0xb8;
	[tilespmem:$0x10180] =	vst v63  }
0x28c: {  	s24 =	simm.s32 $0xD980  }
0x28d: {  	[tilespmem:s24], [sflag:$0x2] =	stream.indirect_vreg.gather [hbm4b:s14+s3], $0x80, v3, vm0, $0xb8;
	[tilespmem:$0x10180] =	vst v63  }
0x28e: {  	s30 =	simm.s32 $0xE180  }
0x28f: {  	[tilespmem:s30], [sflag:$0x2] =	stream.indirect_vreg.gather [hbm4b:s15+s3], $0x80, v3, vm0, $0xb8;
	[tilespmem:$0x10180] =	vst v63  }
0x290: {  	s24 =	simm.s32 $0xE980  }
0x291: {  	[tilespmem:s24], [sflag:$0x2] =	stream.indirect_vreg.gather [hbm4b:s16+s3], $0x80, v3, vm0, $0xb8;
	[tilespmem:$0x10180] =	vst v63  }
0x292: {  	s30 =	simm.s32 $0xF180  }
0x293: {  	[tilespmem:s30], [sflag:$0x2] =	stream.indirect_vreg.gather [hbm4b:s17+s3], $0x80, v3, vm0, $0xb8;
	[tilespmem:$0x10180] =	vst v63  }
0x294: {  	s24 =	simm.s32 $0xF980  }
0x295: {  	[tilespmem:s24], [sflag:$0x2] =	stream.indirect_vreg.gather [hbm4b:s18+s3], $0x80, v3, vm0, $0xb8;
	[tilespmem:$0x10180] =	vst v63  }
0x296: {  	_ =	swait.ge [sflag:s0], $0x8000  }
0x297: {  	[sflag:s0] =	ssyncset.done $0x0  }
0x298: {  	s1 =	simm.s32 $0x180;
	s30 =	rddreg [dreg:$0x10];
	[sflag:s0] =	ssyncadd.s32 $0xFFFF8000  }
0x299: {  	[hbm4b:s30+s3] =	stream.linear.scatter [tilespmem:s1], [sflag:$0x3], $0x8000, $0x38;
	[tilespmem:$0x10180] =	vst v63  }
0x29a: {  	_ =	swait.ge [sflag:s20], $0x8000  }
0x29b: {  	[sflag:s20] =	ssyncset.done $0x0  }
0x29c: {  	[sflag:s20] =	ssyncadd.s32 $0xFFFF8000  }
0x29d: {  	v2 =	vld.msk [tilespmem:$0x70], $0xff;
	_ =	sdelay $0x4  }
0x29e: {  	v3 =	vshll.u32 v2, $0x5  }
0x29f: {  	v62 =	vand.u32 $0x7, v2;
	v3 =	vand.u32 $0xFFFFFF00, v3  }
0x2a0: {  	v3 =	vor.u32 v62, v3  }
0x2a1: {  	v3 =	vperm.xlane v3, v0;
	_ =	sdelay $0x1  }
0x2a2: {  	v3 =	vadd.s32 v1, v3;
	_ =	sdelay $0x2  }
0x2a3: {  	s30 =	simm.s32 $0x80  }
0x2a4: {  	[tilespmem:s30+$0x0] =	vst.msk $0xff, v2  }
0x2a5: {  	[tilespmem:s1], [sflag:$0x1] =	stream.indirect_vreg.gather [hbm4b:s25+s3], $0x80, v3, vm0, $0xb8;
	[tilespmem:$0x10180] =	vst v63  }
0x2a6: {  	s2 =	simm.s32 $0x980  }
0x2a7: {  	[tilespmem:s2], [sflag:$0x1] =	stream.indirect_vreg.gather [hbm4b:s4+s3], $0x80, v3, vm0, $0xb8;
	[tilespmem:$0x10180] =	vst v63  }
0x2a8: {  	s19 =	simm.s32 $0x1180  }
0x2a9: {  	[tilespmem:s19], [sflag:$0x1] =	stream.indirect_vreg.gather [hbm4b:s5+s3], $0x80, v3, vm0, $0xb8;
	[tilespmem:$0x10180] =	vst v63  }
0x2aa: {  	s22 =	simm.s32 $0x1980  }
0x2ab: {  	[tilespmem:s22], [sflag:$0x1] =	stream.indirect_vreg.gather [hbm4b:s6+s3], $0x80, v3, vm0, $0xb8;
	[tilespmem:$0x10180] =	vst v63  }
0x2ac: {  	s28 =	simm.s32 $0x2180  }
0x2ad: {  	[tilespmem:s28], [sflag:$0x1] =	stream.indirect_vreg.gather [hbm4b:s7+s3], $0x80, v3, vm0, $0xb8;
	[tilespmem:$0x10180] =	vst v63  }
0x2ae: {  	s29 =	simm.s32 $0x2980  }
0x2af: {  	[tilespmem:s29], [sflag:$0x1] =	stream.indirect_vreg.gather [hbm4b:s8+s3], $0x80, v3, vm0, $0xb8;
	[tilespmem:$0x10180] =	vst v63  }
0x2b0: {  	s31 =	simm.s32 $0x3180  }
0x2b1: {  	[tilespmem:s31], [sflag:$0x1] =	stream.indirect_vreg.gather [hbm4b:s9+s3], $0x80, v3, vm0, $0xb8;
	[tilespmem:$0x10180] =	vst v63  }
0x2b2: {  	s29 =	simm.s32 $0x3980  }
0x2b3: {  	[tilespmem:s29], [sflag:$0x1] =	stream.indirect_vreg.gather [hbm4b:s10+s3], $0x80, v3, vm0, $0xb8;
	[tilespmem:$0x10180] =	vst v63  }
0x2b4: {  	s31 =	simm.s32 $0x4180  }
0x2b5: {  	[tilespmem:s31], [sflag:$0x1] =	stream.indirect_vreg.gather [hbm4b:s11+s3], $0x80, v3, vm0, $0xb8;
	[tilespmem:$0x10180] =	vst v63  }
0x2b6: {  	s19 =	simm.s32 $0x4980  }
0x2b7: {  	[tilespmem:s19], [sflag:$0x1] =	stream.indirect_vreg.gather [hbm4b:s12+s3], $0x80, v3, vm0, $0xb8;
	[tilespmem:$0x10180] =	vst v63  }
0x2b8: {  	s22 =	simm.s32 $0x5180  }
0x2b9: {  	[tilespmem:s22], [sflag:$0x1] =	stream.indirect_vreg.gather [hbm4b:s13+s3], $0x80, v3, vm0, $0xb8;
	[tilespmem:$0x10180] =	vst v63  }
0x2ba: {  	s24 =	simm.s32 $0x5980  }
0x2bb: {  	[tilespmem:s24], [sflag:$0x1] =	stream.indirect_vreg.gather [hbm4b:s14+s3], $0x80, v3, vm0, $0xb8;
	[tilespmem:$0x10180] =	vst v63  }
0x2bc: {  	s28 =	simm.s32 $0x6180  }
0x2bd: {  	[tilespmem:s28], [sflag:$0x1] =	stream.indirect_vreg.gather [hbm4b:s15+s3], $0x80, v3, vm0, $0xb8;
	[tilespmem:$0x10180] =	vst v63  }
0x2be: {  	s29 =	simm.s32 $0x6980  }
0x2bf: {  	[tilespmem:s29], [sflag:$0x1] =	stream.indirect_vreg.gather [hbm4b:s16+s3], $0x80, v3, vm0, $0xb8;
	[tilespmem:$0x10180] =	vst v63  }
0x2c0: {  	s31 =	simm.s32 $0x7180  }
0x2c1: {  	[tilespmem:s31], [sflag:$0x1] =	stream.indirect_vreg.gather [hbm4b:s17+s3], $0x80, v3, vm0, $0xb8;
	[tilespmem:$0x10180] =	vst v63  }
0x2c2: {  	s19 =	simm.s32 $0x7980  }
0x2c3: {  	[tilespmem:s19], [sflag:$0x1] =	stream.indirect_vreg.gather [hbm4b:s18+s3], $0x80, v3, vm0, $0xb8;
	[tilespmem:$0x10180] =	vst v63  }
0x2c4: {  	s1 =	rddreg [dreg:$0x14];
	_ =	swait.ge [sflag:s21], $0x8000  }
0x2c5: {  	[sflag:s21] =	ssyncset.done $0x0  }
0x2c6: {  	s22 =	rddreg [dreg:$0x11];
	[sflag:s21] =	ssyncadd.s32 $0xFFFF8000  }
0x2c7: {  	[hbm4b:s22+s3] =	stream.linear.scatter [tilespmem:s26], [sflag:$0x4], $0x8000, $0x38;
	[tilespmem:$0x10180] =	vst v63  }
0x2c8: {  	_ =	swait.ge [sflag:s23], $0x8000  }
0x2c9: {  	[sflag:s23] =	ssyncset.done $0x0  }
0x2ca: {  	[sflag:s23] =	ssyncadd.s32 $0xFFFF8000  }
0x2cb: {  	v2 =	vld.msk [tilespmem:$0x78], $0xff;
	_ =	sdelay $0x4  }
0x2cc: {  	v3 =	vshll.u32 v2, $0x5  }
0x2cd: {  	v63 =	vand.u32 $0x7, v2;
	v3 =	vand.u32 $0xFFFFFF00, v3  }
0x2ce: {  	v3 =	vor.u32 v63, v3  }
0x2cf: {  	v3 =	vperm.xlane v3, v0;
	_ =	sdelay $0x1  }
0x2d0: {  	v3 =	vadd.s32 v1, v3;
	_ =	sdelay $0x2  }
0x2d1: {  	s24 =	simm.s32 $0x100  }
0x2d2: {  	[tilespmem:s24+$0x0] =	vst.msk $0xff, v2  }
0x2d3: {  	[tilespmem:s26], [sflag:$0x2] =	stream.indirect_vreg.gather [hbm4b:s25+s3], $0x80, v3, vm0, $0xb8;
	[tilespmem:$0x10180] =	vst v63  }
0x2d4: {  	s28 =	simm.s32 $0x8980  }
0x2d5: {  	[tilespmem:s28], [sflag:$0x2] =	stream.indirect_vreg.gather [hbm4b:s4+s3], $0x80, v3, vm0, $0xb8;
	[tilespmem:$0x10180] =	vst v63  }
0x2d6: {  	s29 =	simm.s32 $0x9180  }
0x2d7: {  	[tilespmem:s29], [sflag:$0x2] =	stream.indirect_vreg.gather [hbm4b:s5+s3], $0x80, v3, vm0, $0xb8;
	[tilespmem:$0x10180] =	vst v63  }
0x2d8: {  	s31 =	simm.s32 $0x9980  }
0x2d9: {  	[tilespmem:s31], [sflag:$0x2] =	stream.indirect_vreg.gather [hbm4b:s6+s3], $0x80, v3, vm0, $0xb8;
	[tilespmem:$0x10180] =	vst v63  }
0x2da: {  	s19 =	simm.s32 $0xA180  }
0x2db: {  	[tilespmem:s19], [sflag:$0x2] =	stream.indirect_vreg.gather [hbm4b:s7+s3], $0x80, v3, vm0, $0xb8;
	[tilespmem:$0x10180] =	vst v63  }
0x2dc: {  	s22 =	simm.s32 $0xA980  }
0x2dd: {  	[tilespmem:s22], [sflag:$0x2] =	stream.indirect_vreg.gather [hbm4b:s8+s3], $0x80, v3, vm0, $0xb8;
	[tilespmem:$0x10180] =	vst v63  }
0x2de: {  	s24 =	simm.s32 $0xB180  }
0x2df: {  	[tilespmem:s24], [sflag:$0x2] =	stream.indirect_vreg.gather [hbm4b:s9+s3], $0x80, v3, vm0, $0xb8;
	[tilespmem:$0x10180] =	vst v63  }
0x2e0: {  	s25 =	simm.s32 $0xB980  }
0x2e1: {  	[tilespmem:s25], [sflag:$0x2] =	stream.indirect_vreg.gather [hbm4b:s10+s3], $0x80, v3, vm0, $0xb8;
	[tilespmem:$0x10180] =	vst v63  }
0x2e2: {  	s28 =	simm.s32 $0xC180  }
0x2e3: {  	[tilespmem:s28], [sflag:$0x2] =	stream.indirect_vreg.gather [hbm4b:s11+s3], $0x80, v3, vm0, $0xb8;
	[tilespmem:$0x10180] =	vst v63  }
0x2e4: {  	s29 =	simm.s32 $0xC980  }
0x2e5: {  	[tilespmem:s29], [sflag:$0x2] =	stream.indirect_vreg.gather [hbm4b:s12+s3], $0x80, v3, vm0, $0xb8;
	[tilespmem:$0x10180] =	vst v63  }
0x2e6: {  	s31 =	simm.s32 $0xD180  }
0x2e7: {  	[tilespmem:s31], [sflag:$0x2] =	stream.indirect_vreg.gather [hbm4b:s13+s3], $0x80, v3, vm0, $0xb8;
	[tilespmem:$0x10180] =	vst v63  }
0x2e8: {  	s19 =	simm.s32 $0xD980  }
0x2e9: {  	[tilespmem:s19], [sflag:$0x2] =	stream.indirect_vreg.gather [hbm4b:s14+s3], $0x80, v3, vm0, $0xb8;
	[tilespmem:$0x10180] =	vst v63  }
0x2ea: {  	s22 =	simm.s32 $0xE180  }
0x2eb: {  	[tilespmem:s22], [sflag:$0x2] =	stream.indirect_vreg.gather [hbm4b:s15+s3], $0x80, v3, vm0, $0xb8;
	[tilespmem:$0x10180] =	vst v63  }
0x2ec: {  	s24 =	simm.s32 $0xE980  }
0x2ed: {  	[tilespmem:s24], [sflag:$0x2] =	stream.indirect_vreg.gather [hbm4b:s16+s3], $0x80, v3, vm0, $0xb8;
	[tilespmem:$0x10180] =	vst v63  }
0x2ee: {  	s25 =	simm.s32 $0xF180  }
0x2ef: {  	[tilespmem:s25], [sflag:$0x2] =	stream.indirect_vreg.gather [hbm4b:s17+s3], $0x80, v3, vm0, $0xb8;
	[tilespmem:$0x10180] =	vst v63  }
0x2f0: {  	s28 =	simm.s32 $0xF980  }
0x2f1: {  	[tilespmem:s28], [sflag:$0x2] =	stream.indirect_vreg.gather [hbm4b:s18+s3], $0x80, v3, vm0, $0xb8;
	[tilespmem:$0x10180] =	vst v63  }
0x2f2: {  	_ =	swait.ge [sflag:s0], $0x8000  }
0x2f3: {  	[sflag:s0] =	ssyncset.done $0x0  }
0x2f4: {  	s30 =	simm.s32 $0x180;
	s29 =	rddreg [dreg:$0x12];
	[sflag:s0] =	ssyncadd.s32 $0xFFFF8000  }
0x2f5: {  	[hbm4b:s29+s3] =	stream.linear.scatter [tilespmem:s30], [sflag:$0x3], $0x8000, $0x38;
	[tilespmem:$0x10180] =	vst v63  }
0x2f6: {  	_ =	swait.ge [sflag:s21], $0x8000  }
0x2f7: {  	[sflag:s21] =	ssyncset.done $0x0  }
0x2f8: {  	s31 =	rddreg [dreg:$0x13];
	[sflag:s21] =	ssyncadd.s32 $0xFFFF8000  }
0x2f9: {  	[hbm4b:s31+s3] =	stream.linear.scatter [tilespmem:s26], [sflag:$0x4], $0x8000, $0x38;
	[tilespmem:$0x10180] =	vst v63  }
0x2fa: {  	p0 =	sne.s32 s1, $0x1;
	_ =	swait.ge [sflag:s20], $0x8000  }
.Ltmp0:
0x2fb: {  	[sflag:s20] =	ssyncset.done $0x0;
	(pc) =	sbr.rel @p0 .LBB2_1-.Ltmp0, $4  }
0x2fc: {  	[sflag:s20] =	ssyncadd.s32 $0xFFFF8000  }
0x2fd: {  	_ =	swait.ge [sflag:s23], $0x8000  }
0x2fe: {  	[sflag:s23] =	ssyncset.done $0x0  }
0x2ff: {  	s1 =	sadd.s32 $0xFFFFFFFF, s1;
	[sflag:s23] =	ssyncadd.s32 $0xFFFF8000  }
0x300: {  	_ =	sfence.sel $0x180000  }
0x301: {  	[bflag:$0x0] =	sbarrier.arrive $0xFFFF  }
0x302: {  	_ =	strace $0x90000047  }
0x303: {  	s0 =	stileid.u32;
	[bflag:$0x2] =	sbarrier.arrive $0xFFFF  }
0x304: {  	p0 =	sne.s32 s0, $0x0;
	s0 =	rddreg [dreg:$0x2]  }
0x305: {  	s0 =	sadd.s32 @!p0 $0x100000, s0  }
0x306: {  	[sflag:s0] =	ssyncadd.tile.s32 @!p0 $0x1;
	_ =	shalt  }
.Lfunc_end2:
_tile_overlayer_lowered:
.L_overlay_start_2:
0x307: {  	(tag) =	ssettag $0x2  }
0x308: {  	s0 =	rddreg [dreg:$0x0];
	s2 =	stileid.u32  }
0x309: {  	s1 =	rddreg [dreg:$0x1];
	p0 =	sne.s32 s2, $0x0  }
0x30a: {  	s3 =	rddreg [dreg:$0x2];
	[bflag:$0x3] =	sbarrier.arrive $0xFFFF;
	s2 =	simm.s32 @!p0 $0x1C05  }
0x30b: {  	[timem:s3], [sflag:s2] =	dma.local @!p0 [hbm:s0], s1  }
0x30c: {  	s0 =	simm.s32 @!p0 $0x5  }
0x30d: {  	_ =	swait.ge @!p0 [sflag:s0], s1  }
0x30e: {  	s1 =	ssub.s32 @!p0 $0x0, s1;
	[sflag:s0] =	ssyncset.done @!p0 $0x0  }
0x30f: {  	[sflag:s0] =	ssyncadd.s32 @!p0 s1  }
0x310: {  	[bflag:$0x3] =	sbarrier.arrive $0xFFFF  }
0x311: {  	_ =	shalt  }

// kernel: kernel.9.cloned.1.call-start
scs
__scs_entry_jumppad:
0x0: {  	(pc) =	sbr.rel $0x88, $3  }
0x1: {  	(tag) =	ssettag $0x0;
	lr =	simm.s32 $0x1  }
0x2: {  	[smem:$0x3F9E] =	sst lr;
	_ =	strace $0xD0000000  }
0x3: {  	_ = 	snop  }
0x4: {  	_ = 	snop  }
0x5: {  	_ = 	snop  }
0x6: {  	_ = 	snop  }
0x7: {  	_ = 	snop  }
__scs_overlays_trampoline_lowered:
0x8: {  	[smem:$0x3FAD] =	sst s0  }
0x9: {  	[smem:$0x3FAE] =	sst s1  }
0xa: {  	[smem:$0x3FAF] =	sst s2  }
0xb: {  	[smem:$0x3FB0] =	sst s3  }
0xc: {  	[smem:$0x3FB1] =	sst s4  }
0xd: {  	[smem:$0x3FB2] =	sst s5  }
0xe: {  	[smem:$0x3FB3] =	sst s6  }
0xf: {  	[smem:$0x3FB4] =	sst s7  }
0x10: {  	[smem:$0x3FB5] =	sst s8  }
0x11: {  	[smem:$0x3FB6] =	sst s9;
	s0 =	simm.s32 @!p0 $0x0  }
0x12: {  	s1 =	sld [smem:$0x3F9C];
	s0 =	simm.s32 @p0 $0x1  }
0x13: {  	[smem:$0x3FB7] =	sst s0;
	s0 =	simm.s32 @!p1 $0x0  }
0x14: {  	s2 =	sld [smem:$0x3F9B];
	s0 =	simm.s32 @p1 $0x1  }
0x15: {  	[smem:$0x3FB8] =	sst s0;
	s0 =	simm.s32 @!p2 $0x0  }
0x16: {  	s3 =	sld [smem:$0x3FDB];
	s0 =	simm.s32 @p2 $0x1  }
0x17: {  	s4 =	simm.s32 $0x1BF5;
	[smem:$0x3FBA] =	sst s0  }
0x18: {  	s0 =	sld [smem:$0x3F9D];
	_ =	swait.ge [sflag:s4], $0x0  }
0x19: {  	s7 =	sld [smem:$0x3F9E]  }
0x1a: {  	s8 =	sadd.s32 $0xFFFFE003, lr  }
0x1b: {  	s9 =	sadd.s32 $0xFFFFFEF7, lr;
	s5 =	simm.s32 $0xFFFFFFFF;
	p2 =	slt.u32 s8, $0xFFFFF086  }
0x1c: {  	p1 =	slt.u32 s9, $0xF7A;
	s5 =	simm.s32 @!p2 $0x0  }
0x1d: {  	s5 =	simm.s32 @p1 $0x1;
	p0 =	seq.s32 s7, s2  }
0x1e: {  	s7 =	smul.u32 @!p0 $0xF7A, s2;
	p2 =	seq.s32 @!p0 s5, $0x0  }
0x1f: {  	s9 =	smul.u32 $0xF7A, s1;
	s8 =	simm.s32 @!p0 $0x1BF5;
	p2 =	por !p2, p0  }
0x20: {  	[sflag:s8] =	ssyncset.s32 @!p0 $0xFFFFF086;
	s6 =	sadd.s32 @!p0 s3, s7;
	s7 =	simm.s32 @!p0 $0x108  }
0x21: {  	s3 =	sadd.s32 s3, s9;
	s6 =	sadd.s32 @!p0 $0x88, s6;
	s7 =	simm.s32 @p2 $0x1082  }
0x22: {  	[simem:s7], [sflag:s8] =	dma.local @!p0 [hbm:s6], $0xF7A  }
0x23: {  	s9 =	sor.u32 $0xD0000000, s2;
	s6 =	simm.s32 $0x108;
	_ =	swait.ge @!p0 [sflag:s8], $0x0  }
0x24: {  	s3 =	sadd.s32 $0x88, s3;
	s6 =	simm.s32 @!p1 $0x1082;
	[sflag:s4] =	ssyncset.s32 $0xFFFFF086  }
0x25: {  	[simem:s6], [sflag:s4] =	dma.local [hbm:s3], $0xF7A  }
0x26: {  	[smem:$0x3F9E] =	sst s1;
	(tag) =	ssettag s2;
	_ =	strace s9  }
0x27: {  	s1 =	sld [smem:$0x3FAE]  }
0x28: {  	s2 =	sld [smem:$0x3FAF]  }
0x29: {  	s4 =	sld [smem:$0x3FB1]  }
0x2a: {  	p0 =	seq.s32 s5, $0x0;
	s5 =	sld [smem:$0x3FB2]  }
0x2b: {  	s6 =	sld [smem:$0x3FB3]  }
0x2c: {  	s7 =	sld [smem:$0x3FB4]  }
0x2d: {  	s3 =	simm.s32 $0x108;
	s8 =	sld [smem:$0x3FB5]  }
0x2e: {  	s3 =	simm.s32 @!p0 $0x1082;
	s9 =	sld [smem:$0x3FB6]  }
0x2f: {  	lr =	sadd.s32 s0, s3;
	s0 =	sld [smem:$0x3FAD]  }
0x30: {  	s3 =	sld [smem:$0x3FB0]  }
0x31: {  	[smem:$0x3FB9] =	sst s10  }
0x32: {  	s10 =	sld [smem:$0x3FB7];
	_ =	sdelay $0x3  }
0x33: {  	p0 =	seq.s32 s10, $0x1;
	s10 =	sld [smem:$0x3FB9];
	_ =	sdelay $0x3  }
0x34: {  	[smem:$0x3FB9] =	sst s10  }
0x35: {  	s10 =	sld [smem:$0x3FB8];
	_ =	sdelay $0x3  }
0x36: {  	p1 =	seq.s32 s10, $0x1;
	s10 =	sld [smem:$0x3FB9];
	_ =	sdelay $0x3  }
0x37: {  	[smem:$0x3FB9] =	sst s10  }
0x38: {  	s10 =	sld [smem:$0x3FBA]  }
0x39: {  	_ = 	snop;
	(pc) =	sbr.ind lr, $3  }
0x3a: {  	_ = 	snop  }
0x3b: {  	_ = 	snop  }
0x3c: {  	p2 =	seq.s32 s10, $0x1;
	s10 =	sld [smem:$0x3FB9]  }
0x3d: {  	_ =	shalt  }
0x3e: {  	_ =	shalt  }
0x3f: {  	_ =	shalt  }
0x40: {  	_ =	shalt  }
0x41: {  	_ =	shalt  }
0x42: {  	_ =	shalt  }
0x43: {  	_ =	shalt  }
0x44: {  	_ =	shalt  }
0x45: {  	_ =	shalt  }
0x46: {  	_ =	shalt  }
0x47: {  	_ =	shalt  }
0x48: {  	_ =	shalt  }
0x49: {  	_ =	shalt  }
0x4a: {  	_ =	shalt  }
0x4b: {  	_ =	shalt  }
0x4c: {  	_ =	shalt  }
0x4d: {  	_ =	shalt  }
0x4e: {  	_ =	shalt  }
0x4f: {  	_ =	shalt  }
0x50: {  	_ =	shalt  }
0x51: {  	_ =	shalt  }
0x52: {  	_ =	shalt  }
0x53: {  	_ =	shalt  }
0x54: {  	_ =	shalt  }
0x55: {  	_ =	shalt  }
0x56: {  	_ =	shalt  }
0x57: {  	_ =	shalt  }
0x58: {  	_ =	shalt  }
0x59: {  	_ =	shalt  }
0x5a: {  	_ =	shalt  }
0x5b: {  	_ =	shalt  }
0x5c: {  	_ =	shalt  }
0x5d: {  	_ =	shalt  }
0x5e: {  	_ =	shalt  }
0x5f: {  	_ =	shalt  }
0x60: {  	_ =	shalt  }
0x61: {  	_ =	shalt  }
0x62: {  	_ =	shalt  }
0x63: {  	_ =	shalt  }
0x64: {  	_ =	shalt  }
0x65: {  	_ =	shalt  }
0x66: {  	_ =	shalt  }
0x67: {  	_ =	shalt  }
0x68: {  	_ =	shalt  }
0x69: {  	_ =	shalt  }
0x6a: {  	_ =	shalt  }
0x6b: {  	_ =	shalt  }
0x6c: {  	_ =	shalt  }
0x6d: {  	_ =	shalt  }
0x6e: {  	_ =	shalt  }
0x6f: {  	_ =	shalt  }
0x70: {  	_ =	shalt  }
0x71: {  	_ =	shalt  }
0x72: {  	_ =	shalt  }
0x73: {  	_ =	shalt  }
0x74: {  	_ =	shalt  }
0x75: {  	_ =	shalt  }
0x76: {  	_ =	shalt  }
0x77: {  	_ =	shalt  }
0x78: {  	_ =	shalt  }
0x79: {  	_ =	shalt  }
0x7a: {  	_ =	shalt  }
0x7b: {  	_ =	shalt  }
0x7c: {  	_ =	shalt  }
0x7d: {  	_ =	shalt  }
0x7e: {  	_ =	shalt  }
0x7f: {  	_ =	shalt  }
0x80: {  	_ =	shalt  }
0x81: {  	_ =	shalt  }
0x82: {  	_ =	shalt  }
0x83: {  	_ =	shalt  }
0x84: {  	_ =	shalt  }
0x85: {  	_ =	shalt  }
0x86: {  	_ =	shalt  }
0x87: {  	_ =	shalt  }
.Lfunc_end0:
.L_simem_size_0:
called_computation.1_lowered:
.L_overlay_start_0:
0x88: {  	s2 =	sld [smem:$0x3FD9]  }
0x89: {  	s3 =	sld [smem:$0x3FFE];
	_ =	sdelay $0x1  }
0x8a: {  	s1 =	srdreg.scid  }
0x8b: {  	s0 =	sand.u32 $0x1, s1  }
0x8c: {  	s17 =	sshll.u32 s0, $0xA;
	s2 =	sadd.s32 s3, s2  }
0x8d: {  	s2 =	sadd.s32 s2, s17  }
0x8e: {  	[smem:$0x3FC5] =	sst s2  }
0x8f: {  	_ = 	snop  }
0x90: {  	s2 =	sld [smem:$0x3FD0];
	(tm) =	ssettm $0x1  }
0x91: {  	s18 =	sld [smem:$0x3FFB];
	_ =	sdelay $0x3  }
0x92: {  	_ =	strace s18  }
0x93: {  	s3 =	sld [smem:$0x3FFC];
	_ =	sdelay $0x3  }
0x94: {  	_ =	strace s3  }
0x95: {  	s3 =	sld [smem:$0x3FFD];
	_ =	sdelay $0x3  }
0x96: {  	_ =	strace s3  }
0x97: {  	_ =	strace $0x8FFFFFFF  }
0x98: {  	s19 =	sld [smem:$0x3FDB];
	_ =	sdelay $0x1  }
0x99: {  	s4 =	simm.s32 $_scs_section_size  }
0x9a: {  	s5 =	simm.s32 $_size__tile_overlayer_lowered;
	s6 =	simm.s32 $_tile_overlayer_lowered  }
0x9b: {  	s22 =	simm.s32 $0x1BFF;
	s21 =	sshll.u32 s6, $0x1;
	s3 =	sadd.s32 s4, s19  }
0x9c: {  	s7 =	simm.s32 $0x0;
	s20 =	sshll.u32 s5, $0x1;
	s5 =	sadd.s32 s21, s3  }
0x9d: {  	[timem:s7], [sflag:s22] =	dma.local [hbm:s5], s20  }
0x9e: {  	_ =	swait.ge [sflag:s22], s20  }
0x9f: {  	s4 =	ssub.s32 $0x0, s20;
	[sflag:s22] =	ssyncset.done $0x0  }
0xa0: {  	[sflag:s22] =	ssyncadd.s32 s4;
	_ =	sdelay $0x1  }
0xa1: {  	s23 =	simm.s32 $0x1B8B  }
0xa2: {  	_ =	swait.ge [sflag:s23], $0x1  }
0xa3: {  	[sflag:s23] =	ssyncset.done $0x0  }
0xa4: {  	s25 =	simm.s32 $0x1B8E;
	s24 =	sld [smem:$0x3FFE];
	[sflag:s23] =	ssyncadd.s32 $0xFFFFFFFF  }
0xa5: {  	s26 =	simm.s32 $execute0_lowered;
	[smem:$0x3FD2] =	sst s25  }
0xa6: {  	s5 =	sshll.u32 s26, $0x1;
	_ =	strace $0x80000049;
	[dreg:$0x1] =	wrdreg $0xFFFFFFFF  }
0xa7: {  	s28 =	simm.s32 $_size_execute0_lowered;
	s3 =	sadd.s32 s3, s5;
	[dreg:$0x0] =	wrdreg $0x0  }
0xa8: {  	s5 =	sshll.u32 s28, $0x1;
	[dreg:$0x2] =	wrdreg s3  }
0xa9: {  	[dreg:$0x3] =	wrdreg s5  }
0xaa: {  	[dreg:$0x4] =	wrdreg $0xC0  }
0xab: {  	_ =	task [dreg:s7], $0x5FFFF  }
0xac: {  	[dreg:$0x1] =	wrdreg $0xFFFFFFFF  }
0xad: {  	[dreg:$0x0] =	wrdreg $0x60  }
0xae: {  	[dreg:$0x2] =	wrdreg s24  }
0xaf: {  	[dreg:$0x3] =	wrdreg s2  }
0xb0: {  	[dreg:$0x4] =	wrdreg $0x9  }
0xb1: {  	_ =	task.clear_ibuf [dreg:s7], $0x5FFFF;
	_ =	strace $0x90000049  }
0xb2: {  	s29 =	simm.s32 $0x9;
	_ =	strace $0x8000004B  }
0xb3: {  	_ =	swait.ge [sflag:s29], $0x1  }
0xb4: {  	[sflag:s29] =	ssyncadd.s32 $0xFFFFFFFF  }
0xb5: {  	_ =	strace $0x9000004B  }
0xb6: {  	_ =	sfence  }
0xb7: {  	s30 =	sld [smem:$0x0];
	_ =	sdelay $0x2  }
0xb8: {  	s31 =	sshll.u32 s1, $0xD;
	s1 =	sshrl.u32 s1, $0x2  }
0xb9: {  	s3 =	sand.u32 $0x4000, s31;
	s1 =	sadd.s32 s1, s30  }
0xba: {  	s0 =	sor.u32 s3, s0;
	s1 =	sshll.u32 s1, $0x11  }
0xbb: {  	s0 =	sor.u32 s1, s0  }
0xbc: {  	s0 =	sadd.s32 $0x8F2B, s0  }
0xbd: {  	[sflag:s0] =	ssyncadd.remote.s32 $0x1  }
0xbe: {  	_ =	sfence.sel $0xFFFF  }
0xbf: {  	[dreg:$0x0] =	wrdreg $0xFFFFFFFF;
	(pc) =	sbr.abs _section_cstart, $3  }
0xc0: {  	[dreg:$0x1] =	wrdreg $0xFFFFFFFF  }
0xc1: {  	_ =	task.clear_ibuf [dreg:s7], $0x2FFFF;
	_ =	strace $0x9FFFFFFF  }
0xc2: {  	(tm) =	ssettm $0x7FFFFFFF  }
0xc3: {  	_ =	shalt  }
tec
execute0_lowered:
.L_overlay_start_1:
0x0: {  	(tag) =	ssettag $0x1  }
0x1: {  	s0 =	srdreg.scid;
	s1 =	rddreg [dreg:$0x0]  }
0x2: {  	s2 =	stileid.u32;
	s4 =	rddreg [dreg:$0x1]  }
0x3: {  	s14 =	simm.s32 $0x7;
	s16 =	simm.s32 $0x300;
	s21 =	simm.s32 $0xC300  }
0x4: {  	s22 =	simm.s32 $0xCB00;
	s10 =	simm.s32 $0xDB00;
	s11 =	simm.s32 $0xEB00  }
0x5: {  	s12 =	simm.s32 $0xFB00;
	s13 =	simm.s32 $0x3;
	s28 =	simm.s32 $0x5  }
0x6: {  	s29 =	simm.s32 $0x2;
	s30 =	simm.s32 $0x4;
	s31 =	simm.s32 $0x6  }
0x7: {  	s0 =	sand.u32 $0x1, s0;
	s3 =	sshll.u32 s2, $0x7;
	s2 =	simm.s32 $0x0  }
0x8: {  	s8 =	sadd.s32 $0x211100, s1;
	s5 =	sshll.u32 s0, $0x6;
	s0 =	ssub.s32 $0x2, s0  }
0x9: {  	[smem:$0x7FF] =	sst s2;
	s5 =	sor.u32 s5, s3;
	s7 =	sshrl.u32 s0, $0x1  }
0xa: {  	_ =	strace $0x8000004A;
	s3 =	sshrl.u32 s5, $0x3;
	s0 =	ssub.s32 s0, s7  }
0xb: {  	s5 =	sshll.u32 s5, $0x7;
	s6 =	sadd.s32 s3, s1;
	s0 =	smax.u32 s0, $0x1  }
0xc: {  	s7 =	sadd.s32 $0x211000, s1;
	s23 =	sadd.s32 $0x600, s6;
	[dreg:$0x8] =	wrdreg s0  }
0xd: {  	s9 =	sadd.s32 s4, s5;
	s6 =	sadd.s32 $0x800, s6;
	[dreg:$0x3] =	wrdreg s23  }
0xe: {  	s3 =	sadd.s32 $0x210E00, s1;
	s24 =	sadd.s32 $0x800, s9;
	[dreg:$0x4] =	wrdreg s6  }
0xf: {  	s25 =	sadd.s32 $0x1000, s9;
	s26 =	sadd.s32 $0x1800, s9;
	[dreg:$0x5] =	wrdreg s24  }
0x10: {  	v2 =	vlaneseq.u32;
	s0 =	simm.s32 $0x4300;
	s6 =	sadd.s32 $0x210F00, s1;
	[dreg:$0x6] =	wrdreg s25  }
0x11: {  	vm0 =	vmmov $0xffff;
	v1 =	vshrl.u32 v2, $0x3;
	[dreg:$0x7] =	wrdreg s26;
	s23 =	simm.s32 $0xD300;
	s24 =	simm.s32 $0xE300  }
0x12: {  	v0 =	vand.u32 $0x7, v2;
	v2 =	vor.u32 $0x8, v2;
	v1 =	vmul.u32 $0x8, v1;
	s25 =	simm.s32 $0xF300;
	s26 =	simm.s32 $0x1;
	s1 =	simm.s32 $0x0  }
.LBB2_1:
0x13: {  	s4 =	rddreg [dreg:$0x3]  }
0x14: {  	[tilespmem:s2], [sflag:$0x7] =	stream.linear.gather [hbm4b:s4+s2], $0x40, $0x38;
	[tilespmem:$0x10300] =	vst v63  }
0x15: {  	_ =	swait.ge [sflag:s14], $0x40  }
0x16: {  	[sflag:s14] =	ssyncset.done $0x0  }
0x17: {  	s5 =	simm.s32 $0x80;
	s15 =	rddreg [dreg:$0x4];
	[sflag:s14] =	ssyncadd.s32 $0xFFFFFFC0  }
0x18: {  	[tilespmem:s5], [sflag:$0x7] =	stream.linear.gather [hbm4b:s15+s2], $0x40, $0x38;
	[tilespmem:$0x10300] =	vst v63  }
0x19: {  	_ =	swait.ge [sflag:s14], $0x40  }
0x1a: {  	[sflag:s14] =	ssyncset.done $0x0  }
0x1b: {  	[sflag:s14] =	ssyncadd.s32 $0xFFFFFFC0  }
0x1c: {  	v3 =	vld [tilespmem:$0x0];
	_ =	sdelay $0x4  }
0x1d: {  	[tilespmem:$0x100] =	vst v3  }
0x1e: {  	v3 =	vld [tilespmem:$0x100];
	_ =	sdelay $0x4  }
0x1f: {  	v4 =	vshll.u32 v3, $0x3  }
0x20: {  	v3 =	vand.u32 $0x7, v3;
	v4 =	vand.u32 $0xFFFFFFC0, v4  }
0x21: {  	v3 =	vor.u32 v3, v4  }
0x22: {  	v4 =	vperm.xlane v3, v0  }
0x23: {  	v5 =	vld [tilespmem:$0x80]  }
0x24: {  	v4 =	vadd.s32 v1, v4;
	_ =	sdelay $0x3  }
0x25: {  	[tilespmem:$0x200] =	vst v5  }
0x26: {  	[tilespmem:s16], [sflag:$0x1] =	stream.indirect_vreg.gather [hbm4b:s3+s2], $0x80, v4, vm0, $0xb8;
	[tilespmem:$0x10300] =	vst v63  }
0x27: {  	s17 =	simm.s32 $0xB00;
	v3 =	vperm.xlane v3, v2  }
0x28: {  	[tilespmem:s17], [sflag:$0x1] =	stream.indirect_vreg.gather [hbm4b:s6+s2], $0x80, v4, vm0, $0xb8;
	[tilespmem:$0x10300] =	vst v63  }
0x29: {  	s18 =	simm.s32 $0x1300;
	v3 =	vadd.s32 v1, v3  }
0x2a: {  	[tilespmem:s18], [sflag:$0x1] =	stream.indirect_vreg.gather [hbm4b:s7+s2], $0x80, v4, vm0, $0xb8;
	[tilespmem:$0x10300] =	vst v63  }
0x2b: {  	s19 =	simm.s32 $0x1B00  }
0x2c: {  	[tilespmem:s19], [sflag:$0x1] =	stream.indirect_vreg.gather [hbm4b:s8+s2], $0x80, v4, vm0, $0xb8;
	[tilespmem:$0x10300] =	vst v63  }
0x2d: {  	s20 =	simm.s32 $0x2300  }
0x2e: {  	[tilespmem:s20], [sflag:$0x1] =	stream.indirect_vreg.gather [hbm4b:s3+s2], $0x80, v3, vm0, $0xb8;
	[tilespmem:$0x10300] =	vst v63  }
0x2f: {  	s5 =	simm.s32 $0x2B00  }
0x30: {  	[tilespmem:s5], [sflag:$0x1] =	stream.indirect_vreg.gather [hbm4b:s6+s2], $0x80, v3, vm0, $0xb8;
	[tilespmem:$0x10300] =	vst v63  }
0x31: {  	s15 =	simm.s32 $0x3300  }
0x32: {  	[tilespmem:s15], [sflag:$0x1] =	stream.indirect_vreg.gather [hbm4b:s7+s2], $0x80, v3, vm0, $0xb8;
	[tilespmem:$0x10300] =	vst v63  }
0x33: {  	s17 =	simm.s32 $0x3B00  }
0x34: {  	[tilespmem:s17], [sflag:$0x1] =	stream.indirect_vreg.gather [hbm4b:s8+s2], $0x80, v3, vm0, $0xb8;
	[tilespmem:$0x10300] =	vst v63  }
0x35: {  	v3 =	vld [tilespmem:$0x200];
	_ =	sdelay $0x4  }
0x36: {  	v60 =	vshll.u32 v3, $0x3  }
0x37: {  	v3 =	vand.u32 $0x7, v3;
	v4 =	vand.u32 $0xFFFFFFC0, v60  }
0x38: {  	v3 =	vor.u32 v3, v4  }
0x39: {  	v4 =	vperm.xlane v3, v0;
	_ =	sdelay $0x1  }
0x3a: {  	v4 =	vadd.s32 v1, v4;
	_ =	sdelay $0x3  }
0x3b: {  	s18 =	simm.s32 $0x8300  }
0x3c: {  	[tilespmem:s18], [sflag:$0x3] =	stream.indirect_vreg.gather [hbm4b:s3+s2], $0x80, v4, vm0, $0xb8;
	[tilespmem:$0x10300] =	vst v63  }
0x3d: {  	s19 =	simm.s32 $0x8B00;
	v3 =	vperm.xlane v3, v2  }
0x3e: {  	[tilespmem:s19], [sflag:$0x3] =	stream.indirect_vreg.gather [hbm4b:s6+s2], $0x80, v4, vm0, $0xb8;
	[tilespmem:$0x10300] =	vst v63  }
0x3f: {  	s20 =	simm.s32 $0x9300;
	v3 =	vadd.s32 v1, v3  }
0x40: {  	[tilespmem:s20], [sflag:$0x3] =	stream.indirect_vreg.gather [hbm4b:s7+s2], $0x80, v4, vm0, $0xb8;
	[tilespmem:$0x10300] =	vst v63  }
0x41: {  	s5 =	simm.s32 $0x9B00  }
0x42: {  	[tilespmem:s5], [sflag:$0x3] =	stream.indirect_vreg.gather [hbm4b:s8+s2], $0x80, v4, vm0, $0xb8;
	[tilespmem:$0x10300] =	vst v63  }
0x43: {  	s15 =	simm.s32 $0xA300  }
0x44: {  	[tilespmem:s15], [sflag:$0x3] =	stream.indirect_vreg.gather [hbm4b:s3+s2], $0x80, v3, vm0, $0xb8;
	[tilespmem:$0x10300] =	vst v63  }
0x45: {  	s17 =	simm.s32 $0xAB00  }
0x46: {  	[tilespmem:s17], [sflag:$0x3] =	stream.indirect_vreg.gather [hbm4b:s6+s2], $0x80, v3, vm0, $0xb8;
	[tilespmem:$0x10300] =	vst v63  }
0x47: {  	s18 =	simm.s32 $0xB300  }
0x48: {  	[tilespmem:s18], [sflag:$0x3] =	stream.indirect_vreg.gather [hbm4b:s7+s2], $0x80, v3, vm0, $0xb8;
	[tilespmem:$0x10300] =	vst v63  }
0x49: {  	s19 =	simm.s32 $0xBB00  }
0x4a: {  	[tilespmem:s19], [sflag:$0x3] =	stream.indirect_vreg.gather [hbm4b:s8+s2], $0x80, v3, vm0, $0xb8;
	[tilespmem:$0x10300] =	vst v63  }
0x4b: {  	v3 =	vld [tilespmem:$0x10];
	_ =	sdelay $0x4  }
0x4c: {  	[tilespmem:$0x180] =	vst v3  }
0x4d: {  	v3 =	vld [tilespmem:$0x180];
	_ =	sdelay $0x4  }
0x4e: {  	v61 =	vshll.u32 v3, $0x3  }
0x4f: {  	v3 =	vand.u32 $0x7, v3;
	v4 =	vand.u32 $0xFFFFFFC0, v61  }
0x50: {  	v3 =	vor.u32 v3, v4  }
0x51: {  	v4 =	vperm.xlane v3, v0  }
0x52: {  	v62 =	vld [tilespmem:$0x90]  }
0x53: {  	v4 =	vadd.s32 v1, v4;
	_ =	sdelay $0x3  }
0x54: {  	[tilespmem:$0x280] =	vst v62  }
0x55: {  	[tilespmem:s0], [sflag:$0x2] =	stream.indirect_vreg.gather [hbm4b:s3+s2], $0x80, v4, vm0, $0xb8;
	[tilespmem:$0x10300] =	vst v63  }
0x56: {  	s20 =	simm.s32 $0x4B00;
	v3 =	vperm.xlane v3, v2  }
0x57: {  	[tilespmem:s20], [sflag:$0x2] =	stream.indirect_vreg.gather [hbm4b:s6+s2], $0x80, v4, vm0, $0xb8;
	[tilespmem:$0x10300] =	vst v63  }
0x58: {  	s5 =	simm.s32 $0x5300;
	v3 =	vadd.s32 v1, v3  }
0x59: {  	[tilespmem:s5], [sflag:$0x2] =	stream.indirect_vreg.gather [hbm4b:s7+s2], $0x80, v4, vm0, $0xb8;
	[tilespmem:$0x10300] =	vst v63  }
0x5a: {  	s15 =	simm.s32 $0x5B00  }
0x5b: {  	[tilespmem:s15], [sflag:$0x2] =	stream.indirect_vreg.gather [hbm4b:s8+s2], $0x80, v4, vm0, $0xb8;
	[tilespmem:$0x10300] =	vst v63  }
0x5c: {  	s17 =	simm.s32 $0x6300  }
0x5d: {  	[tilespmem:s17], [sflag:$0x2] =	stream.indirect_vreg.gather [hbm4b:s3+s2], $0x80, v3, vm0, $0xb8;
	[tilespmem:$0x10300] =	vst v63  }
0x5e: {  	s18 =	simm.s32 $0x6B00  }
0x5f: {  	[tilespmem:s18], [sflag:$0x2] =	stream.indirect_vreg.gather [hbm4b:s6+s2], $0x80, v3, vm0, $0xb8;
	[tilespmem:$0x10300] =	vst v63  }
0x60: {  	s19 =	simm.s32 $0x7300  }
0x61: {  	[tilespmem:s19], [sflag:$0x2] =	stream.indirect_vreg.gather [hbm4b:s7+s2], $0x80, v3, vm0, $0xb8;
	[tilespmem:$0x10300] =	vst v63  }
0x62: {  	s20 =	simm.s32 $0x7B00  }
0x63: {  	[tilespmem:s20], [sflag:$0x2] =	stream.indirect_vreg.gather [hbm4b:s8+s2], $0x80, v3, vm0, $0xb8;
	[tilespmem:$0x10300] =	vst v63  }
0x64: {  	v3 =	vld [tilespmem:$0x280];
	_ =	sdelay $0x4  }
0x65: {  	v63 =	vshll.u32 v3, $0x3  }
0x66: {  	v3 =	vand.u32 $0x7, v3;
	v4 =	vand.u32 $0xFFFFFFC0, v63  }
0x67: {  	v3 =	vor.u32 v3, v4  }
0x68: {  	v4 =	vperm.xlane v3, v0;
	_ =	sdelay $0x1  }
0x69: {  	v4 =	vadd.s32 v1, v4;
	_ =	sdelay $0x4  }
0x6a: {  	[tilespmem:s21], [sflag:$0x4] =	stream.indirect_vreg.gather [hbm4b:s3+s2], $0x80, v4, vm0, $0xb8;
	[tilespmem:$0x10300] =	vst v63  }
0x6b: {  	v3 =	vperm.xlane v3, v2  }
0x6c: {  	[tilespmem:s22], [sflag:$0x4] =	stream.indirect_vreg.gather [hbm4b:s6+s2], $0x80, v4, vm0, $0xb8;
	[tilespmem:$0x10300] =	vst v63  }
0x6d: {  	v3 =	vadd.s32 v1, v3  }
0x6e: {  	[tilespmem:s23], [sflag:$0x4] =	stream.indirect_vreg.gather [hbm4b:s7+s2], $0x80, v4, vm0, $0xb8;
	[tilespmem:$0x10300] =	vst v63  }
0x6f: {  	_ = 	snop  }
0x70: {  	[tilespmem:s10], [sflag:$0x4] =	stream.indirect_vreg.gather [hbm4b:s8+s2], $0x80, v4, vm0, $0xb8;
	[tilespmem:$0x10300] =	vst v63  }
0x71: {  	_ = 	snop  }
0x72: {  	[tilespmem:s24], [sflag:$0x4] =	stream.indirect_vreg.gather [hbm4b:s3+s2], $0x80, v3, vm0, $0xb8;
	[tilespmem:$0x10300] =	vst v63  }
0x73: {  	_ = 	snop  }
0x74: {  	[tilespmem:s11], [sflag:$0x4] =	stream.indirect_vreg.gather [hbm4b:s6+s2], $0x80, v3, vm0, $0xb8;
	[tilespmem:$0x10300] =	vst v63  }
0x75: {  	_ = 	snop  }
0x76: {  	[tilespmem:s25], [sflag:$0x4] =	stream.indirect_vreg.gather [hbm4b:s7+s2], $0x80, v3, vm0, $0xb8;
	[tilespmem:$0x10300] =	vst v63  }
0x77: {  	_ = 	snop  }
0x78: {  	[tilespmem:s12], [sflag:$0x4] =	stream.indirect_vreg.gather [hbm4b:s8+s2], $0x80, v3, vm0, $0xb8;
	[tilespmem:$0x10300] =	vst v63  }
0x79: {  	_ =	swait.ge [sflag:s26], $0x4000  }
0x7a: {  	[sflag:s26] =	ssyncset.done $0x0  }
0x7b: {  	[sflag:s26] =	ssyncadd.s32 $0xFFFFC000  }
0x7c: {  	_ =	swait.ge [sflag:s13], $0x4000  }
0x7d: {  	s4 =	simm.s32 $0x0;
	[sflag:s13] =	ssyncset.done $0x0  }
0x7e: {  	s15 =	simm.s32 $0x0;
	s17 =	simm.s32 $0x0;
	[sflag:s13] =	ssyncadd.s32 $0xFFFFC000  }
.LBB2_2:
0x7f: {  	s5 =	sshll.u32 s4, $0x2;
	s18 =	sand.u32 $0x7, s15  }
0x80: {  	s5 =	sand.u32 $0xFFFF8000, s5;
	s18 =	sshll.u32 s18, $0x9  }
0x81: {  	s5 =	sor.u32 s18, s5  }
0x82: {  	s18 =	sshrl.u32 s5, $0x2  }
0x83: {  	s5 =	sadd.s32 $0x340, s18  }
0x84: {  	s18 =	sadd.s32 $0x8340, s18;
	v3 =	vld [tilespmem:s5+$0xFFFFFFC0]  }
0x85: {  	v4 =	vld [tilespmem:s18+$0xFFFFFFC0];
	_ =	sdelay $0x4  }
0x86: {  	v3 =	vadd.f32 v4, v3;
	_ =	sdelay $0x1  }
0x87: {  	[tilespmem:s5+$0xFFFFFFC0] =	vst v3;
	v3 =	vld [tilespmem:s5+$0xFFFFFFD0]  }
0x88: {  	v4 =	vld [tilespmem:s18+$0xFFFFFFD0];
	_ =	sdelay $0x4  }
0x89: {  	v3 =	vadd.f32 v4, v3;
	_ =	sdelay $0x1  }
0x8a: {  	[tilespmem:s5+$0xFFFFFFD0] =	vst v3;
	v3 =	vld [tilespmem:s5+$0xFFFFFFE0]  }
0x8b: {  	v4 =	vld [tilespmem:s18+$0xFFFFFFE0];
	_ =	sdelay $0x4  }
0x8c: {  	v3 =	vadd.f32 v4, v3;
	_ =	sdelay $0x1  }
0x8d: {  	[tilespmem:s5+$0xFFFFFFE0] =	vst v3;
	v3 =	vld [tilespmem:s5+$0xFFFFFFF0]  }
0x8e: {  	v4 =	vld [tilespmem:s18+$0xFFFFFFF0];
	_ =	sdelay $0x4  }
0x8f: {  	v3 =	vadd.f32 v4, v3;
	_ =	sdelay $0x1  }
0x90: {  	[tilespmem:s5+$0xFFFFFFF0] =	vst v3;
	v3 =	vld [tilespmem:s5+$0x0]  }
0x91: {  	v4 =	vld [tilespmem:s18+$0x0];
	_ =	sdelay $0x4  }
0x92: {  	v3 =	vadd.f32 v4, v3;
	_ =	sdelay $0x1  }
0x93: {  	[tilespmem:s5+$0x0] =	vst v3;
	v3 =	vld [tilespmem:s5+$0x10]  }
0x94: {  	v4 =	vld [tilespmem:s18+$0x10];
	_ =	sdelay $0x4  }
0x95: {  	v3 =	vadd.f32 v4, v3;
	_ =	sdelay $0x1  }
0x96: {  	[tilespmem:s5+$0x10] =	vst v3;
	v3 =	vld [tilespmem:s5+$0x20]  }
0x97: {  	v4 =	vld [tilespmem:s18+$0x20];
	_ =	sdelay $0x4  }
0x98: {  	v3 =	vadd.f32 v4, v3;
	_ =	sdelay $0x1  }
0x99: {  	[tilespmem:s5+$0x20] =	vst v3;
	v3 =	vld [tilespmem:s5+$0x30]  }
0x9a: {  	v4 =	vld [tilespmem:s18+$0x30];
	_ =	sdelay $0x4  }
0x9b: {  	v3 =	vadd.f32 v4, v3  }
0x9c: {  	s19 =	simm.s32 $0x0;
	s20 =	sadd.s32 $0x400, s5  }
.LBB2_3:
0x9d: {  	v4 =	vld [tilespmem:s20+$0xFFFFFFC0];
	[tilespmem:s5+$0x30] =	vst v3;
	s18 =	sadd.s32 $0x400, s18;
	s5 =	smov.u32 s20  }
0x9e: {  	s19 =	sadd.s32 $0x8, s19;
	v3 =	vld [tilespmem:s18+$0xFFFFFFC0]  }
0x9f: {  	p0 =	slt.u32 s19, $0x38;
	_ =	sdelay $0x3  }
0xa0: {  	v3 =	vadd.f32 v3, v4;
	_ =	sdelay $0x1  }
0xa1: {  	[tilespmem:s20+$0xFFFFFFC0] =	vst v3;
	v3 =	vld [tilespmem:s20+$0xFFFFFFD0]  }
0xa2: {  	v4 =	vld [tilespmem:s18+$0xFFFFFFD0];
	_ =	sdelay $0x4  }
0xa3: {  	v3 =	vadd.f32 v4, v3;
	_ =	sdelay $0x1  }
0xa4: {  	[tilespmem:s20+$0xFFFFFFD0] =	vst v3;
	v3 =	vld [tilespmem:s20+$0xFFFFFFE0]  }
0xa5: {  	v4 =	vld [tilespmem:s18+$0xFFFFFFE0];
	_ =	sdelay $0x4  }
0xa6: {  	v3 =	vadd.f32 v4, v3;
	_ =	sdelay $0x1  }
0xa7: {  	[tilespmem:s20+$0xFFFFFFE0] =	vst v3;
	v3 =	vld [tilespmem:s20+$0xFFFFFFF0]  }
0xa8: {  	v4 =	vld [tilespmem:s18+$0xFFFFFFF0];
	_ =	sdelay $0x4  }
0xa9: {  	v3 =	vadd.f32 v4, v3;
	_ =	sdelay $0x1  }
0xaa: {  	[tilespmem:s20+$0xFFFFFFF0] =	vst v3;
	v3 =	vld [tilespmem:s20+$0x0]  }
0xab: {  	v4 =	vld [tilespmem:s18+$0x0];
	_ =	sdelay $0x4  }
0xac: {  	v3 =	vadd.f32 v4, v3;
	_ =	sdelay $0x1  }
0xad: {  	[tilespmem:s20+$0x0] =	vst v3;
	v3 =	vld [tilespmem:s20+$0x10]  }
0xae: {  	v4 =	vld [tilespmem:s18+$0x10];
	_ =	sdelay $0x4  }
0xaf: {  	v3 =	vadd.f32 v4, v3;
	_ =	sdelay $0x1  }
0xb0: {  	[tilespmem:s20+$0x10] =	vst v3;
	v3 =	vld [tilespmem:s20+$0x20]  }
0xb1: {  	v4 =	vld [tilespmem:s18+$0x20];
	_ =	sdelay $0x4  }
0xb2: {  	v3 =	vadd.f32 v4, v3;
	_ =	sdelay $0x1  }
0xb3: {  	[tilespmem:s20+$0x20] =	vst v3;
	v3 =	vld [tilespmem:s20+$0x30]  }
0xb4: {  	v4 =	vld [tilespmem:s18+$0x30];
	_ =	sdelay $0x1  }
.Ltmp0:
0xb5: {  	(pc) =	sbr.rel @p0 .LBB2_3-.Ltmp0, $3  }
0xb6: {  	_ =	sdelay $0x1  }
0xb7: {  	v3 =	vadd.f32 v4, v3  }
0xb8: {  	s20 =	sadd.s32 $0x400, s20  }
0xb9: {  	s17 =	sadd.s32 $0x1, s17  }
0xba: {  	p0 =	sne.s32 s17, $0x10  }
.Ltmp1:
0xbb: {  	_ = 	snop;
	(pc) =	sbr.rel @p0 .LBB2_2-.Ltmp1, $2  }
0xbc: {  	_ =	sdelay $0x2  }
0xbd: {  	[tilespmem:s5+$0x30] =	vst v3;
	s4 =	sadd.s32 $0x400, s4;
	s15 =	sadd.s32 $0x1, s15  }
0xbe: {  	s15 =	simm.s32 $0x0  }
0xbf: {  	[hbm4b:s9+s15] =	stream.linear.scatter [tilespmem:s16], [sflag:$0x5], $0x4000, $0x38;
	[tilespmem:$0x10300] =	vst v63  }
0xc0: {  	_ =	swait.ge [sflag:s28], $0x4000  }
0xc1: {  	[sflag:s28] =	ssyncset.done $0x0  }
0xc2: {  	[sflag:s28] =	ssyncadd.s32 $0xFFFFC000  }
0xc3: {  	v3 =	vld [tilespmem:$0x20];
	_ =	sdelay $0x4  }
0xc4: {  	[tilespmem:$0x100] =	vst v3  }
0xc5: {  	v3 =	vld [tilespmem:$0x100];
	_ =	sdelay $0x4  }
0xc6: {  	v4 =	vshll.u32 v3, $0x3  }
0xc7: {  	v3 =	vand.u32 $0x7, v3;
	v4 =	vand.u32 $0xFFFFFFC0, v4  }
0xc8: {  	v3 =	vor.u32 v3, v4  }
0xc9: {  	v4 =	vperm.xlane v3, v0  }
0xca: {  	v5 =	vld [tilespmem:$0xA0]  }
0xcb: {  	v4 =	vadd.s32 v1, v4;
	_ =	sdelay $0x3  }
0xcc: {  	[tilespmem:$0x200] =	vst v5  }
0xcd: {  	[tilespmem:s16], [sflag:$0x1] =	stream.indirect_vreg.gather [hbm4b:s3+s15], $0x80, v4, vm0, $0xb8;
	[tilespmem:$0x10300] =	vst v63  }
0xce: {  	s4 =	simm.s32 $0xB00;
	v3 =	vperm.xlane v3, v2  }
0xcf: {  	[tilespmem:s4], [sflag:$0x1] =	stream.indirect_vreg.gather [hbm4b:s6+s15], $0x80, v4, vm0, $0xb8;
	[tilespmem:$0x10300] =	vst v63  }
0xd0: {  	s17 =	simm.s32 $0x1300;
	v3 =	vadd.s32 v1, v3  }
0xd1: {  	[tilespmem:s17], [sflag:$0x1] =	stream.indirect_vreg.gather [hbm4b:s7+s15], $0x80, v4, vm0, $0xb8;
	[tilespmem:$0x10300] =	vst v63  }
0xd2: {  	s18 =	simm.s32 $0x1B00  }
0xd3: {  	[tilespmem:s18], [sflag:$0x1] =	stream.indirect_vreg.gather [hbm4b:s8+s15], $0x80, v4, vm0, $0xb8;
	[tilespmem:$0x10300] =	vst v63  }
0xd4: {  	s19 =	simm.s32 $0x2300  }
0xd5: {  	[tilespmem:s19], [sflag:$0x1] =	stream.indirect_vreg.gather [hbm4b:s3+s15], $0x80, v3, vm0, $0xb8;
	[tilespmem:$0x10300] =	vst v63  }
0xd6: {  	s20 =	simm.s32 $0x2B00  }
0xd7: {  	[tilespmem:s20], [sflag:$0x1] =	stream.indirect_vreg.gather [hbm4b:s6+s15], $0x80, v3, vm0, $0xb8;
	[tilespmem:$0x10300] =	vst v63  }
0xd8: {  	s5 =	simm.s32 $0x3300  }
0xd9: {  	[tilespmem:s5], [sflag:$0x1] =	stream.indirect_vreg.gather [hbm4b:s7+s15], $0x80, v3, vm0, $0xb8;
	[tilespmem:$0x10300] =	vst v63  }
0xda: {  	s17 =	simm.s32 $0x3B00  }
0xdb: {  	[tilespmem:s17], [sflag:$0x1] =	stream.indirect_vreg.gather [hbm4b:s8+s15], $0x80, v3, vm0, $0xb8;
	[tilespmem:$0x10300] =	vst v63  }
0xdc: {  	v3 =	vld [tilespmem:$0x200];
	_ =	sdelay $0x4  }
0xdd: {  	v63 =	vshll.u32 v3, $0x3  }
0xde: {  	v3 =	vand.u32 $0x7, v3;
	v4 =	vand.u32 $0xFFFFFFC0, v63  }
0xdf: {  	v3 =	vor.u32 v3, v4  }
0xe0: {  	v4 =	vperm.xlane v3, v0;
	_ =	sdelay $0x1  }
0xe1: {  	v4 =	vadd.s32 v1, v4;
	_ =	sdelay $0x3  }
0xe2: {  	s18 =	simm.s32 $0x8300  }
0xe3: {  	[tilespmem:s18], [sflag:$0x3] =	stream.indirect_vreg.gather [hbm4b:s3+s15], $0x80, v4, vm0, $0xb8;
	[tilespmem:$0x10300] =	vst v63  }
0xe4: {  	s19 =	simm.s32 $0x8B00;
	v3 =	vperm.xlane v3, v2  }
0xe5: {  	[tilespmem:s19], [sflag:$0x3] =	stream.indirect_vreg.gather [hbm4b:s6+s15], $0x80, v4, vm0, $0xb8;
	[tilespmem:$0x10300] =	vst v63  }
0xe6: {  	s20 =	simm.s32 $0x9300;
	v3 =	vadd.s32 v1, v3  }
0xe7: {  	[tilespmem:s20], [sflag:$0x3] =	stream.indirect_vreg.gather [hbm4b:s7+s15], $0x80, v4, vm0, $0xb8;
	[tilespmem:$0x10300] =	vst v63  }
0xe8: {  	s5 =	simm.s32 $0x9B00  }
0xe9: {  	[tilespmem:s5], [sflag:$0x3] =	stream.indirect_vreg.gather [hbm4b:s8+s15], $0x80, v4, vm0, $0xb8;
	[tilespmem:$0x10300] =	vst v63  }
0xea: {  	s17 =	simm.s32 $0xA300  }
0xeb: {  	[tilespmem:s17], [sflag:$0x3] =	stream.indirect_vreg.gather [hbm4b:s3+s15], $0x80, v3, vm0, $0xb8;
	[tilespmem:$0x10300] =	vst v63  }
0xec: {  	s18 =	simm.s32 $0xAB00  }
0xed: {  	[tilespmem:s18], [sflag:$0x3] =	stream.indirect_vreg.gather [hbm4b:s6+s15], $0x80, v3, vm0, $0xb8;
	[tilespmem:$0x10300] =	vst v63  }
0xee: {  	s19 =	simm.s32 $0xB300  }
0xef: {  	[tilespmem:s19], [sflag:$0x3] =	stream.indirect_vreg.gather [hbm4b:s7+s15], $0x80, v3, vm0, $0xb8;
	[tilespmem:$0x10300] =	vst v63  }
0xf0: {  	s20 =	simm.s32 $0xBB00  }
0xf1: {  	[tilespmem:s20], [sflag:$0x3] =	stream.indirect_vreg.gather [hbm4b:s8+s15], $0x80, v3, vm0, $0xb8;
	[tilespmem:$0x10300] =	vst v63  }
0xf2: {  	_ =	swait.ge [sflag:s29], $0x4000  }
0xf3: {  	[sflag:s29] =	ssyncset.done $0x0  }
0xf4: {  	[sflag:s29] =	ssyncadd.s32 $0xFFFFC000  }
0xf5: {  	_ =	swait.ge [sflag:s30], $0x4000  }
0xf6: {  	[sflag:s30] =	ssyncset.done $0x0  }
0xf7: {  	s4 =	simm.s32 $0x0;
	s17 =	simm.s32 $0x0;
	[sflag:s30] =	ssyncadd.s32 $0xFFFFC000  }
.LBB2_6:
0xf8: {  	s5 =	sshll.u32 s4, $0x2;
	s18 =	sand.u32 $0x7, s15  }
0xf9: {  	s5 =	sand.u32 $0xFFFF8000, s5;
	s18 =	sshll.u32 s18, $0x9  }
0xfa: {  	s5 =	sor.u32 s18, s5  }
0xfb: {  	s18 =	sshrl.u32 s5, $0x2  }
0xfc: {  	s5 =	sadd.s32 $0x4340, s18  }
0xfd: {  	s18 =	sadd.s32 $0xC340, s18;
	v3 =	vld [tilespmem:s5+$0xFFFFFFC0]  }
0xfe: {  	v4 =	vld [tilespmem:s18+$0xFFFFFFC0];
	_ =	sdelay $0x4  }
0xff: {  	v3 =	vadd.f32 v4, v3;
	_ =	sdelay $0x1  }
0x100: {  	[tilespmem:s5+$0xFFFFFFC0] =	vst v3;
	v3 =	vld [tilespmem:s5+$0xFFFFFFD0]  }
0x101: {  	v4 =	vld [tilespmem:s18+$0xFFFFFFD0];
	_ =	sdelay $0x4  }
0x102: {  	v3 =	vadd.f32 v4, v3;
	_ =	sdelay $0x1  }
0x103: {  	[tilespmem:s5+$0xFFFFFFD0] =	vst v3;
	v3 =	vld [tilespmem:s5+$0xFFFFFFE0]  }
0x104: {  	v4 =	vld [tilespmem:s18+$0xFFFFFFE0];
	_ =	sdelay $0x4  }
0x105: {  	v3 =	vadd.f32 v4, v3;
	_ =	sdelay $0x1  }
0x106: {  	[tilespmem:s5+$0xFFFFFFE0] =	vst v3;
	v3 =	vld [tilespmem:s5+$0xFFFFFFF0]  }
0x107: {  	v4 =	vld [tilespmem:s18+$0xFFFFFFF0];
	_ =	sdelay $0x4  }
0x108: {  	v3 =	vadd.f32 v4, v3;
	_ =	sdelay $0x1  }
0x109: {  	[tilespmem:s5+$0xFFFFFFF0] =	vst v3;
	v3 =	vld [tilespmem:s5+$0x0]  }
0x10a: {  	v4 =	vld [tilespmem:s18+$0x0];
	_ =	sdelay $0x4  }
0x10b: {  	v3 =	vadd.f32 v4, v3;
	_ =	sdelay $0x1  }
0x10c: {  	[tilespmem:s5+$0x0] =	vst v3;
	v3 =	vld [tilespmem:s5+$0x10]  }
0x10d: {  	v4 =	vld [tilespmem:s18+$0x10];
	_ =	sdelay $0x4  }
0x10e: {  	v3 =	vadd.f32 v4, v3;
	_ =	sdelay $0x1  }
0x10f: {  	[tilespmem:s5+$0x10] =	vst v3;
	v3 =	vld [tilespmem:s5+$0x20]  }
0x110: {  	v4 =	vld [tilespmem:s18+$0x20];
	_ =	sdelay $0x4  }
0x111: {  	v3 =	vadd.f32 v4, v3;
	_ =	sdelay $0x1  }
0x112: {  	[tilespmem:s5+$0x20] =	vst v3;
	v3 =	vld [tilespmem:s5+$0x30]  }
0x113: {  	v4 =	vld [tilespmem:s18+$0x30];
	_ =	sdelay $0x4  }
0x114: {  	v3 =	vadd.f32 v4, v3  }
0x115: {  	s19 =	simm.s32 $0x0;
	s20 =	sadd.s32 $0x400, s5  }
.LBB2_7:
0x116: {  	v4 =	vld [tilespmem:s20+$0xFFFFFFC0];
	[tilespmem:s5+$0x30] =	vst v3;
	s18 =	sadd.s32 $0x400, s18;
	s5 =	smov.u32 s20  }
0x117: {  	s19 =	sadd.s32 $0x8, s19;
	v3 =	vld [tilespmem:s18+$0xFFFFFFC0]  }
0x118: {  	p0 =	slt.u32 s19, $0x38;
	_ =	sdelay $0x3  }
0x119: {  	v3 =	vadd.f32 v3, v4;
	_ =	sdelay $0x1  }
0x11a: {  	[tilespmem:s20+$0xFFFFFFC0] =	vst v3;
	v3 =	vld [tilespmem:s20+$0xFFFFFFD0]  }
0x11b: {  	v4 =	vld [tilespmem:s18+$0xFFFFFFD0];
	_ =	sdelay $0x4  }
0x11c: {  	v3 =	vadd.f32 v4, v3;
	_ =	sdelay $0x1  }
0x11d: {  	[tilespmem:s20+$0xFFFFFFD0] =	vst v3;
	v3 =	vld [tilespmem:s20+$0xFFFFFFE0]  }
0x11e: {  	v4 =	vld [tilespmem:s18+$0xFFFFFFE0];
	_ =	sdelay $0x4  }
0x11f: {  	v3 =	vadd.f32 v4, v3;
	_ =	sdelay $0x1  }
0x120: {  	[tilespmem:s20+$0xFFFFFFE0] =	vst v3;
	v3 =	vld [tilespmem:s20+$0xFFFFFFF0]  }
0x121: {  	v4 =	vld [tilespmem:s18+$0xFFFFFFF0];
	_ =	sdelay $0x4  }
0x122: {  	v3 =	vadd.f32 v4, v3;
	_ =	sdelay $0x1  }
0x123: {  	[tilespmem:s20+$0xFFFFFFF0] =	vst v3;
	v3 =	vld [tilespmem:s20+$0x0]  }
0x124: {  	v4 =	vld [tilespmem:s18+$0x0];
	_ =	sdelay $0x4  }
0x125: {  	v3 =	vadd.f32 v4, v3;
	_ =	sdelay $0x1  }
0x126: {  	[tilespmem:s20+$0x0] =	vst v3;
	v3 =	vld [tilespmem:s20+$0x10]  }
0x127: {  	v4 =	vld [tilespmem:s18+$0x10];
	_ =	sdelay $0x4  }
0x128: {  	v3 =	vadd.f32 v4, v3;
	_ =	sdelay $0x1  }
0x129: {  	[tilespmem:s20+$0x10] =	vst v3;
	v3 =	vld [tilespmem:s20+$0x20]  }
0x12a: {  	v4 =	vld [tilespmem:s18+$0x20];
	_ =	sdelay $0x4  }
0x12b: {  	v3 =	vadd.f32 v4, v3;
	_ =	sdelay $0x1  }
0x12c: {  	[tilespmem:s20+$0x20] =	vst v3;
	v3 =	vld [tilespmem:s20+$0x30]  }
0x12d: {  	v4 =	vld [tilespmem:s18+$0x30];
	_ =	sdelay $0x1  }
.Ltmp2:
0x12e: {  	(pc) =	sbr.rel @p0 .LBB2_7-.Ltmp2, $3  }
0x12f: {  	_ =	sdelay $0x1  }
0x130: {  	v3 =	vadd.f32 v4, v3  }
0x131: {  	s20 =	sadd.s32 $0x400, s20  }
0x132: {  	s17 =	sadd.s32 $0x1, s17  }
0x133: {  	p0 =	sne.s32 s17, $0x10  }
.Ltmp3:
0x134: {  	_ = 	snop;
	(pc) =	sbr.rel @p0 .LBB2_6-.Ltmp3, $2  }
0x135: {  	_ =	sdelay $0x2  }
0x136: {  	[tilespmem:s5+$0x30] =	vst v3;
	s4 =	sadd.s32 $0x400, s4;
	s15 =	sadd.s32 $0x1, s15  }
0x137: {  	s15 =	simm.s32 $0x0;
	s4 =	rddreg [dreg:$0x5]  }
0x138: {  	[hbm4b:s4+s15] =	stream.linear.scatter [tilespmem:s0], [sflag:$0x6], $0x4000, $0x38;
	[tilespmem:$0x10300] =	vst v63  }
0x139: {  	_ =	swait.ge [sflag:s31], $0x4000  }
0x13a: {  	[sflag:s31] =	ssyncset.done $0x0  }
0x13b: {  	[sflag:s31] =	ssyncadd.s32 $0xFFFFC000  }
0x13c: {  	v3 =	vld [tilespmem:$0x30];
	_ =	sdelay $0x4  }
0x13d: {  	[tilespmem:$0x180] =	vst v3  }
0x13e: {  	v3 =	vld [tilespmem:$0x180];
	_ =	sdelay $0x4  }
0x13f: {  	v4 =	vshll.u32 v3, $0x3  }
0x140: {  	v3 =	vand.u32 $0x7, v3;
	v4 =	vand.u32 $0xFFFFFFC0, v4  }
0x141: {  	v3 =	vor.u32 v3, v4  }
0x142: {  	v4 =	vperm.xlane v3, v0  }
0x143: {  	v5 =	vld [tilespmem:$0xB0]  }
0x144: {  	v4 =	vadd.s32 v1, v4;
	_ =	sdelay $0x3  }
0x145: {  	[tilespmem:$0x280] =	vst v5  }
0x146: {  	[tilespmem:s0], [sflag:$0x2] =	stream.indirect_vreg.gather [hbm4b:s3+s15], $0x80, v4, vm0, $0xb8;
	[tilespmem:$0x10300] =	vst v63  }
0x147: {  	s19 =	simm.s32 $0x4B00;
	v3 =	vperm.xlane v3, v2  }
0x148: {  	[tilespmem:s19], [sflag:$0x2] =	stream.indirect_vreg.gather [hbm4b:s6+s15], $0x80, v4, vm0, $0xb8;
	[tilespmem:$0x10300] =	vst v63  }
0x149: {  	s20 =	simm.s32 $0x5300;
	v3 =	vadd.s32 v1, v3  }
0x14a: {  	[tilespmem:s20], [sflag:$0x2] =	stream.indirect_vreg.gather [hbm4b:s7+s15], $0x80, v4, vm0, $0xb8;
	[tilespmem:$0x10300] =	vst v63  }
0x14b: {  	s5 =	simm.s32 $0x5B00  }
0x14c: {  	[tilespmem:s5], [sflag:$0x2] =	stream.indirect_vreg.gather [hbm4b:s8+s15], $0x80, v4, vm0, $0xb8;
	[tilespmem:$0x10300] =	vst v63  }
0x14d: {  	s17 =	simm.s32 $0x6300  }
0x14e: {  	[tilespmem:s17], [sflag:$0x2] =	stream.indirect_vreg.gather [hbm4b:s3+s15], $0x80, v3, vm0, $0xb8;
	[tilespmem:$0x10300] =	vst v63  }
0x14f: {  	s18 =	simm.s32 $0x6B00  }
0x150: {  	[tilespmem:s18], [sflag:$0x2] =	stream.indirect_vreg.gather [hbm4b:s6+s15], $0x80, v3, vm0, $0xb8;
	[tilespmem:$0x10300] =	vst v63  }
0x151: {  	s19 =	simm.s32 $0x7300  }
0x152: {  	[tilespmem:s19], [sflag:$0x2] =	stream.indirect_vreg.gather [hbm4b:s7+s15], $0x80, v3, vm0, $0xb8;
	[tilespmem:$0x10300] =	vst v63  }
0x153: {  	s20 =	simm.s32 $0x7B00  }
0x154: {  	[tilespmem:s20], [sflag:$0x2] =	stream.indirect_vreg.gather [hbm4b:s8+s15], $0x80, v3, vm0, $0xb8;
	[tilespmem:$0x10300] =	vst v63  }
0x155: {  	v3 =	vld [tilespmem:$0x280];
	_ =	sdelay $0x4  }
0x156: {  	v63 =	vshll.u32 v3, $0x3  }
0x157: {  	v3 =	vand.u32 $0x7, v3;
	v4 =	vand.u32 $0xFFFFFFC0, v63  }
0x158: {  	v3 =	vor.u32 v3, v4  }
0x159: {  	v4 =	vperm.xlane v3, v0;
	_ =	sdelay $0x1  }
0x15a: {  	v4 =	vadd.s32 v1, v4;
	_ =	sdelay $0x4  }
0x15b: {  	[tilespmem:s21], [sflag:$0x4] =	stream.indirect_vreg.gather [hbm4b:s3+s15], $0x80, v4, vm0, $0xb8;
	[tilespmem:$0x10300] =	vst v63  }
0x15c: {  	v3 =	vperm.xlane v3, v2  }
0x15d: {  	[tilespmem:s22], [sflag:$0x4] =	stream.indirect_vreg.gather [hbm4b:s6+s15], $0x80, v4, vm0, $0xb8;
	[tilespmem:$0x10300] =	vst v63  }
0x15e: {  	v3 =	vadd.s32 v1, v3  }
0x15f: {  	[tilespmem:s23], [sflag:$0x4] =	stream.indirect_vreg.gather [hbm4b:s7+s15], $0x80, v4, vm0, $0xb8;
	[tilespmem:$0x10300] =	vst v63  }
0x160: {  	_ = 	snop  }
0x161: {  	[tilespmem:s10], [sflag:$0x4] =	stream.indirect_vreg.gather [hbm4b:s8+s15], $0x80, v4, vm0, $0xb8;
	[tilespmem:$0x10300] =	vst v63  }
0x162: {  	_ = 	snop  }
0x163: {  	[tilespmem:s24], [sflag:$0x4] =	stream.indirect_vreg.gather [hbm4b:s3+s15], $0x80, v3, vm0, $0xb8;
	[tilespmem:$0x10300] =	vst v63  }
0x164: {  	_ = 	snop  }
0x165: {  	[tilespmem:s11], [sflag:$0x4] =	stream.indirect_vreg.gather [hbm4b:s6+s15], $0x80, v3, vm0, $0xb8;
	[tilespmem:$0x10300] =	vst v63  }
0x166: {  	_ = 	snop  }
0x167: {  	[tilespmem:s25], [sflag:$0x4] =	stream.indirect_vreg.gather [hbm4b:s7+s15], $0x80, v3, vm0, $0xb8;
	[tilespmem:$0x10300] =	vst v63  }
0x168: {  	_ = 	snop  }
0x169: {  	[tilespmem:s12], [sflag:$0x4] =	stream.indirect_vreg.gather [hbm4b:s8+s15], $0x80, v3, vm0, $0xb8;
	[tilespmem:$0x10300] =	vst v63  }
0x16a: {  	_ =	swait.ge [sflag:s26], $0x4000  }
0x16b: {  	[sflag:s26] =	ssyncset.done $0x0  }
0x16c: {  	[sflag:s26] =	ssyncadd.s32 $0xFFFFC000  }
0x16d: {  	_ =	swait.ge [sflag:s13], $0x4000  }
0x16e: {  	[sflag:s13] =	ssyncset.done $0x0  }
0x16f: {  	s4 =	simm.s32 $0x0;
	s17 =	simm.s32 $0x0;
	[sflag:s13] =	ssyncadd.s32 $0xFFFFC000  }
.LBB2_10:
0x170: {  	s5 =	sshll.u32 s4, $0x2;
	s18 =	sand.u32 $0x7, s15  }
0x171: {  	s5 =	sand.u32 $0xFFFF8000, s5;
	s18 =	sshll.u32 s18, $0x9  }
0x172: {  	s5 =	sor.u32 s18, s5  }
0x173: {  	s18 =	sshrl.u32 s5, $0x2  }
0x174: {  	s5 =	sadd.s32 $0x340, s18  }
0x175: {  	s18 =	sadd.s32 $0x8340, s18;
	v3 =	vld [tilespmem:s5+$0xFFFFFFC0]  }
0x176: {  	v4 =	vld [tilespmem:s18+$0xFFFFFFC0];
	_ =	sdelay $0x4  }
0x177: {  	v3 =	vadd.f32 v4, v3;
	_ =	sdelay $0x1  }
0x178: {  	[tilespmem:s5+$0xFFFFFFC0] =	vst v3;
	v3 =	vld [tilespmem:s5+$0xFFFFFFD0]  }
0x179: {  	v4 =	vld [tilespmem:s18+$0xFFFFFFD0];
	_ =	sdelay $0x4  }
0x17a: {  	v3 =	vadd.f32 v4, v3;
	_ =	sdelay $0x1  }
0x17b: {  	[tilespmem:s5+$0xFFFFFFD0] =	vst v3;
	v3 =	vld [tilespmem:s5+$0xFFFFFFE0]  }
0x17c: {  	v4 =	vld [tilespmem:s18+$0xFFFFFFE0];
	_ =	sdelay $0x4  }
0x17d: {  	v3 =	vadd.f32 v4, v3;
	_ =	sdelay $0x1  }
0x17e: {  	[tilespmem:s5+$0xFFFFFFE0] =	vst v3;
	v3 =	vld [tilespmem:s5+$0xFFFFFFF0]  }
0x17f: {  	v4 =	vld [tilespmem:s18+$0xFFFFFFF0];
	_ =	sdelay $0x4  }
0x180: {  	v3 =	vadd.f32 v4, v3;
	_ =	sdelay $0x1  }
0x181: {  	[tilespmem:s5+$0xFFFFFFF0] =	vst v3;
	v3 =	vld [tilespmem:s5+$0x0]  }
0x182: {  	v4 =	vld [tilespmem:s18+$0x0];
	_ =	sdelay $0x4  }
0x183: {  	v3 =	vadd.f32 v4, v3;
	_ =	sdelay $0x1  }
0x184: {  	[tilespmem:s5+$0x0] =	vst v3;
	v3 =	vld [tilespmem:s5+$0x10]  }
0x185: {  	v4 =	vld [tilespmem:s18+$0x10];
	_ =	sdelay $0x4  }
0x186: {  	v3 =	vadd.f32 v4, v3;
	_ =	sdelay $0x1  }
0x187: {  	[tilespmem:s5+$0x10] =	vst v3;
	v3 =	vld [tilespmem:s5+$0x20]  }
0x188: {  	v4 =	vld [tilespmem:s18+$0x20];
	_ =	sdelay $0x4  }
0x189: {  	v3 =	vadd.f32 v4, v3;
	_ =	sdelay $0x1  }
0x18a: {  	[tilespmem:s5+$0x20] =	vst v3;
	v3 =	vld [tilespmem:s5+$0x30]  }
0x18b: {  	v4 =	vld [tilespmem:s18+$0x30];
	_ =	sdelay $0x4  }
0x18c: {  	v3 =	vadd.f32 v4, v3  }
0x18d: {  	s19 =	simm.s32 $0x0;
	s20 =	sadd.s32 $0x400, s5  }
.LBB2_11:
0x18e: {  	v4 =	vld [tilespmem:s20+$0xFFFFFFC0];
	[tilespmem:s5+$0x30] =	vst v3;
	s18 =	sadd.s32 $0x400, s18;
	s5 =	smov.u32 s20  }
0x18f: {  	s19 =	sadd.s32 $0x8, s19;
	v3 =	vld [tilespmem:s18+$0xFFFFFFC0]  }
0x190: {  	p0 =	slt.u32 s19, $0x38;
	_ =	sdelay $0x3  }
0x191: {  	v3 =	vadd.f32 v3, v4;
	_ =	sdelay $0x1  }
0x192: {  	[tilespmem:s20+$0xFFFFFFC0] =	vst v3;
	v3 =	vld [tilespmem:s20+$0xFFFFFFD0]  }
0x193: {  	v4 =	vld [tilespmem:s18+$0xFFFFFFD0];
	_ =	sdelay $0x4  }
0x194: {  	v3 =	vadd.f32 v4, v3;
	_ =	sdelay $0x1  }
0x195: {  	[tilespmem:s20+$0xFFFFFFD0] =	vst v3;
	v3 =	vld [tilespmem:s20+$0xFFFFFFE0]  }
0x196: {  	v4 =	vld [tilespmem:s18+$0xFFFFFFE0];
	_ =	sdelay $0x4  }
0x197: {  	v3 =	vadd.f32 v4, v3;
	_ =	sdelay $0x1  }
0x198: {  	[tilespmem:s20+$0xFFFFFFE0] =	vst v3;
	v3 =	vld [tilespmem:s20+$0xFFFFFFF0]  }
0x199: {  	v4 =	vld [tilespmem:s18+$0xFFFFFFF0];
	_ =	sdelay $0x4  }
0x19a: {  	v3 =	vadd.f32 v4, v3;
	_ =	sdelay $0x1  }
0x19b: {  	[tilespmem:s20+$0xFFFFFFF0] =	vst v3;
	v3 =	vld [tilespmem:s20+$0x0]  }
0x19c: {  	v4 =	vld [tilespmem:s18+$0x0];
	_ =	sdelay $0x4  }
0x19d: {  	v3 =	vadd.f32 v4, v3;
	_ =	sdelay $0x1  }
0x19e: {  	[tilespmem:s20+$0x0] =	vst v3;
	v3 =	vld [tilespmem:s20+$0x10]  }
0x19f: {  	v4 =	vld [tilespmem:s18+$0x10];
	_ =	sdelay $0x4  }
0x1a0: {  	v3 =	vadd.f32 v4, v3;
	_ =	sdelay $0x1  }
0x1a1: {  	[tilespmem:s20+$0x10] =	vst v3;
	v3 =	vld [tilespmem:s20+$0x20]  }
0x1a2: {  	v4 =	vld [tilespmem:s18+$0x20];
	_ =	sdelay $0x4  }
0x1a3: {  	v3 =	vadd.f32 v4, v3;
	_ =	sdelay $0x1  }
0x1a4: {  	[tilespmem:s20+$0x20] =	vst v3;
	v3 =	vld [tilespmem:s20+$0x30]  }
0x1a5: {  	v4 =	vld [tilespmem:s18+$0x30];
	_ =	sdelay $0x1  }
.Ltmp4:
0x1a6: {  	(pc) =	sbr.rel @p0 .LBB2_11-.Ltmp4, $3  }
0x1a7: {  	_ =	sdelay $0x1  }
0x1a8: {  	v3 =	vadd.f32 v4, v3  }
0x1a9: {  	s20 =	sadd.s32 $0x400, s20  }
0x1aa: {  	s17 =	sadd.s32 $0x1, s17  }
0x1ab: {  	p0 =	sne.s32 s17, $0x10  }
.Ltmp5:
0x1ac: {  	_ = 	snop;
	(pc) =	sbr.rel @p0 .LBB2_10-.Ltmp5, $2  }
0x1ad: {  	_ =	sdelay $0x2  }
0x1ae: {  	[tilespmem:s5+$0x30] =	vst v3;
	s4 =	sadd.s32 $0x400, s4;
	s15 =	sadd.s32 $0x1, s15  }
0x1af: {  	s15 =	simm.s32 $0x0;
	s4 =	rddreg [dreg:$0x6]  }
0x1b0: {  	[hbm4b:s4+s15] =	stream.linear.scatter [tilespmem:s16], [sflag:$0x5], $0x4000, $0x38;
	[tilespmem:$0x10300] =	vst v63  }
0x1b1: {  	_ =	swait.ge [sflag:s29], $0x4000  }
0x1b2: {  	[sflag:s29] =	ssyncset.done $0x0  }
0x1b3: {  	[sflag:s29] =	ssyncadd.s32 $0xFFFFC000  }
0x1b4: {  	_ =	swait.ge [sflag:s30], $0x4000  }
0x1b5: {  	[sflag:s30] =	ssyncset.done $0x0  }
0x1b6: {  	s17 =	simm.s32 $0x0;
	s4 =	simm.s32 $0x0;
	[sflag:s30] =	ssyncadd.s32 $0xFFFFC000  }
.LBB2_14:
0x1b7: {  	s5 =	sshll.u32 s4, $0x2;
	s18 =	sand.u32 $0x7, s15  }
0x1b8: {  	s5 =	sand.u32 $0xFFFF8000, s5;
	s18 =	sshll.u32 s18, $0x9  }
0x1b9: {  	s5 =	sor.u32 s18, s5  }
0x1ba: {  	s18 =	sshrl.u32 s5, $0x2  }
0x1bb: {  	s5 =	sadd.s32 $0x4340, s18  }
0x1bc: {  	s18 =	sadd.s32 $0xC340, s18;
	v3 =	vld [tilespmem:s5+$0xFFFFFFC0]  }
0x1bd: {  	v4 =	vld [tilespmem:s18+$0xFFFFFFC0];
	_ =	sdelay $0x4  }
0x1be: {  	v3 =	vadd.f32 v4, v3;
	_ =	sdelay $0x1  }
0x1bf: {  	[tilespmem:s5+$0xFFFFFFC0] =	vst v3;
	v3 =	vld [tilespmem:s5+$0xFFFFFFD0]  }
0x1c0: {  	v4 =	vld [tilespmem:s18+$0xFFFFFFD0];
	_ =	sdelay $0x4  }
0x1c1: {  	v3 =	vadd.f32 v4, v3;
	_ =	sdelay $0x1  }
0x1c2: {  	[tilespmem:s5+$0xFFFFFFD0] =	vst v3;
	v3 =	vld [tilespmem:s5+$0xFFFFFFE0]  }
0x1c3: {  	v4 =	vld [tilespmem:s18+$0xFFFFFFE0];
	_ =	sdelay $0x4  }
0x1c4: {  	v3 =	vadd.f32 v4, v3;
	_ =	sdelay $0x1  }
0x1c5: {  	[tilespmem:s5+$0xFFFFFFE0] =	vst v3;
	v3 =	vld [tilespmem:s5+$0xFFFFFFF0]  }
0x1c6: {  	v4 =	vld [tilespmem:s18+$0xFFFFFFF0];
	_ =	sdelay $0x4  }
0x1c7: {  	v3 =	vadd.f32 v4, v3;
	_ =	sdelay $0x1  }
0x1c8: {  	[tilespmem:s5+$0xFFFFFFF0] =	vst v3;
	v3 =	vld [tilespmem:s5+$0x0]  }
0x1c9: {  	v4 =	vld [tilespmem:s18+$0x0];
	_ =	sdelay $0x4  }
0x1ca: {  	v3 =	vadd.f32 v4, v3;
	_ =	sdelay $0x1  }
0x1cb: {  	[tilespmem:s5+$0x0] =	vst v3;
	v3 =	vld [tilespmem:s5+$0x10]  }
0x1cc: {  	v4 =	vld [tilespmem:s18+$0x10];
	_ =	sdelay $0x4  }
0x1cd: {  	v3 =	vadd.f32 v4, v3;
	_ =	sdelay $0x1  }
0x1ce: {  	[tilespmem:s5+$0x10] =	vst v3;
	v3 =	vld [tilespmem:s5+$0x20]  }
0x1cf: {  	v4 =	vld [tilespmem:s18+$0x20];
	_ =	sdelay $0x4  }
0x1d0: {  	v3 =	vadd.f32 v4, v3;
	_ =	sdelay $0x1  }
0x1d1: {  	[tilespmem:s5+$0x20] =	vst v3;
	v3 =	vld [tilespmem:s5+$0x30]  }
0x1d2: {  	v4 =	vld [tilespmem:s18+$0x30];
	_ =	sdelay $0x4  }
0x1d3: {  	v3 =	vadd.f32 v4, v3  }
0x1d4: {  	s19 =	simm.s32 $0x0;
	s20 =	sadd.s32 $0x400, s5  }
.LBB2_15:
0x1d5: {  	v4 =	vld [tilespmem:s20+$0xFFFFFFC0];
	[tilespmem:s5+$0x30] =	vst v3;
	s18 =	sadd.s32 $0x400, s18;
	s5 =	smov.u32 s20  }
0x1d6: {  	s19 =	sadd.s32 $0x8, s19;
	v3 =	vld [tilespmem:s18+$0xFFFFFFC0]  }
0x1d7: {  	p0 =	slt.u32 s19, $0x38;
	_ =	sdelay $0x3  }
0x1d8: {  	v3 =	vadd.f32 v3, v4;
	_ =	sdelay $0x1  }
0x1d9: {  	[tilespmem:s20+$0xFFFFFFC0] =	vst v3;
	v3 =	vld [tilespmem:s20+$0xFFFFFFD0]  }
0x1da: {  	v4 =	vld [tilespmem:s18+$0xFFFFFFD0];
	_ =	sdelay $0x4  }
0x1db: {  	v3 =	vadd.f32 v4, v3;
	_ =	sdelay $0x1  }
0x1dc: {  	[tilespmem:s20+$0xFFFFFFD0] =	vst v3;
	v3 =	vld [tilespmem:s20+$0xFFFFFFE0]  }
0x1dd: {  	v4 =	vld [tilespmem:s18+$0xFFFFFFE0];
	_ =	sdelay $0x4  }
0x1de: {  	v3 =	vadd.f32 v4, v3;
	_ =	sdelay $0x1  }
0x1df: {  	[tilespmem:s20+$0xFFFFFFE0] =	vst v3;
	v3 =	vld [tilespmem:s20+$0xFFFFFFF0]  }
0x1e0: {  	v4 =	vld [tilespmem:s18+$0xFFFFFFF0];
	_ =	sdelay $0x4  }
0x1e1: {  	v3 =	vadd.f32 v4, v3;
	_ =	sdelay $0x1  }
0x1e2: {  	[tilespmem:s20+$0xFFFFFFF0] =	vst v3;
	v3 =	vld [tilespmem:s20+$0x0]  }
0x1e3: {  	v4 =	vld [tilespmem:s18+$0x0];
	_ =	sdelay $0x4  }
0x1e4: {  	v3 =	vadd.f32 v4, v3;
	_ =	sdelay $0x1  }
0x1e5: {  	[tilespmem:s20+$0x0] =	vst v3;
	v3 =	vld [tilespmem:s20+$0x10]  }
0x1e6: {  	v4 =	vld [tilespmem:s18+$0x10];
	_ =	sdelay $0x4  }
0x1e7: {  	v3 =	vadd.f32 v4, v3;
	_ =	sdelay $0x1  }
0x1e8: {  	[tilespmem:s20+$0x10] =	vst v3;
	v3 =	vld [tilespmem:s20+$0x20]  }
0x1e9: {  	v4 =	vld [tilespmem:s18+$0x20];
	_ =	sdelay $0x4  }
0x1ea: {  	v3 =	vadd.f32 v4, v3;
	_ =	sdelay $0x1  }
0x1eb: {  	[tilespmem:s20+$0x20] =	vst v3;
	v3 =	vld [tilespmem:s20+$0x30]  }
0x1ec: {  	v4 =	vld [tilespmem:s18+$0x30];
	_ =	sdelay $0x1  }
.Ltmp6:
0x1ed: {  	(pc) =	sbr.rel @p0 .LBB2_15-.Ltmp6, $3  }
0x1ee: {  	_ =	sdelay $0x1  }
0x1ef: {  	v3 =	vadd.f32 v4, v3  }
0x1f0: {  	s20 =	sadd.s32 $0x400, s20  }
0x1f1: {  	s17 =	sadd.s32 $0x1, s17  }
0x1f2: {  	p0 =	sne.s32 s17, $0x10  }
.Ltmp7:
0x1f3: {  	_ = 	snop;
	(pc) =	sbr.rel @p0 .LBB2_14-.Ltmp7, $2  }
0x1f4: {  	_ =	sdelay $0x2  }
0x1f5: {  	[tilespmem:s5+$0x30] =	vst v3;
	s4 =	sadd.s32 $0x400, s4;
	s15 =	sadd.s32 $0x1, s15  }
0x1f6: {  	s4 =	rddreg [dreg:$0x7]  }
0x1f7: {  	[hbm4b:s4+s2] =	stream.linear.scatter [tilespmem:s0], [sflag:$0x6], $0x4000, $0x38;
	[tilespmem:$0x10300] =	vst v63  }
0x1f8: {  	_ =	swait.ge [sflag:s28], $0x4000  }
0x1f9: {  	[sflag:s28] =	ssyncset.done $0x0  }
0x1fa: {  	[sflag:s28] =	ssyncadd.s32 $0xFFFFC000  }
0x1fb: {  	_ =	swait.ge [sflag:s31], $0x4000  }
0x1fc: {  	s1 =	sadd.s32 $0x1, s1;
	s20 =	rddreg [dreg:$0x8]  }
0x1fd: {  	p0 =	sne.s32 s1, s20  }
.Ltmp8:
0x1fe: {  	_ = 	snop;
	(pc) =	sbr.rel @p0 .LBB2_1-.Ltmp8, $3  }
0x1ff: {  	_ =	sdelay $0x1  }
0x200: {  	[sflag:s31] =	ssyncset.done $0x0  }
0x201: {  	[sflag:s31] =	ssyncadd.s32 $0xFFFFC000  }
0x202: {  	_ =	sfence.sel $0x180000  }
0x203: {  	[bflag:$0x0] =	sbarrier.arrive $0xFFFF  }
0x204: {  	_ =	strace $0x9000004A  }
0x205: {  	s0 =	stileid.u32;
	[bflag:$0x2] =	sbarrier.arrive $0xFFFF  }
0x206: {  	p0 =	sne.s32 s0, $0x0;
	s0 =	rddreg [dreg:$0x2]  }
0x207: {  	s0 =	sadd.s32 @!p0 $0x100000, s0  }
0x208: {  	[sflag:s0] =	ssyncadd.tile.s32 @!p0 $0x1;
	_ =	shalt  }
.Lfunc_end2:
_tile_overlayer_lowered:
.L_overlay_start_2:
0x209: {  	(tag) =	ssettag $0x2  }
0x20a: {  	s0 =	rddreg [dreg:$0x0];
	s2 =	stileid.u32  }
0x20b: {  	s1 =	rddreg [dreg:$0x1];
	p0 =	sne.s32 s2, $0x0  }
0x20c: {  	s3 =	rddreg [dreg:$0x2];
	[bflag:$0x3] =	sbarrier.arrive $0xFFFF;
	s2 =	simm.s32 @!p0 $0x1C07  }
0x20d: {  	[timem:s3], [sflag:s2] =	dma.local @!p0 [hbm:s0], s1  }
0x20e: {  	s0 =	simm.s32 @!p0 $0x7  }
0x20f: {  	_ =	swait.ge @!p0 [sflag:s0], s1  }
0x210: {  	s1 =	ssub.s32 @!p0 $0x0, s1;
	[sflag:s0] =	ssyncset.done @!p0 $0x0  }
0x211: {  	[sflag:s0] =	ssyncadd.s32 @!p0 s1  }
0x212: {  	[bflag:$0x3] =	sbarrier.arrive $0xFFFF  }
0x213: {  	_ =	shalt  }

</sc_bundles>
